<compile_context>
chip_gen: v7x
topology: tpu7x:2x2x1
jax: 0.10.2.dev20260603
libtpu: 0.0.44.dev20260713+nightly
codegen_flags: <defaults>
</compile_context>

<pallas_src>
import functools

import jax
import jax.numpy as jnp
from jax import lax
from jax.experimental import pallas as pl
from jax.experimental.pallas import tpu as pltpu
from jax.experimental.pallas import tpu_sc as plsc

E_ROWS = 150000
IN_DIM = 512
OUT_DIM = 64
PAD_DIM = 128
B = 100000


_MM_ROWS = 3000
_MM_HALF = E_ROWS // 2


def _mm_body(xa_ref, xb_ref, wt_ref, b_ref, o_ref):
    ra = (
        jnp.dot(xa_ref[...], wt_ref[...], preferred_element_type=jnp.float32)
        + b_ref[...]
    )
    rb = (
        jnp.dot(xb_ref[...], wt_ref[...], preferred_element_type=jnp.float32)
        + b_ref[...]
    )
    o_ref[...] = jnp.concatenate([ra, rb], axis=1)


def _transform_table(x, wt, b2d):
    steps = _MM_HALF // _MM_ROWS
    return pl.pallas_call(
        _mm_body,
        grid=(steps,),
        in_specs=[
            pl.BlockSpec((_MM_ROWS, IN_DIM), lambda i: (i, 0)),
            pl.BlockSpec((_MM_ROWS, IN_DIM), lambda i, s=steps: (i + s, 0)),
            pl.BlockSpec((IN_DIM, OUT_DIM), lambda i: (0, 0)),
            pl.BlockSpec((1, OUT_DIM), lambda i: (0, 0)),
        ],
        out_specs=pl.BlockSpec((_MM_ROWS, PAD_DIM), lambda i: (i, 0)),
        out_shape=jax.ShapeDtypeStruct((_MM_HALF, PAD_DIM), jnp.float32),
    )(x, x, wt, b2d)



_CHUNK = 320
_DEPTH = 3
_W_FULL = 3136
_W_LAST = B - 31 * _W_FULL
_NCH = 10


def _load_q(idx_hbm, ibuf, off):
    pltpu.sync_copy(idx_hbm.at[pl.ds(off, _CHUNK)], ibuf)
    for v in range(_CHUNK // 16):
        x = ibuf[pl.ds(v * 16, 16)]
        q = x + x - jnp.where(x >= _MM_HALF, 2 * _MM_HALF - 1, 0)
        ibuf[pl.ds(v * 16, 16)] = q


def _gather_body(table_hbm, idx_hbm, out_hbm, i0, i1, i2, r0, r1, r2, s0, s1, s2):
    wid = lax.axis_index("s") * 2 + lax.axis_index("c")
    base = wid * _W_FULL
    last = jnp.where(wid == 31, _W_LAST, _W_FULL) - _CHUNK

    def off(k):
        return base + jnp.minimum(k * _CHUNK, last)

    ibufs, rbufs, sems = [i0, i1, i2], [r0, r1, r2], [s0, s1, s2]
    hs = [None] * _NCH
    for j in range(_DEPTH - 1):
        _load_q(idx_hbm, ibufs[j], off(j))
        hs[j] = pltpu.async_copy(table_hbm.at[ibufs[j]], rbufs[j], sems[j])
    for k in range(_NCH):
        kk = k + _DEPTH - 1
        if kk < _NCH:
            s = kk % _DEPTH
            _load_q(idx_hbm, ibufs[s], off(kk))
            hs[kk] = pltpu.async_copy(table_hbm.at[ibufs[s]], rbufs[s], sems[s])
        hs[k].wait()
        pltpu.sync_copy(
            rbufs[k % _DEPTH],
            out_hbm.at[pl.ds(off(k), _CHUNK), pl.ds(0, OUT_DIM)],
        )


def _gather_rows(table, idx):
    mesh = plsc.VectorSubcoreMesh(core_axis_name="c", subcore_axis_name="s")
    k = functools.partial(
        pl.kernel,
        mesh=mesh,
        out_type=jax.ShapeDtypeStruct((B, PAD_DIM), jnp.float32),
        compiler_params=pltpu.CompilerParams(use_tc_tiling_on_sc=False),
        scratch_types=[
            pltpu.VMEM((_CHUNK,), jnp.int32),
            pltpu.VMEM((_CHUNK,), jnp.int32),
            pltpu.VMEM((_CHUNK,), jnp.int32),
            pltpu.VMEM((_CHUNK, OUT_DIM), jnp.float32),
            pltpu.VMEM((_CHUNK, OUT_DIM), jnp.float32),
            pltpu.VMEM((_CHUNK, OUT_DIM), jnp.float32),
            pltpu.SemaphoreType.DMA,
            pltpu.SemaphoreType.DMA,
            pltpu.SemaphoreType.DMA,
        ],
    )(_gather_body)
    return k(table, idx)


def kernel(edge_features, neighbors_edge_idxs, W, b):
    table = _transform_table(edge_features, W.T, b.reshape(1, OUT_DIM))
    table = table.reshape(E_ROWS, OUT_DIM)
    idx = neighbors_edge_idxs.astype(jnp.int32)
    return _gather_rows(table, idx)[:, :OUT_DIM]

# --- scband reference (transcript-rebuilt; emitter-appended) ---
"""Pipeline reference for scband-mlpedge-neighbors-aggregator-12352325943453 (READ-ONLY COPY).

The authoritative reference and input builder live on the scoring server;
editing this copy changes nothing except your own understanding.
"""

import jax, jax.numpy as jnp
import numpy as np

EDGE_FEATURES_DIM = 64
N_NEIGHBORS = 8
IN_DIM = EDGE_FEATURES_DIM * N_NEIGHBORS  # 512
E_ROWS = 150000
B = 100000


def setup_inputs(seed: int = 0) -> dict:
    key = jax.random.key(seed)
    k1, k2, k3, k4 = jax.random.split(key, 4)
    edge_features = jax.random.normal(k1, (E_ROWS, IN_DIM), dtype=jnp.float32)
    neighbors_edge_idxs = jax.random.randint(k2, (B,), 0, E_ROWS, dtype=jnp.int64 if jax.config.read('jax_enable_x64') else jnp.int32)
    # nn.Linear(in_features=512, out_features=64) parameters
    bound = 1.0 / np.sqrt(IN_DIM)
    W = jax.random.uniform(k3, (EDGE_FEATURES_DIM, IN_DIM), minval=-bound, maxval=bound, dtype=jnp.float32)
    b = jax.random.uniform(k4, (EDGE_FEATURES_DIM,), minval=-bound, maxval=bound, dtype=jnp.float32)
    return {"edge_features": edge_features, "neighbors_edge_idxs": neighbors_edge_idxs, "W": W, "b": b}


def reference(edge_features, neighbors_edge_idxs, W, b):
    # get_cur_features: gather rows of the edge-feature table
    cur_edge_features = jnp.take(edge_features, neighbors_edge_idxs, axis=0)  # [B, 512]
    # (the original torch code calls .view(...) but discards the result; the
    #  gathered rows already have last dim = n_neighbors * edge_features_dim)
    # fc: Linear(512 -> 64)
    return cur_edge_features @ W.T + b

if __name__ == "__main__":
    import jax
    _d = setup_inputs()
    print(jax.jit(kernel)(*tuple(_d.values())))

</pallas_src>

<mosaic_0001>
#map = affine_map<(d0, d1) -> (0, 0)>
#map1 = affine_map<(d0, d1) -> (0)>
module attributes {stable_mosaic.version = 14 : i64} {
  func.func @_gather_body(%arg0: i32, %arg1: i32, %arg2: memref<150000x64xf32, #tpu.memory_space<hbm>>, %arg3: memref<100000xi32, #tpu.memory_space<hbm>>, %arg4: memref<100000x128xf32, #tpu.memory_space<hbm>>, %arg5: memref<320xi32, #tpu.memory_space<vmem>>, %arg6: memref<320xi32, #tpu.memory_space<vmem>>, %arg7: memref<320xi32, #tpu.memory_space<vmem>>, %arg8: memref<320x64xf32, #tpu.memory_space<vmem>>, %arg9: memref<320x64xf32, #tpu.memory_space<vmem>>, %arg10: memref<320x64xf32, #tpu.memory_space<vmem>>, %arg11: memref<!tpu.dma_semaphore, #tpu.memory_space<semaphore_mem>>, %arg12: memref<!tpu.dma_semaphore, #tpu.memory_space<semaphore_mem>>, %arg13: memref<!tpu.dma_semaphore, #tpu.memory_space<semaphore_mem>>) attributes {dimension_semantics = [#tpu.dimension_semantics<core_parallel>, #tpu.dimension_semantics<subcore_parallel>], iteration_bounds = array<i64: 2, 16>, scalar_prefetch = 0 : i64, scratch_operands = 9 : i64, tpu.core_type = #tpu.core_type<sc_vector_subcore>, window_params = [{transform_indices = #map}, {transform_indices = #map1}, {transform_indices = #map}]} {
    %mul3A = arith.constant 2 : i32
    %mul3A_0 = arith.muli %arg1, %mul3A : i32
    %add3A = arith.addi %mul3A_0, %arg0 : i32
    %mul3A_1 = arith.constant 3136 : i32
    %mul3A_2 = arith.muli %add3A, %mul3A_1 : i32
    %eq3A = arith.constant 31 : i32
    %eq3A_3 = arith.cmpi eq, %add3A, %eq3A : i32
    %jit3A = arith.constant 2784 : i32
    %jit3A_4 = arith.constant 3136 : i32
    %select_n3A = arith.select %eq3A_3, %jit3A, %jit3A_4 : i32
    %sub3A = arith.constant 320 : i32
    %sub3A_5 = arith.subi %select_n3A, %sub3A : i32
    %min3A = arith.constant 0 : i32
    %min3A_6 = arith.minsi %min3A, %sub3A_5 : i32
    %add3A_7 = arith.addi %mul3A_2, %min3A_6 : i32
    "tpu.region"() ({
      %run_scoped3A = tpu.sem_alloc : memref<!tpu.dma_semaphore, #tpu.memory_space<semaphore_mem>>
      %dma_start3A_3519 = tpu.memref_slice %arg3[%add3A_7] : memref<100000xi32, #tpu.memory_space<hbm>> -> memref<320xi32, #tpu.memory_space<hbm>>
      %dma_start3A_3520 = tpu.memref_slice %arg3[%add3A_7] : memref<100000xi32, #tpu.memory_space<hbm>> -> memref<320xi32, #tpu.memory_space<hbm>>
      tpu.enqueue_dma source(%dma_start3A_3520 : memref<320xi32, #tpu.memory_space<hbm>>) target(%arg5 : memref<320xi32, #tpu.memory_space<vmem>>) target_semaphore(%run_scoped3A : memref<!tpu.dma_semaphore, #tpu.memory_space<semaphore_mem>>)
      %dma_wait3A_3521 = tpu.memref_slice %arg3[%add3A_7] : memref<100000xi32, #tpu.memory_space<hbm>> -> memref<320xi32, #tpu.memory_space<hbm>>
      %dma_wait3A_3522 = tpu.memref_slice %arg3[%add3A_7] : memref<100000xi32, #tpu.memory_space<hbm>> -> memref<320xi32, #tpu.memory_space<hbm>>
      tpu.wait_dma2 semaphore(%run_scoped3A : memref<!tpu.dma_semaphore, #tpu.memory_space<semaphore_mem>>) src(%dma_wait3A_3522 : memref<320xi32, #tpu.memory_space<hbm>>) dst(%arg5 : memref<320xi32, #tpu.memory_space<vmem>>)
      tpu.yield
    }) : () -> ()
    %get3A = arith.constant 0 : index
    %get3A_8 = tpu.vector_load %arg5[%get3A] {strides = array<i32>} : memref<320xi32, #tpu.memory_space<vmem>>, vector<16xi32>,
    %get3A_9 = vector.shape_cast %get3A_8 : vector<16xi32> to vector<16xi32>
    %add3A_10 = arith.addi %get3A_9, %get3A_9 : vector<16xi32>
    %ge3A = arith.constant 75000 : i32
    %ge3A_11 = vector.broadcast %ge3A : i32 to vector<16xi32>
    %ge3A_12 = arith.cmpi sge, %get3A_9, %ge3A_11 : vector<16xi32>
    %jit3A_13 = arith.constant 149999 : i32
    %jit3A_14 = arith.constant 0 : i32
    %broadcast_in_dim3A = vector.broadcast %jit3A_13 : i32 to vector<16xi32>
    %broadcast_in_dim3A_15 = vector.broadcast %jit3A_14 : i32 to vector<16xi32>
    %select_n3A_16 = arith.select %ge3A_12, %broadcast_in_dim3A, %broadcast_in_dim3A_15 : vector<16xi1>, vector<16xi32>
    %sub3A_17 = arith.subi %add3A_10, %select_n3A_16 : vector<16xi32>
    %swap3A = arith.constant 0 : index
    %swap3A_18 = tpu.vector_load %arg5[%swap3A] {strides = array<i32>} : memref<320xi32, #tpu.memory_space<vmem>>, vector<16xi32>,
    %swap3A_19 = vector.shape_cast %swap3A_18 : vector<16xi32> to vector<16xi32>
    %swap3A_20 = vector.shape_cast %sub3A_17 : vector<16xi32> to vector<16xi32>
    tpu.vector_store %arg5[%swap3A], %swap3A_20 {strides = array<i32>} : memref<320xi32, #tpu.memory_space<vmem>>, vector<16xi32>,
    %get3A_21 = arith.constant 16 : index
    %get3A_22 = tpu.vector_load %arg5[%get3A_21] {strides = array<i32>} : memref<320xi32, #tpu.memory_space<vmem>>, vector<16xi32>,
    %get3A_23 = vector.shape_cast %get3A_22 : vector<16xi32> to vector<16xi32>
    %add3A_24 = arith.addi %get3A_23, %get3A_23 : vector<16xi32>
    %ge3A_25 = arith.constant 75000 : i32
    %ge3A_26 = vector.broadcast %ge3A_25 : i32 to vector<16xi32>
    %ge3A_27 = arith.cmpi sge, %get3A_23, %ge3A_26 : vector<16xi32>
    %jit3A_28 = arith.constant 149999 : i32
    %jit3A_29 = arith.constant 0 : i32
    %broadcast_in_dim3A_30 = vector.broadcast %jit3A_28 : i32 to vector<16xi32>
    %broadcast_in_dim3A_31 = vector.broadcast %jit3A_29 : i32 to vector<16xi32>
    %select_n3A_32 = arith.select %ge3A_27, %broadcast_in_dim3A_30, %broadcast_in_dim3A_31 : vector<16xi1>, vector<16xi32>
    %sub3A_33 = arith.subi %add3A_24, %select_n3A_32 : vector<16xi32>
    %swap3A_34 = arith.constant 16 : index
    %swap3A_35 = tpu.vector_load %arg5[%swap3A_34] {strides = array<i32>} : memref<320xi32, #tpu.memory_space<vmem>>, vector<16xi32>,
    %swap3A_36 = vector.shape_cast %swap3A_35 : vector<16xi32> to vector<16xi32>
    %swap3A_37 = vector.shape_cast %sub3A_33 : vector<16xi32> to vector<16xi32>
    tpu.vector_store %arg5[%swap3A_34], %swap3A_37 {strides = array<i32>} : memref<320xi32, #tpu.memory_space<vmem>>, vector<16xi32>,
    %get3A_38 = arith.constant 32 : index
    %get3A_39 = tpu.vector_load %arg5[%get3A_38] {strides = array<i32>} : memref<320xi32, #tpu.memory_space<vmem>>, vector<16xi32>,
    %get3A_40 = vector.shape_cast %get3A_39 : vector<16xi32> to vector<16xi32>
    %add3A_41 = arith.addi %get3A_40, %get3A_40 : vector<16xi32>
    %ge3A_42 = arith.constant 75000 : i32
    %ge3A_43 = vector.broadcast %ge3A_42 : i32 to vector<16xi32>
    %ge3A_44 = arith.cmpi sge, %get3A_40, %ge3A_43 : vector<16xi32>
    %jit3A_45 = arith.constant 149999 : i32
    %jit3A_46 = arith.constant 0 : i32
    %broadcast_in_dim3A_47 = vector.broadcast %jit3A_45 : i32 to vector<16xi32>
    %broadcast_in_dim3A_48 = vector.broadcast %jit3A_46 : i32 to vector<16xi32>
    %select_n3A_49 = arith.select %ge3A_44, %broadcast_in_dim3A_47, %broadcast_in_dim3A_48 : vector<16xi1>, vector<16xi32>
    %sub3A_50 = arith.subi %add3A_41, %select_n3A_49 : vector<16xi32>
    %swap3A_51 = arith.constant 32 : index
    %swap3A_52 = tpu.vector_load %arg5[%swap3A_51] {strides = array<i32>} : memref<320xi32, #tpu.memory_space<vmem>>, vector<16xi32>,
    %swap3A_53 = vector.shape_cast %swap3A_52 : vector<16xi32> to vector<16xi32>
    %swap3A_54 = vector.shape_cast %sub3A_50 : vector<16xi32> to vector<16xi32>
    tpu.vector_store %arg5[%swap3A_51], %swap3A_54 {strides = array<i32>} : memref<320xi32, #tpu.memory_space<vmem>>, vector<16xi32>,
    %get3A_55 = arith.constant 48 : index
    %get3A_56 = tpu.vector_load %arg5[%get3A_55] {strides = array<i32>} : memref<320xi32, #tpu.memory_space<vmem>>, vector<16xi32>,
    %get3A_57 = vector.shape_cast %get3A_56 : vector<16xi32> to vector<16xi32>
    %add3A_58 = arith.addi %get3A_57, %get3A_57 : vector<16xi32>
    %ge3A_59 = arith.constant 75000 : i32
    %ge3A_60 = vector.broadcast %ge3A_59 : i32 to vector<16xi32>
    %ge3A_61 = arith.cmpi sge, %get3A_57, %ge3A_60 : vector<16xi32>
    %jit3A_62 = arith.constant 149999 : i32
    %jit3A_63 = arith.constant 0 : i32
    %broadcast_in_dim3A_64 = vector.broadcast %jit3A_62 : i32 to vector<16xi32>
    %broadcast_in_dim3A_65 = vector.broadcast %jit3A_63 : i32 to vector<16xi32>
    %select_n3A_66 = arith.select %ge3A_61, %broadcast_in_dim3A_64, %broadcast_in_dim3A_65 : vector<16xi1>, vector<16xi32>
    %sub3A_67 = arith.subi %add3A_58, %select_n3A_66 : vector<16xi32>
    %swap3A_68 = arith.constant 48 : index
    %swap3A_69 = tpu.vector_load %arg5[%swap3A_68] {strides = array<i32>} : memref<320xi32, #tpu.memory_space<vmem>>, vector<16xi32>,
    %swap3A_70 = vector.shape_cast %swap3A_69 : vector<16xi32> to vector<16xi32>
    %swap3A_71 = vector.shape_cast %sub3A_67 : vector<16xi32> to vector<16xi32>
    tpu.vector_store %arg5[%swap3A_68], %swap3A_71 {strides = array<i32>} : memref<320xi32, #tpu.memory_space<vmem>>, vector<16xi32>,
    %get3A_72 = arith.constant 64 : index
    %get3A_73 = tpu.vector_load %arg5[%get3A_72] {strides = array<i32>} : memref<320xi32, #tpu.memory_space<vmem>>, vector<16xi32>,
    %get3A_74 = vector.shape_cast %get3A_73 : vector<16xi32> to vector<16xi32>
    %add3A_75 = arith.addi %get3A_74, %get3A_74 : vector<16xi32>
    %ge3A_76 = arith.constant 75000 : i32
    %ge3A_77 = vector.broadcast %ge3A_76 : i32 to vector<16xi32>
    %ge3A_78 = arith.cmpi sge, %get3A_74, %ge3A_77 : vector<16xi32>
    %jit3A_79 = arith.constant 149999 : i32
    %jit3A_80 = arith.constant 0 : i32
    %broadcast_in_dim3A_81 = vector.broadcast %jit3A_79 : i32 to vector<16xi32>
    %broadcast_in_dim3A_82 = vector.broadcast %jit3A_80 : i32 to vector<16xi32>
    %select_n3A_83 = arith.select %ge3A_78, %broadcast_in_dim3A_81, %broadcast_in_dim3A_82 : vector<16xi1>, vector<16xi32>
    %sub3A_84 = arith.subi %add3A_75, %select_n3A_83 : vector<16xi32>
    %swap3A_85 = arith.constant 64 : index
    %swap3A_86 = tpu.vector_load %arg5[%swap3A_85] {strides = array<i32>} : memref<320xi32, #tpu.memory_space<vmem>>, vector<16xi32>,
    %swap3A_87 = vector.shape_cast %swap3A_86 : vector<16xi32> to vector<16xi32>
    %swap3A_88 = vector.shape_cast %sub3A_84 : vector<16xi32> to vector<16xi32>
    tpu.vector_store %arg5[%swap3A_85], %swap3A_88 {strides = array<i32>} : memref<320xi32, #tpu.memory_space<vmem>>, vector<16xi32>,
    %get3A_89 = arith.constant 80 : index
    %get3A_90 = tpu.vector_load %arg5[%get3A_89] {strides = array<i32>} : memref<320xi32, #tpu.memory_space<vmem>>, vector<16xi32>,
    %get3A_91 = vector.shape_cast %get3A_90 : vector<16xi32> to vector<16xi32>
    %add3A_92 = arith.addi %get3A_91, %get3A_91 : vector<16xi32>
    %ge3A_93 = arith.constant 75000 : i32
    %ge3A_94 = vector.broadcast %ge3A_93 : i32 to vector<16xi32>
    %ge3A_95 = arith.cmpi sge, %get3A_91, %ge3A_94 : vector<16xi32>
    %jit3A_96 = arith.constant 149999 : i32
    %jit3A_97 = arith.constant 0 : i32
    %broadcast_in_dim3A_98 = vector.broadcast %jit3A_96 : i32 to vector<16xi32>
    %broadcast_in_dim3A_99 = vector.broadcast %jit3A_97 : i32 to vector<16xi32>
    %select_n3A_100 = arith.select %ge3A_95, %broadcast_in_dim3A_98, %broadcast_in_dim3A_99 : vector<16xi1>, vector<16xi32>
    %sub3A_101 = arith.subi %add3A_92, %select_n3A_100 : vector<16xi32>
    %swap3A_102 = arith.constant 80 : index
    %swap3A_103 = tpu.vector_load %arg5[%swap3A_102] {strides = array<i32>} : memref<320xi32, #tpu.memory_space<vmem>>, vector<16xi32>,
    %swap3A_104 = vector.shape_cast %swap3A_103 : vector<16xi32> to vector<16xi32>
    %swap3A_105 = vector.shape_cast %sub3A_101 : vector<16xi32> to vector<16xi32>
    tpu.vector_store %arg5[%swap3A_102], %swap3A_105 {strides = array<i32>} : memref<320xi32, #tpu.memory_space<vmem>>, vector<16xi32>,
    %get3A_106 = arith.constant 96 : index
    %get3A_107 = tpu.vector_load %arg5[%get3A_106] {strides = array<i32>} : memref<320xi32, #tpu.memory_space<vmem>>, vector<16xi32>,
    %get3A_108 = vector.shape_cast %get3A_107 : vector<16xi32> to vector<16xi32>
    %add3A_109 = arith.addi %get3A_108, %get3A_108 : vector<16xi32>
    %ge3A_110 = arith.constant 75000 : i32
    %ge3A_111 = vector.broadcast %ge3A_110 : i32 to vector<16xi32>
    %ge3A_112 = arith.cmpi sge, %get3A_108, %ge3A_111 : vector<16xi32>
    %jit3A_113 = arith.constant 149999 : i32
    %jit3A_114 = arith.constant 0 : i32
    %broadcast_in_dim3A_115 = vector.broadcast %jit3A_113 : i32 to vector<16xi32>
    %broadcast_in_dim3A_116 = vector.broadcast %jit3A_114 : i32 to vector<16xi32>
    %select_n3A_117 = arith.select %ge3A_112, %broadcast_in_dim3A_115, %broadcast_in_dim3A_116 : vector<16xi1>, vector<16xi32>
    %sub3A_118 = arith.subi %add3A_109, %select_n3A_117 : vector<16xi32>
    %swap3A_119 = arith.constant 96 : index
    %swap3A_120 = tpu.vector_load %arg5[%swap3A_119] {strides = array<i32>} : memref<320xi32, #tpu.memory_space<vmem>>, vector<16xi32>,
    %swap3A_121 = vector.shape_cast %swap3A_120 : vector<16xi32> to vector<16xi32>
    %swap3A_122 = vector.shape_cast %sub3A_118 : vector<16xi32> to vector<16xi32>
    tpu.vector_store %arg5[%swap3A_119], %swap3A_122 {strides = array<i32>} : memref<320xi32, #tpu.memory_space<vmem>>, vector<16xi32>,
    %get3A_123 = arith.constant 112 : index
    %get3A_124 = tpu.vector_load %arg5[%get3A_123] {strides = array<i32>} : memref<320xi32, #tpu.memory_space<vmem>>, vector<16xi32>,
    %get3A_125 = vector.shape_cast %get3A_124 : vector<16xi32> to vector<16xi32>
    %add3A_126 = arith.addi %get3A_125, %get3A_125 : vector<16xi32>
    %ge3A_127 = arith.constant 75000 : i32
    %ge3A_128 = vector.broadcast %ge3A_127 : i32 to vector<16xi32>
    %ge3A_129 = arith.cmpi sge, %get3A_125, %ge3A_128 : vector<16xi32>
    %jit3A_130 = arith.constant 149999 : i32
    %jit3A_131 = arith.constant 0 : i32
    %broadcast_in_dim3A_132 = vector.broadcast %jit3A_130 : i32 to vector<16xi32>
    %broadcast_in_dim3A_133 = vector.broadcast %jit3A_131 : i32 to vector<16xi32>
    %select_n3A_134 = arith.select %ge3A_129, %broadcast_in_dim3A_132, %broadcast_in_dim3A_133 : vector<16xi1>, vector<16xi32>
    %sub3A_135 = arith.subi %add3A_126, %select_n3A_134 : vector<16xi32>
    %swap3A_136 = arith.constant 112 : index
    %swap3A_137 = tpu.vector_load %arg5[%swap3A_136] {strides = array<i32>} : memref<320xi32, #tpu.memory_space<vmem>>, vector<16xi32>,
    %swap3A_138 = vector.shape_cast %swap3A_137 : vector<16xi32> to vector<16xi32>
    %swap3A_139 = vector.shape_cast %sub3A_135 : vector<16xi32> to vector<16xi32>
    tpu.vector_store %arg5[%swap3A_136], %swap3A_139 {strides = array<i32>} : memref<320xi32, #tpu.memory_space<vmem>>, vector<16xi32>,
    %get3A_140 = arith.constant 128 : index
    %get3A_141 = tpu.vector_load %arg5[%get3A_140] {strides = array<i32>} : memref<320xi32, #tpu.memory_space<vmem>>, vector<16xi32>,
    %get3A_142 = vector.shape_cast %get3A_141 : vector<16xi32> to vector<16xi32>
    %add3A_143 = arith.addi %get3A_142, %get3A_142 : vector<16xi32>
    %ge3A_144 = arith.constant 75000 : i32
    %ge3A_145 = vector.broadcast %ge3A_144 : i32 to vector<16xi32>
    %ge3A_146 = arith.cmpi sge, %get3A_142, %ge3A_145 : vector<16xi32>
    %jit3A_147 = arith.constant 149999 : i32
    %jit3A_148 = arith.constant 0 : i32
    %broadcast_in_dim3A_149 = vector.broadcast %jit3A_147 : i32 to vector<16xi32>
    %broadcast_in_dim3A_150 = vector.broadcast %jit3A_148 : i32 to vector<16xi32>
    %select_n3A_151 = arith.select %ge3A_146, %broadcast_in_dim3A_149, %broadcast_in_dim3A_150 : vector<16xi1>, vector<16xi32>
    %sub3A_152 = arith.subi %add3A_143, %select_n3A_151 : vector<16xi32>
    %swap3A_153 = arith.constant 128 : index
    %swap3A_154 = tpu.vector_load %arg5[%swap3A_153] {strides = array<i32>} : memref<320xi32, #tpu.memory_space<vmem>>, vector<16xi32>,
    %swap3A_155 = vector.shape_cast %swap3A_154 : vector<16xi32> to vector<16xi32>
    %swap3A_156 = vector.shape_cast %sub3A_152 : vector<16xi32> to vector<16xi32>
    tpu.vector_store %arg5[%swap3A_153], %swap3A_156 {strides = array<i32>} : memref<320xi32, #tpu.memory_space<vmem>>, vector<16xi32>,
    %get3A_157 = arith.constant 144 : index
    %get3A_158 = tpu.vector_load %arg5[%get3A_157] {strides = array<i32>} : memref<320xi32, #tpu.memory_space<vmem>>, vector<16xi32>,
    %get3A_159 = vector.shape_cast %get3A_158 : vector<16xi32> to vector<16xi32>
    %add3A_160 = arith.addi %get3A_159, %get3A_159 : vector<16xi32>
    %ge3A_161 = arith.constant 75000 : i32
    %ge3A_162 = vector.broadcast %ge3A_161 : i32 to vector<16xi32>
    %ge3A_163 = arith.cmpi sge, %get3A_159, %ge3A_162 : vector<16xi32>
    %jit3A_164 = arith.constant 149999 : i32
    %jit3A_165 = arith.constant 0 : i32
    %broadcast_in_dim3A_166 = vector.broadcast %jit3A_164 : i32 to vector<16xi32>
    %broadcast_in_dim3A_167 = vector.broadcast %jit3A_165 : i32 to vector<16xi32>
    %select_n3A_168 = arith.select %ge3A_163, %broadcast_in_dim3A_166, %broadcast_in_dim3A_167 : vector<16xi1>, vector<16xi32>
    %sub3A_169 = arith.subi %add3A_160, %select_n3A_168 : vector<16xi32>
    %swap3A_170 = arith.constant 144 : index
    %swap3A_171 = tpu.vector_load %arg5[%swap3A_170] {strides = array<i32>} : memref<320xi32, #tpu.memory_space<vmem>>, vector<16xi32>,
    %swap3A_172 = vector.shape_cast %swap3A_171 : vector<16xi32> to vector<16xi32>
    %swap3A_173 = vector.shape_cast %sub3A_169 : vector<16xi32> to vector<16xi32>
    tpu.vector_store %arg5[%swap3A_170], %swap3A_173 {strides = array<i32>} : memref<320xi32, #tpu.memory_space<vmem>>, vector<16xi32>,
    %get3A_174 = arith.constant 160 : index
    %get3A_175 = tpu.vector_load %arg5[%get3A_174] {strides = array<i32>} : memref<320xi32, #tpu.memory_space<vmem>>, vector<16xi32>,
    %get3A_176 = vector.shape_cast %get3A_175 : vector<16xi32> to vector<16xi32>
    %add3A_177 = arith.addi %get3A_176, %get3A_176 : vector<16xi32>
    %ge3A_178 = arith.constant 75000 : i32
    %ge3A_179 = vector.broadcast %ge3A_178 : i32 to vector<16xi32>
    %ge3A_180 = arith.cmpi sge, %get3A_176, %ge3A_179 : vector<16xi32>
    %jit3A_181 = arith.constant 149999 : i32
    %jit3A_182 = arith.constant 0 : i32
    %broadcast_in_dim3A_183 = vector.broadcast %jit3A_181 : i32 to vector<16xi32>
    %broadcast_in_dim3A_184 = vector.broadcast %jit3A_182 : i32 to vector<16xi32>
    %select_n3A_185 = arith.select %ge3A_180, %broadcast_in_dim3A_183, %broadcast_in_dim3A_184 : vector<16xi1>, vector<16xi32>
    %sub3A_186 = arith.subi %add3A_177, %select_n3A_185 : vector<16xi32>
    %swap3A_187 = arith.constant 160 : index
    %swap3A_188 = tpu.vector_load %arg5[%swap3A_187] {strides = array<i32>} : memref<320xi32, #tpu.memory_space<vmem>>, vector<16xi32>,
    %swap3A_189 = vector.shape_cast %swap3A_188 : vector<16xi32> to vector<16xi32>
    %swap3A_190 = vector.shape_cast %sub3A_186 : vector<16xi32> to vector<16xi32>
    tpu.vector_store %arg5[%swap3A_187], %swap3A_190 {strides = array<i32>} : memref<320xi32, #tpu.memory_space<vmem>>, vector<16xi32>,
    %get3A_191 = arith.constant 176 : index
    %get3A_192 = tpu.vector_load %arg5[%get3A_191] {strides = array<i32>} : memref<320xi32, #tpu.memory_space<vmem>>, vector<16xi32>,
    %get3A_193 = vector.shape_cast %get3A_192 : vector<16xi32> to vector<16xi32>
    %add3A_194 = arith.addi %get3A_193, %get3A_193 : vector<16xi32>
    %ge3A_195 = arith.constant 75000 : i32
    %ge3A_196 = vector.broadcast %ge3A_195 : i32 to vector<16xi32>
    %ge3A_197 = arith.cmpi sge, %get3A_193, %ge3A_196 : vector<16xi32>
    %jit3A_198 = arith.constant 149999 : i32
    %jit3A_199 = arith.constant 0 : i32
    %broadcast_in_dim3A_200 = vector.broadcast %jit3A_198 : i32 to vector<16xi32>
    %broadcast_in_dim3A_201 = vector.broadcast %jit3A_199 : i32 to vector<16xi32>
    %select_n3A_202 = arith.select %ge3A_197, %broadcast_in_dim3A_200, %broadcast_in_dim3A_201 : vector<16xi1>, vector<16xi32>
    %sub3A_203 = arith.subi %add3A_194, %select_n3A_202 : vector<16xi32>
    %swap3A_204 = arith.constant 176 : index
    %swap3A_205 = tpu.vector_load %arg5[%swap3A_204] {strides = array<i32>} : memref<320xi32, #tpu.memory_space<vmem>>, vector<16xi32>,
    %swap3A_206 = vector.shape_cast %swap3A_205 : vector<16xi32> to vector<16xi32>
    %swap3A_207 = vector.shape_cast %sub3A_203 : vector<16xi32> to vector<16xi32>
    tpu.vector_store %arg5[%swap3A_204], %swap3A_207 {strides = array<i32>} : memref<320xi32, #tpu.memory_space<vmem>>, vector<16xi32>,
    %get3A_208 = arith.constant 192 : index
    %get3A_209 = tpu.vector_load %arg5[%get3A_208] {strides = array<i32>} : memref<320xi32, #tpu.memory_space<vmem>>, vector<16xi32>,
    %get3A_210 = vector.shape_cast %get3A_209 : vector<16xi32> to vector<16xi32>
    %add3A_211 = arith.addi %get3A_210, %get3A_210 : vector<16xi32>
    %ge3A_212 = arith.constant 75000 : i32
    %ge3A_213 = vector.broadcast %ge3A_212 : i32 to vector<16xi32>
    %ge3A_214 = arith.cmpi sge, %get3A_210, %ge3A_213 : vector<16xi32>
    %jit3A_215 = arith.constant 149999 : i32
    %jit3A_216 = arith.constant 0 : i32
    %broadcast_in_dim3A_217 = vector.broadcast %jit3A_215 : i32 to vector<16xi32>
    %broadcast_in_dim3A_218 = vector.broadcast %jit3A_216 : i32 to vector<16xi32>
    %select_n3A_219 = arith.select %ge3A_214, %broadcast_in_dim3A_217, %broadcast_in_dim3A_218 : vector<16xi1>, vector<16xi32>
    %sub3A_220 = arith.subi %add3A_211, %select_n3A_219 : vector<16xi32>
    %swap3A_221 = arith.constant 192 : index
    %swap3A_222 = tpu.vector_load %arg5[%swap3A_221] {strides = array<i32>} : memref<320xi32, #tpu.memory_space<vmem>>, vector<16xi32>,
    %swap3A_223 = vector.shape_cast %swap3A_222 : vector<16xi32> to vector<16xi32>
    %swap3A_224 = vector.shape_cast %sub3A_220 : vector<16xi32> to vector<16xi32>
    tpu.vector_store %arg5[%swap3A_221], %swap3A_224 {strides = array<i32>} : memref<320xi32, #tpu.memory_space<vmem>>, vector<16xi32>,
    %get3A_225 = arith.constant 208 : index
    %get3A_226 = tpu.vector_load %arg5[%get3A_225] {strides = array<i32>} : memref<320xi32, #tpu.memory_space<vmem>>, vector<16xi32>,
    %get3A_227 = vector.shape_cast %get3A_226 : vector<16xi32> to vector<16xi32>
    %add3A_228 = arith.addi %get3A_227, %get3A_227 : vector<16xi32>
    %ge3A_229 = arith.constant 75000 : i32
    %ge3A_230 = vector.broadcast %ge3A_229 : i32 to vector<16xi32>
    %ge3A_231 = arith.cmpi sge, %get3A_227, %ge3A_230 : vector<16xi32>
    %jit3A_232 = arith.constant 149999 : i32
    %jit3A_233 = arith.constant 0 : i32
    %broadcast_in_dim3A_234 = vector.broadcast %jit3A_232 : i32 to vector<16xi32>
    %broadcast_in_dim3A_235 = vector.broadcast %jit3A_233 : i32 to vector<16xi32>
    %select_n3A_236 = arith.select %ge3A_231, %broadcast_in_dim3A_234, %broadcast_in_dim3A_235 : vector<16xi1>, vector<16xi32>
    %sub3A_237 = arith.subi %add3A_228, %select_n3A_236 : vector<16xi32>
    %swap3A_238 = arith.constant 208 : index
    %swap3A_239 = tpu.vector_load %arg5[%swap3A_238] {strides = array<i32>} : memref<320xi32, #tpu.memory_space<vmem>>, vector<16xi32>,
    %swap3A_240 = vector.shape_cast %swap3A_239 : vector<16xi32> to vector<16xi32>
    %swap3A_241 = vector.shape_cast %sub3A_237 : vector<16xi32> to vector<16xi32>
    tpu.vector_store %arg5[%swap3A_238], %swap3A_241 {strides = array<i32>} : memref<320xi32, #tpu.memory_space<vmem>>, vector<16xi32>,
    %get3A_242 = arith.constant 224 : index
    %get3A_243 = tpu.vector_load %arg5[%get3A_242] {strides = array<i32>} : memref<320xi32, #tpu.memory_space<vmem>>, vector<16xi32>,
    %get3A_244 = vector.shape_cast %get3A_243 : vector<16xi32> to vector<16xi32>
    %add3A_245 = arith.addi %get3A_244, %get3A_244 : vector<16xi32>
    %ge3A_246 = arith.constant 75000 : i32
    %ge3A_247 = vector.broadcast %ge3A_246 : i32 to vector<16xi32>
    %ge3A_248 = arith.cmpi sge, %get3A_244, %ge3A_247 : vector<16xi32>
    %jit3A_249 = arith.constant 149999 : i32
    %jit3A_250 = arith.constant 0 : i32
    %broadcast_in_dim3A_251 = vector.broadcast %jit3A_249 : i32 to vector<16xi32>
    %broadcast_in_dim3A_252 = vector.broadcast %jit3A_250 : i32 to vector<16xi32>
    %select_n3A_253 = arith.select %ge3A_248, %broadcast_in_dim3A_251, %broadcast_in_dim3A_252 : vector<16xi1>, vector<16xi32>
    %sub3A_254 = arith.subi %add3A_245, %select_n3A_253 : vector<16xi32>
    %swap3A_255 = arith.constant 224 : index
    %swap3A_256 = tpu.vector_load %arg5[%swap3A_255] {strides = array<i32>} : memref<320xi32, #tpu.memory_space<vmem>>, vector<16xi32>,
    %swap3A_257 = vector.shape_cast %swap3A_256 : vector<16xi32> to vector<16xi32>
    %swap3A_258 = vector.shape_cast %sub3A_254 : vector<16xi32> to vector<16xi32>
    tpu.vector_store %arg5[%swap3A_255], %swap3A_258 {strides = array<i32>} : memref<320xi32, #tpu.memory_space<vmem>>, vector<16xi32>,
    %get3A_259 = arith.constant 240 : index
    %get3A_260 = tpu.vector_load %arg5[%get3A_259] {strides = array<i32>} : memref<320xi32, #tpu.memory_space<vmem>>, vector<16xi32>,
    %get3A_261 = vector.shape_cast %get3A_260 : vector<16xi32> to vector<16xi32>
    %add3A_262 = arith.addi %get3A_261, %get3A_261 : vector<16xi32>
    %ge3A_263 = arith.constant 75000 : i32
    %ge3A_264 = vector.broadcast %ge3A_263 : i32 to vector<16xi32>
    %ge3A_265 = arith.cmpi sge, %get3A_261, %ge3A_264 : vector<16xi32>
    %jit3A_266 = arith.constant 149999 : i32
    %jit3A_267 = arith.constant 0 : i32
    %broadcast_in_dim3A_268 = vector.broadcast %jit3A_266 : i32 to vector<16xi32>
    %broadcast_in_dim3A_269 = vector.broadcast %jit3A_267 : i32 to vector<16xi32>
    %select_n3A_270 = arith.select %ge3A_265, %broadcast_in_dim3A_268, %broadcast_in_dim3A_269 : vector<16xi1>, vector<16xi32>
    %sub3A_271 = arith.subi %add3A_262, %select_n3A_270 : vector<16xi32>
    %swap3A_272 = arith.constant 240 : index
    %swap3A_273 = tpu.vector_load %arg5[%swap3A_272] {strides = array<i32>} : memref<320xi32, #tpu.memory_space<vmem>>, vector<16xi32>,
    %swap3A_274 = vector.shape_cast %swap3A_273 : vector<16xi32> to vector<16xi32>
    %swap3A_275 = vector.shape_cast %sub3A_271 : vector<16xi32> to vector<16xi32>
    tpu.vector_store %arg5[%swap3A_272], %swap3A_275 {strides = array<i32>} : memref<320xi32, #tpu.memory_space<vmem>>, vector<16xi32>,
    %get3A_276 = arith.constant 256 : index
    %get3A_277 = tpu.vector_load %arg5[%get3A_276] {strides = array<i32>} : memref<320xi32, #tpu.memory_space<vmem>>, vector<16xi32>,
    %get3A_278 = vector.shape_cast %get3A_277 : vector<16xi32> to vector<16xi32>
    %add3A_279 = arith.addi %get3A_278, %get3A_278 : vector<16xi32>
    %ge3A_280 = arith.constant 75000 : i32
    %ge3A_281 = vector.broadcast %ge3A_280 : i32 to vector<16xi32>
    %ge3A_282 = arith.cmpi sge, %get3A_278, %ge3A_281 : vector<16xi32>
    %jit3A_283 = arith.constant 149999 : i32
    %jit3A_284 = arith.constant 0 : i32
    %broadcast_in_dim3A_285 = vector.broadcast %jit3A_283 : i32 to vector<16xi32>
    %broadcast_in_dim3A_286 = vector.broadcast %jit3A_284 : i32 to vector<16xi32>
    %select_n3A_287 = arith.select %ge3A_282, %broadcast_in_dim3A_285, %broadcast_in_dim3A_286 : vector<16xi1>, vector<16xi32>
    %sub3A_288 = arith.subi %add3A_279, %select_n3A_287 : vector<16xi32>
    %swap3A_289 = arith.constant 256 : index
    %swap3A_290 = tpu.vector_load %arg5[%swap3A_289] {strides = array<i32>} : memref<320xi32, #tpu.memory_space<vmem>>, vector<16xi32>,
    %swap3A_291 = vector.shape_cast %swap3A_290 : vector<16xi32> to vector<16xi32>
    %swap3A_292 = vector.shape_cast %sub3A_288 : vector<16xi32> to vector<16xi32>
    tpu.vector_store %arg5[%swap3A_289], %swap3A_292 {strides = array<i32>} : memref<320xi32, #tpu.memory_space<vmem>>, vector<16xi32>,
    %get3A_293 = arith.constant 272 : index
    %get3A_294 = tpu.vector_load %arg5[%get3A_293] {strides = array<i32>} : memref<320xi32, #tpu.memory_space<vmem>>, vector<16xi32>,
    %get3A_295 = vector.shape_cast %get3A_294 : vector<16xi32> to vector<16xi32>
    %add3A_296 = arith.addi %get3A_295, %get3A_295 : vector<16xi32>
    %ge3A_297 = arith.constant 75000 : i32
    %ge3A_298 = vector.broadcast %ge3A_297 : i32 to vector<16xi32>
    %ge3A_299 = arith.cmpi sge, %get3A_295, %ge3A_298 : vector<16xi32>
    %jit3A_300 = arith.constant 149999 : i32
    %jit3A_301 = arith.constant 0 : i32
    %broadcast_in_dim3A_302 = vector.broadcast %jit3A_300 : i32 to vector<16xi32>
    %broadcast_in_dim3A_303 = vector.broadcast %jit3A_301 : i32 to vector<16xi32>
    %select_n3A_304 = arith.select %ge3A_299, %broadcast_in_dim3A_302, %broadcast_in_dim3A_303 : vector<16xi1>, vector<16xi32>
    %sub3A_305 = arith.subi %add3A_296, %select_n3A_304 : vector<16xi32>
    %swap3A_306 = arith.constant 272 : index
    %swap3A_307 = tpu.vector_load %arg5[%swap3A_306] {strides = array<i32>} : memref<320xi32, #tpu.memory_space<vmem>>, vector<16xi32>,
    %swap3A_308 = vector.shape_cast %swap3A_307 : vector<16xi32> to vector<16xi32>
    %swap3A_309 = vector.shape_cast %sub3A_305 : vector<16xi32> to vector<16xi32>
    tpu.vector_store %arg5[%swap3A_306], %swap3A_309 {strides = array<i32>} : memref<320xi32, #tpu.memory_space<vmem>>, vector<16xi32>,
    %get3A_310 = arith.constant 288 : index
    %get3A_311 = tpu.vector_load %arg5[%get3A_310] {strides = array<i32>} : memref<320xi32, #tpu.memory_space<vmem>>, vector<16xi32>,
    %get3A_312 = vector.shape_cast %get3A_311 : vector<16xi32> to vector<16xi32>
    %add3A_313 = arith.addi %get3A_312, %get3A_312 : vector<16xi32>
    %ge3A_314 = arith.constant 75000 : i32
    %ge3A_315 = vector.broadcast %ge3A_314 : i32 to vector<16xi32>
    %ge3A_316 = arith.cmpi sge, %get3A_312, %ge3A_315 : vector<16xi32>
    %jit3A_317 = arith.constant 149999 : i32
    %jit3A_318 = arith.constant 0 : i32
    %broadcast_in_dim3A_319 = vector.broadcast %jit3A_317 : i32 to vector<16xi32>
    %broadcast_in_dim3A_320 = vector.broadcast %jit3A_318 : i32 to vector<16xi32>
    %select_n3A_321 = arith.select %ge3A_316, %broadcast_in_dim3A_319, %broadcast_in_dim3A_320 : vector<16xi1>, vector<16xi32>
    %sub3A_322 = arith.subi %add3A_313, %select_n3A_321 : vector<16xi32>
    %swap3A_323 = arith.constant 288 : index
    %swap3A_324 = tpu.vector_load %arg5[%swap3A_323] {strides = array<i32>} : memref<320xi32, #tpu.memory_space<vmem>>, vector<16xi32>,
    %swap3A_325 = vector.shape_cast %swap3A_324 : vector<16xi32> to vector<16xi32>
    %swap3A_326 = vector.shape_cast %sub3A_322 : vector<16xi32> to vector<16xi32>
    tpu.vector_store %arg5[%swap3A_323], %swap3A_326 {strides = array<i32>} : memref<320xi32, #tpu.memory_space<vmem>>, vector<16xi32>,
    %get3A_327 = arith.constant 304 : index
    %get3A_328 = tpu.vector_load %arg5[%get3A_327] {strides = array<i32>} : memref<320xi32, #tpu.memory_space<vmem>>, vector<16xi32>,
    %get3A_329 = vector.shape_cast %get3A_328 : vector<16xi32> to vector<16xi32>
    %add3A_330 = arith.addi %get3A_329, %get3A_329 : vector<16xi32>
    %ge3A_331 = arith.constant 75000 : i32
    %ge3A_332 = vector.broadcast %ge3A_331 : i32 to vector<16xi32>
    %ge3A_333 = arith.cmpi sge, %get3A_329, %ge3A_332 : vector<16xi32>
    %jit3A_334 = arith.constant 149999 : i32
    %jit3A_335 = arith.constant 0 : i32
    %broadcast_in_dim3A_336 = vector.broadcast %jit3A_334 : i32 to vector<16xi32>
    %broadcast_in_dim3A_337 = vector.broadcast %jit3A_335 : i32 to vector<16xi32>
    %select_n3A_338 = arith.select %ge3A_333, %broadcast_in_dim3A_336, %broadcast_in_dim3A_337 : vector<16xi1>, vector<16xi32>
    %sub3A_339 = arith.subi %add3A_330, %select_n3A_338 : vector<16xi32>
    %swap3A_340 = arith.constant 304 : index
    %swap3A_341 = tpu.vector_load %arg5[%swap3A_340] {strides = array<i32>} : memref<320xi32, #tpu.memory_space<vmem>>, vector<16xi32>,
    %swap3A_342 = vector.shape_cast %swap3A_341 : vector<16xi32> to vector<16xi32>
    %swap3A_343 = vector.shape_cast %sub3A_339 : vector<16xi32> to vector<16xi32>
    tpu.vector_store %arg5[%swap3A_340], %swap3A_343 {strides = array<i32>} : memref<320xi32, #tpu.memory_space<vmem>>, vector<16xi32>,
    %dma_start3A = arith.constant 0 : i32
    %dma_start3A_344 = arith.constant 0 : i32
    %dma_start3A_345 = tpu.memref_slice %arg2[%dma_start3A, %dma_start3A_344] : memref<150000x64xf32, #tpu.memory_space<hbm>> -> memref<150000x64xf32, #tpu.memory_space<hbm>>
    tpu.enqueue_indirect_dma source(%dma_start3A_345 : memref<150000x64xf32, #tpu.memory_space<hbm>>) target(%arg8 : memref<320x64xf32, #tpu.memory_space<vmem>>) offsets(%arg5 : memref<320xi32, #tpu.memory_space<vmem>>) semaphore(%arg11 : memref<!tpu.dma_semaphore, #tpu.memory_space<semaphore_mem>>)
    %min3A_346 = arith.constant 320 : i32
    %min3A_347 = arith.minsi %min3A_346, %sub3A_5 : i32
    %add3A_348 = arith.addi %mul3A_2, %min3A_347 : i32
    "tpu.region"() ({
      %run_scoped3A = tpu.sem_alloc : memref<!tpu.dma_semaphore, #tpu.memory_space<semaphore_mem>>
      %dma_start3A_3519 = tpu.memref_slice %arg3[%add3A_348] : memref<100000xi32, #tpu.memory_space<hbm>> -> memref<320xi32, #tpu.memory_space<hbm>>
      %dma_start3A_3520 = tpu.memref_slice %arg3[%add3A_348] : memref<100000xi32, #tpu.memory_space<hbm>> -> memref<320xi32, #tpu.memory_space<hbm>>
      tpu.enqueue_dma source(%dma_start3A_3520 : memref<320xi32, #tpu.memory_space<hbm>>) target(%arg6 : memref<320xi32, #tpu.memory_space<vmem>>) target_semaphore(%run_scoped3A : memref<!tpu.dma_semaphore, #tpu.memory_space<semaphore_mem>>)
      %dma_wait3A_3521 = tpu.memref_slice %arg3[%add3A_348] : memref<100000xi32, #tpu.memory_space<hbm>> -> memref<320xi32, #tpu.memory_space<hbm>>
      %dma_wait3A_3522 = tpu.memref_slice %arg3[%add3A_348] : memref<100000xi32, #tpu.memory_space<hbm>> -> memref<320xi32, #tpu.memory_space<hbm>>
      tpu.wait_dma2 semaphore(%run_scoped3A : memref<!tpu.dma_semaphore, #tpu.memory_space<semaphore_mem>>) src(%dma_wait3A_3522 : memref<320xi32, #tpu.memory_space<hbm>>) dst(%arg6 : memref<320xi32, #tpu.memory_space<vmem>>)
      tpu.yield
    }) : () -> ()
    %get3A_349 = arith.constant 0 : index
    %get3A_350 = tpu.vector_load %arg6[%get3A_349] {strides = array<i32>} : memref<320xi32, #tpu.memory_space<vmem>>, vector<16xi32>,
    %get3A_351 = vector.shape_cast %get3A_350 : vector<16xi32> to vector<16xi32>
    %add3A_352 = arith.addi %get3A_351, %get3A_351 : vector<16xi32>
    %ge3A_353 = arith.constant 75000 : i32
    %ge3A_354 = vector.broadcast %ge3A_353 : i32 to vector<16xi32>
    %ge3A_355 = arith.cmpi sge, %get3A_351, %ge3A_354 : vector<16xi32>
    %jit3A_356 = arith.constant 149999 : i32
    %jit3A_357 = arith.constant 0 : i32
    %broadcast_in_dim3A_358 = vector.broadcast %jit3A_356 : i32 to vector<16xi32>
    %broadcast_in_dim3A_359 = vector.broadcast %jit3A_357 : i32 to vector<16xi32>
    %select_n3A_360 = arith.select %ge3A_355, %broadcast_in_dim3A_358, %broadcast_in_dim3A_359 : vector<16xi1>, vector<16xi32>
    %sub3A_361 = arith.subi %add3A_352, %select_n3A_360 : vector<16xi32>
    %swap3A_362 = arith.constant 0 : index
    %swap3A_363 = tpu.vector_load %arg6[%swap3A_362] {strides = array<i32>} : memref<320xi32, #tpu.memory_space<vmem>>, vector<16xi32>,
    %swap3A_364 = vector.shape_cast %swap3A_363 : vector<16xi32> to vector<16xi32>
    %swap3A_365 = vector.shape_cast %sub3A_361 : vector<16xi32> to vector<16xi32>
    tpu.vector_store %arg6[%swap3A_362], %swap3A_365 {strides = array<i32>} : memref<320xi32, #tpu.memory_space<vmem>>, vector<16xi32>,
    %get3A_366 = arith.constant 16 : index
    %get3A_367 = tpu.vector_load %arg6[%get3A_366] {strides = array<i32>} : memref<320xi32, #tpu.memory_space<vmem>>, vector<16xi32>,
    %get3A_368 = vector.shape_cast %get3A_367 : vector<16xi32> to vector<16xi32>
    %add3A_369 = arith.addi %get3A_368, %get3A_368 : vector<16xi32>
    %ge3A_370 = arith.constant 75000 : i32
    %ge3A_371 = vector.broadcast %ge3A_370 : i32 to vector<16xi32>
    %ge3A_372 = arith.cmpi sge, %get3A_368, %ge3A_371 : vector<16xi32>
    %jit3A_373 = arith.constant 149999 : i32
    %jit3A_374 = arith.constant 0 : i32
    %broadcast_in_dim3A_375 = vector.broadcast %jit3A_373 : i32 to vector<16xi32>
    %broadcast_in_dim3A_376 = vector.broadcast %jit3A_374 : i32 to vector<16xi32>
    %select_n3A_377 = arith.select %ge3A_372, %broadcast_in_dim3A_375, %broadcast_in_dim3A_376 : vector<16xi1>, vector<16xi32>
    %sub3A_378 = arith.subi %add3A_369, %select_n3A_377 : vector<16xi32>
    %swap3A_379 = arith.constant 16 : index
    %swap3A_380 = tpu.vector_load %arg6[%swap3A_379] {strides = array<i32>} : memref<320xi32, #tpu.memory_space<vmem>>, vector<16xi32>,
    %swap3A_381 = vector.shape_cast %swap3A_380 : vector<16xi32> to vector<16xi32>
    %swap3A_382 = vector.shape_cast %sub3A_378 : vector<16xi32> to vector<16xi32>
    tpu.vector_store %arg6[%swap3A_379], %swap3A_382 {strides = array<i32>} : memref<320xi32, #tpu.memory_space<vmem>>, vector<16xi32>,
    %get3A_383 = arith.constant 32 : index
    %get3A_384 = tpu.vector_load %arg6[%get3A_383] {strides = array<i32>} : memref<320xi32, #tpu.memory_space<vmem>>, vector<16xi32>,
    %get3A_385 = vector.shape_cast %get3A_384 : vector<16xi32> to vector<16xi32>
    %add3A_386 = arith.addi %get3A_385, %get3A_385 : vector<16xi32>
    %ge3A_387 = arith.constant 75000 : i32
    %ge3A_388 = vector.broadcast %ge3A_387 : i32 to vector<16xi32>
    %ge3A_389 = arith.cmpi sge, %get3A_385, %ge3A_388 : vector<16xi32>
    %jit3A_390 = arith.constant 149999 : i32
    %jit3A_391 = arith.constant 0 : i32
    %broadcast_in_dim3A_392 = vector.broadcast %jit3A_390 : i32 to vector<16xi32>
    %broadcast_in_dim3A_393 = vector.broadcast %jit3A_391 : i32 to vector<16xi32>
    %select_n3A_394 = arith.select %ge3A_389, %broadcast_in_dim3A_392, %broadcast_in_dim3A_393 : vector<16xi1>, vector<16xi32>
    %sub3A_395 = arith.subi %add3A_386, %select_n3A_394 : vector<16xi32>
    %swap3A_396 = arith.constant 32 : index
    %swap3A_397 = tpu.vector_load %arg6[%swap3A_396] {strides = array<i32>} : memref<320xi32, #tpu.memory_space<vmem>>, vector<16xi32>,
    %swap3A_398 = vector.shape_cast %swap3A_397 : vector<16xi32> to vector<16xi32>
    %swap3A_399 = vector.shape_cast %sub3A_395 : vector<16xi32> to vector<16xi32>
    tpu.vector_store %arg6[%swap3A_396], %swap3A_399 {strides = array<i32>} : memref<320xi32, #tpu.memory_space<vmem>>, vector<16xi32>,
    %get3A_400 = arith.constant 48 : index
    %get3A_401 = tpu.vector_load %arg6[%get3A_400] {strides = array<i32>} : memref<320xi32, #tpu.memory_space<vmem>>, vector<16xi32>,
    %get3A_402 = vector.shape_cast %get3A_401 : vector<16xi32> to vector<16xi32>
    %add3A_403 = arith.addi %get3A_402, %get3A_402 : vector<16xi32>
    %ge3A_404 = arith.constant 75000 : i32
    %ge3A_405 = vector.broadcast %ge3A_404 : i32 to vector<16xi32>
    %ge3A_406 = arith.cmpi sge, %get3A_402, %ge3A_405 : vector<16xi32>
    %jit3A_407 = arith.constant 149999 : i32
    %jit3A_408 = arith.constant 0 : i32
    %broadcast_in_dim3A_409 = vector.broadcast %jit3A_407 : i32 to vector<16xi32>
    %broadcast_in_dim3A_410 = vector.broadcast %jit3A_408 : i32 to vector<16xi32>
    %select_n3A_411 = arith.select %ge3A_406, %broadcast_in_dim3A_409, %broadcast_in_dim3A_410 : vector<16xi1>, vector<16xi32>
    %sub3A_412 = arith.subi %add3A_403, %select_n3A_411 : vector<16xi32>
    %swap3A_413 = arith.constant 48 : index
    %swap3A_414 = tpu.vector_load %arg6[%swap3A_413] {strides = array<i32>} : memref<320xi32, #tpu.memory_space<vmem>>, vector<16xi32>,
    %swap3A_415 = vector.shape_cast %swap3A_414 : vector<16xi32> to vector<16xi32>
    %swap3A_416 = vector.shape_cast %sub3A_412 : vector<16xi32> to vector<16xi32>
    tpu.vector_store %arg6[%swap3A_413], %swap3A_416 {strides = array<i32>} : memref<320xi32, #tpu.memory_space<vmem>>, vector<16xi32>,
    %get3A_417 = arith.constant 64 : index
    %get3A_418 = tpu.vector_load %arg6[%get3A_417] {strides = array<i32>} : memref<320xi32, #tpu.memory_space<vmem>>, vector<16xi32>,
    %get3A_419 = vector.shape_cast %get3A_418 : vector<16xi32> to vector<16xi32>
    %add3A_420 = arith.addi %get3A_419, %get3A_419 : vector<16xi32>
    %ge3A_421 = arith.constant 75000 : i32
    %ge3A_422 = vector.broadcast %ge3A_421 : i32 to vector<16xi32>
    %ge3A_423 = arith.cmpi sge, %get3A_419, %ge3A_422 : vector<16xi32>
    %jit3A_424 = arith.constant 149999 : i32
    %jit3A_425 = arith.constant 0 : i32
    %broadcast_in_dim3A_426 = vector.broadcast %jit3A_424 : i32 to vector<16xi32>
    %broadcast_in_dim3A_427 = vector.broadcast %jit3A_425 : i32 to vector<16xi32>
    %select_n3A_428 = arith.select %ge3A_423, %broadcast_in_dim3A_426, %broadcast_in_dim3A_427 : vector<16xi1>, vector<16xi32>
    %sub3A_429 = arith.subi %add3A_420, %select_n3A_428 : vector<16xi32>
    %swap3A_430 = arith.constant 64 : index
    %swap3A_431 = tpu.vector_load %arg6[%swap3A_430] {strides = array<i32>} : memref<320xi32, #tpu.memory_space<vmem>>, vector<16xi32>,
    %swap3A_432 = vector.shape_cast %swap3A_431 : vector<16xi32> to vector<16xi32>
    %swap3A_433 = vector.shape_cast %sub3A_429 : vector<16xi32> to vector<16xi32>
    tpu.vector_store %arg6[%swap3A_430], %swap3A_433 {strides = array<i32>} : memref<320xi32, #tpu.memory_space<vmem>>, vector<16xi32>,
    %get3A_434 = arith.constant 80 : index
    %get3A_435 = tpu.vector_load %arg6[%get3A_434] {strides = array<i32>} : memref<320xi32, #tpu.memory_space<vmem>>, vector<16xi32>,
    %get3A_436 = vector.shape_cast %get3A_435 : vector<16xi32> to vector<16xi32>
    %add3A_437 = arith.addi %get3A_436, %get3A_436 : vector<16xi32>
    %ge3A_438 = arith.constant 75000 : i32
    %ge3A_439 = vector.broadcast %ge3A_438 : i32 to vector<16xi32>
    %ge3A_440 = arith.cmpi sge, %get3A_436, %ge3A_439 : vector<16xi32>
    %jit3A_441 = arith.constant 149999 : i32
    %jit3A_442 = arith.constant 0 : i32
    %broadcast_in_dim3A_443 = vector.broadcast %jit3A_441 : i32 to vector<16xi32>
    %broadcast_in_dim3A_444 = vector.broadcast %jit3A_442 : i32 to vector<16xi32>
    %select_n3A_445 = arith.select %ge3A_440, %broadcast_in_dim3A_443, %broadcast_in_dim3A_444 : vector<16xi1>, vector<16xi32>
    %sub3A_446 = arith.subi %add3A_437, %select_n3A_445 : vector<16xi32>
    %swap3A_447 = arith.constant 80 : index
    %swap3A_448 = tpu.vector_load %arg6[%swap3A_447] {strides = array<i32>} : memref<320xi32, #tpu.memory_space<vmem>>, vector<16xi32>,
    %swap3A_449 = vector.shape_cast %swap3A_448 : vector<16xi32> to vector<16xi32>
    %swap3A_450 = vector.shape_cast %sub3A_446 : vector<16xi32> to vector<16xi32>
    tpu.vector_store %arg6[%swap3A_447], %swap3A_450 {strides = array<i32>} : memref<320xi32, #tpu.memory_space<vmem>>, vector<16xi32>,
    %get3A_451 = arith.constant 96 : index
    %get3A_452 = tpu.vector_load %arg6[%get3A_451] {strides = array<i32>} : memref<320xi32, #tpu.memory_space<vmem>>, vector<16xi32>,
    %get3A_453 = vector.shape_cast %get3A_452 : vector<16xi32> to vector<16xi32>
    %add3A_454 = arith.addi %get3A_453, %get3A_453 : vector<16xi32>
    %ge3A_455 = arith.constant 75000 : i32
    %ge3A_456 = vector.broadcast %ge3A_455 : i32 to vector<16xi32>
    %ge3A_457 = arith.cmpi sge, %get3A_453, %ge3A_456 : vector<16xi32>
    %jit3A_458 = arith.constant 149999 : i32
    %jit3A_459 = arith.constant 0 : i32
    %broadcast_in_dim3A_460 = vector.broadcast %jit3A_458 : i32 to vector<16xi32>
    %broadcast_in_dim3A_461 = vector.broadcast %jit3A_459 : i32 to vector<16xi32>
    %select_n3A_462 = arith.select %ge3A_457, %broadcast_in_dim3A_460, %broadcast_in_dim3A_461 : vector<16xi1>, vector<16xi32>
    %sub3A_463 = arith.subi %add3A_454, %select_n3A_462 : vector<16xi32>
    %swap3A_464 = arith.constant 96 : index
    %swap3A_465 = tpu.vector_load %arg6[%swap3A_464] {strides = array<i32>} : memref<320xi32, #tpu.memory_space<vmem>>, vector<16xi32>,
    %swap3A_466 = vector.shape_cast %swap3A_465 : vector<16xi32> to vector<16xi32>
    %swap3A_467 = vector.shape_cast %sub3A_463 : vector<16xi32> to vector<16xi32>
    tpu.vector_store %arg6[%swap3A_464], %swap3A_467 {strides = array<i32>} : memref<320xi32, #tpu.memory_space<vmem>>, vector<16xi32>,
    %get3A_468 = arith.constant 112 : index
    %get3A_469 = tpu.vector_load %arg6[%get3A_468] {strides = array<i32>} : memref<320xi32, #tpu.memory_space<vmem>>, vector<16xi32>,
    %get3A_470 = vector.shape_cast %get3A_469 : vector<16xi32> to vector<16xi32>
    %add3A_471 = arith.addi %get3A_470, %get3A_470 : vector<16xi32>
    %ge3A_472 = arith.constant 75000 : i32
    %ge3A_473 = vector.broadcast %ge3A_472 : i32 to vector<16xi32>
    %ge3A_474 = arith.cmpi sge, %get3A_470, %ge3A_473 : vector<16xi32>
    %jit3A_475 = arith.constant 149999 : i32
    %jit3A_476 = arith.constant 0 : i32
    %broadcast_in_dim3A_477 = vector.broadcast %jit3A_475 : i32 to vector<16xi32>
    %broadcast_in_dim3A_478 = vector.broadcast %jit3A_476 : i32 to vector<16xi32>
    %select_n3A_479 = arith.select %ge3A_474, %broadcast_in_dim3A_477, %broadcast_in_dim3A_478 : vector<16xi1>, vector<16xi32>
    %sub3A_480 = arith.subi %add3A_471, %select_n3A_479 : vector<16xi32>
    %swap3A_481 = arith.constant 112 : index
    %swap3A_482 = tpu.vector_load %arg6[%swap3A_481] {strides = array<i32>} : memref<320xi32, #tpu.memory_space<vmem>>, vector<16xi32>,
    %swap3A_483 = vector.shape_cast %swap3A_482 : vector<16xi32> to vector<16xi32>
    %swap3A_484 = vector.shape_cast %sub3A_480 : vector<16xi32> to vector<16xi32>
    tpu.vector_store %arg6[%swap3A_481], %swap3A_484 {strides = array<i32>} : memref<320xi32, #tpu.memory_space<vmem>>, vector<16xi32>,
    %get3A_485 = arith.constant 128 : index
    %get3A_486 = tpu.vector_load %arg6[%get3A_485] {strides = array<i32>} : memref<320xi32, #tpu.memory_space<vmem>>, vector<16xi32>,
    %get3A_487 = vector.shape_cast %get3A_486 : vector<16xi32> to vector<16xi32>
    %add3A_488 = arith.addi %get3A_487, %get3A_487 : vector<16xi32>
    %ge3A_489 = arith.constant 75000 : i32
    %ge3A_490 = vector.broadcast %ge3A_489 : i32 to vector<16xi32>
    %ge3A_491 = arith.cmpi sge, %get3A_487, %ge3A_490 : vector<16xi32>
    %jit3A_492 = arith.constant 149999 : i32
    %jit3A_493 = arith.constant 0 : i32
    %broadcast_in_dim3A_494 = vector.broadcast %jit3A_492 : i32 to vector<16xi32>
    %broadcast_in_dim3A_495 = vector.broadcast %jit3A_493 : i32 to vector<16xi32>
    %select_n3A_496 = arith.select %ge3A_491, %broadcast_in_dim3A_494, %broadcast_in_dim3A_495 : vector<16xi1>, vector<16xi32>
    %sub3A_497 = arith.subi %add3A_488, %select_n3A_496 : vector<16xi32>
    %swap3A_498 = arith.constant 128 : index
    %swap3A_499 = tpu.vector_load %arg6[%swap3A_498] {strides = array<i32>} : memref<320xi32, #tpu.memory_space<vmem>>, vector<16xi32>,
    %swap3A_500 = vector.shape_cast %swap3A_499 : vector<16xi32> to vector<16xi32>
    %swap3A_501 = vector.shape_cast %sub3A_497 : vector<16xi32> to vector<16xi32>
    tpu.vector_store %arg6[%swap3A_498], %swap3A_501 {strides = array<i32>} : memref<320xi32, #tpu.memory_space<vmem>>, vector<16xi32>,
    %get3A_502 = arith.constant 144 : index
    %get3A_503 = tpu.vector_load %arg6[%get3A_502] {strides = array<i32>} : memref<320xi32, #tpu.memory_space<vmem>>, vector<16xi32>,
    %get3A_504 = vector.shape_cast %get3A_503 : vector<16xi32> to vector<16xi32>
    %add3A_505 = arith.addi %get3A_504, %get3A_504 : vector<16xi32>
    %ge3A_506 = arith.constant 75000 : i32
    %ge3A_507 = vector.broadcast %ge3A_506 : i32 to vector<16xi32>
    %ge3A_508 = arith.cmpi sge, %get3A_504, %ge3A_507 : vector<16xi32>
    %jit3A_509 = arith.constant 149999 : i32
    %jit3A_510 = arith.constant 0 : i32
    %broadcast_in_dim3A_511 = vector.broadcast %jit3A_509 : i32 to vector<16xi32>
    %broadcast_in_dim3A_512 = vector.broadcast %jit3A_510 : i32 to vector<16xi32>
    %select_n3A_513 = arith.select %ge3A_508, %broadcast_in_dim3A_511, %broadcast_in_dim3A_512 : vector<16xi1>, vector<16xi32>
    %sub3A_514 = arith.subi %add3A_505, %select_n3A_513 : vector<16xi32>
    %swap3A_515 = arith.constant 144 : index
    %swap3A_516 = tpu.vector_load %arg6[%swap3A_515] {strides = array<i32>} : memref<320xi32, #tpu.memory_space<vmem>>, vector<16xi32>,
    %swap3A_517 = vector.shape_cast %swap3A_516 : vector<16xi32> to vector<16xi32>
    %swap3A_518 = vector.shape_cast %sub3A_514 : vector<16xi32> to vector<16xi32>
    tpu.vector_store %arg6[%swap3A_515], %swap3A_518 {strides = array<i32>} : memref<320xi32, #tpu.memory_space<vmem>>, vector<16xi32>,
    %get3A_519 = arith.constant 160 : index
    %get3A_520 = tpu.vector_load %arg6[%get3A_519] {strides = array<i32>} : memref<320xi32, #tpu.memory_space<vmem>>, vector<16xi32>,
    %get3A_521 = vector.shape_cast %get3A_520 : vector<16xi32> to vector<16xi32>
    %add3A_522 = arith.addi %get3A_521, %get3A_521 : vector<16xi32>
    %ge3A_523 = arith.constant 75000 : i32
    %ge3A_524 = vector.broadcast %ge3A_523 : i32 to vector<16xi32>
    %ge3A_525 = arith.cmpi sge, %get3A_521, %ge3A_524 : vector<16xi32>
    %jit3A_526 = arith.constant 149999 : i32
    %jit3A_527 = arith.constant 0 : i32
    %broadcast_in_dim3A_528 = vector.broadcast %jit3A_526 : i32 to vector<16xi32>
    %broadcast_in_dim3A_529 = vector.broadcast %jit3A_527 : i32 to vector<16xi32>
    %select_n3A_530 = arith.select %ge3A_525, %broadcast_in_dim3A_528, %broadcast_in_dim3A_529 : vector<16xi1>, vector<16xi32>
    %sub3A_531 = arith.subi %add3A_522, %select_n3A_530 : vector<16xi32>
    %swap3A_532 = arith.constant 160 : index
    %swap3A_533 = tpu.vector_load %arg6[%swap3A_532] {strides = array<i32>} : memref<320xi32, #tpu.memory_space<vmem>>, vector<16xi32>,
    %swap3A_534 = vector.shape_cast %swap3A_533 : vector<16xi32> to vector<16xi32>
    %swap3A_535 = vector.shape_cast %sub3A_531 : vector<16xi32> to vector<16xi32>
    tpu.vector_store %arg6[%swap3A_532], %swap3A_535 {strides = array<i32>} : memref<320xi32, #tpu.memory_space<vmem>>, vector<16xi32>,
    %get3A_536 = arith.constant 176 : index
    %get3A_537 = tpu.vector_load %arg6[%get3A_536] {strides = array<i32>} : memref<320xi32, #tpu.memory_space<vmem>>, vector<16xi32>,
    %get3A_538 = vector.shape_cast %get3A_537 : vector<16xi32> to vector<16xi32>
    %add3A_539 = arith.addi %get3A_538, %get3A_538 : vector<16xi32>
    %ge3A_540 = arith.constant 75000 : i32
    %ge3A_541 = vector.broadcast %ge3A_540 : i32 to vector<16xi32>
    %ge3A_542 = arith.cmpi sge, %get3A_538, %ge3A_541 : vector<16xi32>
    %jit3A_543 = arith.constant 149999 : i32
    %jit3A_544 = arith.constant 0 : i32
    %broadcast_in_dim3A_545 = vector.broadcast %jit3A_543 : i32 to vector<16xi32>
    %broadcast_in_dim3A_546 = vector.broadcast %jit3A_544 : i32 to vector<16xi32>
    %select_n3A_547 = arith.select %ge3A_542, %broadcast_in_dim3A_545, %broadcast_in_dim3A_546 : vector<16xi1>, vector<16xi32>
    %sub3A_548 = arith.subi %add3A_539, %select_n3A_547 : vector<16xi32>
    %swap3A_549 = arith.constant 176 : index
    %swap3A_550 = tpu.vector_load %arg6[%swap3A_549] {strides = array<i32>} : memref<320xi32, #tpu.memory_space<vmem>>, vector<16xi32>,
    %swap3A_551 = vector.shape_cast %swap3A_550 : vector<16xi32> to vector<16xi32>
    %swap3A_552 = vector.shape_cast %sub3A_548 : vector<16xi32> to vector<16xi32>
    tpu.vector_store %arg6[%swap3A_549], %swap3A_552 {strides = array<i32>} : memref<320xi32, #tpu.memory_space<vmem>>, vector<16xi32>,
    %get3A_553 = arith.constant 192 : index
    %get3A_554 = tpu.vector_load %arg6[%get3A_553] {strides = array<i32>} : memref<320xi32, #tpu.memory_space<vmem>>, vector<16xi32>,
    %get3A_555 = vector.shape_cast %get3A_554 : vector<16xi32> to vector<16xi32>
    %add3A_556 = arith.addi %get3A_555, %get3A_555 : vector<16xi32>
    %ge3A_557 = arith.constant 75000 : i32
    %ge3A_558 = vector.broadcast %ge3A_557 : i32 to vector<16xi32>
    %ge3A_559 = arith.cmpi sge, %get3A_555, %ge3A_558 : vector<16xi32>
    %jit3A_560 = arith.constant 149999 : i32
    %jit3A_561 = arith.constant 0 : i32
    %broadcast_in_dim3A_562 = vector.broadcast %jit3A_560 : i32 to vector<16xi32>
    %broadcast_in_dim3A_563 = vector.broadcast %jit3A_561 : i32 to vector<16xi32>
    %select_n3A_564 = arith.select %ge3A_559, %broadcast_in_dim3A_562, %broadcast_in_dim3A_563 : vector<16xi1>, vector<16xi32>
    %sub3A_565 = arith.subi %add3A_556, %select_n3A_564 : vector<16xi32>
    %swap3A_566 = arith.constant 192 : index
    %swap3A_567 = tpu.vector_load %arg6[%swap3A_566] {strides = array<i32>} : memref<320xi32, #tpu.memory_space<vmem>>, vector<16xi32>,
    %swap3A_568 = vector.shape_cast %swap3A_567 : vector<16xi32> to vector<16xi32>
    %swap3A_569 = vector.shape_cast %sub3A_565 : vector<16xi32> to vector<16xi32>
    tpu.vector_store %arg6[%swap3A_566], %swap3A_569 {strides = array<i32>} : memref<320xi32, #tpu.memory_space<vmem>>, vector<16xi32>,
    %get3A_570 = arith.constant 208 : index
    %get3A_571 = tpu.vector_load %arg6[%get3A_570] {strides = array<i32>} : memref<320xi32, #tpu.memory_space<vmem>>, vector<16xi32>,
    %get3A_572 = vector.shape_cast %get3A_571 : vector<16xi32> to vector<16xi32>
    %add3A_573 = arith.addi %get3A_572, %get3A_572 : vector<16xi32>
    %ge3A_574 = arith.constant 75000 : i32
    %ge3A_575 = vector.broadcast %ge3A_574 : i32 to vector<16xi32>
    %ge3A_576 = arith.cmpi sge, %get3A_572, %ge3A_575 : vector<16xi32>
    %jit3A_577 = arith.constant 149999 : i32
    %jit3A_578 = arith.constant 0 : i32
    %broadcast_in_dim3A_579 = vector.broadcast %jit3A_577 : i32 to vector<16xi32>
    %broadcast_in_dim3A_580 = vector.broadcast %jit3A_578 : i32 to vector<16xi32>
    %select_n3A_581 = arith.select %ge3A_576, %broadcast_in_dim3A_579, %broadcast_in_dim3A_580 : vector<16xi1>, vector<16xi32>
    %sub3A_582 = arith.subi %add3A_573, %select_n3A_581 : vector<16xi32>
    %swap3A_583 = arith.constant 208 : index
    %swap3A_584 = tpu.vector_load %arg6[%swap3A_583] {strides = array<i32>} : memref<320xi32, #tpu.memory_space<vmem>>, vector<16xi32>,
    %swap3A_585 = vector.shape_cast %swap3A_584 : vector<16xi32> to vector<16xi32>
    %swap3A_586 = vector.shape_cast %sub3A_582 : vector<16xi32> to vector<16xi32>
    tpu.vector_store %arg6[%swap3A_583], %swap3A_586 {strides = array<i32>} : memref<320xi32, #tpu.memory_space<vmem>>, vector<16xi32>,
    %get3A_587 = arith.constant 224 : index
    %get3A_588 = tpu.vector_load %arg6[%get3A_587] {strides = array<i32>} : memref<320xi32, #tpu.memory_space<vmem>>, vector<16xi32>,
    %get3A_589 = vector.shape_cast %get3A_588 : vector<16xi32> to vector<16xi32>
    %add3A_590 = arith.addi %get3A_589, %get3A_589 : vector<16xi32>
    %ge3A_591 = arith.constant 75000 : i32
    %ge3A_592 = vector.broadcast %ge3A_591 : i32 to vector<16xi32>
    %ge3A_593 = arith.cmpi sge, %get3A_589, %ge3A_592 : vector<16xi32>
    %jit3A_594 = arith.constant 149999 : i32
    %jit3A_595 = arith.constant 0 : i32
    %broadcast_in_dim3A_596 = vector.broadcast %jit3A_594 : i32 to vector<16xi32>
    %broadcast_in_dim3A_597 = vector.broadcast %jit3A_595 : i32 to vector<16xi32>
    %select_n3A_598 = arith.select %ge3A_593, %broadcast_in_dim3A_596, %broadcast_in_dim3A_597 : vector<16xi1>, vector<16xi32>
    %sub3A_599 = arith.subi %add3A_590, %select_n3A_598 : vector<16xi32>
    %swap3A_600 = arith.constant 224 : index
    %swap3A_601 = tpu.vector_load %arg6[%swap3A_600] {strides = array<i32>} : memref<320xi32, #tpu.memory_space<vmem>>, vector<16xi32>,
    %swap3A_602 = vector.shape_cast %swap3A_601 : vector<16xi32> to vector<16xi32>
    %swap3A_603 = vector.shape_cast %sub3A_599 : vector<16xi32> to vector<16xi32>
    tpu.vector_store %arg6[%swap3A_600], %swap3A_603 {strides = array<i32>} : memref<320xi32, #tpu.memory_space<vmem>>, vector<16xi32>,
    %get3A_604 = arith.constant 240 : index
    %get3A_605 = tpu.vector_load %arg6[%get3A_604] {strides = array<i32>} : memref<320xi32, #tpu.memory_space<vmem>>, vector<16xi32>,
    %get3A_606 = vector.shape_cast %get3A_605 : vector<16xi32> to vector<16xi32>
    %add3A_607 = arith.addi %get3A_606, %get3A_606 : vector<16xi32>
    %ge3A_608 = arith.constant 75000 : i32
    %ge3A_609 = vector.broadcast %ge3A_608 : i32 to vector<16xi32>
    %ge3A_610 = arith.cmpi sge, %get3A_606, %ge3A_609 : vector<16xi32>
    %jit3A_611 = arith.constant 149999 : i32
    %jit3A_612 = arith.constant 0 : i32
    %broadcast_in_dim3A_613 = vector.broadcast %jit3A_611 : i32 to vector<16xi32>
    %broadcast_in_dim3A_614 = vector.broadcast %jit3A_612 : i32 to vector<16xi32>
    %select_n3A_615 = arith.select %ge3A_610, %broadcast_in_dim3A_613, %broadcast_in_dim3A_614 : vector<16xi1>, vector<16xi32>
    %sub3A_616 = arith.subi %add3A_607, %select_n3A_615 : vector<16xi32>
    %swap3A_617 = arith.constant 240 : index
    %swap3A_618 = tpu.vector_load %arg6[%swap3A_617] {strides = array<i32>} : memref<320xi32, #tpu.memory_space<vmem>>, vector<16xi32>,
    %swap3A_619 = vector.shape_cast %swap3A_618 : vector<16xi32> to vector<16xi32>
    %swap3A_620 = vector.shape_cast %sub3A_616 : vector<16xi32> to vector<16xi32>
    tpu.vector_store %arg6[%swap3A_617], %swap3A_620 {strides = array<i32>} : memref<320xi32, #tpu.memory_space<vmem>>, vector<16xi32>,
    %get3A_621 = arith.constant 256 : index
    %get3A_622 = tpu.vector_load %arg6[%get3A_621] {strides = array<i32>} : memref<320xi32, #tpu.memory_space<vmem>>, vector<16xi32>,
    %get3A_623 = vector.shape_cast %get3A_622 : vector<16xi32> to vector<16xi32>
    %add3A_624 = arith.addi %get3A_623, %get3A_623 : vector<16xi32>
    %ge3A_625 = arith.constant 75000 : i32
    %ge3A_626 = vector.broadcast %ge3A_625 : i32 to vector<16xi32>
    %ge3A_627 = arith.cmpi sge, %get3A_623, %ge3A_626 : vector<16xi32>
    %jit3A_628 = arith.constant 149999 : i32
    %jit3A_629 = arith.constant 0 : i32
    %broadcast_in_dim3A_630 = vector.broadcast %jit3A_628 : i32 to vector<16xi32>
    %broadcast_in_dim3A_631 = vector.broadcast %jit3A_629 : i32 to vector<16xi32>
    %select_n3A_632 = arith.select %ge3A_627, %broadcast_in_dim3A_630, %broadcast_in_dim3A_631 : vector<16xi1>, vector<16xi32>
    %sub3A_633 = arith.subi %add3A_624, %select_n3A_632 : vector<16xi32>
    %swap3A_634 = arith.constant 256 : index
    %swap3A_635 = tpu.vector_load %arg6[%swap3A_634] {strides = array<i32>} : memref<320xi32, #tpu.memory_space<vmem>>, vector<16xi32>,
    %swap3A_636 = vector.shape_cast %swap3A_635 : vector<16xi32> to vector<16xi32>
    %swap3A_637 = vector.shape_cast %sub3A_633 : vector<16xi32> to vector<16xi32>
    tpu.vector_store %arg6[%swap3A_634], %swap3A_637 {strides = array<i32>} : memref<320xi32, #tpu.memory_space<vmem>>, vector<16xi32>,
    %get3A_638 = arith.constant 272 : index
    %get3A_639 = tpu.vector_load %arg6[%get3A_638] {strides = array<i32>} : memref<320xi32, #tpu.memory_space<vmem>>, vector<16xi32>,
    %get3A_640 = vector.shape_cast %get3A_639 : vector<16xi32> to vector<16xi32>
    %add3A_641 = arith.addi %get3A_640, %get3A_640 : vector<16xi32>
    %ge3A_642 = arith.constant 75000 : i32
    %ge3A_643 = vector.broadcast %ge3A_642 : i32 to vector<16xi32>
    %ge3A_644 = arith.cmpi sge, %get3A_640, %ge3A_643 : vector<16xi32>
    %jit3A_645 = arith.constant 149999 : i32
    %jit3A_646 = arith.constant 0 : i32
    %broadcast_in_dim3A_647 = vector.broadcast %jit3A_645 : i32 to vector<16xi32>
    %broadcast_in_dim3A_648 = vector.broadcast %jit3A_646 : i32 to vector<16xi32>
    %select_n3A_649 = arith.select %ge3A_644, %broadcast_in_dim3A_647, %broadcast_in_dim3A_648 : vector<16xi1>, vector<16xi32>
    %sub3A_650 = arith.subi %add3A_641, %select_n3A_649 : vector<16xi32>
    %swap3A_651 = arith.constant 272 : index
    %swap3A_652 = tpu.vector_load %arg6[%swap3A_651] {strides = array<i32>} : memref<320xi32, #tpu.memory_space<vmem>>, vector<16xi32>,
    %swap3A_653 = vector.shape_cast %swap3A_652 : vector<16xi32> to vector<16xi32>
    %swap3A_654 = vector.shape_cast %sub3A_650 : vector<16xi32> to vector<16xi32>
    tpu.vector_store %arg6[%swap3A_651], %swap3A_654 {strides = array<i32>} : memref<320xi32, #tpu.memory_space<vmem>>, vector<16xi32>,
    %get3A_655 = arith.constant 288 : index
    %get3A_656 = tpu.vector_load %arg6[%get3A_655] {strides = array<i32>} : memref<320xi32, #tpu.memory_space<vmem>>, vector<16xi32>,
    %get3A_657 = vector.shape_cast %get3A_656 : vector<16xi32> to vector<16xi32>
    %add3A_658 = arith.addi %get3A_657, %get3A_657 : vector<16xi32>
    %ge3A_659 = arith.constant 75000 : i32
    %ge3A_660 = vector.broadcast %ge3A_659 : i32 to vector<16xi32>
    %ge3A_661 = arith.cmpi sge, %get3A_657, %ge3A_660 : vector<16xi32>
    %jit3A_662 = arith.constant 149999 : i32
    %jit3A_663 = arith.constant 0 : i32
    %broadcast_in_dim3A_664 = vector.broadcast %jit3A_662 : i32 to vector<16xi32>
    %broadcast_in_dim3A_665 = vector.broadcast %jit3A_663 : i32 to vector<16xi32>
    %select_n3A_666 = arith.select %ge3A_661, %broadcast_in_dim3A_664, %broadcast_in_dim3A_665 : vector<16xi1>, vector<16xi32>
    %sub3A_667 = arith.subi %add3A_658, %select_n3A_666 : vector<16xi32>
    %swap3A_668 = arith.constant 288 : index
    %swap3A_669 = tpu.vector_load %arg6[%swap3A_668] {strides = array<i32>} : memref<320xi32, #tpu.memory_space<vmem>>, vector<16xi32>,
    %swap3A_670 = vector.shape_cast %swap3A_669 : vector<16xi32> to vector<16xi32>
    %swap3A_671 = vector.shape_cast %sub3A_667 : vector<16xi32> to vector<16xi32>
    tpu.vector_store %arg6[%swap3A_668], %swap3A_671 {strides = array<i32>} : memref<320xi32, #tpu.memory_space<vmem>>, vector<16xi32>,
    %get3A_672 = arith.constant 304 : index
    %get3A_673 = tpu.vector_load %arg6[%get3A_672] {strides = array<i32>} : memref<320xi32, #tpu.memory_space<vmem>>, vector<16xi32>,
    %get3A_674 = vector.shape_cast %get3A_673 : vector<16xi32> to vector<16xi32>
    %add3A_675 = arith.addi %get3A_674, %get3A_674 : vector<16xi32>
    %ge3A_676 = arith.constant 75000 : i32
    %ge3A_677 = vector.broadcast %ge3A_676 : i32 to vector<16xi32>
    %ge3A_678 = arith.cmpi sge, %get3A_674, %ge3A_677 : vector<16xi32>
    %jit3A_679 = arith.constant 149999 : i32
    %jit3A_680 = arith.constant 0 : i32
    %broadcast_in_dim3A_681 = vector.broadcast %jit3A_679 : i32 to vector<16xi32>
    %broadcast_in_dim3A_682 = vector.broadcast %jit3A_680 : i32 to vector<16xi32>
    %select_n3A_683 = arith.select %ge3A_678, %broadcast_in_dim3A_681, %broadcast_in_dim3A_682 : vector<16xi1>, vector<16xi32>
    %sub3A_684 = arith.subi %add3A_675, %select_n3A_683 : vector<16xi32>
    %swap3A_685 = arith.constant 304 : index
    %swap3A_686 = tpu.vector_load %arg6[%swap3A_685] {strides = array<i32>} : memref<320xi32, #tpu.memory_space<vmem>>, vector<16xi32>,
    %swap3A_687 = vector.shape_cast %swap3A_686 : vector<16xi32> to vector<16xi32>
    %swap3A_688 = vector.shape_cast %sub3A_684 : vector<16xi32> to vector<16xi32>
    tpu.vector_store %arg6[%swap3A_685], %swap3A_688 {strides = array<i32>} : memref<320xi32, #tpu.memory_space<vmem>>, vector<16xi32>,
    %dma_start3A_689 = arith.constant 0 : i32
    %dma_start3A_690 = arith.constant 0 : i32
    %dma_start3A_691 = tpu.memref_slice %arg2[%dma_start3A_689, %dma_start3A_690] : memref<150000x64xf32, #tpu.memory_space<hbm>> -> memref<150000x64xf32, #tpu.memory_space<hbm>>
    tpu.enqueue_indirect_dma source(%dma_start3A_691 : memref<150000x64xf32, #tpu.memory_space<hbm>>) target(%arg9 : memref<320x64xf32, #tpu.memory_space<vmem>>) offsets(%arg6 : memref<320xi32, #tpu.memory_space<vmem>>) semaphore(%arg12 : memref<!tpu.dma_semaphore, #tpu.memory_space<semaphore_mem>>)
    %min3A_692 = arith.constant 640 : i32
    %min3A_693 = arith.minsi %min3A_692, %sub3A_5 : i32
    %add3A_694 = arith.addi %mul3A_2, %min3A_693 : i32
    "tpu.region"() ({
      %run_scoped3A = tpu.sem_alloc : memref<!tpu.dma_semaphore, #tpu.memory_space<semaphore_mem>>
      %dma_start3A_3519 = tpu.memref_slice %arg3[%add3A_694] : memref<100000xi32, #tpu.memory_space<hbm>> -> memref<320xi32, #tpu.memory_space<hbm>>
      %dma_start3A_3520 = tpu.memref_slice %arg3[%add3A_694] : memref<100000xi32, #tpu.memory_space<hbm>> -> memref<320xi32, #tpu.memory_space<hbm>>
      tpu.enqueue_dma source(%dma_start3A_3520 : memref<320xi32, #tpu.memory_space<hbm>>) target(%arg7 : memref<320xi32, #tpu.memory_space<vmem>>) target_semaphore(%run_scoped3A : memref<!tpu.dma_semaphore, #tpu.memory_space<semaphore_mem>>)
      %dma_wait3A_3521 = tpu.memref_slice %arg3[%add3A_694] : memref<100000xi32, #tpu.memory_space<hbm>> -> memref<320xi32, #tpu.memory_space<hbm>>
      %dma_wait3A_3522 = tpu.memref_slice %arg3[%add3A_694] : memref<100000xi32, #tpu.memory_space<hbm>> -> memref<320xi32, #tpu.memory_space<hbm>>
      tpu.wait_dma2 semaphore(%run_scoped3A : memref<!tpu.dma_semaphore, #tpu.memory_space<semaphore_mem>>) src(%dma_wait3A_3522 : memref<320xi32, #tpu.memory_space<hbm>>) dst(%arg7 : memref<320xi32, #tpu.memory_space<vmem>>)
      tpu.yield
    }) : () -> ()
    %get3A_695 = arith.constant 0 : index
    %get3A_696 = tpu.vector_load %arg7[%get3A_695] {strides = array<i32>} : memref<320xi32, #tpu.memory_space<vmem>>, vector<16xi32>,
    %get3A_697 = vector.shape_cast %get3A_696 : vector<16xi32> to vector<16xi32>
    %add3A_698 = arith.addi %get3A_697, %get3A_697 : vector<16xi32>
    %ge3A_699 = arith.constant 75000 : i32
    %ge3A_700 = vector.broadcast %ge3A_699 : i32 to vector<16xi32>
    %ge3A_701 = arith.cmpi sge, %get3A_697, %ge3A_700 : vector<16xi32>
    %jit3A_702 = arith.constant 149999 : i32
    %jit3A_703 = arith.constant 0 : i32
    %broadcast_in_dim3A_704 = vector.broadcast %jit3A_702 : i32 to vector<16xi32>
    %broadcast_in_dim3A_705 = vector.broadcast %jit3A_703 : i32 to vector<16xi32>
    %select_n3A_706 = arith.select %ge3A_701, %broadcast_in_dim3A_704, %broadcast_in_dim3A_705 : vector<16xi1>, vector<16xi32>
    %sub3A_707 = arith.subi %add3A_698, %select_n3A_706 : vector<16xi32>
    %swap3A_708 = arith.constant 0 : index
    %swap3A_709 = tpu.vector_load %arg7[%swap3A_708] {strides = array<i32>} : memref<320xi32, #tpu.memory_space<vmem>>, vector<16xi32>,
    %swap3A_710 = vector.shape_cast %swap3A_709 : vector<16xi32> to vector<16xi32>
    %swap3A_711 = vector.shape_cast %sub3A_707 : vector<16xi32> to vector<16xi32>
    tpu.vector_store %arg7[%swap3A_708], %swap3A_711 {strides = array<i32>} : memref<320xi32, #tpu.memory_space<vmem>>, vector<16xi32>,
    %get3A_712 = arith.constant 16 : index
    %get3A_713 = tpu.vector_load %arg7[%get3A_712] {strides = array<i32>} : memref<320xi32, #tpu.memory_space<vmem>>, vector<16xi32>,
    %get3A_714 = vector.shape_cast %get3A_713 : vector<16xi32> to vector<16xi32>
    %add3A_715 = arith.addi %get3A_714, %get3A_714 : vector<16xi32>
    %ge3A_716 = arith.constant 75000 : i32
    %ge3A_717 = vector.broadcast %ge3A_716 : i32 to vector<16xi32>
    %ge3A_718 = arith.cmpi sge, %get3A_714, %ge3A_717 : vector<16xi32>
    %jit3A_719 = arith.constant 149999 : i32
    %jit3A_720 = arith.constant 0 : i32
    %broadcast_in_dim3A_721 = vector.broadcast %jit3A_719 : i32 to vector<16xi32>
    %broadcast_in_dim3A_722 = vector.broadcast %jit3A_720 : i32 to vector<16xi32>
    %select_n3A_723 = arith.select %ge3A_718, %broadcast_in_dim3A_721, %broadcast_in_dim3A_722 : vector<16xi1>, vector<16xi32>
    %sub3A_724 = arith.subi %add3A_715, %select_n3A_723 : vector<16xi32>
    %swap3A_725 = arith.constant 16 : index
    %swap3A_726 = tpu.vector_load %arg7[%swap3A_725] {strides = array<i32>} : memref<320xi32, #tpu.memory_space<vmem>>, vector<16xi32>,
    %swap3A_727 = vector.shape_cast %swap3A_726 : vector<16xi32> to vector<16xi32>
    %swap3A_728 = vector.shape_cast %sub3A_724 : vector<16xi32> to vector<16xi32>
    tpu.vector_store %arg7[%swap3A_725], %swap3A_728 {strides = array<i32>} : memref<320xi32, #tpu.memory_space<vmem>>, vector<16xi32>,
    %get3A_729 = arith.constant 32 : index
    %get3A_730 = tpu.vector_load %arg7[%get3A_729] {strides = array<i32>} : memref<320xi32, #tpu.memory_space<vmem>>, vector<16xi32>,
    %get3A_731 = vector.shape_cast %get3A_730 : vector<16xi32> to vector<16xi32>
    %add3A_732 = arith.addi %get3A_731, %get3A_731 : vector<16xi32>
    %ge3A_733 = arith.constant 75000 : i32
    %ge3A_734 = vector.broadcast %ge3A_733 : i32 to vector<16xi32>
    %ge3A_735 = arith.cmpi sge, %get3A_731, %ge3A_734 : vector<16xi32>
    %jit3A_736 = arith.constant 149999 : i32
    %jit3A_737 = arith.constant 0 : i32
    %broadcast_in_dim3A_738 = vector.broadcast %jit3A_736 : i32 to vector<16xi32>
    %broadcast_in_dim3A_739 = vector.broadcast %jit3A_737 : i32 to vector<16xi32>
    %select_n3A_740 = arith.select %ge3A_735, %broadcast_in_dim3A_738, %broadcast_in_dim3A_739 : vector<16xi1>, vector<16xi32>
    %sub3A_741 = arith.subi %add3A_732, %select_n3A_740 : vector<16xi32>
    %swap3A_742 = arith.constant 32 : index
    %swap3A_743 = tpu.vector_load %arg7[%swap3A_742] {strides = array<i32>} : memref<320xi32, #tpu.memory_space<vmem>>, vector<16xi32>,
    %swap3A_744 = vector.shape_cast %swap3A_743 : vector<16xi32> to vector<16xi32>
    %swap3A_745 = vector.shape_cast %sub3A_741 : vector<16xi32> to vector<16xi32>
    tpu.vector_store %arg7[%swap3A_742], %swap3A_745 {strides = array<i32>} : memref<320xi32, #tpu.memory_space<vmem>>, vector<16xi32>,
    %get3A_746 = arith.constant 48 : index
    %get3A_747 = tpu.vector_load %arg7[%get3A_746] {strides = array<i32>} : memref<320xi32, #tpu.memory_space<vmem>>, vector<16xi32>,
    %get3A_748 = vector.shape_cast %get3A_747 : vector<16xi32> to vector<16xi32>
    %add3A_749 = arith.addi %get3A_748, %get3A_748 : vector<16xi32>
    %ge3A_750 = arith.constant 75000 : i32
    %ge3A_751 = vector.broadcast %ge3A_750 : i32 to vector<16xi32>
    %ge3A_752 = arith.cmpi sge, %get3A_748, %ge3A_751 : vector<16xi32>
    %jit3A_753 = arith.constant 149999 : i32
    %jit3A_754 = arith.constant 0 : i32
    %broadcast_in_dim3A_755 = vector.broadcast %jit3A_753 : i32 to vector<16xi32>
    %broadcast_in_dim3A_756 = vector.broadcast %jit3A_754 : i32 to vector<16xi32>
    %select_n3A_757 = arith.select %ge3A_752, %broadcast_in_dim3A_755, %broadcast_in_dim3A_756 : vector<16xi1>, vector<16xi32>
    %sub3A_758 = arith.subi %add3A_749, %select_n3A_757 : vector<16xi32>
    %swap3A_759 = arith.constant 48 : index
    %swap3A_760 = tpu.vector_load %arg7[%swap3A_759] {strides = array<i32>} : memref<320xi32, #tpu.memory_space<vmem>>, vector<16xi32>,
    %swap3A_761 = vector.shape_cast %swap3A_760 : vector<16xi32> to vector<16xi32>
    %swap3A_762 = vector.shape_cast %sub3A_758 : vector<16xi32> to vector<16xi32>
    tpu.vector_store %arg7[%swap3A_759], %swap3A_762 {strides = array<i32>} : memref<320xi32, #tpu.memory_space<vmem>>, vector<16xi32>,
    %get3A_763 = arith.constant 64 : index
    %get3A_764 = tpu.vector_load %arg7[%get3A_763] {strides = array<i32>} : memref<320xi32, #tpu.memory_space<vmem>>, vector<16xi32>,
    %get3A_765 = vector.shape_cast %get3A_764 : vector<16xi32> to vector<16xi32>
    %add3A_766 = arith.addi %get3A_765, %get3A_765 : vector<16xi32>
    %ge3A_767 = arith.constant 75000 : i32
    %ge3A_768 = vector.broadcast %ge3A_767 : i32 to vector<16xi32>
    %ge3A_769 = arith.cmpi sge, %get3A_765, %ge3A_768 : vector<16xi32>
    %jit3A_770 = arith.constant 149999 : i32
    %jit3A_771 = arith.constant 0 : i32
    %broadcast_in_dim3A_772 = vector.broadcast %jit3A_770 : i32 to vector<16xi32>
    %broadcast_in_dim3A_773 = vector.broadcast %jit3A_771 : i32 to vector<16xi32>
    %select_n3A_774 = arith.select %ge3A_769, %broadcast_in_dim3A_772, %broadcast_in_dim3A_773 : vector<16xi1>, vector<16xi32>
    %sub3A_775 = arith.subi %add3A_766, %select_n3A_774 : vector<16xi32>
    %swap3A_776 = arith.constant 64 : index
    %swap3A_777 = tpu.vector_load %arg7[%swap3A_776] {strides = array<i32>} : memref<320xi32, #tpu.memory_space<vmem>>, vector<16xi32>,
    %swap3A_778 = vector.shape_cast %swap3A_777 : vector<16xi32> to vector<16xi32>
    %swap3A_779 = vector.shape_cast %sub3A_775 : vector<16xi32> to vector<16xi32>
    tpu.vector_store %arg7[%swap3A_776], %swap3A_779 {strides = array<i32>} : memref<320xi32, #tpu.memory_space<vmem>>, vector<16xi32>,
    %get3A_780 = arith.constant 80 : index
    %get3A_781 = tpu.vector_load %arg7[%get3A_780] {strides = array<i32>} : memref<320xi32, #tpu.memory_space<vmem>>, vector<16xi32>,
    %get3A_782 = vector.shape_cast %get3A_781 : vector<16xi32> to vector<16xi32>
    %add3A_783 = arith.addi %get3A_782, %get3A_782 : vector<16xi32>
    %ge3A_784 = arith.constant 75000 : i32
    %ge3A_785 = vector.broadcast %ge3A_784 : i32 to vector<16xi32>
    %ge3A_786 = arith.cmpi sge, %get3A_782, %ge3A_785 : vector<16xi32>
    %jit3A_787 = arith.constant 149999 : i32
    %jit3A_788 = arith.constant 0 : i32
    %broadcast_in_dim3A_789 = vector.broadcast %jit3A_787 : i32 to vector<16xi32>
    %broadcast_in_dim3A_790 = vector.broadcast %jit3A_788 : i32 to vector<16xi32>
    %select_n3A_791 = arith.select %ge3A_786, %broadcast_in_dim3A_789, %broadcast_in_dim3A_790 : vector<16xi1>, vector<16xi32>
    %sub3A_792 = arith.subi %add3A_783, %select_n3A_791 : vector<16xi32>
    %swap3A_793 = arith.constant 80 : index
    %swap3A_794 = tpu.vector_load %arg7[%swap3A_793] {strides = array<i32>} : memref<320xi32, #tpu.memory_space<vmem>>, vector<16xi32>,
    %swap3A_795 = vector.shape_cast %swap3A_794 : vector<16xi32> to vector<16xi32>
    %swap3A_796 = vector.shape_cast %sub3A_792 : vector<16xi32> to vector<16xi32>
    tpu.vector_store %arg7[%swap3A_793], %swap3A_796 {strides = array<i32>} : memref<320xi32, #tpu.memory_space<vmem>>, vector<16xi32>,
    %get3A_797 = arith.constant 96 : index
    %get3A_798 = tpu.vector_load %arg7[%get3A_797] {strides = array<i32>} : memref<320xi32, #tpu.memory_space<vmem>>, vector<16xi32>,
    %get3A_799 = vector.shape_cast %get3A_798 : vector<16xi32> to vector<16xi32>
    %add3A_800 = arith.addi %get3A_799, %get3A_799 : vector<16xi32>
    %ge3A_801 = arith.constant 75000 : i32
    %ge3A_802 = vector.broadcast %ge3A_801 : i32 to vector<16xi32>
    %ge3A_803 = arith.cmpi sge, %get3A_799, %ge3A_802 : vector<16xi32>
    %jit3A_804 = arith.constant 149999 : i32
    %jit3A_805 = arith.constant 0 : i32
    %broadcast_in_dim3A_806 = vector.broadcast %jit3A_804 : i32 to vector<16xi32>
    %broadcast_in_dim3A_807 = vector.broadcast %jit3A_805 : i32 to vector<16xi32>
    %select_n3A_808 = arith.select %ge3A_803, %broadcast_in_dim3A_806, %broadcast_in_dim3A_807 : vector<16xi1>, vector<16xi32>
    %sub3A_809 = arith.subi %add3A_800, %select_n3A_808 : vector<16xi32>
    %swap3A_810 = arith.constant 96 : index
    %swap3A_811 = tpu.vector_load %arg7[%swap3A_810] {strides = array<i32>} : memref<320xi32, #tpu.memory_space<vmem>>, vector<16xi32>,
    %swap3A_812 = vector.shape_cast %swap3A_811 : vector<16xi32> to vector<16xi32>
    %swap3A_813 = vector.shape_cast %sub3A_809 : vector<16xi32> to vector<16xi32>
    tpu.vector_store %arg7[%swap3A_810], %swap3A_813 {strides = array<i32>} : memref<320xi32, #tpu.memory_space<vmem>>, vector<16xi32>,
    %get3A_814 = arith.constant 112 : index
    %get3A_815 = tpu.vector_load %arg7[%get3A_814] {strides = array<i32>} : memref<320xi32, #tpu.memory_space<vmem>>, vector<16xi32>,
    %get3A_816 = vector.shape_cast %get3A_815 : vector<16xi32> to vector<16xi32>
    %add3A_817 = arith.addi %get3A_816, %get3A_816 : vector<16xi32>
    %ge3A_818 = arith.constant 75000 : i32
    %ge3A_819 = vector.broadcast %ge3A_818 : i32 to vector<16xi32>
    %ge3A_820 = arith.cmpi sge, %get3A_816, %ge3A_819 : vector<16xi32>
    %jit3A_821 = arith.constant 149999 : i32
    %jit3A_822 = arith.constant 0 : i32
    %broadcast_in_dim3A_823 = vector.broadcast %jit3A_821 : i32 to vector<16xi32>
    %broadcast_in_dim3A_824 = vector.broadcast %jit3A_822 : i32 to vector<16xi32>
    %select_n3A_825 = arith.select %ge3A_820, %broadcast_in_dim3A_823, %broadcast_in_dim3A_824 : vector<16xi1>, vector<16xi32>
    %sub3A_826 = arith.subi %add3A_817, %select_n3A_825 : vector<16xi32>
    %swap3A_827 = arith.constant 112 : index
    %swap3A_828 = tpu.vector_load %arg7[%swap3A_827] {strides = array<i32>} : memref<320xi32, #tpu.memory_space<vmem>>, vector<16xi32>,
    %swap3A_829 = vector.shape_cast %swap3A_828 : vector<16xi32> to vector<16xi32>
    %swap3A_830 = vector.shape_cast %sub3A_826 : vector<16xi32> to vector<16xi32>
    tpu.vector_store %arg7[%swap3A_827], %swap3A_830 {strides = array<i32>} : memref<320xi32, #tpu.memory_space<vmem>>, vector<16xi32>,
    %get3A_831 = arith.constant 128 : index
    %get3A_832 = tpu.vector_load %arg7[%get3A_831] {strides = array<i32>} : memref<320xi32, #tpu.memory_space<vmem>>, vector<16xi32>,
    %get3A_833 = vector.shape_cast %get3A_832 : vector<16xi32> to vector<16xi32>
    %add3A_834 = arith.addi %get3A_833, %get3A_833 : vector<16xi32>
    %ge3A_835 = arith.constant 75000 : i32
    %ge3A_836 = vector.broadcast %ge3A_835 : i32 to vector<16xi32>
    %ge3A_837 = arith.cmpi sge, %get3A_833, %ge3A_836 : vector<16xi32>
    %jit3A_838 = arith.constant 149999 : i32
    %jit3A_839 = arith.constant 0 : i32
    %broadcast_in_dim3A_840 = vector.broadcast %jit3A_838 : i32 to vector<16xi32>
    %broadcast_in_dim3A_841 = vector.broadcast %jit3A_839 : i32 to vector<16xi32>
    %select_n3A_842 = arith.select %ge3A_837, %broadcast_in_dim3A_840, %broadcast_in_dim3A_841 : vector<16xi1>, vector<16xi32>
    %sub3A_843 = arith.subi %add3A_834, %select_n3A_842 : vector<16xi32>
    %swap3A_844 = arith.constant 128 : index
    %swap3A_845 = tpu.vector_load %arg7[%swap3A_844] {strides = array<i32>} : memref<320xi32, #tpu.memory_space<vmem>>, vector<16xi32>,
    %swap3A_846 = vector.shape_cast %swap3A_845 : vector<16xi32> to vector<16xi32>
    %swap3A_847 = vector.shape_cast %sub3A_843 : vector<16xi32> to vector<16xi32>
    tpu.vector_store %arg7[%swap3A_844], %swap3A_847 {strides = array<i32>} : memref<320xi32, #tpu.memory_space<vmem>>, vector<16xi32>,
    %get3A_848 = arith.constant 144 : index
    %get3A_849 = tpu.vector_load %arg7[%get3A_848] {strides = array<i32>} : memref<320xi32, #tpu.memory_space<vmem>>, vector<16xi32>,
    %get3A_850 = vector.shape_cast %get3A_849 : vector<16xi32> to vector<16xi32>
    %add3A_851 = arith.addi %get3A_850, %get3A_850 : vector<16xi32>
    %ge3A_852 = arith.constant 75000 : i32
    %ge3A_853 = vector.broadcast %ge3A_852 : i32 to vector<16xi32>
    %ge3A_854 = arith.cmpi sge, %get3A_850, %ge3A_853 : vector<16xi32>
    %jit3A_855 = arith.constant 149999 : i32
    %jit3A_856 = arith.constant 0 : i32
    %broadcast_in_dim3A_857 = vector.broadcast %jit3A_855 : i32 to vector<16xi32>
    %broadcast_in_dim3A_858 = vector.broadcast %jit3A_856 : i32 to vector<16xi32>
    %select_n3A_859 = arith.select %ge3A_854, %broadcast_in_dim3A_857, %broadcast_in_dim3A_858 : vector<16xi1>, vector<16xi32>
    %sub3A_860 = arith.subi %add3A_851, %select_n3A_859 : vector<16xi32>
    %swap3A_861 = arith.constant 144 : index
    %swap3A_862 = tpu.vector_load %arg7[%swap3A_861] {strides = array<i32>} : memref<320xi32, #tpu.memory_space<vmem>>, vector<16xi32>,
    %swap3A_863 = vector.shape_cast %swap3A_862 : vector<16xi32> to vector<16xi32>
    %swap3A_864 = vector.shape_cast %sub3A_860 : vector<16xi32> to vector<16xi32>
    tpu.vector_store %arg7[%swap3A_861], %swap3A_864 {strides = array<i32>} : memref<320xi32, #tpu.memory_space<vmem>>, vector<16xi32>,
    %get3A_865 = arith.constant 160 : index
    %get3A_866 = tpu.vector_load %arg7[%get3A_865] {strides = array<i32>} : memref<320xi32, #tpu.memory_space<vmem>>, vector<16xi32>,
    %get3A_867 = vector.shape_cast %get3A_866 : vector<16xi32> to vector<16xi32>
    %add3A_868 = arith.addi %get3A_867, %get3A_867 : vector<16xi32>
    %ge3A_869 = arith.constant 75000 : i32
    %ge3A_870 = vector.broadcast %ge3A_869 : i32 to vector<16xi32>
    %ge3A_871 = arith.cmpi sge, %get3A_867, %ge3A_870 : vector<16xi32>
    %jit3A_872 = arith.constant 149999 : i32
    %jit3A_873 = arith.constant 0 : i32
    %broadcast_in_dim3A_874 = vector.broadcast %jit3A_872 : i32 to vector<16xi32>
    %broadcast_in_dim3A_875 = vector.broadcast %jit3A_873 : i32 to vector<16xi32>
    %select_n3A_876 = arith.select %ge3A_871, %broadcast_in_dim3A_874, %broadcast_in_dim3A_875 : vector<16xi1>, vector<16xi32>
    %sub3A_877 = arith.subi %add3A_868, %select_n3A_876 : vector<16xi32>
    %swap3A_878 = arith.constant 160 : index
    %swap3A_879 = tpu.vector_load %arg7[%swap3A_878] {strides = array<i32>} : memref<320xi32, #tpu.memory_space<vmem>>, vector<16xi32>,
    %swap3A_880 = vector.shape_cast %swap3A_879 : vector<16xi32> to vector<16xi32>
    %swap3A_881 = vector.shape_cast %sub3A_877 : vector<16xi32> to vector<16xi32>
    tpu.vector_store %arg7[%swap3A_878], %swap3A_881 {strides = array<i32>} : memref<320xi32, #tpu.memory_space<vmem>>, vector<16xi32>,
    %get3A_882 = arith.constant 176 : index
    %get3A_883 = tpu.vector_load %arg7[%get3A_882] {strides = array<i32>} : memref<320xi32, #tpu.memory_space<vmem>>, vector<16xi32>,
    %get3A_884 = vector.shape_cast %get3A_883 : vector<16xi32> to vector<16xi32>
    %add3A_885 = arith.addi %get3A_884, %get3A_884 : vector<16xi32>
    %ge3A_886 = arith.constant 75000 : i32
    %ge3A_887 = vector.broadcast %ge3A_886 : i32 to vector<16xi32>
    %ge3A_888 = arith.cmpi sge, %get3A_884, %ge3A_887 : vector<16xi32>
    %jit3A_889 = arith.constant 149999 : i32
    %jit3A_890 = arith.constant 0 : i32
    %broadcast_in_dim3A_891 = vector.broadcast %jit3A_889 : i32 to vector<16xi32>
    %broadcast_in_dim3A_892 = vector.broadcast %jit3A_890 : i32 to vector<16xi32>
    %select_n3A_893 = arith.select %ge3A_888, %broadcast_in_dim3A_891, %broadcast_in_dim3A_892 : vector<16xi1>, vector<16xi32>
    %sub3A_894 = arith.subi %add3A_885, %select_n3A_893 : vector<16xi32>
    %swap3A_895 = arith.constant 176 : index
    %swap3A_896 = tpu.vector_load %arg7[%swap3A_895] {strides = array<i32>} : memref<320xi32, #tpu.memory_space<vmem>>, vector<16xi32>,
    %swap3A_897 = vector.shape_cast %swap3A_896 : vector<16xi32> to vector<16xi32>
    %swap3A_898 = vector.shape_cast %sub3A_894 : vector<16xi32> to vector<16xi32>
    tpu.vector_store %arg7[%swap3A_895], %swap3A_898 {strides = array<i32>} : memref<320xi32, #tpu.memory_space<vmem>>, vector<16xi32>,
    %get3A_899 = arith.constant 192 : index
    %get3A_900 = tpu.vector_load %arg7[%get3A_899] {strides = array<i32>} : memref<320xi32, #tpu.memory_space<vmem>>, vector<16xi32>,
    %get3A_901 = vector.shape_cast %get3A_900 : vector<16xi32> to vector<16xi32>
    %add3A_902 = arith.addi %get3A_901, %get3A_901 : vector<16xi32>
    %ge3A_903 = arith.constant 75000 : i32
    %ge3A_904 = vector.broadcast %ge3A_903 : i32 to vector<16xi32>
    %ge3A_905 = arith.cmpi sge, %get3A_901, %ge3A_904 : vector<16xi32>
    %jit3A_906 = arith.constant 149999 : i32
    %jit3A_907 = arith.constant 0 : i32
    %broadcast_in_dim3A_908 = vector.broadcast %jit3A_906 : i32 to vector<16xi32>
    %broadcast_in_dim3A_909 = vector.broadcast %jit3A_907 : i32 to vector<16xi32>
    %select_n3A_910 = arith.select %ge3A_905, %broadcast_in_dim3A_908, %broadcast_in_dim3A_909 : vector<16xi1>, vector<16xi32>
    %sub3A_911 = arith.subi %add3A_902, %select_n3A_910 : vector<16xi32>
    %swap3A_912 = arith.constant 192 : index
    %swap3A_913 = tpu.vector_load %arg7[%swap3A_912] {strides = array<i32>} : memref<320xi32, #tpu.memory_space<vmem>>, vector<16xi32>,
    %swap3A_914 = vector.shape_cast %swap3A_913 : vector<16xi32> to vector<16xi32>
    %swap3A_915 = vector.shape_cast %sub3A_911 : vector<16xi32> to vector<16xi32>
    tpu.vector_store %arg7[%swap3A_912], %swap3A_915 {strides = array<i32>} : memref<320xi32, #tpu.memory_space<vmem>>, vector<16xi32>,
    %get3A_916 = arith.constant 208 : index
    %get3A_917 = tpu.vector_load %arg7[%get3A_916] {strides = array<i32>} : memref<320xi32, #tpu.memory_space<vmem>>, vector<16xi32>,
    %get3A_918 = vector.shape_cast %get3A_917 : vector<16xi32> to vector<16xi32>
    %add3A_919 = arith.addi %get3A_918, %get3A_918 : vector<16xi32>
    %ge3A_920 = arith.constant 75000 : i32
    %ge3A_921 = vector.broadcast %ge3A_920 : i32 to vector<16xi32>
    %ge3A_922 = arith.cmpi sge, %get3A_918, %ge3A_921 : vector<16xi32>
    %jit3A_923 = arith.constant 149999 : i32
    %jit3A_924 = arith.constant 0 : i32
    %broadcast_in_dim3A_925 = vector.broadcast %jit3A_923 : i32 to vector<16xi32>
    %broadcast_in_dim3A_926 = vector.broadcast %jit3A_924 : i32 to vector<16xi32>
    %select_n3A_927 = arith.select %ge3A_922, %broadcast_in_dim3A_925, %broadcast_in_dim3A_926 : vector<16xi1>, vector<16xi32>
    %sub3A_928 = arith.subi %add3A_919, %select_n3A_927 : vector<16xi32>
    %swap3A_929 = arith.constant 208 : index
    %swap3A_930 = tpu.vector_load %arg7[%swap3A_929] {strides = array<i32>} : memref<320xi32, #tpu.memory_space<vmem>>, vector<16xi32>,
    %swap3A_931 = vector.shape_cast %swap3A_930 : vector<16xi32> to vector<16xi32>
    %swap3A_932 = vector.shape_cast %sub3A_928 : vector<16xi32> to vector<16xi32>
    tpu.vector_store %arg7[%swap3A_929], %swap3A_932 {strides = array<i32>} : memref<320xi32, #tpu.memory_space<vmem>>, vector<16xi32>,
    %get3A_933 = arith.constant 224 : index
    %get3A_934 = tpu.vector_load %arg7[%get3A_933] {strides = array<i32>} : memref<320xi32, #tpu.memory_space<vmem>>, vector<16xi32>,
    %get3A_935 = vector.shape_cast %get3A_934 : vector<16xi32> to vector<16xi32>
    %add3A_936 = arith.addi %get3A_935, %get3A_935 : vector<16xi32>
    %ge3A_937 = arith.constant 75000 : i32
    %ge3A_938 = vector.broadcast %ge3A_937 : i32 to vector<16xi32>
    %ge3A_939 = arith.cmpi sge, %get3A_935, %ge3A_938 : vector<16xi32>
    %jit3A_940 = arith.constant 149999 : i32
    %jit3A_941 = arith.constant 0 : i32
    %broadcast_in_dim3A_942 = vector.broadcast %jit3A_940 : i32 to vector<16xi32>
    %broadcast_in_dim3A_943 = vector.broadcast %jit3A_941 : i32 to vector<16xi32>
    %select_n3A_944 = arith.select %ge3A_939, %broadcast_in_dim3A_942, %broadcast_in_dim3A_943 : vector<16xi1>, vector<16xi32>
    %sub3A_945 = arith.subi %add3A_936, %select_n3A_944 : vector<16xi32>
    %swap3A_946 = arith.constant 224 : index
    %swap3A_947 = tpu.vector_load %arg7[%swap3A_946] {strides = array<i32>} : memref<320xi32, #tpu.memory_space<vmem>>, vector<16xi32>,
    %swap3A_948 = vector.shape_cast %swap3A_947 : vector<16xi32> to vector<16xi32>
    %swap3A_949 = vector.shape_cast %sub3A_945 : vector<16xi32> to vector<16xi32>
    tpu.vector_store %arg7[%swap3A_946], %swap3A_949 {strides = array<i32>} : memref<320xi32, #tpu.memory_space<vmem>>, vector<16xi32>,
    %get3A_950 = arith.constant 240 : index
    %get3A_951 = tpu.vector_load %arg7[%get3A_950] {strides = array<i32>} : memref<320xi32, #tpu.memory_space<vmem>>, vector<16xi32>,
    %get3A_952 = vector.shape_cast %get3A_951 : vector<16xi32> to vector<16xi32>
    %add3A_953 = arith.addi %get3A_952, %get3A_952 : vector<16xi32>
    %ge3A_954 = arith.constant 75000 : i32
    %ge3A_955 = vector.broadcast %ge3A_954 : i32 to vector<16xi32>
    %ge3A_956 = arith.cmpi sge, %get3A_952, %ge3A_955 : vector<16xi32>
    %jit3A_957 = arith.constant 149999 : i32
    %jit3A_958 = arith.constant 0 : i32
    %broadcast_in_dim3A_959 = vector.broadcast %jit3A_957 : i32 to vector<16xi32>
    %broadcast_in_dim3A_960 = vector.broadcast %jit3A_958 : i32 to vector<16xi32>
    %select_n3A_961 = arith.select %ge3A_956, %broadcast_in_dim3A_959, %broadcast_in_dim3A_960 : vector<16xi1>, vector<16xi32>
    %sub3A_962 = arith.subi %add3A_953, %select_n3A_961 : vector<16xi32>
    %swap3A_963 = arith.constant 240 : index
    %swap3A_964 = tpu.vector_load %arg7[%swap3A_963] {strides = array<i32>} : memref<320xi32, #tpu.memory_space<vmem>>, vector<16xi32>,
    %swap3A_965 = vector.shape_cast %swap3A_964 : vector<16xi32> to vector<16xi32>
    %swap3A_966 = vector.shape_cast %sub3A_962 : vector<16xi32> to vector<16xi32>
    tpu.vector_store %arg7[%swap3A_963], %swap3A_966 {strides = array<i32>} : memref<320xi32, #tpu.memory_space<vmem>>, vector<16xi32>,
    %get3A_967 = arith.constant 256 : index
    %get3A_968 = tpu.vector_load %arg7[%get3A_967] {strides = array<i32>} : memref<320xi32, #tpu.memory_space<vmem>>, vector<16xi32>,
    %get3A_969 = vector.shape_cast %get3A_968 : vector<16xi32> to vector<16xi32>
    %add3A_970 = arith.addi %get3A_969, %get3A_969 : vector<16xi32>
    %ge3A_971 = arith.constant 75000 : i32
    %ge3A_972 = vector.broadcast %ge3A_971 : i32 to vector<16xi32>
    %ge3A_973 = arith.cmpi sge, %get3A_969, %ge3A_972 : vector<16xi32>
    %jit3A_974 = arith.constant 149999 : i32
    %jit3A_975 = arith.constant 0 : i32
    %broadcast_in_dim3A_976 = vector.broadcast %jit3A_974 : i32 to vector<16xi32>
    %broadcast_in_dim3A_977 = vector.broadcast %jit3A_975 : i32 to vector<16xi32>
    %select_n3A_978 = arith.select %ge3A_973, %broadcast_in_dim3A_976, %broadcast_in_dim3A_977 : vector<16xi1>, vector<16xi32>
    %sub3A_979 = arith.subi %add3A_970, %select_n3A_978 : vector<16xi32>
    %swap3A_980 = arith.constant 256 : index
    %swap3A_981 = tpu.vector_load %arg7[%swap3A_980] {strides = array<i32>} : memref<320xi32, #tpu.memory_space<vmem>>, vector<16xi32>,
    %swap3A_982 = vector.shape_cast %swap3A_981 : vector<16xi32> to vector<16xi32>
    %swap3A_983 = vector.shape_cast %sub3A_979 : vector<16xi32> to vector<16xi32>
    tpu.vector_store %arg7[%swap3A_980], %swap3A_983 {strides = array<i32>} : memref<320xi32, #tpu.memory_space<vmem>>, vector<16xi32>,
    %get3A_984 = arith.constant 272 : index
    %get3A_985 = tpu.vector_load %arg7[%get3A_984] {strides = array<i32>} : memref<320xi32, #tpu.memory_space<vmem>>, vector<16xi32>,
    %get3A_986 = vector.shape_cast %get3A_985 : vector<16xi32> to vector<16xi32>
    %add3A_987 = arith.addi %get3A_986, %get3A_986 : vector<16xi32>
    %ge3A_988 = arith.constant 75000 : i32
    %ge3A_989 = vector.broadcast %ge3A_988 : i32 to vector<16xi32>
    %ge3A_990 = arith.cmpi sge, %get3A_986, %ge3A_989 : vector<16xi32>
    %jit3A_991 = arith.constant 149999 : i32
    %jit3A_992 = arith.constant 0 : i32
    %broadcast_in_dim3A_993 = vector.broadcast %jit3A_991 : i32 to vector<16xi32>
    %broadcast_in_dim3A_994 = vector.broadcast %jit3A_992 : i32 to vector<16xi32>
    %select_n3A_995 = arith.select %ge3A_990, %broadcast_in_dim3A_993, %broadcast_in_dim3A_994 : vector<16xi1>, vector<16xi32>
    %sub3A_996 = arith.subi %add3A_987, %select_n3A_995 : vector<16xi32>
    %swap3A_997 = arith.constant 272 : index
    %swap3A_998 = tpu.vector_load %arg7[%swap3A_997] {strides = array<i32>} : memref<320xi32, #tpu.memory_space<vmem>>, vector<16xi32>,
    %swap3A_999 = vector.shape_cast %swap3A_998 : vector<16xi32> to vector<16xi32>
    %swap3A_1000 = vector.shape_cast %sub3A_996 : vector<16xi32> to vector<16xi32>
    tpu.vector_store %arg7[%swap3A_997], %swap3A_1000 {strides = array<i32>} : memref<320xi32, #tpu.memory_space<vmem>>, vector<16xi32>,
    %get3A_1001 = arith.constant 288 : index
    %get3A_1002 = tpu.vector_load %arg7[%get3A_1001] {strides = array<i32>} : memref<320xi32, #tpu.memory_space<vmem>>, vector<16xi32>,
    %get3A_1003 = vector.shape_cast %get3A_1002 : vector<16xi32> to vector<16xi32>
    %add3A_1004 = arith.addi %get3A_1003, %get3A_1003 : vector<16xi32>
    %ge3A_1005 = arith.constant 75000 : i32
    %ge3A_1006 = vector.broadcast %ge3A_1005 : i32 to vector<16xi32>
    %ge3A_1007 = arith.cmpi sge, %get3A_1003, %ge3A_1006 : vector<16xi32>
    %jit3A_1008 = arith.constant 149999 : i32
    %jit3A_1009 = arith.constant 0 : i32
    %broadcast_in_dim3A_1010 = vector.broadcast %jit3A_1008 : i32 to vector<16xi32>
    %broadcast_in_dim3A_1011 = vector.broadcast %jit3A_1009 : i32 to vector<16xi32>
    %select_n3A_1012 = arith.select %ge3A_1007, %broadcast_in_dim3A_1010, %broadcast_in_dim3A_1011 : vector<16xi1>, vector<16xi32>
    %sub3A_1013 = arith.subi %add3A_1004, %select_n3A_1012 : vector<16xi32>
    %swap3A_1014 = arith.constant 288 : index
    %swap3A_1015 = tpu.vector_load %arg7[%swap3A_1014] {strides = array<i32>} : memref<320xi32, #tpu.memory_space<vmem>>, vector<16xi32>,
    %swap3A_1016 = vector.shape_cast %swap3A_1015 : vector<16xi32> to vector<16xi32>
    %swap3A_1017 = vector.shape_cast %sub3A_1013 : vector<16xi32> to vector<16xi32>
    tpu.vector_store %arg7[%swap3A_1014], %swap3A_1017 {strides = array<i32>} : memref<320xi32, #tpu.memory_space<vmem>>, vector<16xi32>,
    %get3A_1018 = arith.constant 304 : index
    %get3A_1019 = tpu.vector_load %arg7[%get3A_1018] {strides = array<i32>} : memref<320xi32, #tpu.memory_space<vmem>>, vector<16xi32>,
    %get3A_1020 = vector.shape_cast %get3A_1019 : vector<16xi32> to vector<16xi32>
    %add3A_1021 = arith.addi %get3A_1020, %get3A_1020 : vector<16xi32>
    %ge3A_1022 = arith.constant 75000 : i32
    %ge3A_1023 = vector.broadcast %ge3A_1022 : i32 to vector<16xi32>
    %ge3A_1024 = arith.cmpi sge, %get3A_1020, %ge3A_1023 : vector<16xi32>
    %jit3A_1025 = arith.constant 149999 : i32
    %jit3A_1026 = arith.constant 0 : i32
    %broadcast_in_dim3A_1027 = vector.broadcast %jit3A_1025 : i32 to vector<16xi32>
    %broadcast_in_dim3A_1028 = vector.broadcast %jit3A_1026 : i32 to vector<16xi32>
    %select_n3A_1029 = arith.select %ge3A_1024, %broadcast_in_dim3A_1027, %broadcast_in_dim3A_1028 : vector<16xi1>, vector<16xi32>
    %sub3A_1030 = arith.subi %add3A_1021, %select_n3A_1029 : vector<16xi32>
    %swap3A_1031 = arith.constant 304 : index
    %swap3A_1032 = tpu.vector_load %arg7[%swap3A_1031] {strides = array<i32>} : memref<320xi32, #tpu.memory_space<vmem>>, vector<16xi32>,
    %swap3A_1033 = vector.shape_cast %swap3A_1032 : vector<16xi32> to vector<16xi32>
    %swap3A_1034 = vector.shape_cast %sub3A_1030 : vector<16xi32> to vector<16xi32>
    tpu.vector_store %arg7[%swap3A_1031], %swap3A_1034 {strides = array<i32>} : memref<320xi32, #tpu.memory_space<vmem>>, vector<16xi32>,
    %dma_start3A_1035 = arith.constant 0 : i32
    %dma_start3A_1036 = arith.constant 0 : i32
    %dma_start3A_1037 = tpu.memref_slice %arg2[%dma_start3A_1035, %dma_start3A_1036] : memref<150000x64xf32, #tpu.memory_space<hbm>> -> memref<150000x64xf32, #tpu.memory_space<hbm>>
    tpu.enqueue_indirect_dma source(%dma_start3A_1037 : memref<150000x64xf32, #tpu.memory_space<hbm>>) target(%arg10 : memref<320x64xf32, #tpu.memory_space<vmem>>) offsets(%arg7 : memref<320xi32, #tpu.memory_space<vmem>>) semaphore(%arg13 : memref<!tpu.dma_semaphore, #tpu.memory_space<semaphore_mem>>)
    %dma_wait3A = arith.constant 0 : i32
    %dma_wait3A_1038 = arith.constant 0 : i32
    %dma_wait3A_1039 = tpu.memref_slice %arg2[%dma_wait3A, %dma_wait3A_1038] : memref<150000x64xf32, #tpu.memory_space<hbm>> -> memref<150000x64xf32, #tpu.memory_space<hbm>>
    tpu.wait_indirect_dma semaphore(%arg11 : memref<!tpu.dma_semaphore, #tpu.memory_space<semaphore_mem>>) src(%dma_wait3A_1039 : memref<150000x64xf32, #tpu.memory_space<hbm>>) dst(%arg8 : memref<320x64xf32, #tpu.memory_space<vmem>>)
    %min3A_1040 = arith.constant 0 : i32
    %min3A_1041 = arith.minsi %min3A_1040, %sub3A_5 : i32
    %add3A_1042 = arith.addi %mul3A_2, %min3A_1041 : i32
    "tpu.region"() ({
      %run_scoped3A = tpu.sem_alloc : memref<!tpu.dma_semaphore, #tpu.memory_space<semaphore_mem>>
      %dma_start3A_3519 = arith.constant 0 : i32
      %dma_start3A_3520 = tpu.memref_slice %arg4[%add3A_1042, %dma_start3A_3519] : memref<100000x128xf32, #tpu.memory_space<hbm>> -> memref<320x64xf32, #tpu.memory_space<hbm>>
      %dma_start3A_3521 = arith.constant 0 : i32
      %dma_start3A_3522 = tpu.memref_slice %arg4[%add3A_1042, %dma_start3A_3521] : memref<100000x128xf32, #tpu.memory_space<hbm>> -> memref<320x64xf32, #tpu.memory_space<hbm>>
      tpu.enqueue_dma source(%arg8 : memref<320x64xf32, #tpu.memory_space<vmem>>) target(%dma_start3A_3522 : memref<320x64xf32, #tpu.memory_space<hbm>>) target_semaphore(%run_scoped3A : memref<!tpu.dma_semaphore, #tpu.memory_space<semaphore_mem>>)
      %dma_wait3A_3523 = arith.constant 0 : i32
      %dma_wait3A_3524 = tpu.memref_slice %arg4[%add3A_1042, %dma_wait3A_3523] : memref<100000x128xf32, #tpu.memory_space<hbm>> -> memref<320x64xf32, #tpu.memory_space<hbm>>
      %dma_wait3A_3525 = arith.constant 0 : i32
      %dma_wait3A_3526 = tpu.memref_slice %arg4[%add3A_1042, %dma_wait3A_3525] : memref<100000x128xf32, #tpu.memory_space<hbm>> -> memref<320x64xf32, #tpu.memory_space<hbm>>
      tpu.wait_dma2 semaphore(%run_scoped3A : memref<!tpu.dma_semaphore, #tpu.memory_space<semaphore_mem>>) src(%arg8 : memref<320x64xf32, #tpu.memory_space<vmem>>) dst(%dma_wait3A_3526 : memref<320x64xf32, #tpu.memory_space<hbm>>)
      tpu.yield
    }) : () -> ()
    %min3A_1043 = arith.constant 960 : i32
    %min3A_1044 = arith.minsi %min3A_1043, %sub3A_5 : i32
    %add3A_1045 = arith.addi %mul3A_2, %min3A_1044 : i32
    "tpu.region"() ({
      %run_scoped3A = tpu.sem_alloc : memref<!tpu.dma_semaphore, #tpu.memory_space<semaphore_mem>>
      %dma_start3A_3519 = tpu.memref_slice %arg3[%add3A_1045] : memref<100000xi32, #tpu.memory_space<hbm>> -> memref<320xi32, #tpu.memory_space<hbm>>
      %dma_start3A_3520 = tpu.memref_slice %arg3[%add3A_1045] : memref<100000xi32, #tpu.memory_space<hbm>> -> memref<320xi32, #tpu.memory_space<hbm>>
      tpu.enqueue_dma source(%dma_start3A_3520 : memref<320xi32, #tpu.memory_space<hbm>>) target(%arg5 : memref<320xi32, #tpu.memory_space<vmem>>) target_semaphore(%run_scoped3A : memref<!tpu.dma_semaphore, #tpu.memory_space<semaphore_mem>>)
      %dma_wait3A_3521 = tpu.memref_slice %arg3[%add3A_1045] : memref<100000xi32, #tpu.memory_space<hbm>> -> memref<320xi32, #tpu.memory_space<hbm>>
      %dma_wait3A_3522 = tpu.memref_slice %arg3[%add3A_1045] : memref<100000xi32, #tpu.memory_space<hbm>> -> memref<320xi32, #tpu.memory_space<hbm>>
      tpu.wait_dma2 semaphore(%run_scoped3A : memref<!tpu.dma_semaphore, #tpu.memory_space<semaphore_mem>>) src(%dma_wait3A_3522 : memref<320xi32, #tpu.memory_space<hbm>>) dst(%arg5 : memref<320xi32, #tpu.memory_space<vmem>>)
      tpu.yield
    }) : () -> ()
    %get3A_1046 = arith.constant 0 : index
    %get3A_1047 = tpu.vector_load %arg5[%get3A_1046] {strides = array<i32>} : memref<320xi32, #tpu.memory_space<vmem>>, vector<16xi32>,
    %get3A_1048 = vector.shape_cast %get3A_1047 : vector<16xi32> to vector<16xi32>
    %add3A_1049 = arith.addi %get3A_1048, %get3A_1048 : vector<16xi32>
    %ge3A_1050 = arith.constant 75000 : i32
    %ge3A_1051 = vector.broadcast %ge3A_1050 : i32 to vector<16xi32>
    %ge3A_1052 = arith.cmpi sge, %get3A_1048, %ge3A_1051 : vector<16xi32>
    %jit3A_1053 = arith.constant 149999 : i32
    %jit3A_1054 = arith.constant 0 : i32
    %broadcast_in_dim3A_1055 = vector.broadcast %jit3A_1053 : i32 to vector<16xi32>
    %broadcast_in_dim3A_1056 = vector.broadcast %jit3A_1054 : i32 to vector<16xi32>
    %select_n3A_1057 = arith.select %ge3A_1052, %broadcast_in_dim3A_1055, %broadcast_in_dim3A_1056 : vector<16xi1>, vector<16xi32>
    %sub3A_1058 = arith.subi %add3A_1049, %select_n3A_1057 : vector<16xi32>
    %swap3A_1059 = arith.constant 0 : index
    %swap3A_1060 = tpu.vector_load %arg5[%swap3A_1059] {strides = array<i32>} : memref<320xi32, #tpu.memory_space<vmem>>, vector<16xi32>,
    %swap3A_1061 = vector.shape_cast %swap3A_1060 : vector<16xi32> to vector<16xi32>
    %swap3A_1062 = vector.shape_cast %sub3A_1058 : vector<16xi32> to vector<16xi32>
    tpu.vector_store %arg5[%swap3A_1059], %swap3A_1062 {strides = array<i32>} : memref<320xi32, #tpu.memory_space<vmem>>, vector<16xi32>,
    %get3A_1063 = arith.constant 16 : index
    %get3A_1064 = tpu.vector_load %arg5[%get3A_1063] {strides = array<i32>} : memref<320xi32, #tpu.memory_space<vmem>>, vector<16xi32>,
    %get3A_1065 = vector.shape_cast %get3A_1064 : vector<16xi32> to vector<16xi32>
    %add3A_1066 = arith.addi %get3A_1065, %get3A_1065 : vector<16xi32>
    %ge3A_1067 = arith.constant 75000 : i32
    %ge3A_1068 = vector.broadcast %ge3A_1067 : i32 to vector<16xi32>
    %ge3A_1069 = arith.cmpi sge, %get3A_1065, %ge3A_1068 : vector<16xi32>
    %jit3A_1070 = arith.constant 149999 : i32
    %jit3A_1071 = arith.constant 0 : i32
    %broadcast_in_dim3A_1072 = vector.broadcast %jit3A_1070 : i32 to vector<16xi32>
    %broadcast_in_dim3A_1073 = vector.broadcast %jit3A_1071 : i32 to vector<16xi32>
    %select_n3A_1074 = arith.select %ge3A_1069, %broadcast_in_dim3A_1072, %broadcast_in_dim3A_1073 : vector<16xi1>, vector<16xi32>
    %sub3A_1075 = arith.subi %add3A_1066, %select_n3A_1074 : vector<16xi32>
    %swap3A_1076 = arith.constant 16 : index
    %swap3A_1077 = tpu.vector_load %arg5[%swap3A_1076] {strides = array<i32>} : memref<320xi32, #tpu.memory_space<vmem>>, vector<16xi32>,
    %swap3A_1078 = vector.shape_cast %swap3A_1077 : vector<16xi32> to vector<16xi32>
    %swap3A_1079 = vector.shape_cast %sub3A_1075 : vector<16xi32> to vector<16xi32>
    tpu.vector_store %arg5[%swap3A_1076], %swap3A_1079 {strides = array<i32>} : memref<320xi32, #tpu.memory_space<vmem>>, vector<16xi32>,
    %get3A_1080 = arith.constant 32 : index
    %get3A_1081 = tpu.vector_load %arg5[%get3A_1080] {strides = array<i32>} : memref<320xi32, #tpu.memory_space<vmem>>, vector<16xi32>,
    %get3A_1082 = vector.shape_cast %get3A_1081 : vector<16xi32> to vector<16xi32>
    %add3A_1083 = arith.addi %get3A_1082, %get3A_1082 : vector<16xi32>
    %ge3A_1084 = arith.constant 75000 : i32
    %ge3A_1085 = vector.broadcast %ge3A_1084 : i32 to vector<16xi32>
    %ge3A_1086 = arith.cmpi sge, %get3A_1082, %ge3A_1085 : vector<16xi32>
    %jit3A_1087 = arith.constant 149999 : i32
    %jit3A_1088 = arith.constant 0 : i32
    %broadcast_in_dim3A_1089 = vector.broadcast %jit3A_1087 : i32 to vector<16xi32>
    %broadcast_in_dim3A_1090 = vector.broadcast %jit3A_1088 : i32 to vector<16xi32>
    %select_n3A_1091 = arith.select %ge3A_1086, %broadcast_in_dim3A_1089, %broadcast_in_dim3A_1090 : vector<16xi1>, vector<16xi32>
    %sub3A_1092 = arith.subi %add3A_1083, %select_n3A_1091 : vector<16xi32>
    %swap3A_1093 = arith.constant 32 : index
    %swap3A_1094 = tpu.vector_load %arg5[%swap3A_1093] {strides = array<i32>} : memref<320xi32, #tpu.memory_space<vmem>>, vector<16xi32>,
    %swap3A_1095 = vector.shape_cast %swap3A_1094 : vector<16xi32> to vector<16xi32>
    %swap3A_1096 = vector.shape_cast %sub3A_1092 : vector<16xi32> to vector<16xi32>
    tpu.vector_store %arg5[%swap3A_1093], %swap3A_1096 {strides = array<i32>} : memref<320xi32, #tpu.memory_space<vmem>>, vector<16xi32>,
    %get3A_1097 = arith.constant 48 : index
    %get3A_1098 = tpu.vector_load %arg5[%get3A_1097] {strides = array<i32>} : memref<320xi32, #tpu.memory_space<vmem>>, vector<16xi32>,
    %get3A_1099 = vector.shape_cast %get3A_1098 : vector<16xi32> to vector<16xi32>
    %add3A_1100 = arith.addi %get3A_1099, %get3A_1099 : vector<16xi32>
    %ge3A_1101 = arith.constant 75000 : i32
    %ge3A_1102 = vector.broadcast %ge3A_1101 : i32 to vector<16xi32>
    %ge3A_1103 = arith.cmpi sge, %get3A_1099, %ge3A_1102 : vector<16xi32>
    %jit3A_1104 = arith.constant 149999 : i32
    %jit3A_1105 = arith.constant 0 : i32
    %broadcast_in_dim3A_1106 = vector.broadcast %jit3A_1104 : i32 to vector<16xi32>
    %broadcast_in_dim3A_1107 = vector.broadcast %jit3A_1105 : i32 to vector<16xi32>
    %select_n3A_1108 = arith.select %ge3A_1103, %broadcast_in_dim3A_1106, %broadcast_in_dim3A_1107 : vector<16xi1>, vector<16xi32>
    %sub3A_1109 = arith.subi %add3A_1100, %select_n3A_1108 : vector<16xi32>
    %swap3A_1110 = arith.constant 48 : index
    %swap3A_1111 = tpu.vector_load %arg5[%swap3A_1110] {strides = array<i32>} : memref<320xi32, #tpu.memory_space<vmem>>, vector<16xi32>,
    %swap3A_1112 = vector.shape_cast %swap3A_1111 : vector<16xi32> to vector<16xi32>
    %swap3A_1113 = vector.shape_cast %sub3A_1109 : vector<16xi32> to vector<16xi32>
    tpu.vector_store %arg5[%swap3A_1110], %swap3A_1113 {strides = array<i32>} : memref<320xi32, #tpu.memory_space<vmem>>, vector<16xi32>,
    %get3A_1114 = arith.constant 64 : index
    %get3A_1115 = tpu.vector_load %arg5[%get3A_1114] {strides = array<i32>} : memref<320xi32, #tpu.memory_space<vmem>>, vector<16xi32>,
    %get3A_1116 = vector.shape_cast %get3A_1115 : vector<16xi32> to vector<16xi32>
    %add3A_1117 = arith.addi %get3A_1116, %get3A_1116 : vector<16xi32>
    %ge3A_1118 = arith.constant 75000 : i32
    %ge3A_1119 = vector.broadcast %ge3A_1118 : i32 to vector<16xi32>
    %ge3A_1120 = arith.cmpi sge, %get3A_1116, %ge3A_1119 : vector<16xi32>
    %jit3A_1121 = arith.constant 149999 : i32
    %jit3A_1122 = arith.constant 0 : i32
    %broadcast_in_dim3A_1123 = vector.broadcast %jit3A_1121 : i32 to vector<16xi32>
    %broadcast_in_dim3A_1124 = vector.broadcast %jit3A_1122 : i32 to vector<16xi32>
    %select_n3A_1125 = arith.select %ge3A_1120, %broadcast_in_dim3A_1123, %broadcast_in_dim3A_1124 : vector<16xi1>, vector<16xi32>
    %sub3A_1126 = arith.subi %add3A_1117, %select_n3A_1125 : vector<16xi32>
    %swap3A_1127 = arith.constant 64 : index
    %swap3A_1128 = tpu.vector_load %arg5[%swap3A_1127] {strides = array<i32>} : memref<320xi32, #tpu.memory_space<vmem>>, vector<16xi32>,
    %swap3A_1129 = vector.shape_cast %swap3A_1128 : vector<16xi32> to vector<16xi32>
    %swap3A_1130 = vector.shape_cast %sub3A_1126 : vector<16xi32> to vector<16xi32>
    tpu.vector_store %arg5[%swap3A_1127], %swap3A_1130 {strides = array<i32>} : memref<320xi32, #tpu.memory_space<vmem>>, vector<16xi32>,
    %get3A_1131 = arith.constant 80 : index
    %get3A_1132 = tpu.vector_load %arg5[%get3A_1131] {strides = array<i32>} : memref<320xi32, #tpu.memory_space<vmem>>, vector<16xi32>,
    %get3A_1133 = vector.shape_cast %get3A_1132 : vector<16xi32> to vector<16xi32>
    %add3A_1134 = arith.addi %get3A_1133, %get3A_1133 : vector<16xi32>
    %ge3A_1135 = arith.constant 75000 : i32
    %ge3A_1136 = vector.broadcast %ge3A_1135 : i32 to vector<16xi32>
    %ge3A_1137 = arith.cmpi sge, %get3A_1133, %ge3A_1136 : vector<16xi32>
    %jit3A_1138 = arith.constant 149999 : i32
    %jit3A_1139 = arith.constant 0 : i32
    %broadcast_in_dim3A_1140 = vector.broadcast %jit3A_1138 : i32 to vector<16xi32>
    %broadcast_in_dim3A_1141 = vector.broadcast %jit3A_1139 : i32 to vector<16xi32>
    %select_n3A_1142 = arith.select %ge3A_1137, %broadcast_in_dim3A_1140, %broadcast_in_dim3A_1141 : vector<16xi1>, vector<16xi32>
    %sub3A_1143 = arith.subi %add3A_1134, %select_n3A_1142 : vector<16xi32>
    %swap3A_1144 = arith.constant 80 : index
    %swap3A_1145 = tpu.vector_load %arg5[%swap3A_1144] {strides = array<i32>} : memref<320xi32, #tpu.memory_space<vmem>>, vector<16xi32>,
    %swap3A_1146 = vector.shape_cast %swap3A_1145 : vector<16xi32> to vector<16xi32>
    %swap3A_1147 = vector.shape_cast %sub3A_1143 : vector<16xi32> to vector<16xi32>
    tpu.vector_store %arg5[%swap3A_1144], %swap3A_1147 {strides = array<i32>} : memref<320xi32, #tpu.memory_space<vmem>>, vector<16xi32>,
    %get3A_1148 = arith.constant 96 : index
    %get3A_1149 = tpu.vector_load %arg5[%get3A_1148] {strides = array<i32>} : memref<320xi32, #tpu.memory_space<vmem>>, vector<16xi32>,
    %get3A_1150 = vector.shape_cast %get3A_1149 : vector<16xi32> to vector<16xi32>
    %add3A_1151 = arith.addi %get3A_1150, %get3A_1150 : vector<16xi32>
    %ge3A_1152 = arith.constant 75000 : i32
    %ge3A_1153 = vector.broadcast %ge3A_1152 : i32 to vector<16xi32>
    %ge3A_1154 = arith.cmpi sge, %get3A_1150, %ge3A_1153 : vector<16xi32>
    %jit3A_1155 = arith.constant 149999 : i32
    %jit3A_1156 = arith.constant 0 : i32
    %broadcast_in_dim3A_1157 = vector.broadcast %jit3A_1155 : i32 to vector<16xi32>
    %broadcast_in_dim3A_1158 = vector.broadcast %jit3A_1156 : i32 to vector<16xi32>
    %select_n3A_1159 = arith.select %ge3A_1154, %broadcast_in_dim3A_1157, %broadcast_in_dim3A_1158 : vector<16xi1>, vector<16xi32>
    %sub3A_1160 = arith.subi %add3A_1151, %select_n3A_1159 : vector<16xi32>
    %swap3A_1161 = arith.constant 96 : index
    %swap3A_1162 = tpu.vector_load %arg5[%swap3A_1161] {strides = array<i32>} : memref<320xi32, #tpu.memory_space<vmem>>, vector<16xi32>,
    %swap3A_1163 = vector.shape_cast %swap3A_1162 : vector<16xi32> to vector<16xi32>
    %swap3A_1164 = vector.shape_cast %sub3A_1160 : vector<16xi32> to vector<16xi32>
    tpu.vector_store %arg5[%swap3A_1161], %swap3A_1164 {strides = array<i32>} : memref<320xi32, #tpu.memory_space<vmem>>, vector<16xi32>,
    %get3A_1165 = arith.constant 112 : index
    %get3A_1166 = tpu.vector_load %arg5[%get3A_1165] {strides = array<i32>} : memref<320xi32, #tpu.memory_space<vmem>>, vector<16xi32>,
    %get3A_1167 = vector.shape_cast %get3A_1166 : vector<16xi32> to vector<16xi32>
    %add3A_1168 = arith.addi %get3A_1167, %get3A_1167 : vector<16xi32>
    %ge3A_1169 = arith.constant 75000 : i32
    %ge3A_1170 = vector.broadcast %ge3A_1169 : i32 to vector<16xi32>
    %ge3A_1171 = arith.cmpi sge, %get3A_1167, %ge3A_1170 : vector<16xi32>
    %jit3A_1172 = arith.constant 149999 : i32
    %jit3A_1173 = arith.constant 0 : i32
    %broadcast_in_dim3A_1174 = vector.broadcast %jit3A_1172 : i32 to vector<16xi32>
    %broadcast_in_dim3A_1175 = vector.broadcast %jit3A_1173 : i32 to vector<16xi32>
    %select_n3A_1176 = arith.select %ge3A_1171, %broadcast_in_dim3A_1174, %broadcast_in_dim3A_1175 : vector<16xi1>, vector<16xi32>
    %sub3A_1177 = arith.subi %add3A_1168, %select_n3A_1176 : vector<16xi32>
    %swap3A_1178 = arith.constant 112 : index
    %swap3A_1179 = tpu.vector_load %arg5[%swap3A_1178] {strides = array<i32>} : memref<320xi32, #tpu.memory_space<vmem>>, vector<16xi32>,
    %swap3A_1180 = vector.shape_cast %swap3A_1179 : vector<16xi32> to vector<16xi32>
    %swap3A_1181 = vector.shape_cast %sub3A_1177 : vector<16xi32> to vector<16xi32>
    tpu.vector_store %arg5[%swap3A_1178], %swap3A_1181 {strides = array<i32>} : memref<320xi32, #tpu.memory_space<vmem>>, vector<16xi32>,
    %get3A_1182 = arith.constant 128 : index
    %get3A_1183 = tpu.vector_load %arg5[%get3A_1182] {strides = array<i32>} : memref<320xi32, #tpu.memory_space<vmem>>, vector<16xi32>,
    %get3A_1184 = vector.shape_cast %get3A_1183 : vector<16xi32> to vector<16xi32>
    %add3A_1185 = arith.addi %get3A_1184, %get3A_1184 : vector<16xi32>
    %ge3A_1186 = arith.constant 75000 : i32
    %ge3A_1187 = vector.broadcast %ge3A_1186 : i32 to vector<16xi32>
    %ge3A_1188 = arith.cmpi sge, %get3A_1184, %ge3A_1187 : vector<16xi32>
    %jit3A_1189 = arith.constant 149999 : i32
    %jit3A_1190 = arith.constant 0 : i32
    %broadcast_in_dim3A_1191 = vector.broadcast %jit3A_1189 : i32 to vector<16xi32>
    %broadcast_in_dim3A_1192 = vector.broadcast %jit3A_1190 : i32 to vector<16xi32>
    %select_n3A_1193 = arith.select %ge3A_1188, %broadcast_in_dim3A_1191, %broadcast_in_dim3A_1192 : vector<16xi1>, vector<16xi32>
    %sub3A_1194 = arith.subi %add3A_1185, %select_n3A_1193 : vector<16xi32>
    %swap3A_1195 = arith.constant 128 : index
    %swap3A_1196 = tpu.vector_load %arg5[%swap3A_1195] {strides = array<i32>} : memref<320xi32, #tpu.memory_space<vmem>>, vector<16xi32>,
    %swap3A_1197 = vector.shape_cast %swap3A_1196 : vector<16xi32> to vector<16xi32>
    %swap3A_1198 = vector.shape_cast %sub3A_1194 : vector<16xi32> to vector<16xi32>
    tpu.vector_store %arg5[%swap3A_1195], %swap3A_1198 {strides = array<i32>} : memref<320xi32, #tpu.memory_space<vmem>>, vector<16xi32>,
    %get3A_1199 = arith.constant 144 : index
    %get3A_1200 = tpu.vector_load %arg5[%get3A_1199] {strides = array<i32>} : memref<320xi32, #tpu.memory_space<vmem>>, vector<16xi32>,
    %get3A_1201 = vector.shape_cast %get3A_1200 : vector<16xi32> to vector<16xi32>
    %add3A_1202 = arith.addi %get3A_1201, %get3A_1201 : vector<16xi32>
    %ge3A_1203 = arith.constant 75000 : i32
    %ge3A_1204 = vector.broadcast %ge3A_1203 : i32 to vector<16xi32>
    %ge3A_1205 = arith.cmpi sge, %get3A_1201, %ge3A_1204 : vector<16xi32>
    %jit3A_1206 = arith.constant 149999 : i32
    %jit3A_1207 = arith.constant 0 : i32
    %broadcast_in_dim3A_1208 = vector.broadcast %jit3A_1206 : i32 to vector<16xi32>
    %broadcast_in_dim3A_1209 = vector.broadcast %jit3A_1207 : i32 to vector<16xi32>
    %select_n3A_1210 = arith.select %ge3A_1205, %broadcast_in_dim3A_1208, %broadcast_in_dim3A_1209 : vector<16xi1>, vector<16xi32>
    %sub3A_1211 = arith.subi %add3A_1202, %select_n3A_1210 : vector<16xi32>
    %swap3A_1212 = arith.constant 144 : index
    %swap3A_1213 = tpu.vector_load %arg5[%swap3A_1212] {strides = array<i32>} : memref<320xi32, #tpu.memory_space<vmem>>, vector<16xi32>,
    %swap3A_1214 = vector.shape_cast %swap3A_1213 : vector<16xi32> to vector<16xi32>
    %swap3A_1215 = vector.shape_cast %sub3A_1211 : vector<16xi32> to vector<16xi32>
    tpu.vector_store %arg5[%swap3A_1212], %swap3A_1215 {strides = array<i32>} : memref<320xi32, #tpu.memory_space<vmem>>, vector<16xi32>,
    %get3A_1216 = arith.constant 160 : index
    %get3A_1217 = tpu.vector_load %arg5[%get3A_1216] {strides = array<i32>} : memref<320xi32, #tpu.memory_space<vmem>>, vector<16xi32>,
    %get3A_1218 = vector.shape_cast %get3A_1217 : vector<16xi32> to vector<16xi32>
    %add3A_1219 = arith.addi %get3A_1218, %get3A_1218 : vector<16xi32>
    %ge3A_1220 = arith.constant 75000 : i32
    %ge3A_1221 = vector.broadcast %ge3A_1220 : i32 to vector<16xi32>
    %ge3A_1222 = arith.cmpi sge, %get3A_1218, %ge3A_1221 : vector<16xi32>
    %jit3A_1223 = arith.constant 149999 : i32
    %jit3A_1224 = arith.constant 0 : i32
    %broadcast_in_dim3A_1225 = vector.broadcast %jit3A_1223 : i32 to vector<16xi32>
    %broadcast_in_dim3A_1226 = vector.broadcast %jit3A_1224 : i32 to vector<16xi32>
    %select_n3A_1227 = arith.select %ge3A_1222, %broadcast_in_dim3A_1225, %broadcast_in_dim3A_1226 : vector<16xi1>, vector<16xi32>
    %sub3A_1228 = arith.subi %add3A_1219, %select_n3A_1227 : vector<16xi32>
    %swap3A_1229 = arith.constant 160 : index
    %swap3A_1230 = tpu.vector_load %arg5[%swap3A_1229] {strides = array<i32>} : memref<320xi32, #tpu.memory_space<vmem>>, vector<16xi32>,
    %swap3A_1231 = vector.shape_cast %swap3A_1230 : vector<16xi32> to vector<16xi32>
    %swap3A_1232 = vector.shape_cast %sub3A_1228 : vector<16xi32> to vector<16xi32>
    tpu.vector_store %arg5[%swap3A_1229], %swap3A_1232 {strides = array<i32>} : memref<320xi32, #tpu.memory_space<vmem>>, vector<16xi32>,
    %get3A_1233 = arith.constant 176 : index
    %get3A_1234 = tpu.vector_load %arg5[%get3A_1233] {strides = array<i32>} : memref<320xi32, #tpu.memory_space<vmem>>, vector<16xi32>,
    %get3A_1235 = vector.shape_cast %get3A_1234 : vector<16xi32> to vector<16xi32>
    %add3A_1236 = arith.addi %get3A_1235, %get3A_1235 : vector<16xi32>
    %ge3A_1237 = arith.constant 75000 : i32
    %ge3A_1238 = vector.broadcast %ge3A_1237 : i32 to vector<16xi32>
    %ge3A_1239 = arith.cmpi sge, %get3A_1235, %ge3A_1238 : vector<16xi32>
    %jit3A_1240 = arith.constant 149999 : i32
    %jit3A_1241 = arith.constant 0 : i32
    %broadcast_in_dim3A_1242 = vector.broadcast %jit3A_1240 : i32 to vector<16xi32>
    %broadcast_in_dim3A_1243 = vector.broadcast %jit3A_1241 : i32 to vector<16xi32>
    %select_n3A_1244 = arith.select %ge3A_1239, %broadcast_in_dim3A_1242, %broadcast_in_dim3A_1243 : vector<16xi1>, vector<16xi32>
    %sub3A_1245 = arith.subi %add3A_1236, %select_n3A_1244 : vector<16xi32>
    %swap3A_1246 = arith.constant 176 : index
    %swap3A_1247 = tpu.vector_load %arg5[%swap3A_1246] {strides = array<i32>} : memref<320xi32, #tpu.memory_space<vmem>>, vector<16xi32>,
    %swap3A_1248 = vector.shape_cast %swap3A_1247 : vector<16xi32> to vector<16xi32>
    %swap3A_1249 = vector.shape_cast %sub3A_1245 : vector<16xi32> to vector<16xi32>
    tpu.vector_store %arg5[%swap3A_1246], %swap3A_1249 {strides = array<i32>} : memref<320xi32, #tpu.memory_space<vmem>>, vector<16xi32>,
    %get3A_1250 = arith.constant 192 : index
    %get3A_1251 = tpu.vector_load %arg5[%get3A_1250] {strides = array<i32>} : memref<320xi32, #tpu.memory_space<vmem>>, vector<16xi32>,
    %get3A_1252 = vector.shape_cast %get3A_1251 : vector<16xi32> to vector<16xi32>
    %add3A_1253 = arith.addi %get3A_1252, %get3A_1252 : vector<16xi32>
    %ge3A_1254 = arith.constant 75000 : i32
    %ge3A_1255 = vector.broadcast %ge3A_1254 : i32 to vector<16xi32>
    %ge3A_1256 = arith.cmpi sge, %get3A_1252, %ge3A_1255 : vector<16xi32>
    %jit3A_1257 = arith.constant 149999 : i32
    %jit3A_1258 = arith.constant 0 : i32
    %broadcast_in_dim3A_1259 = vector.broadcast %jit3A_1257 : i32 to vector<16xi32>
    %broadcast_in_dim3A_1260 = vector.broadcast %jit3A_1258 : i32 to vector<16xi32>
    %select_n3A_1261 = arith.select %ge3A_1256, %broadcast_in_dim3A_1259, %broadcast_in_dim3A_1260 : vector<16xi1>, vector<16xi32>
    %sub3A_1262 = arith.subi %add3A_1253, %select_n3A_1261 : vector<16xi32>
    %swap3A_1263 = arith.constant 192 : index
    %swap3A_1264 = tpu.vector_load %arg5[%swap3A_1263] {strides = array<i32>} : memref<320xi32, #tpu.memory_space<vmem>>, vector<16xi32>,
    %swap3A_1265 = vector.shape_cast %swap3A_1264 : vector<16xi32> to vector<16xi32>
    %swap3A_1266 = vector.shape_cast %sub3A_1262 : vector<16xi32> to vector<16xi32>
    tpu.vector_store %arg5[%swap3A_1263], %swap3A_1266 {strides = array<i32>} : memref<320xi32, #tpu.memory_space<vmem>>, vector<16xi32>,
    %get3A_1267 = arith.constant 208 : index
    %get3A_1268 = tpu.vector_load %arg5[%get3A_1267] {strides = array<i32>} : memref<320xi32, #tpu.memory_space<vmem>>, vector<16xi32>,
    %get3A_1269 = vector.shape_cast %get3A_1268 : vector<16xi32> to vector<16xi32>
    %add3A_1270 = arith.addi %get3A_1269, %get3A_1269 : vector<16xi32>
    %ge3A_1271 = arith.constant 75000 : i32
    %ge3A_1272 = vector.broadcast %ge3A_1271 : i32 to vector<16xi32>
    %ge3A_1273 = arith.cmpi sge, %get3A_1269, %ge3A_1272 : vector<16xi32>
    %jit3A_1274 = arith.constant 149999 : i32
    %jit3A_1275 = arith.constant 0 : i32
    %broadcast_in_dim3A_1276 = vector.broadcast %jit3A_1274 : i32 to vector<16xi32>
    %broadcast_in_dim3A_1277 = vector.broadcast %jit3A_1275 : i32 to vector<16xi32>
    %select_n3A_1278 = arith.select %ge3A_1273, %broadcast_in_dim3A_1276, %broadcast_in_dim3A_1277 : vector<16xi1>, vector<16xi32>
    %sub3A_1279 = arith.subi %add3A_1270, %select_n3A_1278 : vector<16xi32>
    %swap3A_1280 = arith.constant 208 : index
    %swap3A_1281 = tpu.vector_load %arg5[%swap3A_1280] {strides = array<i32>} : memref<320xi32, #tpu.memory_space<vmem>>, vector<16xi32>,
    %swap3A_1282 = vector.shape_cast %swap3A_1281 : vector<16xi32> to vector<16xi32>
    %swap3A_1283 = vector.shape_cast %sub3A_1279 : vector<16xi32> to vector<16xi32>
    tpu.vector_store %arg5[%swap3A_1280], %swap3A_1283 {strides = array<i32>} : memref<320xi32, #tpu.memory_space<vmem>>, vector<16xi32>,
    %get3A_1284 = arith.constant 224 : index
    %get3A_1285 = tpu.vector_load %arg5[%get3A_1284] {strides = array<i32>} : memref<320xi32, #tpu.memory_space<vmem>>, vector<16xi32>,
    %get3A_1286 = vector.shape_cast %get3A_1285 : vector<16xi32> to vector<16xi32>
    %add3A_1287 = arith.addi %get3A_1286, %get3A_1286 : vector<16xi32>
    %ge3A_1288 = arith.constant 75000 : i32
    %ge3A_1289 = vector.broadcast %ge3A_1288 : i32 to vector<16xi32>
    %ge3A_1290 = arith.cmpi sge, %get3A_1286, %ge3A_1289 : vector<16xi32>
    %jit3A_1291 = arith.constant 149999 : i32
    %jit3A_1292 = arith.constant 0 : i32
    %broadcast_in_dim3A_1293 = vector.broadcast %jit3A_1291 : i32 to vector<16xi32>
    %broadcast_in_dim3A_1294 = vector.broadcast %jit3A_1292 : i32 to vector<16xi32>
    %select_n3A_1295 = arith.select %ge3A_1290, %broadcast_in_dim3A_1293, %broadcast_in_dim3A_1294 : vector<16xi1>, vector<16xi32>
    %sub3A_1296 = arith.subi %add3A_1287, %select_n3A_1295 : vector<16xi32>
    %swap3A_1297 = arith.constant 224 : index
    %swap3A_1298 = tpu.vector_load %arg5[%swap3A_1297] {strides = array<i32>} : memref<320xi32, #tpu.memory_space<vmem>>, vector<16xi32>,
    %swap3A_1299 = vector.shape_cast %swap3A_1298 : vector<16xi32> to vector<16xi32>
    %swap3A_1300 = vector.shape_cast %sub3A_1296 : vector<16xi32> to vector<16xi32>
    tpu.vector_store %arg5[%swap3A_1297], %swap3A_1300 {strides = array<i32>} : memref<320xi32, #tpu.memory_space<vmem>>, vector<16xi32>,
    %get3A_1301 = arith.constant 240 : index
    %get3A_1302 = tpu.vector_load %arg5[%get3A_1301] {strides = array<i32>} : memref<320xi32, #tpu.memory_space<vmem>>, vector<16xi32>,
    %get3A_1303 = vector.shape_cast %get3A_1302 : vector<16xi32> to vector<16xi32>
    %add3A_1304 = arith.addi %get3A_1303, %get3A_1303 : vector<16xi32>
    %ge3A_1305 = arith.constant 75000 : i32
    %ge3A_1306 = vector.broadcast %ge3A_1305 : i32 to vector<16xi32>
    %ge3A_1307 = arith.cmpi sge, %get3A_1303, %ge3A_1306 : vector<16xi32>
    %jit3A_1308 = arith.constant 149999 : i32
    %jit3A_1309 = arith.constant 0 : i32
    %broadcast_in_dim3A_1310 = vector.broadcast %jit3A_1308 : i32 to vector<16xi32>
    %broadcast_in_dim3A_1311 = vector.broadcast %jit3A_1309 : i32 to vector<16xi32>
    %select_n3A_1312 = arith.select %ge3A_1307, %broadcast_in_dim3A_1310, %broadcast_in_dim3A_1311 : vector<16xi1>, vector<16xi32>
    %sub3A_1313 = arith.subi %add3A_1304, %select_n3A_1312 : vector<16xi32>
    %swap3A_1314 = arith.constant 240 : index
    %swap3A_1315 = tpu.vector_load %arg5[%swap3A_1314] {strides = array<i32>} : memref<320xi32, #tpu.memory_space<vmem>>, vector<16xi32>,
    %swap3A_1316 = vector.shape_cast %swap3A_1315 : vector<16xi32> to vector<16xi32>
    %swap3A_1317 = vector.shape_cast %sub3A_1313 : vector<16xi32> to vector<16xi32>
    tpu.vector_store %arg5[%swap3A_1314], %swap3A_1317 {strides = array<i32>} : memref<320xi32, #tpu.memory_space<vmem>>, vector<16xi32>,
    %get3A_1318 = arith.constant 256 : index
    %get3A_1319 = tpu.vector_load %arg5[%get3A_1318] {strides = array<i32>} : memref<320xi32, #tpu.memory_space<vmem>>, vector<16xi32>,
    %get3A_1320 = vector.shape_cast %get3A_1319 : vector<16xi32> to vector<16xi32>
    %add3A_1321 = arith.addi %get3A_1320, %get3A_1320 : vector<16xi32>
    %ge3A_1322 = arith.constant 75000 : i32
    %ge3A_1323 = vector.broadcast %ge3A_1322 : i32 to vector<16xi32>
    %ge3A_1324 = arith.cmpi sge, %get3A_1320, %ge3A_1323 : vector<16xi32>
    %jit3A_1325 = arith.constant 149999 : i32
    %jit3A_1326 = arith.constant 0 : i32
    %broadcast_in_dim3A_1327 = vector.broadcast %jit3A_1325 : i32 to vector<16xi32>
    %broadcast_in_dim3A_1328 = vector.broadcast %jit3A_1326 : i32 to vector<16xi32>
    %select_n3A_1329 = arith.select %ge3A_1324, %broadcast_in_dim3A_1327, %broadcast_in_dim3A_1328 : vector<16xi1>, vector<16xi32>
    %sub3A_1330 = arith.subi %add3A_1321, %select_n3A_1329 : vector<16xi32>
    %swap3A_1331 = arith.constant 256 : index
    %swap3A_1332 = tpu.vector_load %arg5[%swap3A_1331] {strides = array<i32>} : memref<320xi32, #tpu.memory_space<vmem>>, vector<16xi32>,
    %swap3A_1333 = vector.shape_cast %swap3A_1332 : vector<16xi32> to vector<16xi32>
    %swap3A_1334 = vector.shape_cast %sub3A_1330 : vector<16xi32> to vector<16xi32>
    tpu.vector_store %arg5[%swap3A_1331], %swap3A_1334 {strides = array<i32>} : memref<320xi32, #tpu.memory_space<vmem>>, vector<16xi32>,
    %get3A_1335 = arith.constant 272 : index
    %get3A_1336 = tpu.vector_load %arg5[%get3A_1335] {strides = array<i32>} : memref<320xi32, #tpu.memory_space<vmem>>, vector<16xi32>,
    %get3A_1337 = vector.shape_cast %get3A_1336 : vector<16xi32> to vector<16xi32>
    %add3A_1338 = arith.addi %get3A_1337, %get3A_1337 : vector<16xi32>
    %ge3A_1339 = arith.constant 75000 : i32
    %ge3A_1340 = vector.broadcast %ge3A_1339 : i32 to vector<16xi32>
    %ge3A_1341 = arith.cmpi sge, %get3A_1337, %ge3A_1340 : vector<16xi32>
    %jit3A_1342 = arith.constant 149999 : i32
    %jit3A_1343 = arith.constant 0 : i32
    %broadcast_in_dim3A_1344 = vector.broadcast %jit3A_1342 : i32 to vector<16xi32>
    %broadcast_in_dim3A_1345 = vector.broadcast %jit3A_1343 : i32 to vector<16xi32>
    %select_n3A_1346 = arith.select %ge3A_1341, %broadcast_in_dim3A_1344, %broadcast_in_dim3A_1345 : vector<16xi1>, vector<16xi32>
    %sub3A_1347 = arith.subi %add3A_1338, %select_n3A_1346 : vector<16xi32>
    %swap3A_1348 = arith.constant 272 : index
    %swap3A_1349 = tpu.vector_load %arg5[%swap3A_1348] {strides = array<i32>} : memref<320xi32, #tpu.memory_space<vmem>>, vector<16xi32>,
    %swap3A_1350 = vector.shape_cast %swap3A_1349 : vector<16xi32> to vector<16xi32>
    %swap3A_1351 = vector.shape_cast %sub3A_1347 : vector<16xi32> to vector<16xi32>
    tpu.vector_store %arg5[%swap3A_1348], %swap3A_1351 {strides = array<i32>} : memref<320xi32, #tpu.memory_space<vmem>>, vector<16xi32>,
    %get3A_1352 = arith.constant 288 : index
    %get3A_1353 = tpu.vector_load %arg5[%get3A_1352] {strides = array<i32>} : memref<320xi32, #tpu.memory_space<vmem>>, vector<16xi32>,
    %get3A_1354 = vector.shape_cast %get3A_1353 : vector<16xi32> to vector<16xi32>
    %add3A_1355 = arith.addi %get3A_1354, %get3A_1354 : vector<16xi32>
    %ge3A_1356 = arith.constant 75000 : i32
    %ge3A_1357 = vector.broadcast %ge3A_1356 : i32 to vector<16xi32>
    %ge3A_1358 = arith.cmpi sge, %get3A_1354, %ge3A_1357 : vector<16xi32>
    %jit3A_1359 = arith.constant 149999 : i32
    %jit3A_1360 = arith.constant 0 : i32
    %broadcast_in_dim3A_1361 = vector.broadcast %jit3A_1359 : i32 to vector<16xi32>
    %broadcast_in_dim3A_1362 = vector.broadcast %jit3A_1360 : i32 to vector<16xi32>
    %select_n3A_1363 = arith.select %ge3A_1358, %broadcast_in_dim3A_1361, %broadcast_in_dim3A_1362 : vector<16xi1>, vector<16xi32>
    %sub3A_1364 = arith.subi %add3A_1355, %select_n3A_1363 : vector<16xi32>
    %swap3A_1365 = arith.constant 288 : index
    %swap3A_1366 = tpu.vector_load %arg5[%swap3A_1365] {strides = array<i32>} : memref<320xi32, #tpu.memory_space<vmem>>, vector<16xi32>,
    %swap3A_1367 = vector.shape_cast %swap3A_1366 : vector<16xi32> to vector<16xi32>
    %swap3A_1368 = vector.shape_cast %sub3A_1364 : vector<16xi32> to vector<16xi32>
    tpu.vector_store %arg5[%swap3A_1365], %swap3A_1368 {strides = array<i32>} : memref<320xi32, #tpu.memory_space<vmem>>, vector<16xi32>,
    %get3A_1369 = arith.constant 304 : index
    %get3A_1370 = tpu.vector_load %arg5[%get3A_1369] {strides = array<i32>} : memref<320xi32, #tpu.memory_space<vmem>>, vector<16xi32>,
    %get3A_1371 = vector.shape_cast %get3A_1370 : vector<16xi32> to vector<16xi32>
    %add3A_1372 = arith.addi %get3A_1371, %get3A_1371 : vector<16xi32>
    %ge3A_1373 = arith.constant 75000 : i32
    %ge3A_1374 = vector.broadcast %ge3A_1373 : i32 to vector<16xi32>
    %ge3A_1375 = arith.cmpi sge, %get3A_1371, %ge3A_1374 : vector<16xi32>
    %jit3A_1376 = arith.constant 149999 : i32
    %jit3A_1377 = arith.constant 0 : i32
    %broadcast_in_dim3A_1378 = vector.broadcast %jit3A_1376 : i32 to vector<16xi32>
    %broadcast_in_dim3A_1379 = vector.broadcast %jit3A_1377 : i32 to vector<16xi32>
    %select_n3A_1380 = arith.select %ge3A_1375, %broadcast_in_dim3A_1378, %broadcast_in_dim3A_1379 : vector<16xi1>, vector<16xi32>
    %sub3A_1381 = arith.subi %add3A_1372, %select_n3A_1380 : vector<16xi32>
    %swap3A_1382 = arith.constant 304 : index
    %swap3A_1383 = tpu.vector_load %arg5[%swap3A_1382] {strides = array<i32>} : memref<320xi32, #tpu.memory_space<vmem>>, vector<16xi32>,
    %swap3A_1384 = vector.shape_cast %swap3A_1383 : vector<16xi32> to vector<16xi32>
    %swap3A_1385 = vector.shape_cast %sub3A_1381 : vector<16xi32> to vector<16xi32>
    tpu.vector_store %arg5[%swap3A_1382], %swap3A_1385 {strides = array<i32>} : memref<320xi32, #tpu.memory_space<vmem>>, vector<16xi32>,
    %dma_start3A_1386 = arith.constant 0 : i32
    %dma_start3A_1387 = arith.constant 0 : i32
    %dma_start3A_1388 = tpu.memref_slice %arg2[%dma_start3A_1386, %dma_start3A_1387] : memref<150000x64xf32, #tpu.memory_space<hbm>> -> memref<150000x64xf32, #tpu.memory_space<hbm>>
    tpu.enqueue_indirect_dma source(%dma_start3A_1388 : memref<150000x64xf32, #tpu.memory_space<hbm>>) target(%arg8 : memref<320x64xf32, #tpu.memory_space<vmem>>) offsets(%arg5 : memref<320xi32, #tpu.memory_space<vmem>>) semaphore(%arg11 : memref<!tpu.dma_semaphore, #tpu.memory_space<semaphore_mem>>)
    %dma_wait3A_1389 = arith.constant 0 : i32
    %dma_wait3A_1390 = arith.constant 0 : i32
    %dma_wait3A_1391 = tpu.memref_slice %arg2[%dma_wait3A_1389, %dma_wait3A_1390] : memref<150000x64xf32, #tpu.memory_space<hbm>> -> memref<150000x64xf32, #tpu.memory_space<hbm>>
    tpu.wait_indirect_dma semaphore(%arg12 : memref<!tpu.dma_semaphore, #tpu.memory_space<semaphore_mem>>) src(%dma_wait3A_1391 : memref<150000x64xf32, #tpu.memory_space<hbm>>) dst(%arg9 : memref<320x64xf32, #tpu.memory_space<vmem>>)
    %min3A_1392 = arith.constant 320 : i32
    %min3A_1393 = arith.minsi %min3A_1392, %sub3A_5 : i32
    %add3A_1394 = arith.addi %mul3A_2, %min3A_1393 : i32
    "tpu.region"() ({
      %run_scoped3A = tpu.sem_alloc : memref<!tpu.dma_semaphore, #tpu.memory_space<semaphore_mem>>
      %dma_start3A_3519 = arith.constant 0 : i32
      %dma_start3A_3520 = tpu.memref_slice %arg4[%add3A_1394, %dma_start3A_3519] : memref<100000x128xf32, #tpu.memory_space<hbm>> -> memref<320x64xf32, #tpu.memory_space<hbm>>
      %dma_start3A_3521 = arith.constant 0 : i32
      %dma_start3A_3522 = tpu.memref_slice %arg4[%add3A_1394, %dma_start3A_3521] : memref<100000x128xf32, #tpu.memory_space<hbm>> -> memref<320x64xf32, #tpu.memory_space<hbm>>
      tpu.enqueue_dma source(%arg9 : memref<320x64xf32, #tpu.memory_space<vmem>>) target(%dma_start3A_3522 : memref<320x64xf32, #tpu.memory_space<hbm>>) target_semaphore(%run_scoped3A : memref<!tpu.dma_semaphore, #tpu.memory_space<semaphore_mem>>)
      %dma_wait3A_3523 = arith.constant 0 : i32
      %dma_wait3A_3524 = tpu.memref_slice %arg4[%add3A_1394, %dma_wait3A_3523] : memref<100000x128xf32, #tpu.memory_space<hbm>> -> memref<320x64xf32, #tpu.memory_space<hbm>>
      %dma_wait3A_3525 = arith.constant 0 : i32
      %dma_wait3A_3526 = tpu.memref_slice %arg4[%add3A_1394, %dma_wait3A_3525] : memref<100000x128xf32, #tpu.memory_space<hbm>> -> memref<320x64xf32, #tpu.memory_space<hbm>>
      tpu.wait_dma2 semaphore(%run_scoped3A : memref<!tpu.dma_semaphore, #tpu.memory_space<semaphore_mem>>) src(%arg9 : memref<320x64xf32, #tpu.memory_space<vmem>>) dst(%dma_wait3A_3526 : memref<320x64xf32, #tpu.memory_space<hbm>>)
      tpu.yield
    }) : () -> ()
    %min3A_1395 = arith.constant 1280 : i32
    %min3A_1396 = arith.minsi %min3A_1395, %sub3A_5 : i32
    %add3A_1397 = arith.addi %mul3A_2, %min3A_1396 : i32
    "tpu.region"() ({
      %run_scoped3A = tpu.sem_alloc : memref<!tpu.dma_semaphore, #tpu.memory_space<semaphore_mem>>
      %dma_start3A_3519 = tpu.memref_slice %arg3[%add3A_1397] : memref<100000xi32, #tpu.memory_space<hbm>> -> memref<320xi32, #tpu.memory_space<hbm>>
      %dma_start3A_3520 = tpu.memref_slice %arg3[%add3A_1397] : memref<100000xi32, #tpu.memory_space<hbm>> -> memref<320xi32, #tpu.memory_space<hbm>>
      tpu.enqueue_dma source(%dma_start3A_3520 : memref<320xi32, #tpu.memory_space<hbm>>) target(%arg6 : memref<320xi32, #tpu.memory_space<vmem>>) target_semaphore(%run_scoped3A : memref<!tpu.dma_semaphore, #tpu.memory_space<semaphore_mem>>)
      %dma_wait3A_3521 = tpu.memref_slice %arg3[%add3A_1397] : memref<100000xi32, #tpu.memory_space<hbm>> -> memref<320xi32, #tpu.memory_space<hbm>>
      %dma_wait3A_3522 = tpu.memref_slice %arg3[%add3A_1397] : memref<100000xi32, #tpu.memory_space<hbm>> -> memref<320xi32, #tpu.memory_space<hbm>>
      tpu.wait_dma2 semaphore(%run_scoped3A : memref<!tpu.dma_semaphore, #tpu.memory_space<semaphore_mem>>) src(%dma_wait3A_3522 : memref<320xi32, #tpu.memory_space<hbm>>) dst(%arg6 : memref<320xi32, #tpu.memory_space<vmem>>)
      tpu.yield
    }) : () -> ()
    %get3A_1398 = arith.constant 0 : index
    %get3A_1399 = tpu.vector_load %arg6[%get3A_1398] {strides = array<i32>} : memref<320xi32, #tpu.memory_space<vmem>>, vector<16xi32>,
    %get3A_1400 = vector.shape_cast %get3A_1399 : vector<16xi32> to vector<16xi32>
    %add3A_1401 = arith.addi %get3A_1400, %get3A_1400 : vector<16xi32>
    %ge3A_1402 = arith.constant 75000 : i32
    %ge3A_1403 = vector.broadcast %ge3A_1402 : i32 to vector<16xi32>
    %ge3A_1404 = arith.cmpi sge, %get3A_1400, %ge3A_1403 : vector<16xi32>
    %jit3A_1405 = arith.constant 149999 : i32
    %jit3A_1406 = arith.constant 0 : i32
    %broadcast_in_dim3A_1407 = vector.broadcast %jit3A_1405 : i32 to vector<16xi32>
    %broadcast_in_dim3A_1408 = vector.broadcast %jit3A_1406 : i32 to vector<16xi32>
    %select_n3A_1409 = arith.select %ge3A_1404, %broadcast_in_dim3A_1407, %broadcast_in_dim3A_1408 : vector<16xi1>, vector<16xi32>
    %sub3A_1410 = arith.subi %add3A_1401, %select_n3A_1409 : vector<16xi32>
    %swap3A_1411 = arith.constant 0 : index
    %swap3A_1412 = tpu.vector_load %arg6[%swap3A_1411] {strides = array<i32>} : memref<320xi32, #tpu.memory_space<vmem>>, vector<16xi32>,
    %swap3A_1413 = vector.shape_cast %swap3A_1412 : vector<16xi32> to vector<16xi32>
    %swap3A_1414 = vector.shape_cast %sub3A_1410 : vector<16xi32> to vector<16xi32>
    tpu.vector_store %arg6[%swap3A_1411], %swap3A_1414 {strides = array<i32>} : memref<320xi32, #tpu.memory_space<vmem>>, vector<16xi32>,
    %get3A_1415 = arith.constant 16 : index
    %get3A_1416 = tpu.vector_load %arg6[%get3A_1415] {strides = array<i32>} : memref<320xi32, #tpu.memory_space<vmem>>, vector<16xi32>,
    %get3A_1417 = vector.shape_cast %get3A_1416 : vector<16xi32> to vector<16xi32>
    %add3A_1418 = arith.addi %get3A_1417, %get3A_1417 : vector<16xi32>
    %ge3A_1419 = arith.constant 75000 : i32
    %ge3A_1420 = vector.broadcast %ge3A_1419 : i32 to vector<16xi32>
    %ge3A_1421 = arith.cmpi sge, %get3A_1417, %ge3A_1420 : vector<16xi32>
    %jit3A_1422 = arith.constant 149999 : i32
    %jit3A_1423 = arith.constant 0 : i32
    %broadcast_in_dim3A_1424 = vector.broadcast %jit3A_1422 : i32 to vector<16xi32>
    %broadcast_in_dim3A_1425 = vector.broadcast %jit3A_1423 : i32 to vector<16xi32>
    %select_n3A_1426 = arith.select %ge3A_1421, %broadcast_in_dim3A_1424, %broadcast_in_dim3A_1425 : vector<16xi1>, vector<16xi32>
    %sub3A_1427 = arith.subi %add3A_1418, %select_n3A_1426 : vector<16xi32>
    %swap3A_1428 = arith.constant 16 : index
    %swap3A_1429 = tpu.vector_load %arg6[%swap3A_1428] {strides = array<i32>} : memref<320xi32, #tpu.memory_space<vmem>>, vector<16xi32>,
    %swap3A_1430 = vector.shape_cast %swap3A_1429 : vector<16xi32> to vector<16xi32>
    %swap3A_1431 = vector.shape_cast %sub3A_1427 : vector<16xi32> to vector<16xi32>
    tpu.vector_store %arg6[%swap3A_1428], %swap3A_1431 {strides = array<i32>} : memref<320xi32, #tpu.memory_space<vmem>>, vector<16xi32>,
    %get3A_1432 = arith.constant 32 : index
    %get3A_1433 = tpu.vector_load %arg6[%get3A_1432] {strides = array<i32>} : memref<320xi32, #tpu.memory_space<vmem>>, vector<16xi32>,
    %get3A_1434 = vector.shape_cast %get3A_1433 : vector<16xi32> to vector<16xi32>
    %add3A_1435 = arith.addi %get3A_1434, %get3A_1434 : vector<16xi32>
    %ge3A_1436 = arith.constant 75000 : i32
    %ge3A_1437 = vector.broadcast %ge3A_1436 : i32 to vector<16xi32>
    %ge3A_1438 = arith.cmpi sge, %get3A_1434, %ge3A_1437 : vector<16xi32>
    %jit3A_1439 = arith.constant 149999 : i32
    %jit3A_1440 = arith.constant 0 : i32
    %broadcast_in_dim3A_1441 = vector.broadcast %jit3A_1439 : i32 to vector<16xi32>
    %broadcast_in_dim3A_1442 = vector.broadcast %jit3A_1440 : i32 to vector<16xi32>
    %select_n3A_1443 = arith.select %ge3A_1438, %broadcast_in_dim3A_1441, %broadcast_in_dim3A_1442 : vector<16xi1>, vector<16xi32>
    %sub3A_1444 = arith.subi %add3A_1435, %select_n3A_1443 : vector<16xi32>
    %swap3A_1445 = arith.constant 32 : index
    %swap3A_1446 = tpu.vector_load %arg6[%swap3A_1445] {strides = array<i32>} : memref<320xi32, #tpu.memory_space<vmem>>, vector<16xi32>,
    %swap3A_1447 = vector.shape_cast %swap3A_1446 : vector<16xi32> to vector<16xi32>
    %swap3A_1448 = vector.shape_cast %sub3A_1444 : vector<16xi32> to vector<16xi32>
    tpu.vector_store %arg6[%swap3A_1445], %swap3A_1448 {strides = array<i32>} : memref<320xi32, #tpu.memory_space<vmem>>, vector<16xi32>,
    %get3A_1449 = arith.constant 48 : index
    %get3A_1450 = tpu.vector_load %arg6[%get3A_1449] {strides = array<i32>} : memref<320xi32, #tpu.memory_space<vmem>>, vector<16xi32>,
    %get3A_1451 = vector.shape_cast %get3A_1450 : vector<16xi32> to vector<16xi32>
    %add3A_1452 = arith.addi %get3A_1451, %get3A_1451 : vector<16xi32>
    %ge3A_1453 = arith.constant 75000 : i32
    %ge3A_1454 = vector.broadcast %ge3A_1453 : i32 to vector<16xi32>
    %ge3A_1455 = arith.cmpi sge, %get3A_1451, %ge3A_1454 : vector<16xi32>
    %jit3A_1456 = arith.constant 149999 : i32
    %jit3A_1457 = arith.constant 0 : i32
    %broadcast_in_dim3A_1458 = vector.broadcast %jit3A_1456 : i32 to vector<16xi32>
    %broadcast_in_dim3A_1459 = vector.broadcast %jit3A_1457 : i32 to vector<16xi32>
    %select_n3A_1460 = arith.select %ge3A_1455, %broadcast_in_dim3A_1458, %broadcast_in_dim3A_1459 : vector<16xi1>, vector<16xi32>
    %sub3A_1461 = arith.subi %add3A_1452, %select_n3A_1460 : vector<16xi32>
    %swap3A_1462 = arith.constant 48 : index
    %swap3A_1463 = tpu.vector_load %arg6[%swap3A_1462] {strides = array<i32>} : memref<320xi32, #tpu.memory_space<vmem>>, vector<16xi32>,
    %swap3A_1464 = vector.shape_cast %swap3A_1463 : vector<16xi32> to vector<16xi32>
    %swap3A_1465 = vector.shape_cast %sub3A_1461 : vector<16xi32> to vector<16xi32>
    tpu.vector_store %arg6[%swap3A_1462], %swap3A_1465 {strides = array<i32>} : memref<320xi32, #tpu.memory_space<vmem>>, vector<16xi32>,
    %get3A_1466 = arith.constant 64 : index
    %get3A_1467 = tpu.vector_load %arg6[%get3A_1466] {strides = array<i32>} : memref<320xi32, #tpu.memory_space<vmem>>, vector<16xi32>,
    %get3A_1468 = vector.shape_cast %get3A_1467 : vector<16xi32> to vector<16xi32>
    %add3A_1469 = arith.addi %get3A_1468, %get3A_1468 : vector<16xi32>
    %ge3A_1470 = arith.constant 75000 : i32
    %ge3A_1471 = vector.broadcast %ge3A_1470 : i32 to vector<16xi32>
    %ge3A_1472 = arith.cmpi sge, %get3A_1468, %ge3A_1471 : vector<16xi32>
    %jit3A_1473 = arith.constant 149999 : i32
    %jit3A_1474 = arith.constant 0 : i32
    %broadcast_in_dim3A_1475 = vector.broadcast %jit3A_1473 : i32 to vector<16xi32>
    %broadcast_in_dim3A_1476 = vector.broadcast %jit3A_1474 : i32 to vector<16xi32>
    %select_n3A_1477 = arith.select %ge3A_1472, %broadcast_in_dim3A_1475, %broadcast_in_dim3A_1476 : vector<16xi1>, vector<16xi32>
    %sub3A_1478 = arith.subi %add3A_1469, %select_n3A_1477 : vector<16xi32>
    %swap3A_1479 = arith.constant 64 : index
    %swap3A_1480 = tpu.vector_load %arg6[%swap3A_1479] {strides = array<i32>} : memref<320xi32, #tpu.memory_space<vmem>>, vector<16xi32>,
    %swap3A_1481 = vector.shape_cast %swap3A_1480 : vector<16xi32> to vector<16xi32>
    %swap3A_1482 = vector.shape_cast %sub3A_1478 : vector<16xi32> to vector<16xi32>
    tpu.vector_store %arg6[%swap3A_1479], %swap3A_1482 {strides = array<i32>} : memref<320xi32, #tpu.memory_space<vmem>>, vector<16xi32>,
    %get3A_1483 = arith.constant 80 : index
    %get3A_1484 = tpu.vector_load %arg6[%get3A_1483] {strides = array<i32>} : memref<320xi32, #tpu.memory_space<vmem>>, vector<16xi32>,
    %get3A_1485 = vector.shape_cast %get3A_1484 : vector<16xi32> to vector<16xi32>
    %add3A_1486 = arith.addi %get3A_1485, %get3A_1485 : vector<16xi32>
    %ge3A_1487 = arith.constant 75000 : i32
    %ge3A_1488 = vector.broadcast %ge3A_1487 : i32 to vector<16xi32>
    %ge3A_1489 = arith.cmpi sge, %get3A_1485, %ge3A_1488 : vector<16xi32>
    %jit3A_1490 = arith.constant 149999 : i32
    %jit3A_1491 = arith.constant 0 : i32
    %broadcast_in_dim3A_1492 = vector.broadcast %jit3A_1490 : i32 to vector<16xi32>
    %broadcast_in_dim3A_1493 = vector.broadcast %jit3A_1491 : i32 to vector<16xi32>
    %select_n3A_1494 = arith.select %ge3A_1489, %broadcast_in_dim3A_1492, %broadcast_in_dim3A_1493 : vector<16xi1>, vector<16xi32>
    %sub3A_1495 = arith.subi %add3A_1486, %select_n3A_1494 : vector<16xi32>
    %swap3A_1496 = arith.constant 80 : index
    %swap3A_1497 = tpu.vector_load %arg6[%swap3A_1496] {strides = array<i32>} : memref<320xi32, #tpu.memory_space<vmem>>, vector<16xi32>,
    %swap3A_1498 = vector.shape_cast %swap3A_1497 : vector<16xi32> to vector<16xi32>
    %swap3A_1499 = vector.shape_cast %sub3A_1495 : vector<16xi32> to vector<16xi32>
    tpu.vector_store %arg6[%swap3A_1496], %swap3A_1499 {strides = array<i32>} : memref<320xi32, #tpu.memory_space<vmem>>, vector<16xi32>,
    %get3A_1500 = arith.constant 96 : index
    %get3A_1501 = tpu.vector_load %arg6[%get3A_1500] {strides = array<i32>} : memref<320xi32, #tpu.memory_space<vmem>>, vector<16xi32>,
    %get3A_1502 = vector.shape_cast %get3A_1501 : vector<16xi32> to vector<16xi32>
    %add3A_1503 = arith.addi %get3A_1502, %get3A_1502 : vector<16xi32>
    %ge3A_1504 = arith.constant 75000 : i32
    %ge3A_1505 = vector.broadcast %ge3A_1504 : i32 to vector<16xi32>
    %ge3A_1506 = arith.cmpi sge, %get3A_1502, %ge3A_1505 : vector<16xi32>
    %jit3A_1507 = arith.constant 149999 : i32
    %jit3A_1508 = arith.constant 0 : i32
    %broadcast_in_dim3A_1509 = vector.broadcast %jit3A_1507 : i32 to vector<16xi32>
    %broadcast_in_dim3A_1510 = vector.broadcast %jit3A_1508 : i32 to vector<16xi32>
    %select_n3A_1511 = arith.select %ge3A_1506, %broadcast_in_dim3A_1509, %broadcast_in_dim3A_1510 : vector<16xi1>, vector<16xi32>
    %sub3A_1512 = arith.subi %add3A_1503, %select_n3A_1511 : vector<16xi32>
    %swap3A_1513 = arith.constant 96 : index
    %swap3A_1514 = tpu.vector_load %arg6[%swap3A_1513] {strides = array<i32>} : memref<320xi32, #tpu.memory_space<vmem>>, vector<16xi32>,
    %swap3A_1515 = vector.shape_cast %swap3A_1514 : vector<16xi32> to vector<16xi32>
    %swap3A_1516 = vector.shape_cast %sub3A_1512 : vector<16xi32> to vector<16xi32>
    tpu.vector_store %arg6[%swap3A_1513], %swap3A_1516 {strides = array<i32>} : memref<320xi32, #tpu.memory_space<vmem>>, vector<16xi32>,
    %get3A_1517 = arith.constant 112 : index
    %get3A_1518 = tpu.vector_load %arg6[%get3A_1517] {strides = array<i32>} : memref<320xi32, #tpu.memory_space<vmem>>, vector<16xi32>,
    %get3A_1519 = vector.shape_cast %get3A_1518 : vector<16xi32> to vector<16xi32>
    %add3A_1520 = arith.addi %get3A_1519, %get3A_1519 : vector<16xi32>
    %ge3A_1521 = arith.constant 75000 : i32
    %ge3A_1522 = vector.broadcast %ge3A_1521 : i32 to vector<16xi32>
    %ge3A_1523 = arith.cmpi sge, %get3A_1519, %ge3A_1522 : vector<16xi32>
    %jit3A_1524 = arith.constant 149999 : i32
    %jit3A_1525 = arith.constant 0 : i32
    %broadcast_in_dim3A_1526 = vector.broadcast %jit3A_1524 : i32 to vector<16xi32>
    %broadcast_in_dim3A_1527 = vector.broadcast %jit3A_1525 : i32 to vector<16xi32>
    %select_n3A_1528 = arith.select %ge3A_1523, %broadcast_in_dim3A_1526, %broadcast_in_dim3A_1527 : vector<16xi1>, vector<16xi32>
    %sub3A_1529 = arith.subi %add3A_1520, %select_n3A_1528 : vector<16xi32>
    %swap3A_1530 = arith.constant 112 : index
    %swap3A_1531 = tpu.vector_load %arg6[%swap3A_1530] {strides = array<i32>} : memref<320xi32, #tpu.memory_space<vmem>>, vector<16xi32>,
    %swap3A_1532 = vector.shape_cast %swap3A_1531 : vector<16xi32> to vector<16xi32>
    %swap3A_1533 = vector.shape_cast %sub3A_1529 : vector<16xi32> to vector<16xi32>
    tpu.vector_store %arg6[%swap3A_1530], %swap3A_1533 {strides = array<i32>} : memref<320xi32, #tpu.memory_space<vmem>>, vector<16xi32>,
    %get3A_1534 = arith.constant 128 : index
    %get3A_1535 = tpu.vector_load %arg6[%get3A_1534] {strides = array<i32>} : memref<320xi32, #tpu.memory_space<vmem>>, vector<16xi32>,
    %get3A_1536 = vector.shape_cast %get3A_1535 : vector<16xi32> to vector<16xi32>
    %add3A_1537 = arith.addi %get3A_1536, %get3A_1536 : vector<16xi32>
    %ge3A_1538 = arith.constant 75000 : i32
    %ge3A_1539 = vector.broadcast %ge3A_1538 : i32 to vector<16xi32>
    %ge3A_1540 = arith.cmpi sge, %get3A_1536, %ge3A_1539 : vector<16xi32>
    %jit3A_1541 = arith.constant 149999 : i32
    %jit3A_1542 = arith.constant 0 : i32
    %broadcast_in_dim3A_1543 = vector.broadcast %jit3A_1541 : i32 to vector<16xi32>
    %broadcast_in_dim3A_1544 = vector.broadcast %jit3A_1542 : i32 to vector<16xi32>
    %select_n3A_1545 = arith.select %ge3A_1540, %broadcast_in_dim3A_1543, %broadcast_in_dim3A_1544 : vector<16xi1>, vector<16xi32>
    %sub3A_1546 = arith.subi %add3A_1537, %select_n3A_1545 : vector<16xi32>
    %swap3A_1547 = arith.constant 128 : index
    %swap3A_1548 = tpu.vector_load %arg6[%swap3A_1547] {strides = array<i32>} : memref<320xi32, #tpu.memory_space<vmem>>, vector<16xi32>,
    %swap3A_1549 = vector.shape_cast %swap3A_1548 : vector<16xi32> to vector<16xi32>
    %swap3A_1550 = vector.shape_cast %sub3A_1546 : vector<16xi32> to vector<16xi32>
    tpu.vector_store %arg6[%swap3A_1547], %swap3A_1550 {strides = array<i32>} : memref<320xi32, #tpu.memory_space<vmem>>, vector<16xi32>,
    %get3A_1551 = arith.constant 144 : index
    %get3A_1552 = tpu.vector_load %arg6[%get3A_1551] {strides = array<i32>} : memref<320xi32, #tpu.memory_space<vmem>>, vector<16xi32>,
    %get3A_1553 = vector.shape_cast %get3A_1552 : vector<16xi32> to vector<16xi32>
    %add3A_1554 = arith.addi %get3A_1553, %get3A_1553 : vector<16xi32>
    %ge3A_1555 = arith.constant 75000 : i32
    %ge3A_1556 = vector.broadcast %ge3A_1555 : i32 to vector<16xi32>
    %ge3A_1557 = arith.cmpi sge, %get3A_1553, %ge3A_1556 : vector<16xi32>
    %jit3A_1558 = arith.constant 149999 : i32
    %jit3A_1559 = arith.constant 0 : i32
    %broadcast_in_dim3A_1560 = vector.broadcast %jit3A_1558 : i32 to vector<16xi32>
    %broadcast_in_dim3A_1561 = vector.broadcast %jit3A_1559 : i32 to vector<16xi32>
    %select_n3A_1562 = arith.select %ge3A_1557, %broadcast_in_dim3A_1560, %broadcast_in_dim3A_1561 : vector<16xi1>, vector<16xi32>
    %sub3A_1563 = arith.subi %add3A_1554, %select_n3A_1562 : vector<16xi32>
    %swap3A_1564 = arith.constant 144 : index
    %swap3A_1565 = tpu.vector_load %arg6[%swap3A_1564] {strides = array<i32>} : memref<320xi32, #tpu.memory_space<vmem>>, vector<16xi32>,
    %swap3A_1566 = vector.shape_cast %swap3A_1565 : vector<16xi32> to vector<16xi32>
    %swap3A_1567 = vector.shape_cast %sub3A_1563 : vector<16xi32> to vector<16xi32>
    tpu.vector_store %arg6[%swap3A_1564], %swap3A_1567 {strides = array<i32>} : memref<320xi32, #tpu.memory_space<vmem>>, vector<16xi32>,
    %get3A_1568 = arith.constant 160 : index
    %get3A_1569 = tpu.vector_load %arg6[%get3A_1568] {strides = array<i32>} : memref<320xi32, #tpu.memory_space<vmem>>, vector<16xi32>,
    %get3A_1570 = vector.shape_cast %get3A_1569 : vector<16xi32> to vector<16xi32>
    %add3A_1571 = arith.addi %get3A_1570, %get3A_1570 : vector<16xi32>
    %ge3A_1572 = arith.constant 75000 : i32
    %ge3A_1573 = vector.broadcast %ge3A_1572 : i32 to vector<16xi32>
    %ge3A_1574 = arith.cmpi sge, %get3A_1570, %ge3A_1573 : vector<16xi32>
    %jit3A_1575 = arith.constant 149999 : i32
    %jit3A_1576 = arith.constant 0 : i32
    %broadcast_in_dim3A_1577 = vector.broadcast %jit3A_1575 : i32 to vector<16xi32>
    %broadcast_in_dim3A_1578 = vector.broadcast %jit3A_1576 : i32 to vector<16xi32>
    %select_n3A_1579 = arith.select %ge3A_1574, %broadcast_in_dim3A_1577, %broadcast_in_dim3A_1578 : vector<16xi1>, vector<16xi32>
    %sub3A_1580 = arith.subi %add3A_1571, %select_n3A_1579 : vector<16xi32>
    %swap3A_1581 = arith.constant 160 : index
    %swap3A_1582 = tpu.vector_load %arg6[%swap3A_1581] {strides = array<i32>} : memref<320xi32, #tpu.memory_space<vmem>>, vector<16xi32>,
    %swap3A_1583 = vector.shape_cast %swap3A_1582 : vector<16xi32> to vector<16xi32>
    %swap3A_1584 = vector.shape_cast %sub3A_1580 : vector<16xi32> to vector<16xi32>
    tpu.vector_store %arg6[%swap3A_1581], %swap3A_1584 {strides = array<i32>} : memref<320xi32, #tpu.memory_space<vmem>>, vector<16xi32>,
    %get3A_1585 = arith.constant 176 : index
    %get3A_1586 = tpu.vector_load %arg6[%get3A_1585] {strides = array<i32>} : memref<320xi32, #tpu.memory_space<vmem>>, vector<16xi32>,
    %get3A_1587 = vector.shape_cast %get3A_1586 : vector<16xi32> to vector<16xi32>
    %add3A_1588 = arith.addi %get3A_1587, %get3A_1587 : vector<16xi32>
    %ge3A_1589 = arith.constant 75000 : i32
    %ge3A_1590 = vector.broadcast %ge3A_1589 : i32 to vector<16xi32>
    %ge3A_1591 = arith.cmpi sge, %get3A_1587, %ge3A_1590 : vector<16xi32>
    %jit3A_1592 = arith.constant 149999 : i32
    %jit3A_1593 = arith.constant 0 : i32
    %broadcast_in_dim3A_1594 = vector.broadcast %jit3A_1592 : i32 to vector<16xi32>
    %broadcast_in_dim3A_1595 = vector.broadcast %jit3A_1593 : i32 to vector<16xi32>
    %select_n3A_1596 = arith.select %ge3A_1591, %broadcast_in_dim3A_1594, %broadcast_in_dim3A_1595 : vector<16xi1>, vector<16xi32>
    %sub3A_1597 = arith.subi %add3A_1588, %select_n3A_1596 : vector<16xi32>
    %swap3A_1598 = arith.constant 176 : index
    %swap3A_1599 = tpu.vector_load %arg6[%swap3A_1598] {strides = array<i32>} : memref<320xi32, #tpu.memory_space<vmem>>, vector<16xi32>,
    %swap3A_1600 = vector.shape_cast %swap3A_1599 : vector<16xi32> to vector<16xi32>
    %swap3A_1601 = vector.shape_cast %sub3A_1597 : vector<16xi32> to vector<16xi32>
    tpu.vector_store %arg6[%swap3A_1598], %swap3A_1601 {strides = array<i32>} : memref<320xi32, #tpu.memory_space<vmem>>, vector<16xi32>,
    %get3A_1602 = arith.constant 192 : index
    %get3A_1603 = tpu.vector_load %arg6[%get3A_1602] {strides = array<i32>} : memref<320xi32, #tpu.memory_space<vmem>>, vector<16xi32>,
    %get3A_1604 = vector.shape_cast %get3A_1603 : vector<16xi32> to vector<16xi32>
    %add3A_1605 = arith.addi %get3A_1604, %get3A_1604 : vector<16xi32>
    %ge3A_1606 = arith.constant 75000 : i32
    %ge3A_1607 = vector.broadcast %ge3A_1606 : i32 to vector<16xi32>
    %ge3A_1608 = arith.cmpi sge, %get3A_1604, %ge3A_1607 : vector<16xi32>
    %jit3A_1609 = arith.constant 149999 : i32
    %jit3A_1610 = arith.constant 0 : i32
    %broadcast_in_dim3A_1611 = vector.broadcast %jit3A_1609 : i32 to vector<16xi32>
    %broadcast_in_dim3A_1612 = vector.broadcast %jit3A_1610 : i32 to vector<16xi32>
    %select_n3A_1613 = arith.select %ge3A_1608, %broadcast_in_dim3A_1611, %broadcast_in_dim3A_1612 : vector<16xi1>, vector<16xi32>
    %sub3A_1614 = arith.subi %add3A_1605, %select_n3A_1613 : vector<16xi32>
    %swap3A_1615 = arith.constant 192 : index
    %swap3A_1616 = tpu.vector_load %arg6[%swap3A_1615] {strides = array<i32>} : memref<320xi32, #tpu.memory_space<vmem>>, vector<16xi32>,
    %swap3A_1617 = vector.shape_cast %swap3A_1616 : vector<16xi32> to vector<16xi32>
    %swap3A_1618 = vector.shape_cast %sub3A_1614 : vector<16xi32> to vector<16xi32>
    tpu.vector_store %arg6[%swap3A_1615], %swap3A_1618 {strides = array<i32>} : memref<320xi32, #tpu.memory_space<vmem>>, vector<16xi32>,
    %get3A_1619 = arith.constant 208 : index
    %get3A_1620 = tpu.vector_load %arg6[%get3A_1619] {strides = array<i32>} : memref<320xi32, #tpu.memory_space<vmem>>, vector<16xi32>,
    %get3A_1621 = vector.shape_cast %get3A_1620 : vector<16xi32> to vector<16xi32>
    %add3A_1622 = arith.addi %get3A_1621, %get3A_1621 : vector<16xi32>
    %ge3A_1623 = arith.constant 75000 : i32
    %ge3A_1624 = vector.broadcast %ge3A_1623 : i32 to vector<16xi32>
    %ge3A_1625 = arith.cmpi sge, %get3A_1621, %ge3A_1624 : vector<16xi32>
    %jit3A_1626 = arith.constant 149999 : i32
    %jit3A_1627 = arith.constant 0 : i32
    %broadcast_in_dim3A_1628 = vector.broadcast %jit3A_1626 : i32 to vector<16xi32>
    %broadcast_in_dim3A_1629 = vector.broadcast %jit3A_1627 : i32 to vector<16xi32>
    %select_n3A_1630 = arith.select %ge3A_1625, %broadcast_in_dim3A_1628, %broadcast_in_dim3A_1629 : vector<16xi1>, vector<16xi32>
    %sub3A_1631 = arith.subi %add3A_1622, %select_n3A_1630 : vector<16xi32>
    %swap3A_1632 = arith.constant 208 : index
    %swap3A_1633 = tpu.vector_load %arg6[%swap3A_1632] {strides = array<i32>} : memref<320xi32, #tpu.memory_space<vmem>>, vector<16xi32>,
    %swap3A_1634 = vector.shape_cast %swap3A_1633 : vector<16xi32> to vector<16xi32>
    %swap3A_1635 = vector.shape_cast %sub3A_1631 : vector<16xi32> to vector<16xi32>
    tpu.vector_store %arg6[%swap3A_1632], %swap3A_1635 {strides = array<i32>} : memref<320xi32, #tpu.memory_space<vmem>>, vector<16xi32>,
    %get3A_1636 = arith.constant 224 : index
    %get3A_1637 = tpu.vector_load %arg6[%get3A_1636] {strides = array<i32>} : memref<320xi32, #tpu.memory_space<vmem>>, vector<16xi32>,
    %get3A_1638 = vector.shape_cast %get3A_1637 : vector<16xi32> to vector<16xi32>
    %add3A_1639 = arith.addi %get3A_1638, %get3A_1638 : vector<16xi32>
    %ge3A_1640 = arith.constant 75000 : i32
    %ge3A_1641 = vector.broadcast %ge3A_1640 : i32 to vector<16xi32>
    %ge3A_1642 = arith.cmpi sge, %get3A_1638, %ge3A_1641 : vector<16xi32>
    %jit3A_1643 = arith.constant 149999 : i32
    %jit3A_1644 = arith.constant 0 : i32
    %broadcast_in_dim3A_1645 = vector.broadcast %jit3A_1643 : i32 to vector<16xi32>
    %broadcast_in_dim3A_1646 = vector.broadcast %jit3A_1644 : i32 to vector<16xi32>
    %select_n3A_1647 = arith.select %ge3A_1642, %broadcast_in_dim3A_1645, %broadcast_in_dim3A_1646 : vector<16xi1>, vector<16xi32>
    %sub3A_1648 = arith.subi %add3A_1639, %select_n3A_1647 : vector<16xi32>
    %swap3A_1649 = arith.constant 224 : index
    %swap3A_1650 = tpu.vector_load %arg6[%swap3A_1649] {strides = array<i32>} : memref<320xi32, #tpu.memory_space<vmem>>, vector<16xi32>,
    %swap3A_1651 = vector.shape_cast %swap3A_1650 : vector<16xi32> to vector<16xi32>
    %swap3A_1652 = vector.shape_cast %sub3A_1648 : vector<16xi32> to vector<16xi32>
    tpu.vector_store %arg6[%swap3A_1649], %swap3A_1652 {strides = array<i32>} : memref<320xi32, #tpu.memory_space<vmem>>, vector<16xi32>,
    %get3A_1653 = arith.constant 240 : index
    %get3A_1654 = tpu.vector_load %arg6[%get3A_1653] {strides = array<i32>} : memref<320xi32, #tpu.memory_space<vmem>>, vector<16xi32>,
    %get3A_1655 = vector.shape_cast %get3A_1654 : vector<16xi32> to vector<16xi32>
    %add3A_1656 = arith.addi %get3A_1655, %get3A_1655 : vector<16xi32>
    %ge3A_1657 = arith.constant 75000 : i32
    %ge3A_1658 = vector.broadcast %ge3A_1657 : i32 to vector<16xi32>
    %ge3A_1659 = arith.cmpi sge, %get3A_1655, %ge3A_1658 : vector<16xi32>
    %jit3A_1660 = arith.constant 149999 : i32
    %jit3A_1661 = arith.constant 0 : i32
    %broadcast_in_dim3A_1662 = vector.broadcast %jit3A_1660 : i32 to vector<16xi32>
    %broadcast_in_dim3A_1663 = vector.broadcast %jit3A_1661 : i32 to vector<16xi32>
    %select_n3A_1664 = arith.select %ge3A_1659, %broadcast_in_dim3A_1662, %broadcast_in_dim3A_1663 : vector<16xi1>, vector<16xi32>
    %sub3A_1665 = arith.subi %add3A_1656, %select_n3A_1664 : vector<16xi32>
    %swap3A_1666 = arith.constant 240 : index
    %swap3A_1667 = tpu.vector_load %arg6[%swap3A_1666] {strides = array<i32>} : memref<320xi32, #tpu.memory_space<vmem>>, vector<16xi32>,
    %swap3A_1668 = vector.shape_cast %swap3A_1667 : vector<16xi32> to vector<16xi32>
    %swap3A_1669 = vector.shape_cast %sub3A_1665 : vector<16xi32> to vector<16xi32>
    tpu.vector_store %arg6[%swap3A_1666], %swap3A_1669 {strides = array<i32>} : memref<320xi32, #tpu.memory_space<vmem>>, vector<16xi32>,
    %get3A_1670 = arith.constant 256 : index
    %get3A_1671 = tpu.vector_load %arg6[%get3A_1670] {strides = array<i32>} : memref<320xi32, #tpu.memory_space<vmem>>, vector<16xi32>,
    %get3A_1672 = vector.shape_cast %get3A_1671 : vector<16xi32> to vector<16xi32>
    %add3A_1673 = arith.addi %get3A_1672, %get3A_1672 : vector<16xi32>
    %ge3A_1674 = arith.constant 75000 : i32
    %ge3A_1675 = vector.broadcast %ge3A_1674 : i32 to vector<16xi32>
    %ge3A_1676 = arith.cmpi sge, %get3A_1672, %ge3A_1675 : vector<16xi32>
    %jit3A_1677 = arith.constant 149999 : i32
    %jit3A_1678 = arith.constant 0 : i32
    %broadcast_in_dim3A_1679 = vector.broadcast %jit3A_1677 : i32 to vector<16xi32>
    %broadcast_in_dim3A_1680 = vector.broadcast %jit3A_1678 : i32 to vector<16xi32>
    %select_n3A_1681 = arith.select %ge3A_1676, %broadcast_in_dim3A_1679, %broadcast_in_dim3A_1680 : vector<16xi1>, vector<16xi32>
    %sub3A_1682 = arith.subi %add3A_1673, %select_n3A_1681 : vector<16xi32>
    %swap3A_1683 = arith.constant 256 : index
    %swap3A_1684 = tpu.vector_load %arg6[%swap3A_1683] {strides = array<i32>} : memref<320xi32, #tpu.memory_space<vmem>>, vector<16xi32>,
    %swap3A_1685 = vector.shape_cast %swap3A_1684 : vector<16xi32> to vector<16xi32>
    %swap3A_1686 = vector.shape_cast %sub3A_1682 : vector<16xi32> to vector<16xi32>
    tpu.vector_store %arg6[%swap3A_1683], %swap3A_1686 {strides = array<i32>} : memref<320xi32, #tpu.memory_space<vmem>>, vector<16xi32>,
    %get3A_1687 = arith.constant 272 : index
    %get3A_1688 = tpu.vector_load %arg6[%get3A_1687] {strides = array<i32>} : memref<320xi32, #tpu.memory_space<vmem>>, vector<16xi32>,
    %get3A_1689 = vector.shape_cast %get3A_1688 : vector<16xi32> to vector<16xi32>
    %add3A_1690 = arith.addi %get3A_1689, %get3A_1689 : vector<16xi32>
    %ge3A_1691 = arith.constant 75000 : i32
    %ge3A_1692 = vector.broadcast %ge3A_1691 : i32 to vector<16xi32>
    %ge3A_1693 = arith.cmpi sge, %get3A_1689, %ge3A_1692 : vector<16xi32>
    %jit3A_1694 = arith.constant 149999 : i32
    %jit3A_1695 = arith.constant 0 : i32
    %broadcast_in_dim3A_1696 = vector.broadcast %jit3A_1694 : i32 to vector<16xi32>
    %broadcast_in_dim3A_1697 = vector.broadcast %jit3A_1695 : i32 to vector<16xi32>
    %select_n3A_1698 = arith.select %ge3A_1693, %broadcast_in_dim3A_1696, %broadcast_in_dim3A_1697 : vector<16xi1>, vector<16xi32>
    %sub3A_1699 = arith.subi %add3A_1690, %select_n3A_1698 : vector<16xi32>
    %swap3A_1700 = arith.constant 272 : index
    %swap3A_1701 = tpu.vector_load %arg6[%swap3A_1700] {strides = array<i32>} : memref<320xi32, #tpu.memory_space<vmem>>, vector<16xi32>,
    %swap3A_1702 = vector.shape_cast %swap3A_1701 : vector<16xi32> to vector<16xi32>
    %swap3A_1703 = vector.shape_cast %sub3A_1699 : vector<16xi32> to vector<16xi32>
    tpu.vector_store %arg6[%swap3A_1700], %swap3A_1703 {strides = array<i32>} : memref<320xi32, #tpu.memory_space<vmem>>, vector<16xi32>,
    %get3A_1704 = arith.constant 288 : index
    %get3A_1705 = tpu.vector_load %arg6[%get3A_1704] {strides = array<i32>} : memref<320xi32, #tpu.memory_space<vmem>>, vector<16xi32>,
    %get3A_1706 = vector.shape_cast %get3A_1705 : vector<16xi32> to vector<16xi32>
    %add3A_1707 = arith.addi %get3A_1706, %get3A_1706 : vector<16xi32>
    %ge3A_1708 = arith.constant 75000 : i32
    %ge3A_1709 = vector.broadcast %ge3A_1708 : i32 to vector<16xi32>
    %ge3A_1710 = arith.cmpi sge, %get3A_1706, %ge3A_1709 : vector<16xi32>
    %jit3A_1711 = arith.constant 149999 : i32
    %jit3A_1712 = arith.constant 0 : i32
    %broadcast_in_dim3A_1713 = vector.broadcast %jit3A_1711 : i32 to vector<16xi32>
    %broadcast_in_dim3A_1714 = vector.broadcast %jit3A_1712 : i32 to vector<16xi32>
    %select_n3A_1715 = arith.select %ge3A_1710, %broadcast_in_dim3A_1713, %broadcast_in_dim3A_1714 : vector<16xi1>, vector<16xi32>
    %sub3A_1716 = arith.subi %add3A_1707, %select_n3A_1715 : vector<16xi32>
    %swap3A_1717 = arith.constant 288 : index
    %swap3A_1718 = tpu.vector_load %arg6[%swap3A_1717] {strides = array<i32>} : memref<320xi32, #tpu.memory_space<vmem>>, vector<16xi32>,
    %swap3A_1719 = vector.shape_cast %swap3A_1718 : vector<16xi32> to vector<16xi32>
    %swap3A_1720 = vector.shape_cast %sub3A_1716 : vector<16xi32> to vector<16xi32>
    tpu.vector_store %arg6[%swap3A_1717], %swap3A_1720 {strides = array<i32>} : memref<320xi32, #tpu.memory_space<vmem>>, vector<16xi32>,
    %get3A_1721 = arith.constant 304 : index
    %get3A_1722 = tpu.vector_load %arg6[%get3A_1721] {strides = array<i32>} : memref<320xi32, #tpu.memory_space<vmem>>, vector<16xi32>,
    %get3A_1723 = vector.shape_cast %get3A_1722 : vector<16xi32> to vector<16xi32>
    %add3A_1724 = arith.addi %get3A_1723, %get3A_1723 : vector<16xi32>
    %ge3A_1725 = arith.constant 75000 : i32
    %ge3A_1726 = vector.broadcast %ge3A_1725 : i32 to vector<16xi32>
    %ge3A_1727 = arith.cmpi sge, %get3A_1723, %ge3A_1726 : vector<16xi32>
    %jit3A_1728 = arith.constant 149999 : i32
    %jit3A_1729 = arith.constant 0 : i32
    %broadcast_in_dim3A_1730 = vector.broadcast %jit3A_1728 : i32 to vector<16xi32>
    %broadcast_in_dim3A_1731 = vector.broadcast %jit3A_1729 : i32 to vector<16xi32>
    %select_n3A_1732 = arith.select %ge3A_1727, %broadcast_in_dim3A_1730, %broadcast_in_dim3A_1731 : vector<16xi1>, vector<16xi32>
    %sub3A_1733 = arith.subi %add3A_1724, %select_n3A_1732 : vector<16xi32>
    %swap3A_1734 = arith.constant 304 : index
    %swap3A_1735 = tpu.vector_load %arg6[%swap3A_1734] {strides = array<i32>} : memref<320xi32, #tpu.memory_space<vmem>>, vector<16xi32>,
    %swap3A_1736 = vector.shape_cast %swap3A_1735 : vector<16xi32> to vector<16xi32>
    %swap3A_1737 = vector.shape_cast %sub3A_1733 : vector<16xi32> to vector<16xi32>
    tpu.vector_store %arg6[%swap3A_1734], %swap3A_1737 {strides = array<i32>} : memref<320xi32, #tpu.memory_space<vmem>>, vector<16xi32>,
    %dma_start3A_1738 = arith.constant 0 : i32
    %dma_start3A_1739 = arith.constant 0 : i32
    %dma_start3A_1740 = tpu.memref_slice %arg2[%dma_start3A_1738, %dma_start3A_1739] : memref<150000x64xf32, #tpu.memory_space<hbm>> -> memref<150000x64xf32, #tpu.memory_space<hbm>>
    tpu.enqueue_indirect_dma source(%dma_start3A_1740 : memref<150000x64xf32, #tpu.memory_space<hbm>>) target(%arg9 : memref<320x64xf32, #tpu.memory_space<vmem>>) offsets(%arg6 : memref<320xi32, #tpu.memory_space<vmem>>) semaphore(%arg12 : memref<!tpu.dma_semaphore, #tpu.memory_space<semaphore_mem>>)
    %dma_wait3A_1741 = arith.constant 0 : i32
    %dma_wait3A_1742 = arith.constant 0 : i32
    %dma_wait3A_1743 = tpu.memref_slice %arg2[%dma_wait3A_1741, %dma_wait3A_1742] : memref<150000x64xf32, #tpu.memory_space<hbm>> -> memref<150000x64xf32, #tpu.memory_space<hbm>>
    tpu.wait_indirect_dma semaphore(%arg13 : memref<!tpu.dma_semaphore, #tpu.memory_space<semaphore_mem>>) src(%dma_wait3A_1743 : memref<150000x64xf32, #tpu.memory_space<hbm>>) dst(%arg10 : memref<320x64xf32, #tpu.memory_space<vmem>>)
    %min3A_1744 = arith.constant 640 : i32
    %min3A_1745 = arith.minsi %min3A_1744, %sub3A_5 : i32
    %add3A_1746 = arith.addi %mul3A_2, %min3A_1745 : i32
    "tpu.region"() ({
      %run_scoped3A = tpu.sem_alloc : memref<!tpu.dma_semaphore, #tpu.memory_space<semaphore_mem>>
      %dma_start3A_3519 = arith.constant 0 : i32
      %dma_start3A_3520 = tpu.memref_slice %arg4[%add3A_1746, %dma_start3A_3519] : memref<100000x128xf32, #tpu.memory_space<hbm>> -> memref<320x64xf32, #tpu.memory_space<hbm>>
      %dma_start3A_3521 = arith.constant 0 : i32
      %dma_start3A_3522 = tpu.memref_slice %arg4[%add3A_1746, %dma_start3A_3521] : memref<100000x128xf32, #tpu.memory_space<hbm>> -> memref<320x64xf32, #tpu.memory_space<hbm>>
      tpu.enqueue_dma source(%arg10 : memref<320x64xf32, #tpu.memory_space<vmem>>) target(%dma_start3A_3522 : memref<320x64xf32, #tpu.memory_space<hbm>>) target_semaphore(%run_scoped3A : memref<!tpu.dma_semaphore, #tpu.memory_space<semaphore_mem>>)
      %dma_wait3A_3523 = arith.constant 0 : i32
      %dma_wait3A_3524 = tpu.memref_slice %arg4[%add3A_1746, %dma_wait3A_3523] : memref<100000x128xf32, #tpu.memory_space<hbm>> -> memref<320x64xf32, #tpu.memory_space<hbm>>
      %dma_wait3A_3525 = arith.constant 0 : i32
      %dma_wait3A_3526 = tpu.memref_slice %arg4[%add3A_1746, %dma_wait3A_3525] : memref<100000x128xf32, #tpu.memory_space<hbm>> -> memref<320x64xf32, #tpu.memory_space<hbm>>
      tpu.wait_dma2 semaphore(%run_scoped3A : memref<!tpu.dma_semaphore, #tpu.memory_space<semaphore_mem>>) src(%arg10 : memref<320x64xf32, #tpu.memory_space<vmem>>) dst(%dma_wait3A_3526 : memref<320x64xf32, #tpu.memory_space<hbm>>)
      tpu.yield
    }) : () -> ()
    %min3A_1747 = arith.constant 1600 : i32
    %min3A_1748 = arith.minsi %min3A_1747, %sub3A_5 : i32
    %add3A_1749 = arith.addi %mul3A_2, %min3A_1748 : i32
    "tpu.region"() ({
      %run_scoped3A = tpu.sem_alloc : memref<!tpu.dma_semaphore, #tpu.memory_space<semaphore_mem>>
      %dma_start3A_3519 = tpu.memref_slice %arg3[%add3A_1749] : memref<100000xi32, #tpu.memory_space<hbm>> -> memref<320xi32, #tpu.memory_space<hbm>>
      %dma_start3A_3520 = tpu.memref_slice %arg3[%add3A_1749] : memref<100000xi32, #tpu.memory_space<hbm>> -> memref<320xi32, #tpu.memory_space<hbm>>
      tpu.enqueue_dma source(%dma_start3A_3520 : memref<320xi32, #tpu.memory_space<hbm>>) target(%arg7 : memref<320xi32, #tpu.memory_space<vmem>>) target_semaphore(%run_scoped3A : memref<!tpu.dma_semaphore, #tpu.memory_space<semaphore_mem>>)
      %dma_wait3A_3521 = tpu.memref_slice %arg3[%add3A_1749] : memref<100000xi32, #tpu.memory_space<hbm>> -> memref<320xi32, #tpu.memory_space<hbm>>
      %dma_wait3A_3522 = tpu.memref_slice %arg3[%add3A_1749] : memref<100000xi32, #tpu.memory_space<hbm>> -> memref<320xi32, #tpu.memory_space<hbm>>
      tpu.wait_dma2 semaphore(%run_scoped3A : memref<!tpu.dma_semaphore, #tpu.memory_space<semaphore_mem>>) src(%dma_wait3A_3522 : memref<320xi32, #tpu.memory_space<hbm>>) dst(%arg7 : memref<320xi32, #tpu.memory_space<vmem>>)
      tpu.yield
    }) : () -> ()
    %get3A_1750 = arith.constant 0 : index
    %get3A_1751 = tpu.vector_load %arg7[%get3A_1750] {strides = array<i32>} : memref<320xi32, #tpu.memory_space<vmem>>, vector<16xi32>,
    %get3A_1752 = vector.shape_cast %get3A_1751 : vector<16xi32> to vector<16xi32>
    %add3A_1753 = arith.addi %get3A_1752, %get3A_1752 : vector<16xi32>
    %ge3A_1754 = arith.constant 75000 : i32
    %ge3A_1755 = vector.broadcast %ge3A_1754 : i32 to vector<16xi32>
    %ge3A_1756 = arith.cmpi sge, %get3A_1752, %ge3A_1755 : vector<16xi32>
    %jit3A_1757 = arith.constant 149999 : i32
    %jit3A_1758 = arith.constant 0 : i32
    %broadcast_in_dim3A_1759 = vector.broadcast %jit3A_1757 : i32 to vector<16xi32>
    %broadcast_in_dim3A_1760 = vector.broadcast %jit3A_1758 : i32 to vector<16xi32>
    %select_n3A_1761 = arith.select %ge3A_1756, %broadcast_in_dim3A_1759, %broadcast_in_dim3A_1760 : vector<16xi1>, vector<16xi32>
    %sub3A_1762 = arith.subi %add3A_1753, %select_n3A_1761 : vector<16xi32>
    %swap3A_1763 = arith.constant 0 : index
    %swap3A_1764 = tpu.vector_load %arg7[%swap3A_1763] {strides = array<i32>} : memref<320xi32, #tpu.memory_space<vmem>>, vector<16xi32>,
    %swap3A_1765 = vector.shape_cast %swap3A_1764 : vector<16xi32> to vector<16xi32>
    %swap3A_1766 = vector.shape_cast %sub3A_1762 : vector<16xi32> to vector<16xi32>
    tpu.vector_store %arg7[%swap3A_1763], %swap3A_1766 {strides = array<i32>} : memref<320xi32, #tpu.memory_space<vmem>>, vector<16xi32>,
    %get3A_1767 = arith.constant 16 : index
    %get3A_1768 = tpu.vector_load %arg7[%get3A_1767] {strides = array<i32>} : memref<320xi32, #tpu.memory_space<vmem>>, vector<16xi32>,
    %get3A_1769 = vector.shape_cast %get3A_1768 : vector<16xi32> to vector<16xi32>
    %add3A_1770 = arith.addi %get3A_1769, %get3A_1769 : vector<16xi32>
    %ge3A_1771 = arith.constant 75000 : i32
    %ge3A_1772 = vector.broadcast %ge3A_1771 : i32 to vector<16xi32>
    %ge3A_1773 = arith.cmpi sge, %get3A_1769, %ge3A_1772 : vector<16xi32>
    %jit3A_1774 = arith.constant 149999 : i32
    %jit3A_1775 = arith.constant 0 : i32
    %broadcast_in_dim3A_1776 = vector.broadcast %jit3A_1774 : i32 to vector<16xi32>
    %broadcast_in_dim3A_1777 = vector.broadcast %jit3A_1775 : i32 to vector<16xi32>
    %select_n3A_1778 = arith.select %ge3A_1773, %broadcast_in_dim3A_1776, %broadcast_in_dim3A_1777 : vector<16xi1>, vector<16xi32>
    %sub3A_1779 = arith.subi %add3A_1770, %select_n3A_1778 : vector<16xi32>
    %swap3A_1780 = arith.constant 16 : index
    %swap3A_1781 = tpu.vector_load %arg7[%swap3A_1780] {strides = array<i32>} : memref<320xi32, #tpu.memory_space<vmem>>, vector<16xi32>,
    %swap3A_1782 = vector.shape_cast %swap3A_1781 : vector<16xi32> to vector<16xi32>
    %swap3A_1783 = vector.shape_cast %sub3A_1779 : vector<16xi32> to vector<16xi32>
    tpu.vector_store %arg7[%swap3A_1780], %swap3A_1783 {strides = array<i32>} : memref<320xi32, #tpu.memory_space<vmem>>, vector<16xi32>,
    %get3A_1784 = arith.constant 32 : index
    %get3A_1785 = tpu.vector_load %arg7[%get3A_1784] {strides = array<i32>} : memref<320xi32, #tpu.memory_space<vmem>>, vector<16xi32>,
    %get3A_1786 = vector.shape_cast %get3A_1785 : vector<16xi32> to vector<16xi32>
    %add3A_1787 = arith.addi %get3A_1786, %get3A_1786 : vector<16xi32>
    %ge3A_1788 = arith.constant 75000 : i32
    %ge3A_1789 = vector.broadcast %ge3A_1788 : i32 to vector<16xi32>
    %ge3A_1790 = arith.cmpi sge, %get3A_1786, %ge3A_1789 : vector<16xi32>
    %jit3A_1791 = arith.constant 149999 : i32
    %jit3A_1792 = arith.constant 0 : i32
    %broadcast_in_dim3A_1793 = vector.broadcast %jit3A_1791 : i32 to vector<16xi32>
    %broadcast_in_dim3A_1794 = vector.broadcast %jit3A_1792 : i32 to vector<16xi32>
    %select_n3A_1795 = arith.select %ge3A_1790, %broadcast_in_dim3A_1793, %broadcast_in_dim3A_1794 : vector<16xi1>, vector<16xi32>
    %sub3A_1796 = arith.subi %add3A_1787, %select_n3A_1795 : vector<16xi32>
    %swap3A_1797 = arith.constant 32 : index
    %swap3A_1798 = tpu.vector_load %arg7[%swap3A_1797] {strides = array<i32>} : memref<320xi32, #tpu.memory_space<vmem>>, vector<16xi32>,
    %swap3A_1799 = vector.shape_cast %swap3A_1798 : vector<16xi32> to vector<16xi32>
    %swap3A_1800 = vector.shape_cast %sub3A_1796 : vector<16xi32> to vector<16xi32>
    tpu.vector_store %arg7[%swap3A_1797], %swap3A_1800 {strides = array<i32>} : memref<320xi32, #tpu.memory_space<vmem>>, vector<16xi32>,
    %get3A_1801 = arith.constant 48 : index
    %get3A_1802 = tpu.vector_load %arg7[%get3A_1801] {strides = array<i32>} : memref<320xi32, #tpu.memory_space<vmem>>, vector<16xi32>,
    %get3A_1803 = vector.shape_cast %get3A_1802 : vector<16xi32> to vector<16xi32>
    %add3A_1804 = arith.addi %get3A_1803, %get3A_1803 : vector<16xi32>
    %ge3A_1805 = arith.constant 75000 : i32
    %ge3A_1806 = vector.broadcast %ge3A_1805 : i32 to vector<16xi32>
    %ge3A_1807 = arith.cmpi sge, %get3A_1803, %ge3A_1806 : vector<16xi32>
    %jit3A_1808 = arith.constant 149999 : i32
    %jit3A_1809 = arith.constant 0 : i32
    %broadcast_in_dim3A_1810 = vector.broadcast %jit3A_1808 : i32 to vector<16xi32>
    %broadcast_in_dim3A_1811 = vector.broadcast %jit3A_1809 : i32 to vector<16xi32>
    %select_n3A_1812 = arith.select %ge3A_1807, %broadcast_in_dim3A_1810, %broadcast_in_dim3A_1811 : vector<16xi1>, vector<16xi32>
    %sub3A_1813 = arith.subi %add3A_1804, %select_n3A_1812 : vector<16xi32>
    %swap3A_1814 = arith.constant 48 : index
    %swap3A_1815 = tpu.vector_load %arg7[%swap3A_1814] {strides = array<i32>} : memref<320xi32, #tpu.memory_space<vmem>>, vector<16xi32>,
    %swap3A_1816 = vector.shape_cast %swap3A_1815 : vector<16xi32> to vector<16xi32>
    %swap3A_1817 = vector.shape_cast %sub3A_1813 : vector<16xi32> to vector<16xi32>
    tpu.vector_store %arg7[%swap3A_1814], %swap3A_1817 {strides = array<i32>} : memref<320xi32, #tpu.memory_space<vmem>>, vector<16xi32>,
    %get3A_1818 = arith.constant 64 : index
    %get3A_1819 = tpu.vector_load %arg7[%get3A_1818] {strides = array<i32>} : memref<320xi32, #tpu.memory_space<vmem>>, vector<16xi32>,
    %get3A_1820 = vector.shape_cast %get3A_1819 : vector<16xi32> to vector<16xi32>
    %add3A_1821 = arith.addi %get3A_1820, %get3A_1820 : vector<16xi32>
    %ge3A_1822 = arith.constant 75000 : i32
    %ge3A_1823 = vector.broadcast %ge3A_1822 : i32 to vector<16xi32>
    %ge3A_1824 = arith.cmpi sge, %get3A_1820, %ge3A_1823 : vector<16xi32>
    %jit3A_1825 = arith.constant 149999 : i32
    %jit3A_1826 = arith.constant 0 : i32
    %broadcast_in_dim3A_1827 = vector.broadcast %jit3A_1825 : i32 to vector<16xi32>
    %broadcast_in_dim3A_1828 = vector.broadcast %jit3A_1826 : i32 to vector<16xi32>
    %select_n3A_1829 = arith.select %ge3A_1824, %broadcast_in_dim3A_1827, %broadcast_in_dim3A_1828 : vector<16xi1>, vector<16xi32>
    %sub3A_1830 = arith.subi %add3A_1821, %select_n3A_1829 : vector<16xi32>
    %swap3A_1831 = arith.constant 64 : index
    %swap3A_1832 = tpu.vector_load %arg7[%swap3A_1831] {strides = array<i32>} : memref<320xi32, #tpu.memory_space<vmem>>, vector<16xi32>,
    %swap3A_1833 = vector.shape_cast %swap3A_1832 : vector<16xi32> to vector<16xi32>
    %swap3A_1834 = vector.shape_cast %sub3A_1830 : vector<16xi32> to vector<16xi32>
    tpu.vector_store %arg7[%swap3A_1831], %swap3A_1834 {strides = array<i32>} : memref<320xi32, #tpu.memory_space<vmem>>, vector<16xi32>,
    %get3A_1835 = arith.constant 80 : index
    %get3A_1836 = tpu.vector_load %arg7[%get3A_1835] {strides = array<i32>} : memref<320xi32, #tpu.memory_space<vmem>>, vector<16xi32>,
    %get3A_1837 = vector.shape_cast %get3A_1836 : vector<16xi32> to vector<16xi32>
    %add3A_1838 = arith.addi %get3A_1837, %get3A_1837 : vector<16xi32>
    %ge3A_1839 = arith.constant 75000 : i32
    %ge3A_1840 = vector.broadcast %ge3A_1839 : i32 to vector<16xi32>
    %ge3A_1841 = arith.cmpi sge, %get3A_1837, %ge3A_1840 : vector<16xi32>
    %jit3A_1842 = arith.constant 149999 : i32
    %jit3A_1843 = arith.constant 0 : i32
    %broadcast_in_dim3A_1844 = vector.broadcast %jit3A_1842 : i32 to vector<16xi32>
    %broadcast_in_dim3A_1845 = vector.broadcast %jit3A_1843 : i32 to vector<16xi32>
    %select_n3A_1846 = arith.select %ge3A_1841, %broadcast_in_dim3A_1844, %broadcast_in_dim3A_1845 : vector<16xi1>, vector<16xi32>
    %sub3A_1847 = arith.subi %add3A_1838, %select_n3A_1846 : vector<16xi32>
    %swap3A_1848 = arith.constant 80 : index
    %swap3A_1849 = tpu.vector_load %arg7[%swap3A_1848] {strides = array<i32>} : memref<320xi32, #tpu.memory_space<vmem>>, vector<16xi32>,
    %swap3A_1850 = vector.shape_cast %swap3A_1849 : vector<16xi32> to vector<16xi32>
    %swap3A_1851 = vector.shape_cast %sub3A_1847 : vector<16xi32> to vector<16xi32>
    tpu.vector_store %arg7[%swap3A_1848], %swap3A_1851 {strides = array<i32>} : memref<320xi32, #tpu.memory_space<vmem>>, vector<16xi32>,
    %get3A_1852 = arith.constant 96 : index
    %get3A_1853 = tpu.vector_load %arg7[%get3A_1852] {strides = array<i32>} : memref<320xi32, #tpu.memory_space<vmem>>, vector<16xi32>,
    %get3A_1854 = vector.shape_cast %get3A_1853 : vector<16xi32> to vector<16xi32>
    %add3A_1855 = arith.addi %get3A_1854, %get3A_1854 : vector<16xi32>
    %ge3A_1856 = arith.constant 75000 : i32
    %ge3A_1857 = vector.broadcast %ge3A_1856 : i32 to vector<16xi32>
    %ge3A_1858 = arith.cmpi sge, %get3A_1854, %ge3A_1857 : vector<16xi32>
    %jit3A_1859 = arith.constant 149999 : i32
    %jit3A_1860 = arith.constant 0 : i32
    %broadcast_in_dim3A_1861 = vector.broadcast %jit3A_1859 : i32 to vector<16xi32>
    %broadcast_in_dim3A_1862 = vector.broadcast %jit3A_1860 : i32 to vector<16xi32>
    %select_n3A_1863 = arith.select %ge3A_1858, %broadcast_in_dim3A_1861, %broadcast_in_dim3A_1862 : vector<16xi1>, vector<16xi32>
    %sub3A_1864 = arith.subi %add3A_1855, %select_n3A_1863 : vector<16xi32>
    %swap3A_1865 = arith.constant 96 : index
    %swap3A_1866 = tpu.vector_load %arg7[%swap3A_1865] {strides = array<i32>} : memref<320xi32, #tpu.memory_space<vmem>>, vector<16xi32>,
    %swap3A_1867 = vector.shape_cast %swap3A_1866 : vector<16xi32> to vector<16xi32>
    %swap3A_1868 = vector.shape_cast %sub3A_1864 : vector<16xi32> to vector<16xi32>
    tpu.vector_store %arg7[%swap3A_1865], %swap3A_1868 {strides = array<i32>} : memref<320xi32, #tpu.memory_space<vmem>>, vector<16xi32>,
    %get3A_1869 = arith.constant 112 : index
    %get3A_1870 = tpu.vector_load %arg7[%get3A_1869] {strides = array<i32>} : memref<320xi32, #tpu.memory_space<vmem>>, vector<16xi32>,
    %get3A_1871 = vector.shape_cast %get3A_1870 : vector<16xi32> to vector<16xi32>
    %add3A_1872 = arith.addi %get3A_1871, %get3A_1871 : vector<16xi32>
    %ge3A_1873 = arith.constant 75000 : i32
    %ge3A_1874 = vector.broadcast %ge3A_1873 : i32 to vector<16xi32>
    %ge3A_1875 = arith.cmpi sge, %get3A_1871, %ge3A_1874 : vector<16xi32>
    %jit3A_1876 = arith.constant 149999 : i32
    %jit3A_1877 = arith.constant 0 : i32
    %broadcast_in_dim3A_1878 = vector.broadcast %jit3A_1876 : i32 to vector<16xi32>
    %broadcast_in_dim3A_1879 = vector.broadcast %jit3A_1877 : i32 to vector<16xi32>
    %select_n3A_1880 = arith.select %ge3A_1875, %broadcast_in_dim3A_1878, %broadcast_in_dim3A_1879 : vector<16xi1>, vector<16xi32>
    %sub3A_1881 = arith.subi %add3A_1872, %select_n3A_1880 : vector<16xi32>
    %swap3A_1882 = arith.constant 112 : index
    %swap3A_1883 = tpu.vector_load %arg7[%swap3A_1882] {strides = array<i32>} : memref<320xi32, #tpu.memory_space<vmem>>, vector<16xi32>,
    %swap3A_1884 = vector.shape_cast %swap3A_1883 : vector<16xi32> to vector<16xi32>
    %swap3A_1885 = vector.shape_cast %sub3A_1881 : vector<16xi32> to vector<16xi32>
    tpu.vector_store %arg7[%swap3A_1882], %swap3A_1885 {strides = array<i32>} : memref<320xi32, #tpu.memory_space<vmem>>, vector<16xi32>,
    %get3A_1886 = arith.constant 128 : index
    %get3A_1887 = tpu.vector_load %arg7[%get3A_1886] {strides = array<i32>} : memref<320xi32, #tpu.memory_space<vmem>>, vector<16xi32>,
    %get3A_1888 = vector.shape_cast %get3A_1887 : vector<16xi32> to vector<16xi32>
    %add3A_1889 = arith.addi %get3A_1888, %get3A_1888 : vector<16xi32>
    %ge3A_1890 = arith.constant 75000 : i32
    %ge3A_1891 = vector.broadcast %ge3A_1890 : i32 to vector<16xi32>
    %ge3A_1892 = arith.cmpi sge, %get3A_1888, %ge3A_1891 : vector<16xi32>
    %jit3A_1893 = arith.constant 149999 : i32
    %jit3A_1894 = arith.constant 0 : i32
    %broadcast_in_dim3A_1895 = vector.broadcast %jit3A_1893 : i32 to vector<16xi32>
    %broadcast_in_dim3A_1896 = vector.broadcast %jit3A_1894 : i32 to vector<16xi32>
    %select_n3A_1897 = arith.select %ge3A_1892, %broadcast_in_dim3A_1895, %broadcast_in_dim3A_1896 : vector<16xi1>, vector<16xi32>
    %sub3A_1898 = arith.subi %add3A_1889, %select_n3A_1897 : vector<16xi32>
    %swap3A_1899 = arith.constant 128 : index
    %swap3A_1900 = tpu.vector_load %arg7[%swap3A_1899] {strides = array<i32>} : memref<320xi32, #tpu.memory_space<vmem>>, vector<16xi32>,
    %swap3A_1901 = vector.shape_cast %swap3A_1900 : vector<16xi32> to vector<16xi32>
    %swap3A_1902 = vector.shape_cast %sub3A_1898 : vector<16xi32> to vector<16xi32>
    tpu.vector_store %arg7[%swap3A_1899], %swap3A_1902 {strides = array<i32>} : memref<320xi32, #tpu.memory_space<vmem>>, vector<16xi32>,
    %get3A_1903 = arith.constant 144 : index
    %get3A_1904 = tpu.vector_load %arg7[%get3A_1903] {strides = array<i32>} : memref<320xi32, #tpu.memory_space<vmem>>, vector<16xi32>,
    %get3A_1905 = vector.shape_cast %get3A_1904 : vector<16xi32> to vector<16xi32>
    %add3A_1906 = arith.addi %get3A_1905, %get3A_1905 : vector<16xi32>
    %ge3A_1907 = arith.constant 75000 : i32
    %ge3A_1908 = vector.broadcast %ge3A_1907 : i32 to vector<16xi32>
    %ge3A_1909 = arith.cmpi sge, %get3A_1905, %ge3A_1908 : vector<16xi32>
    %jit3A_1910 = arith.constant 149999 : i32
    %jit3A_1911 = arith.constant 0 : i32
    %broadcast_in_dim3A_1912 = vector.broadcast %jit3A_1910 : i32 to vector<16xi32>
    %broadcast_in_dim3A_1913 = vector.broadcast %jit3A_1911 : i32 to vector<16xi32>
    %select_n3A_1914 = arith.select %ge3A_1909, %broadcast_in_dim3A_1912, %broadcast_in_dim3A_1913 : vector<16xi1>, vector<16xi32>
    %sub3A_1915 = arith.subi %add3A_1906, %select_n3A_1914 : vector<16xi32>
    %swap3A_1916 = arith.constant 144 : index
    %swap3A_1917 = tpu.vector_load %arg7[%swap3A_1916] {strides = array<i32>} : memref<320xi32, #tpu.memory_space<vmem>>, vector<16xi32>,
    %swap3A_1918 = vector.shape_cast %swap3A_1917 : vector<16xi32> to vector<16xi32>
    %swap3A_1919 = vector.shape_cast %sub3A_1915 : vector<16xi32> to vector<16xi32>
    tpu.vector_store %arg7[%swap3A_1916], %swap3A_1919 {strides = array<i32>} : memref<320xi32, #tpu.memory_space<vmem>>, vector<16xi32>,
    %get3A_1920 = arith.constant 160 : index
    %get3A_1921 = tpu.vector_load %arg7[%get3A_1920] {strides = array<i32>} : memref<320xi32, #tpu.memory_space<vmem>>, vector<16xi32>,
    %get3A_1922 = vector.shape_cast %get3A_1921 : vector<16xi32> to vector<16xi32>
    %add3A_1923 = arith.addi %get3A_1922, %get3A_1922 : vector<16xi32>
    %ge3A_1924 = arith.constant 75000 : i32
    %ge3A_1925 = vector.broadcast %ge3A_1924 : i32 to vector<16xi32>
    %ge3A_1926 = arith.cmpi sge, %get3A_1922, %ge3A_1925 : vector<16xi32>
    %jit3A_1927 = arith.constant 149999 : i32
    %jit3A_1928 = arith.constant 0 : i32
    %broadcast_in_dim3A_1929 = vector.broadcast %jit3A_1927 : i32 to vector<16xi32>
    %broadcast_in_dim3A_1930 = vector.broadcast %jit3A_1928 : i32 to vector<16xi32>
    %select_n3A_1931 = arith.select %ge3A_1926, %broadcast_in_dim3A_1929, %broadcast_in_dim3A_1930 : vector<16xi1>, vector<16xi32>
    %sub3A_1932 = arith.subi %add3A_1923, %select_n3A_1931 : vector<16xi32>
    %swap3A_1933 = arith.constant 160 : index
    %swap3A_1934 = tpu.vector_load %arg7[%swap3A_1933] {strides = array<i32>} : memref<320xi32, #tpu.memory_space<vmem>>, vector<16xi32>,
    %swap3A_1935 = vector.shape_cast %swap3A_1934 : vector<16xi32> to vector<16xi32>
    %swap3A_1936 = vector.shape_cast %sub3A_1932 : vector<16xi32> to vector<16xi32>
    tpu.vector_store %arg7[%swap3A_1933], %swap3A_1936 {strides = array<i32>} : memref<320xi32, #tpu.memory_space<vmem>>, vector<16xi32>,
    %get3A_1937 = arith.constant 176 : index
    %get3A_1938 = tpu.vector_load %arg7[%get3A_1937] {strides = array<i32>} : memref<320xi32, #tpu.memory_space<vmem>>, vector<16xi32>,
    %get3A_1939 = vector.shape_cast %get3A_1938 : vector<16xi32> to vector<16xi32>
    %add3A_1940 = arith.addi %get3A_1939, %get3A_1939 : vector<16xi32>
    %ge3A_1941 = arith.constant 75000 : i32
    %ge3A_1942 = vector.broadcast %ge3A_1941 : i32 to vector<16xi32>
    %ge3A_1943 = arith.cmpi sge, %get3A_1939, %ge3A_1942 : vector<16xi32>
    %jit3A_1944 = arith.constant 149999 : i32
    %jit3A_1945 = arith.constant 0 : i32
    %broadcast_in_dim3A_1946 = vector.broadcast %jit3A_1944 : i32 to vector<16xi32>
    %broadcast_in_dim3A_1947 = vector.broadcast %jit3A_1945 : i32 to vector<16xi32>
    %select_n3A_1948 = arith.select %ge3A_1943, %broadcast_in_dim3A_1946, %broadcast_in_dim3A_1947 : vector<16xi1>, vector<16xi32>
    %sub3A_1949 = arith.subi %add3A_1940, %select_n3A_1948 : vector<16xi32>
    %swap3A_1950 = arith.constant 176 : index
    %swap3A_1951 = tpu.vector_load %arg7[%swap3A_1950] {strides = array<i32>} : memref<320xi32, #tpu.memory_space<vmem>>, vector<16xi32>,
    %swap3A_1952 = vector.shape_cast %swap3A_1951 : vector<16xi32> to vector<16xi32>
    %swap3A_1953 = vector.shape_cast %sub3A_1949 : vector<16xi32> to vector<16xi32>
    tpu.vector_store %arg7[%swap3A_1950], %swap3A_1953 {strides = array<i32>} : memref<320xi32, #tpu.memory_space<vmem>>, vector<16xi32>,
    %get3A_1954 = arith.constant 192 : index
    %get3A_1955 = tpu.vector_load %arg7[%get3A_1954] {strides = array<i32>} : memref<320xi32, #tpu.memory_space<vmem>>, vector<16xi32>,
    %get3A_1956 = vector.shape_cast %get3A_1955 : vector<16xi32> to vector<16xi32>
    %add3A_1957 = arith.addi %get3A_1956, %get3A_1956 : vector<16xi32>
    %ge3A_1958 = arith.constant 75000 : i32
    %ge3A_1959 = vector.broadcast %ge3A_1958 : i32 to vector<16xi32>
    %ge3A_1960 = arith.cmpi sge, %get3A_1956, %ge3A_1959 : vector<16xi32>
    %jit3A_1961 = arith.constant 149999 : i32
    %jit3A_1962 = arith.constant 0 : i32
    %broadcast_in_dim3A_1963 = vector.broadcast %jit3A_1961 : i32 to vector<16xi32>
    %broadcast_in_dim3A_1964 = vector.broadcast %jit3A_1962 : i32 to vector<16xi32>
    %select_n3A_1965 = arith.select %ge3A_1960, %broadcast_in_dim3A_1963, %broadcast_in_dim3A_1964 : vector<16xi1>, vector<16xi32>
    %sub3A_1966 = arith.subi %add3A_1957, %select_n3A_1965 : vector<16xi32>
    %swap3A_1967 = arith.constant 192 : index
    %swap3A_1968 = tpu.vector_load %arg7[%swap3A_1967] {strides = array<i32>} : memref<320xi32, #tpu.memory_space<vmem>>, vector<16xi32>,
    %swap3A_1969 = vector.shape_cast %swap3A_1968 : vector<16xi32> to vector<16xi32>
    %swap3A_1970 = vector.shape_cast %sub3A_1966 : vector<16xi32> to vector<16xi32>
    tpu.vector_store %arg7[%swap3A_1967], %swap3A_1970 {strides = array<i32>} : memref<320xi32, #tpu.memory_space<vmem>>, vector<16xi32>,
    %get3A_1971 = arith.constant 208 : index
    %get3A_1972 = tpu.vector_load %arg7[%get3A_1971] {strides = array<i32>} : memref<320xi32, #tpu.memory_space<vmem>>, vector<16xi32>,
    %get3A_1973 = vector.shape_cast %get3A_1972 : vector<16xi32> to vector<16xi32>
    %add3A_1974 = arith.addi %get3A_1973, %get3A_1973 : vector<16xi32>
    %ge3A_1975 = arith.constant 75000 : i32
    %ge3A_1976 = vector.broadcast %ge3A_1975 : i32 to vector<16xi32>
    %ge3A_1977 = arith.cmpi sge, %get3A_1973, %ge3A_1976 : vector<16xi32>
    %jit3A_1978 = arith.constant 149999 : i32
    %jit3A_1979 = arith.constant 0 : i32
    %broadcast_in_dim3A_1980 = vector.broadcast %jit3A_1978 : i32 to vector<16xi32>
    %broadcast_in_dim3A_1981 = vector.broadcast %jit3A_1979 : i32 to vector<16xi32>
    %select_n3A_1982 = arith.select %ge3A_1977, %broadcast_in_dim3A_1980, %broadcast_in_dim3A_1981 : vector<16xi1>, vector<16xi32>
    %sub3A_1983 = arith.subi %add3A_1974, %select_n3A_1982 : vector<16xi32>
    %swap3A_1984 = arith.constant 208 : index
    %swap3A_1985 = tpu.vector_load %arg7[%swap3A_1984] {strides = array<i32>} : memref<320xi32, #tpu.memory_space<vmem>>, vector<16xi32>,
    %swap3A_1986 = vector.shape_cast %swap3A_1985 : vector<16xi32> to vector<16xi32>
    %swap3A_1987 = vector.shape_cast %sub3A_1983 : vector<16xi32> to vector<16xi32>
    tpu.vector_store %arg7[%swap3A_1984], %swap3A_1987 {strides = array<i32>} : memref<320xi32, #tpu.memory_space<vmem>>, vector<16xi32>,
    %get3A_1988 = arith.constant 224 : index
    %get3A_1989 = tpu.vector_load %arg7[%get3A_1988] {strides = array<i32>} : memref<320xi32, #tpu.memory_space<vmem>>, vector<16xi32>,
    %get3A_1990 = vector.shape_cast %get3A_1989 : vector<16xi32> to vector<16xi32>
    %add3A_1991 = arith.addi %get3A_1990, %get3A_1990 : vector<16xi32>
    %ge3A_1992 = arith.constant 75000 : i32
    %ge3A_1993 = vector.broadcast %ge3A_1992 : i32 to vector<16xi32>
    %ge3A_1994 = arith.cmpi sge, %get3A_1990, %ge3A_1993 : vector<16xi32>
    %jit3A_1995 = arith.constant 149999 : i32
    %jit3A_1996 = arith.constant 0 : i32
    %broadcast_in_dim3A_1997 = vector.broadcast %jit3A_1995 : i32 to vector<16xi32>
    %broadcast_in_dim3A_1998 = vector.broadcast %jit3A_1996 : i32 to vector<16xi32>
    %select_n3A_1999 = arith.select %ge3A_1994, %broadcast_in_dim3A_1997, %broadcast_in_dim3A_1998 : vector<16xi1>, vector<16xi32>
    %sub3A_2000 = arith.subi %add3A_1991, %select_n3A_1999 : vector<16xi32>
    %swap3A_2001 = arith.constant 224 : index
    %swap3A_2002 = tpu.vector_load %arg7[%swap3A_2001] {strides = array<i32>} : memref<320xi32, #tpu.memory_space<vmem>>, vector<16xi32>,
    %swap3A_2003 = vector.shape_cast %swap3A_2002 : vector<16xi32> to vector<16xi32>
    %swap3A_2004 = vector.shape_cast %sub3A_2000 : vector<16xi32> to vector<16xi32>
    tpu.vector_store %arg7[%swap3A_2001], %swap3A_2004 {strides = array<i32>} : memref<320xi32, #tpu.memory_space<vmem>>, vector<16xi32>,
    %get3A_2005 = arith.constant 240 : index
    %get3A_2006 = tpu.vector_load %arg7[%get3A_2005] {strides = array<i32>} : memref<320xi32, #tpu.memory_space<vmem>>, vector<16xi32>,
    %get3A_2007 = vector.shape_cast %get3A_2006 : vector<16xi32> to vector<16xi32>
    %add3A_2008 = arith.addi %get3A_2007, %get3A_2007 : vector<16xi32>
    %ge3A_2009 = arith.constant 75000 : i32
    %ge3A_2010 = vector.broadcast %ge3A_2009 : i32 to vector<16xi32>
    %ge3A_2011 = arith.cmpi sge, %get3A_2007, %ge3A_2010 : vector<16xi32>
    %jit3A_2012 = arith.constant 149999 : i32
    %jit3A_2013 = arith.constant 0 : i32
    %broadcast_in_dim3A_2014 = vector.broadcast %jit3A_2012 : i32 to vector<16xi32>
    %broadcast_in_dim3A_2015 = vector.broadcast %jit3A_2013 : i32 to vector<16xi32>
    %select_n3A_2016 = arith.select %ge3A_2011, %broadcast_in_dim3A_2014, %broadcast_in_dim3A_2015 : vector<16xi1>, vector<16xi32>
    %sub3A_2017 = arith.subi %add3A_2008, %select_n3A_2016 : vector<16xi32>
    %swap3A_2018 = arith.constant 240 : index
    %swap3A_2019 = tpu.vector_load %arg7[%swap3A_2018] {strides = array<i32>} : memref<320xi32, #tpu.memory_space<vmem>>, vector<16xi32>,
    %swap3A_2020 = vector.shape_cast %swap3A_2019 : vector<16xi32> to vector<16xi32>
    %swap3A_2021 = vector.shape_cast %sub3A_2017 : vector<16xi32> to vector<16xi32>
    tpu.vector_store %arg7[%swap3A_2018], %swap3A_2021 {strides = array<i32>} : memref<320xi32, #tpu.memory_space<vmem>>, vector<16xi32>,
    %get3A_2022 = arith.constant 256 : index
    %get3A_2023 = tpu.vector_load %arg7[%get3A_2022] {strides = array<i32>} : memref<320xi32, #tpu.memory_space<vmem>>, vector<16xi32>,
    %get3A_2024 = vector.shape_cast %get3A_2023 : vector<16xi32> to vector<16xi32>
    %add3A_2025 = arith.addi %get3A_2024, %get3A_2024 : vector<16xi32>
    %ge3A_2026 = arith.constant 75000 : i32
    %ge3A_2027 = vector.broadcast %ge3A_2026 : i32 to vector<16xi32>
    %ge3A_2028 = arith.cmpi sge, %get3A_2024, %ge3A_2027 : vector<16xi32>
    %jit3A_2029 = arith.constant 149999 : i32
    %jit3A_2030 = arith.constant 0 : i32
    %broadcast_in_dim3A_2031 = vector.broadcast %jit3A_2029 : i32 to vector<16xi32>
    %broadcast_in_dim3A_2032 = vector.broadcast %jit3A_2030 : i32 to vector<16xi32>
    %select_n3A_2033 = arith.select %ge3A_2028, %broadcast_in_dim3A_2031, %broadcast_in_dim3A_2032 : vector<16xi1>, vector<16xi32>
    %sub3A_2034 = arith.subi %add3A_2025, %select_n3A_2033 : vector<16xi32>
    %swap3A_2035 = arith.constant 256 : index
    %swap3A_2036 = tpu.vector_load %arg7[%swap3A_2035] {strides = array<i32>} : memref<320xi32, #tpu.memory_space<vmem>>, vector<16xi32>,
    %swap3A_2037 = vector.shape_cast %swap3A_2036 : vector<16xi32> to vector<16xi32>
    %swap3A_2038 = vector.shape_cast %sub3A_2034 : vector<16xi32> to vector<16xi32>
    tpu.vector_store %arg7[%swap3A_2035], %swap3A_2038 {strides = array<i32>} : memref<320xi32, #tpu.memory_space<vmem>>, vector<16xi32>,
    %get3A_2039 = arith.constant 272 : index
    %get3A_2040 = tpu.vector_load %arg7[%get3A_2039] {strides = array<i32>} : memref<320xi32, #tpu.memory_space<vmem>>, vector<16xi32>,
    %get3A_2041 = vector.shape_cast %get3A_2040 : vector<16xi32> to vector<16xi32>
    %add3A_2042 = arith.addi %get3A_2041, %get3A_2041 : vector<16xi32>
    %ge3A_2043 = arith.constant 75000 : i32
    %ge3A_2044 = vector.broadcast %ge3A_2043 : i32 to vector<16xi32>
    %ge3A_2045 = arith.cmpi sge, %get3A_2041, %ge3A_2044 : vector<16xi32>
    %jit3A_2046 = arith.constant 149999 : i32
    %jit3A_2047 = arith.constant 0 : i32
    %broadcast_in_dim3A_2048 = vector.broadcast %jit3A_2046 : i32 to vector<16xi32>
    %broadcast_in_dim3A_2049 = vector.broadcast %jit3A_2047 : i32 to vector<16xi32>
    %select_n3A_2050 = arith.select %ge3A_2045, %broadcast_in_dim3A_2048, %broadcast_in_dim3A_2049 : vector<16xi1>, vector<16xi32>
    %sub3A_2051 = arith.subi %add3A_2042, %select_n3A_2050 : vector<16xi32>
    %swap3A_2052 = arith.constant 272 : index
    %swap3A_2053 = tpu.vector_load %arg7[%swap3A_2052] {strides = array<i32>} : memref<320xi32, #tpu.memory_space<vmem>>, vector<16xi32>,
    %swap3A_2054 = vector.shape_cast %swap3A_2053 : vector<16xi32> to vector<16xi32>
    %swap3A_2055 = vector.shape_cast %sub3A_2051 : vector<16xi32> to vector<16xi32>
    tpu.vector_store %arg7[%swap3A_2052], %swap3A_2055 {strides = array<i32>} : memref<320xi32, #tpu.memory_space<vmem>>, vector<16xi32>,
    %get3A_2056 = arith.constant 288 : index
    %get3A_2057 = tpu.vector_load %arg7[%get3A_2056] {strides = array<i32>} : memref<320xi32, #tpu.memory_space<vmem>>, vector<16xi32>,
    %get3A_2058 = vector.shape_cast %get3A_2057 : vector<16xi32> to vector<16xi32>
    %add3A_2059 = arith.addi %get3A_2058, %get3A_2058 : vector<16xi32>
    %ge3A_2060 = arith.constant 75000 : i32
    %ge3A_2061 = vector.broadcast %ge3A_2060 : i32 to vector<16xi32>
    %ge3A_2062 = arith.cmpi sge, %get3A_2058, %ge3A_2061 : vector<16xi32>
    %jit3A_2063 = arith.constant 149999 : i32
    %jit3A_2064 = arith.constant 0 : i32
    %broadcast_in_dim3A_2065 = vector.broadcast %jit3A_2063 : i32 to vector<16xi32>
    %broadcast_in_dim3A_2066 = vector.broadcast %jit3A_2064 : i32 to vector<16xi32>
    %select_n3A_2067 = arith.select %ge3A_2062, %broadcast_in_dim3A_2065, %broadcast_in_dim3A_2066 : vector<16xi1>, vector<16xi32>
    %sub3A_2068 = arith.subi %add3A_2059, %select_n3A_2067 : vector<16xi32>
    %swap3A_2069 = arith.constant 288 : index
    %swap3A_2070 = tpu.vector_load %arg7[%swap3A_2069] {strides = array<i32>} : memref<320xi32, #tpu.memory_space<vmem>>, vector<16xi32>,
    %swap3A_2071 = vector.shape_cast %swap3A_2070 : vector<16xi32> to vector<16xi32>
    %swap3A_2072 = vector.shape_cast %sub3A_2068 : vector<16xi32> to vector<16xi32>
    tpu.vector_store %arg7[%swap3A_2069], %swap3A_2072 {strides = array<i32>} : memref<320xi32, #tpu.memory_space<vmem>>, vector<16xi32>,
    %get3A_2073 = arith.constant 304 : index
    %get3A_2074 = tpu.vector_load %arg7[%get3A_2073] {strides = array<i32>} : memref<320xi32, #tpu.memory_space<vmem>>, vector<16xi32>,
    %get3A_2075 = vector.shape_cast %get3A_2074 : vector<16xi32> to vector<16xi32>
    %add3A_2076 = arith.addi %get3A_2075, %get3A_2075 : vector<16xi32>
    %ge3A_2077 = arith.constant 75000 : i32
    %ge3A_2078 = vector.broadcast %ge3A_2077 : i32 to vector<16xi32>
    %ge3A_2079 = arith.cmpi sge, %get3A_2075, %ge3A_2078 : vector<16xi32>
    %jit3A_2080 = arith.constant 149999 : i32
    %jit3A_2081 = arith.constant 0 : i32
    %broadcast_in_dim3A_2082 = vector.broadcast %jit3A_2080 : i32 to vector<16xi32>
    %broadcast_in_dim3A_2083 = vector.broadcast %jit3A_2081 : i32 to vector<16xi32>
    %select_n3A_2084 = arith.select %ge3A_2079, %broadcast_in_dim3A_2082, %broadcast_in_dim3A_2083 : vector<16xi1>, vector<16xi32>
    %sub3A_2085 = arith.subi %add3A_2076, %select_n3A_2084 : vector<16xi32>
    %swap3A_2086 = arith.constant 304 : index
    %swap3A_2087 = tpu.vector_load %arg7[%swap3A_2086] {strides = array<i32>} : memref<320xi32, #tpu.memory_space<vmem>>, vector<16xi32>,
    %swap3A_2088 = vector.shape_cast %swap3A_2087 : vector<16xi32> to vector<16xi32>
    %swap3A_2089 = vector.shape_cast %sub3A_2085 : vector<16xi32> to vector<16xi32>
    tpu.vector_store %arg7[%swap3A_2086], %swap3A_2089 {strides = array<i32>} : memref<320xi32, #tpu.memory_space<vmem>>, vector<16xi32>,
    %dma_start3A_2090 = arith.constant 0 : i32
    %dma_start3A_2091 = arith.constant 0 : i32
    %dma_start3A_2092 = tpu.memref_slice %arg2[%dma_start3A_2090, %dma_start3A_2091] : memref<150000x64xf32, #tpu.memory_space<hbm>> -> memref<150000x64xf32, #tpu.memory_space<hbm>>
    tpu.enqueue_indirect_dma source(%dma_start3A_2092 : memref<150000x64xf32, #tpu.memory_space<hbm>>) target(%arg10 : memref<320x64xf32, #tpu.memory_space<vmem>>) offsets(%arg7 : memref<320xi32, #tpu.memory_space<vmem>>) semaphore(%arg13 : memref<!tpu.dma_semaphore, #tpu.memory_space<semaphore_mem>>)
    %dma_wait3A_2093 = arith.constant 0 : i32
    %dma_wait3A_2094 = arith.constant 0 : i32
    %dma_wait3A_2095 = tpu.memref_slice %arg2[%dma_wait3A_2093, %dma_wait3A_2094] : memref<150000x64xf32, #tpu.memory_space<hbm>> -> memref<150000x64xf32, #tpu.memory_space<hbm>>
    tpu.wait_indirect_dma semaphore(%arg11 : memref<!tpu.dma_semaphore, #tpu.memory_space<semaphore_mem>>) src(%dma_wait3A_2095 : memref<150000x64xf32, #tpu.memory_space<hbm>>) dst(%arg8 : memref<320x64xf32, #tpu.memory_space<vmem>>)
    %min3A_2096 = arith.constant 960 : i32
    %min3A_2097 = arith.minsi %min3A_2096, %sub3A_5 : i32
    %add3A_2098 = arith.addi %mul3A_2, %min3A_2097 : i32
    "tpu.region"() ({
      %run_scoped3A = tpu.sem_alloc : memref<!tpu.dma_semaphore, #tpu.memory_space<semaphore_mem>>
      %dma_start3A_3519 = arith.constant 0 : i32
      %dma_start3A_3520 = tpu.memref_slice %arg4[%add3A_2098, %dma_start3A_3519] : memref<100000x128xf32, #tpu.memory_space<hbm>> -> memref<320x64xf32, #tpu.memory_space<hbm>>
      %dma_start3A_3521 = arith.constant 0 : i32
      %dma_start3A_3522 = tpu.memref_slice %arg4[%add3A_2098, %dma_start3A_3521] : memref<100000x128xf32, #tpu.memory_space<hbm>> -> memref<320x64xf32, #tpu.memory_space<hbm>>
      tpu.enqueue_dma source(%arg8 : memref<320x64xf32, #tpu.memory_space<vmem>>) target(%dma_start3A_3522 : memref<320x64xf32, #tpu.memory_space<hbm>>) target_semaphore(%run_scoped3A : memref<!tpu.dma_semaphore, #tpu.memory_space<semaphore_mem>>)
      %dma_wait3A_3523 = arith.constant 0 : i32
      %dma_wait3A_3524 = tpu.memref_slice %arg4[%add3A_2098, %dma_wait3A_3523] : memref<100000x128xf32, #tpu.memory_space<hbm>> -> memref<320x64xf32, #tpu.memory_space<hbm>>
      %dma_wait3A_3525 = arith.constant 0 : i32
      %dma_wait3A_3526 = tpu.memref_slice %arg4[%add3A_2098, %dma_wait3A_3525] : memref<100000x128xf32, #tpu.memory_space<hbm>> -> memref<320x64xf32, #tpu.memory_space<hbm>>
      tpu.wait_dma2 semaphore(%run_scoped3A : memref<!tpu.dma_semaphore, #tpu.memory_space<semaphore_mem>>) src(%arg8 : memref<320x64xf32, #tpu.memory_space<vmem>>) dst(%dma_wait3A_3526 : memref<320x64xf32, #tpu.memory_space<hbm>>)
      tpu.yield
    }) : () -> ()
    %min3A_2099 = arith.constant 1920 : i32
    %min3A_2100 = arith.minsi %min3A_2099, %sub3A_5 : i32
    %add3A_2101 = arith.addi %mul3A_2, %min3A_2100 : i32
    "tpu.region"() ({
      %run_scoped3A = tpu.sem_alloc : memref<!tpu.dma_semaphore, #tpu.memory_space<semaphore_mem>>
      %dma_start3A_3519 = tpu.memref_slice %arg3[%add3A_2101] : memref<100000xi32, #tpu.memory_space<hbm>> -> memref<320xi32, #tpu.memory_space<hbm>>
      %dma_start3A_3520 = tpu.memref_slice %arg3[%add3A_2101] : memref<100000xi32, #tpu.memory_space<hbm>> -> memref<320xi32, #tpu.memory_space<hbm>>
      tpu.enqueue_dma source(%dma_start3A_3520 : memref<320xi32, #tpu.memory_space<hbm>>) target(%arg5 : memref<320xi32, #tpu.memory_space<vmem>>) target_semaphore(%run_scoped3A : memref<!tpu.dma_semaphore, #tpu.memory_space<semaphore_mem>>)
      %dma_wait3A_3521 = tpu.memref_slice %arg3[%add3A_2101] : memref<100000xi32, #tpu.memory_space<hbm>> -> memref<320xi32, #tpu.memory_space<hbm>>
      %dma_wait3A_3522 = tpu.memref_slice %arg3[%add3A_2101] : memref<100000xi32, #tpu.memory_space<hbm>> -> memref<320xi32, #tpu.memory_space<hbm>>
      tpu.wait_dma2 semaphore(%run_scoped3A : memref<!tpu.dma_semaphore, #tpu.memory_space<semaphore_mem>>) src(%dma_wait3A_3522 : memref<320xi32, #tpu.memory_space<hbm>>) dst(%arg5 : memref<320xi32, #tpu.memory_space<vmem>>)
      tpu.yield
    }) : () -> ()
    %get3A_2102 = arith.constant 0 : index
    %get3A_2103 = tpu.vector_load %arg5[%get3A_2102] {strides = array<i32>} : memref<320xi32, #tpu.memory_space<vmem>>, vector<16xi32>,
    %get3A_2104 = vector.shape_cast %get3A_2103 : vector<16xi32> to vector<16xi32>
    %add3A_2105 = arith.addi %get3A_2104, %get3A_2104 : vector<16xi32>
    %ge3A_2106 = arith.constant 75000 : i32
    %ge3A_2107 = vector.broadcast %ge3A_2106 : i32 to vector<16xi32>
    %ge3A_2108 = arith.cmpi sge, %get3A_2104, %ge3A_2107 : vector<16xi32>
    %jit3A_2109 = arith.constant 149999 : i32
    %jit3A_2110 = arith.constant 0 : i32
    %broadcast_in_dim3A_2111 = vector.broadcast %jit3A_2109 : i32 to vector<16xi32>
    %broadcast_in_dim3A_2112 = vector.broadcast %jit3A_2110 : i32 to vector<16xi32>
    %select_n3A_2113 = arith.select %ge3A_2108, %broadcast_in_dim3A_2111, %broadcast_in_dim3A_2112 : vector<16xi1>, vector<16xi32>
    %sub3A_2114 = arith.subi %add3A_2105, %select_n3A_2113 : vector<16xi32>
    %swap3A_2115 = arith.constant 0 : index
    %swap3A_2116 = tpu.vector_load %arg5[%swap3A_2115] {strides = array<i32>} : memref<320xi32, #tpu.memory_space<vmem>>, vector<16xi32>,
    %swap3A_2117 = vector.shape_cast %swap3A_2116 : vector<16xi32> to vector<16xi32>
    %swap3A_2118 = vector.shape_cast %sub3A_2114 : vector<16xi32> to vector<16xi32>
    tpu.vector_store %arg5[%swap3A_2115], %swap3A_2118 {strides = array<i32>} : memref<320xi32, #tpu.memory_space<vmem>>, vector<16xi32>,
    %get3A_2119 = arith.constant 16 : index
    %get3A_2120 = tpu.vector_load %arg5[%get3A_2119] {strides = array<i32>} : memref<320xi32, #tpu.memory_space<vmem>>, vector<16xi32>,
    %get3A_2121 = vector.shape_cast %get3A_2120 : vector<16xi32> to vector<16xi32>
    %add3A_2122 = arith.addi %get3A_2121, %get3A_2121 : vector<16xi32>
    %ge3A_2123 = arith.constant 75000 : i32
    %ge3A_2124 = vector.broadcast %ge3A_2123 : i32 to vector<16xi32>
    %ge3A_2125 = arith.cmpi sge, %get3A_2121, %ge3A_2124 : vector<16xi32>
    %jit3A_2126 = arith.constant 149999 : i32
    %jit3A_2127 = arith.constant 0 : i32
    %broadcast_in_dim3A_2128 = vector.broadcast %jit3A_2126 : i32 to vector<16xi32>
    %broadcast_in_dim3A_2129 = vector.broadcast %jit3A_2127 : i32 to vector<16xi32>
    %select_n3A_2130 = arith.select %ge3A_2125, %broadcast_in_dim3A_2128, %broadcast_in_dim3A_2129 : vector<16xi1>, vector<16xi32>
    %sub3A_2131 = arith.subi %add3A_2122, %select_n3A_2130 : vector<16xi32>
    %swap3A_2132 = arith.constant 16 : index
    %swap3A_2133 = tpu.vector_load %arg5[%swap3A_2132] {strides = array<i32>} : memref<320xi32, #tpu.memory_space<vmem>>, vector<16xi32>,
    %swap3A_2134 = vector.shape_cast %swap3A_2133 : vector<16xi32> to vector<16xi32>
    %swap3A_2135 = vector.shape_cast %sub3A_2131 : vector<16xi32> to vector<16xi32>
    tpu.vector_store %arg5[%swap3A_2132], %swap3A_2135 {strides = array<i32>} : memref<320xi32, #tpu.memory_space<vmem>>, vector<16xi32>,
    %get3A_2136 = arith.constant 32 : index
    %get3A_2137 = tpu.vector_load %arg5[%get3A_2136] {strides = array<i32>} : memref<320xi32, #tpu.memory_space<vmem>>, vector<16xi32>,
    %get3A_2138 = vector.shape_cast %get3A_2137 : vector<16xi32> to vector<16xi32>
    %add3A_2139 = arith.addi %get3A_2138, %get3A_2138 : vector<16xi32>
    %ge3A_2140 = arith.constant 75000 : i32
    %ge3A_2141 = vector.broadcast %ge3A_2140 : i32 to vector<16xi32>
    %ge3A_2142 = arith.cmpi sge, %get3A_2138, %ge3A_2141 : vector<16xi32>
    %jit3A_2143 = arith.constant 149999 : i32
    %jit3A_2144 = arith.constant 0 : i32
    %broadcast_in_dim3A_2145 = vector.broadcast %jit3A_2143 : i32 to vector<16xi32>
    %broadcast_in_dim3A_2146 = vector.broadcast %jit3A_2144 : i32 to vector<16xi32>
    %select_n3A_2147 = arith.select %ge3A_2142, %broadcast_in_dim3A_2145, %broadcast_in_dim3A_2146 : vector<16xi1>, vector<16xi32>
    %sub3A_2148 = arith.subi %add3A_2139, %select_n3A_2147 : vector<16xi32>
    %swap3A_2149 = arith.constant 32 : index
    %swap3A_2150 = tpu.vector_load %arg5[%swap3A_2149] {strides = array<i32>} : memref<320xi32, #tpu.memory_space<vmem>>, vector<16xi32>,
    %swap3A_2151 = vector.shape_cast %swap3A_2150 : vector<16xi32> to vector<16xi32>
    %swap3A_2152 = vector.shape_cast %sub3A_2148 : vector<16xi32> to vector<16xi32>
    tpu.vector_store %arg5[%swap3A_2149], %swap3A_2152 {strides = array<i32>} : memref<320xi32, #tpu.memory_space<vmem>>, vector<16xi32>,
    %get3A_2153 = arith.constant 48 : index
    %get3A_2154 = tpu.vector_load %arg5[%get3A_2153] {strides = array<i32>} : memref<320xi32, #tpu.memory_space<vmem>>, vector<16xi32>,
    %get3A_2155 = vector.shape_cast %get3A_2154 : vector<16xi32> to vector<16xi32>
    %add3A_2156 = arith.addi %get3A_2155, %get3A_2155 : vector<16xi32>
    %ge3A_2157 = arith.constant 75000 : i32
    %ge3A_2158 = vector.broadcast %ge3A_2157 : i32 to vector<16xi32>
    %ge3A_2159 = arith.cmpi sge, %get3A_2155, %ge3A_2158 : vector<16xi32>
    %jit3A_2160 = arith.constant 149999 : i32
    %jit3A_2161 = arith.constant 0 : i32
    %broadcast_in_dim3A_2162 = vector.broadcast %jit3A_2160 : i32 to vector<16xi32>
    %broadcast_in_dim3A_2163 = vector.broadcast %jit3A_2161 : i32 to vector<16xi32>
    %select_n3A_2164 = arith.select %ge3A_2159, %broadcast_in_dim3A_2162, %broadcast_in_dim3A_2163 : vector<16xi1>, vector<16xi32>
    %sub3A_2165 = arith.subi %add3A_2156, %select_n3A_2164 : vector<16xi32>
    %swap3A_2166 = arith.constant 48 : index
    %swap3A_2167 = tpu.vector_load %arg5[%swap3A_2166] {strides = array<i32>} : memref<320xi32, #tpu.memory_space<vmem>>, vector<16xi32>,
    %swap3A_2168 = vector.shape_cast %swap3A_2167 : vector<16xi32> to vector<16xi32>
    %swap3A_2169 = vector.shape_cast %sub3A_2165 : vector<16xi32> to vector<16xi32>
    tpu.vector_store %arg5[%swap3A_2166], %swap3A_2169 {strides = array<i32>} : memref<320xi32, #tpu.memory_space<vmem>>, vector<16xi32>,
    %get3A_2170 = arith.constant 64 : index
    %get3A_2171 = tpu.vector_load %arg5[%get3A_2170] {strides = array<i32>} : memref<320xi32, #tpu.memory_space<vmem>>, vector<16xi32>,
    %get3A_2172 = vector.shape_cast %get3A_2171 : vector<16xi32> to vector<16xi32>
    %add3A_2173 = arith.addi %get3A_2172, %get3A_2172 : vector<16xi32>
    %ge3A_2174 = arith.constant 75000 : i32
    %ge3A_2175 = vector.broadcast %ge3A_2174 : i32 to vector<16xi32>
    %ge3A_2176 = arith.cmpi sge, %get3A_2172, %ge3A_2175 : vector<16xi32>
    %jit3A_2177 = arith.constant 149999 : i32
    %jit3A_2178 = arith.constant 0 : i32
    %broadcast_in_dim3A_2179 = vector.broadcast %jit3A_2177 : i32 to vector<16xi32>
    %broadcast_in_dim3A_2180 = vector.broadcast %jit3A_2178 : i32 to vector<16xi32>
    %select_n3A_2181 = arith.select %ge3A_2176, %broadcast_in_dim3A_2179, %broadcast_in_dim3A_2180 : vector<16xi1>, vector<16xi32>
    %sub3A_2182 = arith.subi %add3A_2173, %select_n3A_2181 : vector<16xi32>
    %swap3A_2183 = arith.constant 64 : index
    %swap3A_2184 = tpu.vector_load %arg5[%swap3A_2183] {strides = array<i32>} : memref<320xi32, #tpu.memory_space<vmem>>, vector<16xi32>,
    %swap3A_2185 = vector.shape_cast %swap3A_2184 : vector<16xi32> to vector<16xi32>
    %swap3A_2186 = vector.shape_cast %sub3A_2182 : vector<16xi32> to vector<16xi32>
    tpu.vector_store %arg5[%swap3A_2183], %swap3A_2186 {strides = array<i32>} : memref<320xi32, #tpu.memory_space<vmem>>, vector<16xi32>,
    %get3A_2187 = arith.constant 80 : index
    %get3A_2188 = tpu.vector_load %arg5[%get3A_2187] {strides = array<i32>} : memref<320xi32, #tpu.memory_space<vmem>>, vector<16xi32>,
    %get3A_2189 = vector.shape_cast %get3A_2188 : vector<16xi32> to vector<16xi32>
    %add3A_2190 = arith.addi %get3A_2189, %get3A_2189 : vector<16xi32>
    %ge3A_2191 = arith.constant 75000 : i32
    %ge3A_2192 = vector.broadcast %ge3A_2191 : i32 to vector<16xi32>
    %ge3A_2193 = arith.cmpi sge, %get3A_2189, %ge3A_2192 : vector<16xi32>
    %jit3A_2194 = arith.constant 149999 : i32
    %jit3A_2195 = arith.constant 0 : i32
    %broadcast_in_dim3A_2196 = vector.broadcast %jit3A_2194 : i32 to vector<16xi32>
    %broadcast_in_dim3A_2197 = vector.broadcast %jit3A_2195 : i32 to vector<16xi32>
    %select_n3A_2198 = arith.select %ge3A_2193, %broadcast_in_dim3A_2196, %broadcast_in_dim3A_2197 : vector<16xi1>, vector<16xi32>
    %sub3A_2199 = arith.subi %add3A_2190, %select_n3A_2198 : vector<16xi32>
    %swap3A_2200 = arith.constant 80 : index
    %swap3A_2201 = tpu.vector_load %arg5[%swap3A_2200] {strides = array<i32>} : memref<320xi32, #tpu.memory_space<vmem>>, vector<16xi32>,
    %swap3A_2202 = vector.shape_cast %swap3A_2201 : vector<16xi32> to vector<16xi32>
    %swap3A_2203 = vector.shape_cast %sub3A_2199 : vector<16xi32> to vector<16xi32>
    tpu.vector_store %arg5[%swap3A_2200], %swap3A_2203 {strides = array<i32>} : memref<320xi32, #tpu.memory_space<vmem>>, vector<16xi32>,
    %get3A_2204 = arith.constant 96 : index
    %get3A_2205 = tpu.vector_load %arg5[%get3A_2204] {strides = array<i32>} : memref<320xi32, #tpu.memory_space<vmem>>, vector<16xi32>,
    %get3A_2206 = vector.shape_cast %get3A_2205 : vector<16xi32> to vector<16xi32>
    %add3A_2207 = arith.addi %get3A_2206, %get3A_2206 : vector<16xi32>
    %ge3A_2208 = arith.constant 75000 : i32
    %ge3A_2209 = vector.broadcast %ge3A_2208 : i32 to vector<16xi32>
    %ge3A_2210 = arith.cmpi sge, %get3A_2206, %ge3A_2209 : vector<16xi32>
    %jit3A_2211 = arith.constant 149999 : i32
    %jit3A_2212 = arith.constant 0 : i32
    %broadcast_in_dim3A_2213 = vector.broadcast %jit3A_2211 : i32 to vector<16xi32>
    %broadcast_in_dim3A_2214 = vector.broadcast %jit3A_2212 : i32 to vector<16xi32>
    %select_n3A_2215 = arith.select %ge3A_2210, %broadcast_in_dim3A_2213, %broadcast_in_dim3A_2214 : vector<16xi1>, vector<16xi32>
    %sub3A_2216 = arith.subi %add3A_2207, %select_n3A_2215 : vector<16xi32>
    %swap3A_2217 = arith.constant 96 : index
    %swap3A_2218 = tpu.vector_load %arg5[%swap3A_2217] {strides = array<i32>} : memref<320xi32, #tpu.memory_space<vmem>>, vector<16xi32>,
    %swap3A_2219 = vector.shape_cast %swap3A_2218 : vector<16xi32> to vector<16xi32>
    %swap3A_2220 = vector.shape_cast %sub3A_2216 : vector<16xi32> to vector<16xi32>
    tpu.vector_store %arg5[%swap3A_2217], %swap3A_2220 {strides = array<i32>} : memref<320xi32, #tpu.memory_space<vmem>>, vector<16xi32>,
    %get3A_2221 = arith.constant 112 : index
    %get3A_2222 = tpu.vector_load %arg5[%get3A_2221] {strides = array<i32>} : memref<320xi32, #tpu.memory_space<vmem>>, vector<16xi32>,
    %get3A_2223 = vector.shape_cast %get3A_2222 : vector<16xi32> to vector<16xi32>
    %add3A_2224 = arith.addi %get3A_2223, %get3A_2223 : vector<16xi32>
    %ge3A_2225 = arith.constant 75000 : i32
    %ge3A_2226 = vector.broadcast %ge3A_2225 : i32 to vector<16xi32>
    %ge3A_2227 = arith.cmpi sge, %get3A_2223, %ge3A_2226 : vector<16xi32>
    %jit3A_2228 = arith.constant 149999 : i32
    %jit3A_2229 = arith.constant 0 : i32
    %broadcast_in_dim3A_2230 = vector.broadcast %jit3A_2228 : i32 to vector<16xi32>
    %broadcast_in_dim3A_2231 = vector.broadcast %jit3A_2229 : i32 to vector<16xi32>
    %select_n3A_2232 = arith.select %ge3A_2227, %broadcast_in_dim3A_2230, %broadcast_in_dim3A_2231 : vector<16xi1>, vector<16xi32>
    %sub3A_2233 = arith.subi %add3A_2224, %select_n3A_2232 : vector<16xi32>
    %swap3A_2234 = arith.constant 112 : index
    %swap3A_2235 = tpu.vector_load %arg5[%swap3A_2234] {strides = array<i32>} : memref<320xi32, #tpu.memory_space<vmem>>, vector<16xi32>,
    %swap3A_2236 = vector.shape_cast %swap3A_2235 : vector<16xi32> to vector<16xi32>
    %swap3A_2237 = vector.shape_cast %sub3A_2233 : vector<16xi32> to vector<16xi32>
    tpu.vector_store %arg5[%swap3A_2234], %swap3A_2237 {strides = array<i32>} : memref<320xi32, #tpu.memory_space<vmem>>, vector<16xi32>,
    %get3A_2238 = arith.constant 128 : index
    %get3A_2239 = tpu.vector_load %arg5[%get3A_2238] {strides = array<i32>} : memref<320xi32, #tpu.memory_space<vmem>>, vector<16xi32>,
    %get3A_2240 = vector.shape_cast %get3A_2239 : vector<16xi32> to vector<16xi32>
    %add3A_2241 = arith.addi %get3A_2240, %get3A_2240 : vector<16xi32>
    %ge3A_2242 = arith.constant 75000 : i32
    %ge3A_2243 = vector.broadcast %ge3A_2242 : i32 to vector<16xi32>
    %ge3A_2244 = arith.cmpi sge, %get3A_2240, %ge3A_2243 : vector<16xi32>
    %jit3A_2245 = arith.constant 149999 : i32
    %jit3A_2246 = arith.constant 0 : i32
    %broadcast_in_dim3A_2247 = vector.broadcast %jit3A_2245 : i32 to vector<16xi32>
    %broadcast_in_dim3A_2248 = vector.broadcast %jit3A_2246 : i32 to vector<16xi32>
    %select_n3A_2249 = arith.select %ge3A_2244, %broadcast_in_dim3A_2247, %broadcast_in_dim3A_2248 : vector<16xi1>, vector<16xi32>
    %sub3A_2250 = arith.subi %add3A_2241, %select_n3A_2249 : vector<16xi32>
    %swap3A_2251 = arith.constant 128 : index
    %swap3A_2252 = tpu.vector_load %arg5[%swap3A_2251] {strides = array<i32>} : memref<320xi32, #tpu.memory_space<vmem>>, vector<16xi32>,
    %swap3A_2253 = vector.shape_cast %swap3A_2252 : vector<16xi32> to vector<16xi32>
    %swap3A_2254 = vector.shape_cast %sub3A_2250 : vector<16xi32> to vector<16xi32>
    tpu.vector_store %arg5[%swap3A_2251], %swap3A_2254 {strides = array<i32>} : memref<320xi32, #tpu.memory_space<vmem>>, vector<16xi32>,
    %get3A_2255 = arith.constant 144 : index
    %get3A_2256 = tpu.vector_load %arg5[%get3A_2255] {strides = array<i32>} : memref<320xi32, #tpu.memory_space<vmem>>, vector<16xi32>,
    %get3A_2257 = vector.shape_cast %get3A_2256 : vector<16xi32> to vector<16xi32>
    %add3A_2258 = arith.addi %get3A_2257, %get3A_2257 : vector<16xi32>
    %ge3A_2259 = arith.constant 75000 : i32
    %ge3A_2260 = vector.broadcast %ge3A_2259 : i32 to vector<16xi32>
    %ge3A_2261 = arith.cmpi sge, %get3A_2257, %ge3A_2260 : vector<16xi32>
    %jit3A_2262 = arith.constant 149999 : i32
    %jit3A_2263 = arith.constant 0 : i32
    %broadcast_in_dim3A_2264 = vector.broadcast %jit3A_2262 : i32 to vector<16xi32>
    %broadcast_in_dim3A_2265 = vector.broadcast %jit3A_2263 : i32 to vector<16xi32>
    %select_n3A_2266 = arith.select %ge3A_2261, %broadcast_in_dim3A_2264, %broadcast_in_dim3A_2265 : vector<16xi1>, vector<16xi32>
    %sub3A_2267 = arith.subi %add3A_2258, %select_n3A_2266 : vector<16xi32>
    %swap3A_2268 = arith.constant 144 : index
    %swap3A_2269 = tpu.vector_load %arg5[%swap3A_2268] {strides = array<i32>} : memref<320xi32, #tpu.memory_space<vmem>>, vector<16xi32>,
    %swap3A_2270 = vector.shape_cast %swap3A_2269 : vector<16xi32> to vector<16xi32>
    %swap3A_2271 = vector.shape_cast %sub3A_2267 : vector<16xi32> to vector<16xi32>
    tpu.vector_store %arg5[%swap3A_2268], %swap3A_2271 {strides = array<i32>} : memref<320xi32, #tpu.memory_space<vmem>>, vector<16xi32>,
    %get3A_2272 = arith.constant 160 : index
    %get3A_2273 = tpu.vector_load %arg5[%get3A_2272] {strides = array<i32>} : memref<320xi32, #tpu.memory_space<vmem>>, vector<16xi32>,
    %get3A_2274 = vector.shape_cast %get3A_2273 : vector<16xi32> to vector<16xi32>
    %add3A_2275 = arith.addi %get3A_2274, %get3A_2274 : vector<16xi32>
    %ge3A_2276 = arith.constant 75000 : i32
    %ge3A_2277 = vector.broadcast %ge3A_2276 : i32 to vector<16xi32>
    %ge3A_2278 = arith.cmpi sge, %get3A_2274, %ge3A_2277 : vector<16xi32>
    %jit3A_2279 = arith.constant 149999 : i32
    %jit3A_2280 = arith.constant 0 : i32
    %broadcast_in_dim3A_2281 = vector.broadcast %jit3A_2279 : i32 to vector<16xi32>
    %broadcast_in_dim3A_2282 = vector.broadcast %jit3A_2280 : i32 to vector<16xi32>
    %select_n3A_2283 = arith.select %ge3A_2278, %broadcast_in_dim3A_2281, %broadcast_in_dim3A_2282 : vector<16xi1>, vector<16xi32>
    %sub3A_2284 = arith.subi %add3A_2275, %select_n3A_2283 : vector<16xi32>
    %swap3A_2285 = arith.constant 160 : index
    %swap3A_2286 = tpu.vector_load %arg5[%swap3A_2285] {strides = array<i32>} : memref<320xi32, #tpu.memory_space<vmem>>, vector<16xi32>,
    %swap3A_2287 = vector.shape_cast %swap3A_2286 : vector<16xi32> to vector<16xi32>
    %swap3A_2288 = vector.shape_cast %sub3A_2284 : vector<16xi32> to vector<16xi32>
    tpu.vector_store %arg5[%swap3A_2285], %swap3A_2288 {strides = array<i32>} : memref<320xi32, #tpu.memory_space<vmem>>, vector<16xi32>,
    %get3A_2289 = arith.constant 176 : index
    %get3A_2290 = tpu.vector_load %arg5[%get3A_2289] {strides = array<i32>} : memref<320xi32, #tpu.memory_space<vmem>>, vector<16xi32>,
    %get3A_2291 = vector.shape_cast %get3A_2290 : vector<16xi32> to vector<16xi32>
    %add3A_2292 = arith.addi %get3A_2291, %get3A_2291 : vector<16xi32>
    %ge3A_2293 = arith.constant 75000 : i32
    %ge3A_2294 = vector.broadcast %ge3A_2293 : i32 to vector<16xi32>
    %ge3A_2295 = arith.cmpi sge, %get3A_2291, %ge3A_2294 : vector<16xi32>
    %jit3A_2296 = arith.constant 149999 : i32
    %jit3A_2297 = arith.constant 0 : i32
    %broadcast_in_dim3A_2298 = vector.broadcast %jit3A_2296 : i32 to vector<16xi32>
    %broadcast_in_dim3A_2299 = vector.broadcast %jit3A_2297 : i32 to vector<16xi32>
    %select_n3A_2300 = arith.select %ge3A_2295, %broadcast_in_dim3A_2298, %broadcast_in_dim3A_2299 : vector<16xi1>, vector<16xi32>
    %sub3A_2301 = arith.subi %add3A_2292, %select_n3A_2300 : vector<16xi32>
    %swap3A_2302 = arith.constant 176 : index
    %swap3A_2303 = tpu.vector_load %arg5[%swap3A_2302] {strides = array<i32>} : memref<320xi32, #tpu.memory_space<vmem>>, vector<16xi32>,
    %swap3A_2304 = vector.shape_cast %swap3A_2303 : vector<16xi32> to vector<16xi32>
    %swap3A_2305 = vector.shape_cast %sub3A_2301 : vector<16xi32> to vector<16xi32>
    tpu.vector_store %arg5[%swap3A_2302], %swap3A_2305 {strides = array<i32>} : memref<320xi32, #tpu.memory_space<vmem>>, vector<16xi32>,
    %get3A_2306 = arith.constant 192 : index
    %get3A_2307 = tpu.vector_load %arg5[%get3A_2306] {strides = array<i32>} : memref<320xi32, #tpu.memory_space<vmem>>, vector<16xi32>,
    %get3A_2308 = vector.shape_cast %get3A_2307 : vector<16xi32> to vector<16xi32>
    %add3A_2309 = arith.addi %get3A_2308, %get3A_2308 : vector<16xi32>
    %ge3A_2310 = arith.constant 75000 : i32
    %ge3A_2311 = vector.broadcast %ge3A_2310 : i32 to vector<16xi32>
    %ge3A_2312 = arith.cmpi sge, %get3A_2308, %ge3A_2311 : vector<16xi32>
    %jit3A_2313 = arith.constant 149999 : i32
    %jit3A_2314 = arith.constant 0 : i32
    %broadcast_in_dim3A_2315 = vector.broadcast %jit3A_2313 : i32 to vector<16xi32>
    %broadcast_in_dim3A_2316 = vector.broadcast %jit3A_2314 : i32 to vector<16xi32>
    %select_n3A_2317 = arith.select %ge3A_2312, %broadcast_in_dim3A_2315, %broadcast_in_dim3A_2316 : vector<16xi1>, vector<16xi32>
    %sub3A_2318 = arith.subi %add3A_2309, %select_n3A_2317 : vector<16xi32>
    %swap3A_2319 = arith.constant 192 : index
    %swap3A_2320 = tpu.vector_load %arg5[%swap3A_2319] {strides = array<i32>} : memref<320xi32, #tpu.memory_space<vmem>>, vector<16xi32>,
    %swap3A_2321 = vector.shape_cast %swap3A_2320 : vector<16xi32> to vector<16xi32>
    %swap3A_2322 = vector.shape_cast %sub3A_2318 : vector<16xi32> to vector<16xi32>
    tpu.vector_store %arg5[%swap3A_2319], %swap3A_2322 {strides = array<i32>} : memref<320xi32, #tpu.memory_space<vmem>>, vector<16xi32>,
    %get3A_2323 = arith.constant 208 : index
    %get3A_2324 = tpu.vector_load %arg5[%get3A_2323] {strides = array<i32>} : memref<320xi32, #tpu.memory_space<vmem>>, vector<16xi32>,
    %get3A_2325 = vector.shape_cast %get3A_2324 : vector<16xi32> to vector<16xi32>
    %add3A_2326 = arith.addi %get3A_2325, %get3A_2325 : vector<16xi32>
    %ge3A_2327 = arith.constant 75000 : i32
    %ge3A_2328 = vector.broadcast %ge3A_2327 : i32 to vector<16xi32>
    %ge3A_2329 = arith.cmpi sge, %get3A_2325, %ge3A_2328 : vector<16xi32>
    %jit3A_2330 = arith.constant 149999 : i32
    %jit3A_2331 = arith.constant 0 : i32
    %broadcast_in_dim3A_2332 = vector.broadcast %jit3A_2330 : i32 to vector<16xi32>
    %broadcast_in_dim3A_2333 = vector.broadcast %jit3A_2331 : i32 to vector<16xi32>
    %select_n3A_2334 = arith.select %ge3A_2329, %broadcast_in_dim3A_2332, %broadcast_in_dim3A_2333 : vector<16xi1>, vector<16xi32>
    %sub3A_2335 = arith.subi %add3A_2326, %select_n3A_2334 : vector<16xi32>
    %swap3A_2336 = arith.constant 208 : index
    %swap3A_2337 = tpu.vector_load %arg5[%swap3A_2336] {strides = array<i32>} : memref<320xi32, #tpu.memory_space<vmem>>, vector<16xi32>,
    %swap3A_2338 = vector.shape_cast %swap3A_2337 : vector<16xi32> to vector<16xi32>
    %swap3A_2339 = vector.shape_cast %sub3A_2335 : vector<16xi32> to vector<16xi32>
    tpu.vector_store %arg5[%swap3A_2336], %swap3A_2339 {strides = array<i32>} : memref<320xi32, #tpu.memory_space<vmem>>, vector<16xi32>,
    %get3A_2340 = arith.constant 224 : index
    %get3A_2341 = tpu.vector_load %arg5[%get3A_2340] {strides = array<i32>} : memref<320xi32, #tpu.memory_space<vmem>>, vector<16xi32>,
    %get3A_2342 = vector.shape_cast %get3A_2341 : vector<16xi32> to vector<16xi32>
    %add3A_2343 = arith.addi %get3A_2342, %get3A_2342 : vector<16xi32>
    %ge3A_2344 = arith.constant 75000 : i32
    %ge3A_2345 = vector.broadcast %ge3A_2344 : i32 to vector<16xi32>
    %ge3A_2346 = arith.cmpi sge, %get3A_2342, %ge3A_2345 : vector<16xi32>
    %jit3A_2347 = arith.constant 149999 : i32
    %jit3A_2348 = arith.constant 0 : i32
    %broadcast_in_dim3A_2349 = vector.broadcast %jit3A_2347 : i32 to vector<16xi32>
    %broadcast_in_dim3A_2350 = vector.broadcast %jit3A_2348 : i32 to vector<16xi32>
    %select_n3A_2351 = arith.select %ge3A_2346, %broadcast_in_dim3A_2349, %broadcast_in_dim3A_2350 : vector<16xi1>, vector<16xi32>
    %sub3A_2352 = arith.subi %add3A_2343, %select_n3A_2351 : vector<16xi32>
    %swap3A_2353 = arith.constant 224 : index
    %swap3A_2354 = tpu.vector_load %arg5[%swap3A_2353] {strides = array<i32>} : memref<320xi32, #tpu.memory_space<vmem>>, vector<16xi32>,
    %swap3A_2355 = vector.shape_cast %swap3A_2354 : vector<16xi32> to vector<16xi32>
    %swap3A_2356 = vector.shape_cast %sub3A_2352 : vector<16xi32> to vector<16xi32>
    tpu.vector_store %arg5[%swap3A_2353], %swap3A_2356 {strides = array<i32>} : memref<320xi32, #tpu.memory_space<vmem>>, vector<16xi32>,
    %get3A_2357 = arith.constant 240 : index
    %get3A_2358 = tpu.vector_load %arg5[%get3A_2357] {strides = array<i32>} : memref<320xi32, #tpu.memory_space<vmem>>, vector<16xi32>,
    %get3A_2359 = vector.shape_cast %get3A_2358 : vector<16xi32> to vector<16xi32>
    %add3A_2360 = arith.addi %get3A_2359, %get3A_2359 : vector<16xi32>
    %ge3A_2361 = arith.constant 75000 : i32
    %ge3A_2362 = vector.broadcast %ge3A_2361 : i32 to vector<16xi32>
    %ge3A_2363 = arith.cmpi sge, %get3A_2359, %ge3A_2362 : vector<16xi32>
    %jit3A_2364 = arith.constant 149999 : i32
    %jit3A_2365 = arith.constant 0 : i32
    %broadcast_in_dim3A_2366 = vector.broadcast %jit3A_2364 : i32 to vector<16xi32>
    %broadcast_in_dim3A_2367 = vector.broadcast %jit3A_2365 : i32 to vector<16xi32>
    %select_n3A_2368 = arith.select %ge3A_2363, %broadcast_in_dim3A_2366, %broadcast_in_dim3A_2367 : vector<16xi1>, vector<16xi32>
    %sub3A_2369 = arith.subi %add3A_2360, %select_n3A_2368 : vector<16xi32>
    %swap3A_2370 = arith.constant 240 : index
    %swap3A_2371 = tpu.vector_load %arg5[%swap3A_2370] {strides = array<i32>} : memref<320xi32, #tpu.memory_space<vmem>>, vector<16xi32>,
    %swap3A_2372 = vector.shape_cast %swap3A_2371 : vector<16xi32> to vector<16xi32>
    %swap3A_2373 = vector.shape_cast %sub3A_2369 : vector<16xi32> to vector<16xi32>
    tpu.vector_store %arg5[%swap3A_2370], %swap3A_2373 {strides = array<i32>} : memref<320xi32, #tpu.memory_space<vmem>>, vector<16xi32>,
    %get3A_2374 = arith.constant 256 : index
    %get3A_2375 = tpu.vector_load %arg5[%get3A_2374] {strides = array<i32>} : memref<320xi32, #tpu.memory_space<vmem>>, vector<16xi32>,
    %get3A_2376 = vector.shape_cast %get3A_2375 : vector<16xi32> to vector<16xi32>
    %add3A_2377 = arith.addi %get3A_2376, %get3A_2376 : vector<16xi32>
    %ge3A_2378 = arith.constant 75000 : i32
    %ge3A_2379 = vector.broadcast %ge3A_2378 : i32 to vector<16xi32>
    %ge3A_2380 = arith.cmpi sge, %get3A_2376, %ge3A_2379 : vector<16xi32>
    %jit3A_2381 = arith.constant 149999 : i32
    %jit3A_2382 = arith.constant 0 : i32
    %broadcast_in_dim3A_2383 = vector.broadcast %jit3A_2381 : i32 to vector<16xi32>
    %broadcast_in_dim3A_2384 = vector.broadcast %jit3A_2382 : i32 to vector<16xi32>
    %select_n3A_2385 = arith.select %ge3A_2380, %broadcast_in_dim3A_2383, %broadcast_in_dim3A_2384 : vector<16xi1>, vector<16xi32>
    %sub3A_2386 = arith.subi %add3A_2377, %select_n3A_2385 : vector<16xi32>
    %swap3A_2387 = arith.constant 256 : index
    %swap3A_2388 = tpu.vector_load %arg5[%swap3A_2387] {strides = array<i32>} : memref<320xi32, #tpu.memory_space<vmem>>, vector<16xi32>,
    %swap3A_2389 = vector.shape_cast %swap3A_2388 : vector<16xi32> to vector<16xi32>
    %swap3A_2390 = vector.shape_cast %sub3A_2386 : vector<16xi32> to vector<16xi32>
    tpu.vector_store %arg5[%swap3A_2387], %swap3A_2390 {strides = array<i32>} : memref<320xi32, #tpu.memory_space<vmem>>, vector<16xi32>,
    %get3A_2391 = arith.constant 272 : index
    %get3A_2392 = tpu.vector_load %arg5[%get3A_2391] {strides = array<i32>} : memref<320xi32, #tpu.memory_space<vmem>>, vector<16xi32>,
    %get3A_2393 = vector.shape_cast %get3A_2392 : vector<16xi32> to vector<16xi32>
    %add3A_2394 = arith.addi %get3A_2393, %get3A_2393 : vector<16xi32>
    %ge3A_2395 = arith.constant 75000 : i32
    %ge3A_2396 = vector.broadcast %ge3A_2395 : i32 to vector<16xi32>
    %ge3A_2397 = arith.cmpi sge, %get3A_2393, %ge3A_2396 : vector<16xi32>
    %jit3A_2398 = arith.constant 149999 : i32
    %jit3A_2399 = arith.constant 0 : i32
    %broadcast_in_dim3A_2400 = vector.broadcast %jit3A_2398 : i32 to vector<16xi32>
    %broadcast_in_dim3A_2401 = vector.broadcast %jit3A_2399 : i32 to vector<16xi32>
    %select_n3A_2402 = arith.select %ge3A_2397, %broadcast_in_dim3A_2400, %broadcast_in_dim3A_2401 : vector<16xi1>, vector<16xi32>
    %sub3A_2403 = arith.subi %add3A_2394, %select_n3A_2402 : vector<16xi32>
    %swap3A_2404 = arith.constant 272 : index
    %swap3A_2405 = tpu.vector_load %arg5[%swap3A_2404] {strides = array<i32>} : memref<320xi32, #tpu.memory_space<vmem>>, vector<16xi32>,
    %swap3A_2406 = vector.shape_cast %swap3A_2405 : vector<16xi32> to vector<16xi32>
    %swap3A_2407 = vector.shape_cast %sub3A_2403 : vector<16xi32> to vector<16xi32>
    tpu.vector_store %arg5[%swap3A_2404], %swap3A_2407 {strides = array<i32>} : memref<320xi32, #tpu.memory_space<vmem>>, vector<16xi32>,
    %get3A_2408 = arith.constant 288 : index
    %get3A_2409 = tpu.vector_load %arg5[%get3A_2408] {strides = array<i32>} : memref<320xi32, #tpu.memory_space<vmem>>, vector<16xi32>,
    %get3A_2410 = vector.shape_cast %get3A_2409 : vector<16xi32> to vector<16xi32>
    %add3A_2411 = arith.addi %get3A_2410, %get3A_2410 : vector<16xi32>
    %ge3A_2412 = arith.constant 75000 : i32
    %ge3A_2413 = vector.broadcast %ge3A_2412 : i32 to vector<16xi32>
    %ge3A_2414 = arith.cmpi sge, %get3A_2410, %ge3A_2413 : vector<16xi32>
    %jit3A_2415 = arith.constant 149999 : i32
    %jit3A_2416 = arith.constant 0 : i32
    %broadcast_in_dim3A_2417 = vector.broadcast %jit3A_2415 : i32 to vector<16xi32>
    %broadcast_in_dim3A_2418 = vector.broadcast %jit3A_2416 : i32 to vector<16xi32>
    %select_n3A_2419 = arith.select %ge3A_2414, %broadcast_in_dim3A_2417, %broadcast_in_dim3A_2418 : vector<16xi1>, vector<16xi32>
    %sub3A_2420 = arith.subi %add3A_2411, %select_n3A_2419 : vector<16xi32>
    %swap3A_2421 = arith.constant 288 : index
    %swap3A_2422 = tpu.vector_load %arg5[%swap3A_2421] {strides = array<i32>} : memref<320xi32, #tpu.memory_space<vmem>>, vector<16xi32>,
    %swap3A_2423 = vector.shape_cast %swap3A_2422 : vector<16xi32> to vector<16xi32>
    %swap3A_2424 = vector.shape_cast %sub3A_2420 : vector<16xi32> to vector<16xi32>
    tpu.vector_store %arg5[%swap3A_2421], %swap3A_2424 {strides = array<i32>} : memref<320xi32, #tpu.memory_space<vmem>>, vector<16xi32>,
    %get3A_2425 = arith.constant 304 : index
    %get3A_2426 = tpu.vector_load %arg5[%get3A_2425] {strides = array<i32>} : memref<320xi32, #tpu.memory_space<vmem>>, vector<16xi32>,
    %get3A_2427 = vector.shape_cast %get3A_2426 : vector<16xi32> to vector<16xi32>
    %add3A_2428 = arith.addi %get3A_2427, %get3A_2427 : vector<16xi32>
    %ge3A_2429 = arith.constant 75000 : i32
    %ge3A_2430 = vector.broadcast %ge3A_2429 : i32 to vector<16xi32>
    %ge3A_2431 = arith.cmpi sge, %get3A_2427, %ge3A_2430 : vector<16xi32>
    %jit3A_2432 = arith.constant 149999 : i32
    %jit3A_2433 = arith.constant 0 : i32
    %broadcast_in_dim3A_2434 = vector.broadcast %jit3A_2432 : i32 to vector<16xi32>
    %broadcast_in_dim3A_2435 = vector.broadcast %jit3A_2433 : i32 to vector<16xi32>
    %select_n3A_2436 = arith.select %ge3A_2431, %broadcast_in_dim3A_2434, %broadcast_in_dim3A_2435 : vector<16xi1>, vector<16xi32>
    %sub3A_2437 = arith.subi %add3A_2428, %select_n3A_2436 : vector<16xi32>
    %swap3A_2438 = arith.constant 304 : index
    %swap3A_2439 = tpu.vector_load %arg5[%swap3A_2438] {strides = array<i32>} : memref<320xi32, #tpu.memory_space<vmem>>, vector<16xi32>,
    %swap3A_2440 = vector.shape_cast %swap3A_2439 : vector<16xi32> to vector<16xi32>
    %swap3A_2441 = vector.shape_cast %sub3A_2437 : vector<16xi32> to vector<16xi32>
    tpu.vector_store %arg5[%swap3A_2438], %swap3A_2441 {strides = array<i32>} : memref<320xi32, #tpu.memory_space<vmem>>, vector<16xi32>,
    %dma_start3A_2442 = arith.constant 0 : i32
    %dma_start3A_2443 = arith.constant 0 : i32
    %dma_start3A_2444 = tpu.memref_slice %arg2[%dma_start3A_2442, %dma_start3A_2443] : memref<150000x64xf32, #tpu.memory_space<hbm>> -> memref<150000x64xf32, #tpu.memory_space<hbm>>
    tpu.enqueue_indirect_dma source(%dma_start3A_2444 : memref<150000x64xf32, #tpu.memory_space<hbm>>) target(%arg8 : memref<320x64xf32, #tpu.memory_space<vmem>>) offsets(%arg5 : memref<320xi32, #tpu.memory_space<vmem>>) semaphore(%arg11 : memref<!tpu.dma_semaphore, #tpu.memory_space<semaphore_mem>>)
    %dma_wait3A_2445 = arith.constant 0 : i32
    %dma_wait3A_2446 = arith.constant 0 : i32
    %dma_wait3A_2447 = tpu.memref_slice %arg2[%dma_wait3A_2445, %dma_wait3A_2446] : memref<150000x64xf32, #tpu.memory_space<hbm>> -> memref<150000x64xf32, #tpu.memory_space<hbm>>
    tpu.wait_indirect_dma semaphore(%arg12 : memref<!tpu.dma_semaphore, #tpu.memory_space<semaphore_mem>>) src(%dma_wait3A_2447 : memref<150000x64xf32, #tpu.memory_space<hbm>>) dst(%arg9 : memref<320x64xf32, #tpu.memory_space<vmem>>)
    %min3A_2448 = arith.constant 1280 : i32
    %min3A_2449 = arith.minsi %min3A_2448, %sub3A_5 : i32
    %add3A_2450 = arith.addi %mul3A_2, %min3A_2449 : i32
    "tpu.region"() ({
      %run_scoped3A = tpu.sem_alloc : memref<!tpu.dma_semaphore, #tpu.memory_space<semaphore_mem>>
      %dma_start3A_3519 = arith.constant 0 : i32
      %dma_start3A_3520 = tpu.memref_slice %arg4[%add3A_2450, %dma_start3A_3519] : memref<100000x128xf32, #tpu.memory_space<hbm>> -> memref<320x64xf32, #tpu.memory_space<hbm>>
      %dma_start3A_3521 = arith.constant 0 : i32
      %dma_start3A_3522 = tpu.memref_slice %arg4[%add3A_2450, %dma_start3A_3521] : memref<100000x128xf32, #tpu.memory_space<hbm>> -> memref<320x64xf32, #tpu.memory_space<hbm>>
      tpu.enqueue_dma source(%arg9 : memref<320x64xf32, #tpu.memory_space<vmem>>) target(%dma_start3A_3522 : memref<320x64xf32, #tpu.memory_space<hbm>>) target_semaphore(%run_scoped3A : memref<!tpu.dma_semaphore, #tpu.memory_space<semaphore_mem>>)
      %dma_wait3A_3523 = arith.constant 0 : i32
      %dma_wait3A_3524 = tpu.memref_slice %arg4[%add3A_2450, %dma_wait3A_3523] : memref<100000x128xf32, #tpu.memory_space<hbm>> -> memref<320x64xf32, #tpu.memory_space<hbm>>
      %dma_wait3A_3525 = arith.constant 0 : i32
      %dma_wait3A_3526 = tpu.memref_slice %arg4[%add3A_2450, %dma_wait3A_3525] : memref<100000x128xf32, #tpu.memory_space<hbm>> -> memref<320x64xf32, #tpu.memory_space<hbm>>
      tpu.wait_dma2 semaphore(%run_scoped3A : memref<!tpu.dma_semaphore, #tpu.memory_space<semaphore_mem>>) src(%arg9 : memref<320x64xf32, #tpu.memory_space<vmem>>) dst(%dma_wait3A_3526 : memref<320x64xf32, #tpu.memory_space<hbm>>)
      tpu.yield
    }) : () -> ()
    %min3A_2451 = arith.constant 2240 : i32
    %min3A_2452 = arith.minsi %min3A_2451, %sub3A_5 : i32
    %add3A_2453 = arith.addi %mul3A_2, %min3A_2452 : i32
    "tpu.region"() ({
      %run_scoped3A = tpu.sem_alloc : memref<!tpu.dma_semaphore, #tpu.memory_space<semaphore_mem>>
      %dma_start3A_3519 = tpu.memref_slice %arg3[%add3A_2453] : memref<100000xi32, #tpu.memory_space<hbm>> -> memref<320xi32, #tpu.memory_space<hbm>>
      %dma_start3A_3520 = tpu.memref_slice %arg3[%add3A_2453] : memref<100000xi32, #tpu.memory_space<hbm>> -> memref<320xi32, #tpu.memory_space<hbm>>
      tpu.enqueue_dma source(%dma_start3A_3520 : memref<320xi32, #tpu.memory_space<hbm>>) target(%arg6 : memref<320xi32, #tpu.memory_space<vmem>>) target_semaphore(%run_scoped3A : memref<!tpu.dma_semaphore, #tpu.memory_space<semaphore_mem>>)
      %dma_wait3A_3521 = tpu.memref_slice %arg3[%add3A_2453] : memref<100000xi32, #tpu.memory_space<hbm>> -> memref<320xi32, #tpu.memory_space<hbm>>
      %dma_wait3A_3522 = tpu.memref_slice %arg3[%add3A_2453] : memref<100000xi32, #tpu.memory_space<hbm>> -> memref<320xi32, #tpu.memory_space<hbm>>
      tpu.wait_dma2 semaphore(%run_scoped3A : memref<!tpu.dma_semaphore, #tpu.memory_space<semaphore_mem>>) src(%dma_wait3A_3522 : memref<320xi32, #tpu.memory_space<hbm>>) dst(%arg6 : memref<320xi32, #tpu.memory_space<vmem>>)
      tpu.yield
    }) : () -> ()
    %get3A_2454 = arith.constant 0 : index
    %get3A_2455 = tpu.vector_load %arg6[%get3A_2454] {strides = array<i32>} : memref<320xi32, #tpu.memory_space<vmem>>, vector<16xi32>,
    %get3A_2456 = vector.shape_cast %get3A_2455 : vector<16xi32> to vector<16xi32>
    %add3A_2457 = arith.addi %get3A_2456, %get3A_2456 : vector<16xi32>
    %ge3A_2458 = arith.constant 75000 : i32
    %ge3A_2459 = vector.broadcast %ge3A_2458 : i32 to vector<16xi32>
    %ge3A_2460 = arith.cmpi sge, %get3A_2456, %ge3A_2459 : vector<16xi32>
    %jit3A_2461 = arith.constant 149999 : i32
    %jit3A_2462 = arith.constant 0 : i32
    %broadcast_in_dim3A_2463 = vector.broadcast %jit3A_2461 : i32 to vector<16xi32>
    %broadcast_in_dim3A_2464 = vector.broadcast %jit3A_2462 : i32 to vector<16xi32>
    %select_n3A_2465 = arith.select %ge3A_2460, %broadcast_in_dim3A_2463, %broadcast_in_dim3A_2464 : vector<16xi1>, vector<16xi32>
    %sub3A_2466 = arith.subi %add3A_2457, %select_n3A_2465 : vector<16xi32>
    %swap3A_2467 = arith.constant 0 : index
    %swap3A_2468 = tpu.vector_load %arg6[%swap3A_2467] {strides = array<i32>} : memref<320xi32, #tpu.memory_space<vmem>>, vector<16xi32>,
    %swap3A_2469 = vector.shape_cast %swap3A_2468 : vector<16xi32> to vector<16xi32>
    %swap3A_2470 = vector.shape_cast %sub3A_2466 : vector<16xi32> to vector<16xi32>
    tpu.vector_store %arg6[%swap3A_2467], %swap3A_2470 {strides = array<i32>} : memref<320xi32, #tpu.memory_space<vmem>>, vector<16xi32>,
    %get3A_2471 = arith.constant 16 : index
    %get3A_2472 = tpu.vector_load %arg6[%get3A_2471] {strides = array<i32>} : memref<320xi32, #tpu.memory_space<vmem>>, vector<16xi32>,
    %get3A_2473 = vector.shape_cast %get3A_2472 : vector<16xi32> to vector<16xi32>
    %add3A_2474 = arith.addi %get3A_2473, %get3A_2473 : vector<16xi32>
    %ge3A_2475 = arith.constant 75000 : i32
    %ge3A_2476 = vector.broadcast %ge3A_2475 : i32 to vector<16xi32>
    %ge3A_2477 = arith.cmpi sge, %get3A_2473, %ge3A_2476 : vector<16xi32>
    %jit3A_2478 = arith.constant 149999 : i32
    %jit3A_2479 = arith.constant 0 : i32
    %broadcast_in_dim3A_2480 = vector.broadcast %jit3A_2478 : i32 to vector<16xi32>
    %broadcast_in_dim3A_2481 = vector.broadcast %jit3A_2479 : i32 to vector<16xi32>
    %select_n3A_2482 = arith.select %ge3A_2477, %broadcast_in_dim3A_2480, %broadcast_in_dim3A_2481 : vector<16xi1>, vector<16xi32>
    %sub3A_2483 = arith.subi %add3A_2474, %select_n3A_2482 : vector<16xi32>
    %swap3A_2484 = arith.constant 16 : index
    %swap3A_2485 = tpu.vector_load %arg6[%swap3A_2484] {strides = array<i32>} : memref<320xi32, #tpu.memory_space<vmem>>, vector<16xi32>,
    %swap3A_2486 = vector.shape_cast %swap3A_2485 : vector<16xi32> to vector<16xi32>
    %swap3A_2487 = vector.shape_cast %sub3A_2483 : vector<16xi32> to vector<16xi32>
    tpu.vector_store %arg6[%swap3A_2484], %swap3A_2487 {strides = array<i32>} : memref<320xi32, #tpu.memory_space<vmem>>, vector<16xi32>,
    %get3A_2488 = arith.constant 32 : index
    %get3A_2489 = tpu.vector_load %arg6[%get3A_2488] {strides = array<i32>} : memref<320xi32, #tpu.memory_space<vmem>>, vector<16xi32>,
    %get3A_2490 = vector.shape_cast %get3A_2489 : vector<16xi32> to vector<16xi32>
    %add3A_2491 = arith.addi %get3A_2490, %get3A_2490 : vector<16xi32>
    %ge3A_2492 = arith.constant 75000 : i32
    %ge3A_2493 = vector.broadcast %ge3A_2492 : i32 to vector<16xi32>
    %ge3A_2494 = arith.cmpi sge, %get3A_2490, %ge3A_2493 : vector<16xi32>
    %jit3A_2495 = arith.constant 149999 : i32
    %jit3A_2496 = arith.constant 0 : i32
    %broadcast_in_dim3A_2497 = vector.broadcast %jit3A_2495 : i32 to vector<16xi32>
    %broadcast_in_dim3A_2498 = vector.broadcast %jit3A_2496 : i32 to vector<16xi32>
    %select_n3A_2499 = arith.select %ge3A_2494, %broadcast_in_dim3A_2497, %broadcast_in_dim3A_2498 : vector<16xi1>, vector<16xi32>
    %sub3A_2500 = arith.subi %add3A_2491, %select_n3A_2499 : vector<16xi32>
    %swap3A_2501 = arith.constant 32 : index
    %swap3A_2502 = tpu.vector_load %arg6[%swap3A_2501] {strides = array<i32>} : memref<320xi32, #tpu.memory_space<vmem>>, vector<16xi32>,
    %swap3A_2503 = vector.shape_cast %swap3A_2502 : vector<16xi32> to vector<16xi32>
    %swap3A_2504 = vector.shape_cast %sub3A_2500 : vector<16xi32> to vector<16xi32>
    tpu.vector_store %arg6[%swap3A_2501], %swap3A_2504 {strides = array<i32>} : memref<320xi32, #tpu.memory_space<vmem>>, vector<16xi32>,
    %get3A_2505 = arith.constant 48 : index
    %get3A_2506 = tpu.vector_load %arg6[%get3A_2505] {strides = array<i32>} : memref<320xi32, #tpu.memory_space<vmem>>, vector<16xi32>,
    %get3A_2507 = vector.shape_cast %get3A_2506 : vector<16xi32> to vector<16xi32>
    %add3A_2508 = arith.addi %get3A_2507, %get3A_2507 : vector<16xi32>
    %ge3A_2509 = arith.constant 75000 : i32
    %ge3A_2510 = vector.broadcast %ge3A_2509 : i32 to vector<16xi32>
    %ge3A_2511 = arith.cmpi sge, %get3A_2507, %ge3A_2510 : vector<16xi32>
    %jit3A_2512 = arith.constant 149999 : i32
    %jit3A_2513 = arith.constant 0 : i32
    %broadcast_in_dim3A_2514 = vector.broadcast %jit3A_2512 : i32 to vector<16xi32>
    %broadcast_in_dim3A_2515 = vector.broadcast %jit3A_2513 : i32 to vector<16xi32>
    %select_n3A_2516 = arith.select %ge3A_2511, %broadcast_in_dim3A_2514, %broadcast_in_dim3A_2515 : vector<16xi1>, vector<16xi32>
    %sub3A_2517 = arith.subi %add3A_2508, %select_n3A_2516 : vector<16xi32>
    %swap3A_2518 = arith.constant 48 : index
    %swap3A_2519 = tpu.vector_load %arg6[%swap3A_2518] {strides = array<i32>} : memref<320xi32, #tpu.memory_space<vmem>>, vector<16xi32>,
    %swap3A_2520 = vector.shape_cast %swap3A_2519 : vector<16xi32> to vector<16xi32>
    %swap3A_2521 = vector.shape_cast %sub3A_2517 : vector<16xi32> to vector<16xi32>
    tpu.vector_store %arg6[%swap3A_2518], %swap3A_2521 {strides = array<i32>} : memref<320xi32, #tpu.memory_space<vmem>>, vector<16xi32>,
    %get3A_2522 = arith.constant 64 : index
    %get3A_2523 = tpu.vector_load %arg6[%get3A_2522] {strides = array<i32>} : memref<320xi32, #tpu.memory_space<vmem>>, vector<16xi32>,
    %get3A_2524 = vector.shape_cast %get3A_2523 : vector<16xi32> to vector<16xi32>
    %add3A_2525 = arith.addi %get3A_2524, %get3A_2524 : vector<16xi32>
    %ge3A_2526 = arith.constant 75000 : i32
    %ge3A_2527 = vector.broadcast %ge3A_2526 : i32 to vector<16xi32>
    %ge3A_2528 = arith.cmpi sge, %get3A_2524, %ge3A_2527 : vector<16xi32>
    %jit3A_2529 = arith.constant 149999 : i32
    %jit3A_2530 = arith.constant 0 : i32
    %broadcast_in_dim3A_2531 = vector.broadcast %jit3A_2529 : i32 to vector<16xi32>
    %broadcast_in_dim3A_2532 = vector.broadcast %jit3A_2530 : i32 to vector<16xi32>
    %select_n3A_2533 = arith.select %ge3A_2528, %broadcast_in_dim3A_2531, %broadcast_in_dim3A_2532 : vector<16xi1>, vector<16xi32>
    %sub3A_2534 = arith.subi %add3A_2525, %select_n3A_2533 : vector<16xi32>
    %swap3A_2535 = arith.constant 64 : index
    %swap3A_2536 = tpu.vector_load %arg6[%swap3A_2535] {strides = array<i32>} : memref<320xi32, #tpu.memory_space<vmem>>, vector<16xi32>,
    %swap3A_2537 = vector.shape_cast %swap3A_2536 : vector<16xi32> to vector<16xi32>
    %swap3A_2538 = vector.shape_cast %sub3A_2534 : vector<16xi32> to vector<16xi32>
    tpu.vector_store %arg6[%swap3A_2535], %swap3A_2538 {strides = array<i32>} : memref<320xi32, #tpu.memory_space<vmem>>, vector<16xi32>,
    %get3A_2539 = arith.constant 80 : index
    %get3A_2540 = tpu.vector_load %arg6[%get3A_2539] {strides = array<i32>} : memref<320xi32, #tpu.memory_space<vmem>>, vector<16xi32>,
    %get3A_2541 = vector.shape_cast %get3A_2540 : vector<16xi32> to vector<16xi32>
    %add3A_2542 = arith.addi %get3A_2541, %get3A_2541 : vector<16xi32>
    %ge3A_2543 = arith.constant 75000 : i32
    %ge3A_2544 = vector.broadcast %ge3A_2543 : i32 to vector<16xi32>
    %ge3A_2545 = arith.cmpi sge, %get3A_2541, %ge3A_2544 : vector<16xi32>
    %jit3A_2546 = arith.constant 149999 : i32
    %jit3A_2547 = arith.constant 0 : i32
    %broadcast_in_dim3A_2548 = vector.broadcast %jit3A_2546 : i32 to vector<16xi32>
    %broadcast_in_dim3A_2549 = vector.broadcast %jit3A_2547 : i32 to vector<16xi32>
    %select_n3A_2550 = arith.select %ge3A_2545, %broadcast_in_dim3A_2548, %broadcast_in_dim3A_2549 : vector<16xi1>, vector<16xi32>
    %sub3A_2551 = arith.subi %add3A_2542, %select_n3A_2550 : vector<16xi32>
    %swap3A_2552 = arith.constant 80 : index
    %swap3A_2553 = tpu.vector_load %arg6[%swap3A_2552] {strides = array<i32>} : memref<320xi32, #tpu.memory_space<vmem>>, vector<16xi32>,
    %swap3A_2554 = vector.shape_cast %swap3A_2553 : vector<16xi32> to vector<16xi32>
    %swap3A_2555 = vector.shape_cast %sub3A_2551 : vector<16xi32> to vector<16xi32>
    tpu.vector_store %arg6[%swap3A_2552], %swap3A_2555 {strides = array<i32>} : memref<320xi32, #tpu.memory_space<vmem>>, vector<16xi32>,
    %get3A_2556 = arith.constant 96 : index
    %get3A_2557 = tpu.vector_load %arg6[%get3A_2556] {strides = array<i32>} : memref<320xi32, #tpu.memory_space<vmem>>, vector<16xi32>,
    %get3A_2558 = vector.shape_cast %get3A_2557 : vector<16xi32> to vector<16xi32>
    %add3A_2559 = arith.addi %get3A_2558, %get3A_2558 : vector<16xi32>
    %ge3A_2560 = arith.constant 75000 : i32
    %ge3A_2561 = vector.broadcast %ge3A_2560 : i32 to vector<16xi32>
    %ge3A_2562 = arith.cmpi sge, %get3A_2558, %ge3A_2561 : vector<16xi32>
    %jit3A_2563 = arith.constant 149999 : i32
    %jit3A_2564 = arith.constant 0 : i32
    %broadcast_in_dim3A_2565 = vector.broadcast %jit3A_2563 : i32 to vector<16xi32>
    %broadcast_in_dim3A_2566 = vector.broadcast %jit3A_2564 : i32 to vector<16xi32>
    %select_n3A_2567 = arith.select %ge3A_2562, %broadcast_in_dim3A_2565, %broadcast_in_dim3A_2566 : vector<16xi1>, vector<16xi32>
    %sub3A_2568 = arith.subi %add3A_2559, %select_n3A_2567 : vector<16xi32>
    %swap3A_2569 = arith.constant 96 : index
    %swap3A_2570 = tpu.vector_load %arg6[%swap3A_2569] {strides = array<i32>} : memref<320xi32, #tpu.memory_space<vmem>>, vector<16xi32>,
    %swap3A_2571 = vector.shape_cast %swap3A_2570 : vector<16xi32> to vector<16xi32>
    %swap3A_2572 = vector.shape_cast %sub3A_2568 : vector<16xi32> to vector<16xi32>
    tpu.vector_store %arg6[%swap3A_2569], %swap3A_2572 {strides = array<i32>} : memref<320xi32, #tpu.memory_space<vmem>>, vector<16xi32>,
    %get3A_2573 = arith.constant 112 : index
    %get3A_2574 = tpu.vector_load %arg6[%get3A_2573] {strides = array<i32>} : memref<320xi32, #tpu.memory_space<vmem>>, vector<16xi32>,
    %get3A_2575 = vector.shape_cast %get3A_2574 : vector<16xi32> to vector<16xi32>
    %add3A_2576 = arith.addi %get3A_2575, %get3A_2575 : vector<16xi32>
    %ge3A_2577 = arith.constant 75000 : i32
    %ge3A_2578 = vector.broadcast %ge3A_2577 : i32 to vector<16xi32>
    %ge3A_2579 = arith.cmpi sge, %get3A_2575, %ge3A_2578 : vector<16xi32>
    %jit3A_2580 = arith.constant 149999 : i32
    %jit3A_2581 = arith.constant 0 : i32
    %broadcast_in_dim3A_2582 = vector.broadcast %jit3A_2580 : i32 to vector<16xi32>
    %broadcast_in_dim3A_2583 = vector.broadcast %jit3A_2581 : i32 to vector<16xi32>
    %select_n3A_2584 = arith.select %ge3A_2579, %broadcast_in_dim3A_2582, %broadcast_in_dim3A_2583 : vector<16xi1>, vector<16xi32>
    %sub3A_2585 = arith.subi %add3A_2576, %select_n3A_2584 : vector<16xi32>
    %swap3A_2586 = arith.constant 112 : index
    %swap3A_2587 = tpu.vector_load %arg6[%swap3A_2586] {strides = array<i32>} : memref<320xi32, #tpu.memory_space<vmem>>, vector<16xi32>,
    %swap3A_2588 = vector.shape_cast %swap3A_2587 : vector<16xi32> to vector<16xi32>
    %swap3A_2589 = vector.shape_cast %sub3A_2585 : vector<16xi32> to vector<16xi32>
    tpu.vector_store %arg6[%swap3A_2586], %swap3A_2589 {strides = array<i32>} : memref<320xi32, #tpu.memory_space<vmem>>, vector<16xi32>,
    %get3A_2590 = arith.constant 128 : index
    %get3A_2591 = tpu.vector_load %arg6[%get3A_2590] {strides = array<i32>} : memref<320xi32, #tpu.memory_space<vmem>>, vector<16xi32>,
    %get3A_2592 = vector.shape_cast %get3A_2591 : vector<16xi32> to vector<16xi32>
    %add3A_2593 = arith.addi %get3A_2592, %get3A_2592 : vector<16xi32>
    %ge3A_2594 = arith.constant 75000 : i32
    %ge3A_2595 = vector.broadcast %ge3A_2594 : i32 to vector<16xi32>
    %ge3A_2596 = arith.cmpi sge, %get3A_2592, %ge3A_2595 : vector<16xi32>
    %jit3A_2597 = arith.constant 149999 : i32
    %jit3A_2598 = arith.constant 0 : i32
    %broadcast_in_dim3A_2599 = vector.broadcast %jit3A_2597 : i32 to vector<16xi32>
    %broadcast_in_dim3A_2600 = vector.broadcast %jit3A_2598 : i32 to vector<16xi32>
    %select_n3A_2601 = arith.select %ge3A_2596, %broadcast_in_dim3A_2599, %broadcast_in_dim3A_2600 : vector<16xi1>, vector<16xi32>
    %sub3A_2602 = arith.subi %add3A_2593, %select_n3A_2601 : vector<16xi32>
    %swap3A_2603 = arith.constant 128 : index
    %swap3A_2604 = tpu.vector_load %arg6[%swap3A_2603] {strides = array<i32>} : memref<320xi32, #tpu.memory_space<vmem>>, vector<16xi32>,
    %swap3A_2605 = vector.shape_cast %swap3A_2604 : vector<16xi32> to vector<16xi32>
    %swap3A_2606 = vector.shape_cast %sub3A_2602 : vector<16xi32> to vector<16xi32>
    tpu.vector_store %arg6[%swap3A_2603], %swap3A_2606 {strides = array<i32>} : memref<320xi32, #tpu.memory_space<vmem>>, vector<16xi32>,
    %get3A_2607 = arith.constant 144 : index
    %get3A_2608 = tpu.vector_load %arg6[%get3A_2607] {strides = array<i32>} : memref<320xi32, #tpu.memory_space<vmem>>, vector<16xi32>,
    %get3A_2609 = vector.shape_cast %get3A_2608 : vector<16xi32> to vector<16xi32>
    %add3A_2610 = arith.addi %get3A_2609, %get3A_2609 : vector<16xi32>
    %ge3A_2611 = arith.constant 75000 : i32
    %ge3A_2612 = vector.broadcast %ge3A_2611 : i32 to vector<16xi32>
    %ge3A_2613 = arith.cmpi sge, %get3A_2609, %ge3A_2612 : vector<16xi32>
    %jit3A_2614 = arith.constant 149999 : i32
    %jit3A_2615 = arith.constant 0 : i32
    %broadcast_in_dim3A_2616 = vector.broadcast %jit3A_2614 : i32 to vector<16xi32>
    %broadcast_in_dim3A_2617 = vector.broadcast %jit3A_2615 : i32 to vector<16xi32>
    %select_n3A_2618 = arith.select %ge3A_2613, %broadcast_in_dim3A_2616, %broadcast_in_dim3A_2617 : vector<16xi1>, vector<16xi32>
    %sub3A_2619 = arith.subi %add3A_2610, %select_n3A_2618 : vector<16xi32>
    %swap3A_2620 = arith.constant 144 : index
    %swap3A_2621 = tpu.vector_load %arg6[%swap3A_2620] {strides = array<i32>} : memref<320xi32, #tpu.memory_space<vmem>>, vector<16xi32>,
    %swap3A_2622 = vector.shape_cast %swap3A_2621 : vector<16xi32> to vector<16xi32>
    %swap3A_2623 = vector.shape_cast %sub3A_2619 : vector<16xi32> to vector<16xi32>
    tpu.vector_store %arg6[%swap3A_2620], %swap3A_2623 {strides = array<i32>} : memref<320xi32, #tpu.memory_space<vmem>>, vector<16xi32>,
    %get3A_2624 = arith.constant 160 : index
    %get3A_2625 = tpu.vector_load %arg6[%get3A_2624] {strides = array<i32>} : memref<320xi32, #tpu.memory_space<vmem>>, vector<16xi32>,
    %get3A_2626 = vector.shape_cast %get3A_2625 : vector<16xi32> to vector<16xi32>
    %add3A_2627 = arith.addi %get3A_2626, %get3A_2626 : vector<16xi32>
    %ge3A_2628 = arith.constant 75000 : i32
    %ge3A_2629 = vector.broadcast %ge3A_2628 : i32 to vector<16xi32>
    %ge3A_2630 = arith.cmpi sge, %get3A_2626, %ge3A_2629 : vector<16xi32>
    %jit3A_2631 = arith.constant 149999 : i32
    %jit3A_2632 = arith.constant 0 : i32
    %broadcast_in_dim3A_2633 = vector.broadcast %jit3A_2631 : i32 to vector<16xi32>
    %broadcast_in_dim3A_2634 = vector.broadcast %jit3A_2632 : i32 to vector<16xi32>
    %select_n3A_2635 = arith.select %ge3A_2630, %broadcast_in_dim3A_2633, %broadcast_in_dim3A_2634 : vector<16xi1>, vector<16xi32>
    %sub3A_2636 = arith.subi %add3A_2627, %select_n3A_2635 : vector<16xi32>
    %swap3A_2637 = arith.constant 160 : index
    %swap3A_2638 = tpu.vector_load %arg6[%swap3A_2637] {strides = array<i32>} : memref<320xi32, #tpu.memory_space<vmem>>, vector<16xi32>,
    %swap3A_2639 = vector.shape_cast %swap3A_2638 : vector<16xi32> to vector<16xi32>
    %swap3A_2640 = vector.shape_cast %sub3A_2636 : vector<16xi32> to vector<16xi32>
    tpu.vector_store %arg6[%swap3A_2637], %swap3A_2640 {strides = array<i32>} : memref<320xi32, #tpu.memory_space<vmem>>, vector<16xi32>,
    %get3A_2641 = arith.constant 176 : index
    %get3A_2642 = tpu.vector_load %arg6[%get3A_2641] {strides = array<i32>} : memref<320xi32, #tpu.memory_space<vmem>>, vector<16xi32>,
    %get3A_2643 = vector.shape_cast %get3A_2642 : vector<16xi32> to vector<16xi32>
    %add3A_2644 = arith.addi %get3A_2643, %get3A_2643 : vector<16xi32>
    %ge3A_2645 = arith.constant 75000 : i32
    %ge3A_2646 = vector.broadcast %ge3A_2645 : i32 to vector<16xi32>
    %ge3A_2647 = arith.cmpi sge, %get3A_2643, %ge3A_2646 : vector<16xi32>
    %jit3A_2648 = arith.constant 149999 : i32
    %jit3A_2649 = arith.constant 0 : i32
    %broadcast_in_dim3A_2650 = vector.broadcast %jit3A_2648 : i32 to vector<16xi32>
    %broadcast_in_dim3A_2651 = vector.broadcast %jit3A_2649 : i32 to vector<16xi32>
    %select_n3A_2652 = arith.select %ge3A_2647, %broadcast_in_dim3A_2650, %broadcast_in_dim3A_2651 : vector<16xi1>, vector<16xi32>
    %sub3A_2653 = arith.subi %add3A_2644, %select_n3A_2652 : vector<16xi32>
    %swap3A_2654 = arith.constant 176 : index
    %swap3A_2655 = tpu.vector_load %arg6[%swap3A_2654] {strides = array<i32>} : memref<320xi32, #tpu.memory_space<vmem>>, vector<16xi32>,
    %swap3A_2656 = vector.shape_cast %swap3A_2655 : vector<16xi32> to vector<16xi32>
    %swap3A_2657 = vector.shape_cast %sub3A_2653 : vector<16xi32> to vector<16xi32>
    tpu.vector_store %arg6[%swap3A_2654], %swap3A_2657 {strides = array<i32>} : memref<320xi32, #tpu.memory_space<vmem>>, vector<16xi32>,
    %get3A_2658 = arith.constant 192 : index
    %get3A_2659 = tpu.vector_load %arg6[%get3A_2658] {strides = array<i32>} : memref<320xi32, #tpu.memory_space<vmem>>, vector<16xi32>,
    %get3A_2660 = vector.shape_cast %get3A_2659 : vector<16xi32> to vector<16xi32>
    %add3A_2661 = arith.addi %get3A_2660, %get3A_2660 : vector<16xi32>
    %ge3A_2662 = arith.constant 75000 : i32
    %ge3A_2663 = vector.broadcast %ge3A_2662 : i32 to vector<16xi32>
    %ge3A_2664 = arith.cmpi sge, %get3A_2660, %ge3A_2663 : vector<16xi32>
    %jit3A_2665 = arith.constant 149999 : i32
    %jit3A_2666 = arith.constant 0 : i32
    %broadcast_in_dim3A_2667 = vector.broadcast %jit3A_2665 : i32 to vector<16xi32>
    %broadcast_in_dim3A_2668 = vector.broadcast %jit3A_2666 : i32 to vector<16xi32>
    %select_n3A_2669 = arith.select %ge3A_2664, %broadcast_in_dim3A_2667, %broadcast_in_dim3A_2668 : vector<16xi1>, vector<16xi32>
    %sub3A_2670 = arith.subi %add3A_2661, %select_n3A_2669 : vector<16xi32>
    %swap3A_2671 = arith.constant 192 : index
    %swap3A_2672 = tpu.vector_load %arg6[%swap3A_2671] {strides = array<i32>} : memref<320xi32, #tpu.memory_space<vmem>>, vector<16xi32>,
    %swap3A_2673 = vector.shape_cast %swap3A_2672 : vector<16xi32> to vector<16xi32>
    %swap3A_2674 = vector.shape_cast %sub3A_2670 : vector<16xi32> to vector<16xi32>
    tpu.vector_store %arg6[%swap3A_2671], %swap3A_2674 {strides = array<i32>} : memref<320xi32, #tpu.memory_space<vmem>>, vector<16xi32>,
    %get3A_2675 = arith.constant 208 : index
    %get3A_2676 = tpu.vector_load %arg6[%get3A_2675] {strides = array<i32>} : memref<320xi32, #tpu.memory_space<vmem>>, vector<16xi32>,
    %get3A_2677 = vector.shape_cast %get3A_2676 : vector<16xi32> to vector<16xi32>
    %add3A_2678 = arith.addi %get3A_2677, %get3A_2677 : vector<16xi32>
    %ge3A_2679 = arith.constant 75000 : i32
    %ge3A_2680 = vector.broadcast %ge3A_2679 : i32 to vector<16xi32>
    %ge3A_2681 = arith.cmpi sge, %get3A_2677, %ge3A_2680 : vector<16xi32>
    %jit3A_2682 = arith.constant 149999 : i32
    %jit3A_2683 = arith.constant 0 : i32
    %broadcast_in_dim3A_2684 = vector.broadcast %jit3A_2682 : i32 to vector<16xi32>
    %broadcast_in_dim3A_2685 = vector.broadcast %jit3A_2683 : i32 to vector<16xi32>
    %select_n3A_2686 = arith.select %ge3A_2681, %broadcast_in_dim3A_2684, %broadcast_in_dim3A_2685 : vector<16xi1>, vector<16xi32>
    %sub3A_2687 = arith.subi %add3A_2678, %select_n3A_2686 : vector<16xi32>
    %swap3A_2688 = arith.constant 208 : index
    %swap3A_2689 = tpu.vector_load %arg6[%swap3A_2688] {strides = array<i32>} : memref<320xi32, #tpu.memory_space<vmem>>, vector<16xi32>,
    %swap3A_2690 = vector.shape_cast %swap3A_2689 : vector<16xi32> to vector<16xi32>
    %swap3A_2691 = vector.shape_cast %sub3A_2687 : vector<16xi32> to vector<16xi32>
    tpu.vector_store %arg6[%swap3A_2688], %swap3A_2691 {strides = array<i32>} : memref<320xi32, #tpu.memory_space<vmem>>, vector<16xi32>,
    %get3A_2692 = arith.constant 224 : index
    %get3A_2693 = tpu.vector_load %arg6[%get3A_2692] {strides = array<i32>} : memref<320xi32, #tpu.memory_space<vmem>>, vector<16xi32>,
    %get3A_2694 = vector.shape_cast %get3A_2693 : vector<16xi32> to vector<16xi32>
    %add3A_2695 = arith.addi %get3A_2694, %get3A_2694 : vector<16xi32>
    %ge3A_2696 = arith.constant 75000 : i32
    %ge3A_2697 = vector.broadcast %ge3A_2696 : i32 to vector<16xi32>
    %ge3A_2698 = arith.cmpi sge, %get3A_2694, %ge3A_2697 : vector<16xi32>
    %jit3A_2699 = arith.constant 149999 : i32
    %jit3A_2700 = arith.constant 0 : i32
    %broadcast_in_dim3A_2701 = vector.broadcast %jit3A_2699 : i32 to vector<16xi32>
    %broadcast_in_dim3A_2702 = vector.broadcast %jit3A_2700 : i32 to vector<16xi32>
    %select_n3A_2703 = arith.select %ge3A_2698, %broadcast_in_dim3A_2701, %broadcast_in_dim3A_2702 : vector<16xi1>, vector<16xi32>
    %sub3A_2704 = arith.subi %add3A_2695, %select_n3A_2703 : vector<16xi32>
    %swap3A_2705 = arith.constant 224 : index
    %swap3A_2706 = tpu.vector_load %arg6[%swap3A_2705] {strides = array<i32>} : memref<320xi32, #tpu.memory_space<vmem>>, vector<16xi32>,
    %swap3A_2707 = vector.shape_cast %swap3A_2706 : vector<16xi32> to vector<16xi32>
    %swap3A_2708 = vector.shape_cast %sub3A_2704 : vector<16xi32> to vector<16xi32>
    tpu.vector_store %arg6[%swap3A_2705], %swap3A_2708 {strides = array<i32>} : memref<320xi32, #tpu.memory_space<vmem>>, vector<16xi32>,
    %get3A_2709 = arith.constant 240 : index
    %get3A_2710 = tpu.vector_load %arg6[%get3A_2709] {strides = array<i32>} : memref<320xi32, #tpu.memory_space<vmem>>, vector<16xi32>,
    %get3A_2711 = vector.shape_cast %get3A_2710 : vector<16xi32> to vector<16xi32>
    %add3A_2712 = arith.addi %get3A_2711, %get3A_2711 : vector<16xi32>
    %ge3A_2713 = arith.constant 75000 : i32
    %ge3A_2714 = vector.broadcast %ge3A_2713 : i32 to vector<16xi32>
    %ge3A_2715 = arith.cmpi sge, %get3A_2711, %ge3A_2714 : vector<16xi32>
    %jit3A_2716 = arith.constant 149999 : i32
    %jit3A_2717 = arith.constant 0 : i32
    %broadcast_in_dim3A_2718 = vector.broadcast %jit3A_2716 : i32 to vector<16xi32>
    %broadcast_in_dim3A_2719 = vector.broadcast %jit3A_2717 : i32 to vector<16xi32>
    %select_n3A_2720 = arith.select %ge3A_2715, %broadcast_in_dim3A_2718, %broadcast_in_dim3A_2719 : vector<16xi1>, vector<16xi32>
    %sub3A_2721 = arith.subi %add3A_2712, %select_n3A_2720 : vector<16xi32>
    %swap3A_2722 = arith.constant 240 : index
    %swap3A_2723 = tpu.vector_load %arg6[%swap3A_2722] {strides = array<i32>} : memref<320xi32, #tpu.memory_space<vmem>>, vector<16xi32>,
    %swap3A_2724 = vector.shape_cast %swap3A_2723 : vector<16xi32> to vector<16xi32>
    %swap3A_2725 = vector.shape_cast %sub3A_2721 : vector<16xi32> to vector<16xi32>
    tpu.vector_store %arg6[%swap3A_2722], %swap3A_2725 {strides = array<i32>} : memref<320xi32, #tpu.memory_space<vmem>>, vector<16xi32>,
    %get3A_2726 = arith.constant 256 : index
    %get3A_2727 = tpu.vector_load %arg6[%get3A_2726] {strides = array<i32>} : memref<320xi32, #tpu.memory_space<vmem>>, vector<16xi32>,
    %get3A_2728 = vector.shape_cast %get3A_2727 : vector<16xi32> to vector<16xi32>
    %add3A_2729 = arith.addi %get3A_2728, %get3A_2728 : vector<16xi32>
    %ge3A_2730 = arith.constant 75000 : i32
    %ge3A_2731 = vector.broadcast %ge3A_2730 : i32 to vector<16xi32>
    %ge3A_2732 = arith.cmpi sge, %get3A_2728, %ge3A_2731 : vector<16xi32>
    %jit3A_2733 = arith.constant 149999 : i32
    %jit3A_2734 = arith.constant 0 : i32
    %broadcast_in_dim3A_2735 = vector.broadcast %jit3A_2733 : i32 to vector<16xi32>
    %broadcast_in_dim3A_2736 = vector.broadcast %jit3A_2734 : i32 to vector<16xi32>
    %select_n3A_2737 = arith.select %ge3A_2732, %broadcast_in_dim3A_2735, %broadcast_in_dim3A_2736 : vector<16xi1>, vector<16xi32>
    %sub3A_2738 = arith.subi %add3A_2729, %select_n3A_2737 : vector<16xi32>
    %swap3A_2739 = arith.constant 256 : index
    %swap3A_2740 = tpu.vector_load %arg6[%swap3A_2739] {strides = array<i32>} : memref<320xi32, #tpu.memory_space<vmem>>, vector<16xi32>,
    %swap3A_2741 = vector.shape_cast %swap3A_2740 : vector<16xi32> to vector<16xi32>
    %swap3A_2742 = vector.shape_cast %sub3A_2738 : vector<16xi32> to vector<16xi32>
    tpu.vector_store %arg6[%swap3A_2739], %swap3A_2742 {strides = array<i32>} : memref<320xi32, #tpu.memory_space<vmem>>, vector<16xi32>,
    %get3A_2743 = arith.constant 272 : index
    %get3A_2744 = tpu.vector_load %arg6[%get3A_2743] {strides = array<i32>} : memref<320xi32, #tpu.memory_space<vmem>>, vector<16xi32>,
    %get3A_2745 = vector.shape_cast %get3A_2744 : vector<16xi32> to vector<16xi32>
    %add3A_2746 = arith.addi %get3A_2745, %get3A_2745 : vector<16xi32>
    %ge3A_2747 = arith.constant 75000 : i32
    %ge3A_2748 = vector.broadcast %ge3A_2747 : i32 to vector<16xi32>
    %ge3A_2749 = arith.cmpi sge, %get3A_2745, %ge3A_2748 : vector<16xi32>
    %jit3A_2750 = arith.constant 149999 : i32
    %jit3A_2751 = arith.constant 0 : i32
    %broadcast_in_dim3A_2752 = vector.broadcast %jit3A_2750 : i32 to vector<16xi32>
    %broadcast_in_dim3A_2753 = vector.broadcast %jit3A_2751 : i32 to vector<16xi32>
    %select_n3A_2754 = arith.select %ge3A_2749, %broadcast_in_dim3A_2752, %broadcast_in_dim3A_2753 : vector<16xi1>, vector<16xi32>
    %sub3A_2755 = arith.subi %add3A_2746, %select_n3A_2754 : vector<16xi32>
    %swap3A_2756 = arith.constant 272 : index
    %swap3A_2757 = tpu.vector_load %arg6[%swap3A_2756] {strides = array<i32>} : memref<320xi32, #tpu.memory_space<vmem>>, vector<16xi32>,
    %swap3A_2758 = vector.shape_cast %swap3A_2757 : vector<16xi32> to vector<16xi32>
    %swap3A_2759 = vector.shape_cast %sub3A_2755 : vector<16xi32> to vector<16xi32>
    tpu.vector_store %arg6[%swap3A_2756], %swap3A_2759 {strides = array<i32>} : memref<320xi32, #tpu.memory_space<vmem>>, vector<16xi32>,
    %get3A_2760 = arith.constant 288 : index
    %get3A_2761 = tpu.vector_load %arg6[%get3A_2760] {strides = array<i32>} : memref<320xi32, #tpu.memory_space<vmem>>, vector<16xi32>,
    %get3A_2762 = vector.shape_cast %get3A_2761 : vector<16xi32> to vector<16xi32>
    %add3A_2763 = arith.addi %get3A_2762, %get3A_2762 : vector<16xi32>
    %ge3A_2764 = arith.constant 75000 : i32
    %ge3A_2765 = vector.broadcast %ge3A_2764 : i32 to vector<16xi32>
    %ge3A_2766 = arith.cmpi sge, %get3A_2762, %ge3A_2765 : vector<16xi32>
    %jit3A_2767 = arith.constant 149999 : i32
    %jit3A_2768 = arith.constant 0 : i32
    %broadcast_in_dim3A_2769 = vector.broadcast %jit3A_2767 : i32 to vector<16xi32>
    %broadcast_in_dim3A_2770 = vector.broadcast %jit3A_2768 : i32 to vector<16xi32>
    %select_n3A_2771 = arith.select %ge3A_2766, %broadcast_in_dim3A_2769, %broadcast_in_dim3A_2770 : vector<16xi1>, vector<16xi32>
    %sub3A_2772 = arith.subi %add3A_2763, %select_n3A_2771 : vector<16xi32>
    %swap3A_2773 = arith.constant 288 : index
    %swap3A_2774 = tpu.vector_load %arg6[%swap3A_2773] {strides = array<i32>} : memref<320xi32, #tpu.memory_space<vmem>>, vector<16xi32>,
    %swap3A_2775 = vector.shape_cast %swap3A_2774 : vector<16xi32> to vector<16xi32>
    %swap3A_2776 = vector.shape_cast %sub3A_2772 : vector<16xi32> to vector<16xi32>
    tpu.vector_store %arg6[%swap3A_2773], %swap3A_2776 {strides = array<i32>} : memref<320xi32, #tpu.memory_space<vmem>>, vector<16xi32>,
    %get3A_2777 = arith.constant 304 : index
    %get3A_2778 = tpu.vector_load %arg6[%get3A_2777] {strides = array<i32>} : memref<320xi32, #tpu.memory_space<vmem>>, vector<16xi32>,
    %get3A_2779 = vector.shape_cast %get3A_2778 : vector<16xi32> to vector<16xi32>
    %add3A_2780 = arith.addi %get3A_2779, %get3A_2779 : vector<16xi32>
    %ge3A_2781 = arith.constant 75000 : i32
    %ge3A_2782 = vector.broadcast %ge3A_2781 : i32 to vector<16xi32>
    %ge3A_2783 = arith.cmpi sge, %get3A_2779, %ge3A_2782 : vector<16xi32>
    %jit3A_2784 = arith.constant 149999 : i32
    %jit3A_2785 = arith.constant 0 : i32
    %broadcast_in_dim3A_2786 = vector.broadcast %jit3A_2784 : i32 to vector<16xi32>
    %broadcast_in_dim3A_2787 = vector.broadcast %jit3A_2785 : i32 to vector<16xi32>
    %select_n3A_2788 = arith.select %ge3A_2783, %broadcast_in_dim3A_2786, %broadcast_in_dim3A_2787 : vector<16xi1>, vector<16xi32>
    %sub3A_2789 = arith.subi %add3A_2780, %select_n3A_2788 : vector<16xi32>
    %swap3A_2790 = arith.constant 304 : index
    %swap3A_2791 = tpu.vector_load %arg6[%swap3A_2790] {strides = array<i32>} : memref<320xi32, #tpu.memory_space<vmem>>, vector<16xi32>,
    %swap3A_2792 = vector.shape_cast %swap3A_2791 : vector<16xi32> to vector<16xi32>
    %swap3A_2793 = vector.shape_cast %sub3A_2789 : vector<16xi32> to vector<16xi32>
    tpu.vector_store %arg6[%swap3A_2790], %swap3A_2793 {strides = array<i32>} : memref<320xi32, #tpu.memory_space<vmem>>, vector<16xi32>,
    %dma_start3A_2794 = arith.constant 0 : i32
    %dma_start3A_2795 = arith.constant 0 : i32
    %dma_start3A_2796 = tpu.memref_slice %arg2[%dma_start3A_2794, %dma_start3A_2795] : memref<150000x64xf32, #tpu.memory_space<hbm>> -> memref<150000x64xf32, #tpu.memory_space<hbm>>
    tpu.enqueue_indirect_dma source(%dma_start3A_2796 : memref<150000x64xf32, #tpu.memory_space<hbm>>) target(%arg9 : memref<320x64xf32, #tpu.memory_space<vmem>>) offsets(%arg6 : memref<320xi32, #tpu.memory_space<vmem>>) semaphore(%arg12 : memref<!tpu.dma_semaphore, #tpu.memory_space<semaphore_mem>>)
    %dma_wait3A_2797 = arith.constant 0 : i32
    %dma_wait3A_2798 = arith.constant 0 : i32
    %dma_wait3A_2799 = tpu.memref_slice %arg2[%dma_wait3A_2797, %dma_wait3A_2798] : memref<150000x64xf32, #tpu.memory_space<hbm>> -> memref<150000x64xf32, #tpu.memory_space<hbm>>
    tpu.wait_indirect_dma semaphore(%arg13 : memref<!tpu.dma_semaphore, #tpu.memory_space<semaphore_mem>>) src(%dma_wait3A_2799 : memref<150000x64xf32, #tpu.memory_space<hbm>>) dst(%arg10 : memref<320x64xf32, #tpu.memory_space<vmem>>)
    %min3A_2800 = arith.constant 1600 : i32
    %min3A_2801 = arith.minsi %min3A_2800, %sub3A_5 : i32
    %add3A_2802 = arith.addi %mul3A_2, %min3A_2801 : i32
    "tpu.region"() ({
      %run_scoped3A = tpu.sem_alloc : memref<!tpu.dma_semaphore, #tpu.memory_space<semaphore_mem>>
      %dma_start3A_3519 = arith.constant 0 : i32
      %dma_start3A_3520 = tpu.memref_slice %arg4[%add3A_2802, %dma_start3A_3519] : memref<100000x128xf32, #tpu.memory_space<hbm>> -> memref<320x64xf32, #tpu.memory_space<hbm>>
      %dma_start3A_3521 = arith.constant 0 : i32
      %dma_start3A_3522 = tpu.memref_slice %arg4[%add3A_2802, %dma_start3A_3521] : memref<100000x128xf32, #tpu.memory_space<hbm>> -> memref<320x64xf32, #tpu.memory_space<hbm>>
      tpu.enqueue_dma source(%arg10 : memref<320x64xf32, #tpu.memory_space<vmem>>) target(%dma_start3A_3522 : memref<320x64xf32, #tpu.memory_space<hbm>>) target_semaphore(%run_scoped3A : memref<!tpu.dma_semaphore, #tpu.memory_space<semaphore_mem>>)
      %dma_wait3A_3523 = arith.constant 0 : i32
      %dma_wait3A_3524 = tpu.memref_slice %arg4[%add3A_2802, %dma_wait3A_3523] : memref<100000x128xf32, #tpu.memory_space<hbm>> -> memref<320x64xf32, #tpu.memory_space<hbm>>
      %dma_wait3A_3525 = arith.constant 0 : i32
      %dma_wait3A_3526 = tpu.memref_slice %arg4[%add3A_2802, %dma_wait3A_3525] : memref<100000x128xf32, #tpu.memory_space<hbm>> -> memref<320x64xf32, #tpu.memory_space<hbm>>
      tpu.wait_dma2 semaphore(%run_scoped3A : memref<!tpu.dma_semaphore, #tpu.memory_space<semaphore_mem>>) src(%arg10 : memref<320x64xf32, #tpu.memory_space<vmem>>) dst(%dma_wait3A_3526 : memref<320x64xf32, #tpu.memory_space<hbm>>)
      tpu.yield
    }) : () -> ()
    %min3A_2803 = arith.constant 2560 : i32
    %min3A_2804 = arith.minsi %min3A_2803, %sub3A_5 : i32
    %add3A_2805 = arith.addi %mul3A_2, %min3A_2804 : i32
    "tpu.region"() ({
      %run_scoped3A = tpu.sem_alloc : memref<!tpu.dma_semaphore, #tpu.memory_space<semaphore_mem>>
      %dma_start3A_3519 = tpu.memref_slice %arg3[%add3A_2805] : memref<100000xi32, #tpu.memory_space<hbm>> -> memref<320xi32, #tpu.memory_space<hbm>>
      %dma_start3A_3520 = tpu.memref_slice %arg3[%add3A_2805] : memref<100000xi32, #tpu.memory_space<hbm>> -> memref<320xi32, #tpu.memory_space<hbm>>
      tpu.enqueue_dma source(%dma_start3A_3520 : memref<320xi32, #tpu.memory_space<hbm>>) target(%arg7 : memref<320xi32, #tpu.memory_space<vmem>>) target_semaphore(%run_scoped3A : memref<!tpu.dma_semaphore, #tpu.memory_space<semaphore_mem>>)
      %dma_wait3A_3521 = tpu.memref_slice %arg3[%add3A_2805] : memref<100000xi32, #tpu.memory_space<hbm>> -> memref<320xi32, #tpu.memory_space<hbm>>
      %dma_wait3A_3522 = tpu.memref_slice %arg3[%add3A_2805] : memref<100000xi32, #tpu.memory_space<hbm>> -> memref<320xi32, #tpu.memory_space<hbm>>
      tpu.wait_dma2 semaphore(%run_scoped3A : memref<!tpu.dma_semaphore, #tpu.memory_space<semaphore_mem>>) src(%dma_wait3A_3522 : memref<320xi32, #tpu.memory_space<hbm>>) dst(%arg7 : memref<320xi32, #tpu.memory_space<vmem>>)
      tpu.yield
    }) : () -> ()
    %get3A_2806 = arith.constant 0 : index
    %get3A_2807 = tpu.vector_load %arg7[%get3A_2806] {strides = array<i32>} : memref<320xi32, #tpu.memory_space<vmem>>, vector<16xi32>,
    %get3A_2808 = vector.shape_cast %get3A_2807 : vector<16xi32> to vector<16xi32>
    %add3A_2809 = arith.addi %get3A_2808, %get3A_2808 : vector<16xi32>
    %ge3A_2810 = arith.constant 75000 : i32
    %ge3A_2811 = vector.broadcast %ge3A_2810 : i32 to vector<16xi32>
    %ge3A_2812 = arith.cmpi sge, %get3A_2808, %ge3A_2811 : vector<16xi32>
    %jit3A_2813 = arith.constant 149999 : i32
    %jit3A_2814 = arith.constant 0 : i32
    %broadcast_in_dim3A_2815 = vector.broadcast %jit3A_2813 : i32 to vector<16xi32>
    %broadcast_in_dim3A_2816 = vector.broadcast %jit3A_2814 : i32 to vector<16xi32>
    %select_n3A_2817 = arith.select %ge3A_2812, %broadcast_in_dim3A_2815, %broadcast_in_dim3A_2816 : vector<16xi1>, vector<16xi32>
    %sub3A_2818 = arith.subi %add3A_2809, %select_n3A_2817 : vector<16xi32>
    %swap3A_2819 = arith.constant 0 : index
    %swap3A_2820 = tpu.vector_load %arg7[%swap3A_2819] {strides = array<i32>} : memref<320xi32, #tpu.memory_space<vmem>>, vector<16xi32>,
    %swap3A_2821 = vector.shape_cast %swap3A_2820 : vector<16xi32> to vector<16xi32>
    %swap3A_2822 = vector.shape_cast %sub3A_2818 : vector<16xi32> to vector<16xi32>
    tpu.vector_store %arg7[%swap3A_2819], %swap3A_2822 {strides = array<i32>} : memref<320xi32, #tpu.memory_space<vmem>>, vector<16xi32>,
    %get3A_2823 = arith.constant 16 : index
    %get3A_2824 = tpu.vector_load %arg7[%get3A_2823] {strides = array<i32>} : memref<320xi32, #tpu.memory_space<vmem>>, vector<16xi32>,
    %get3A_2825 = vector.shape_cast %get3A_2824 : vector<16xi32> to vector<16xi32>
    %add3A_2826 = arith.addi %get3A_2825, %get3A_2825 : vector<16xi32>
    %ge3A_2827 = arith.constant 75000 : i32
    %ge3A_2828 = vector.broadcast %ge3A_2827 : i32 to vector<16xi32>
    %ge3A_2829 = arith.cmpi sge, %get3A_2825, %ge3A_2828 : vector<16xi32>
    %jit3A_2830 = arith.constant 149999 : i32
    %jit3A_2831 = arith.constant 0 : i32
    %broadcast_in_dim3A_2832 = vector.broadcast %jit3A_2830 : i32 to vector<16xi32>
    %broadcast_in_dim3A_2833 = vector.broadcast %jit3A_2831 : i32 to vector<16xi32>
    %select_n3A_2834 = arith.select %ge3A_2829, %broadcast_in_dim3A_2832, %broadcast_in_dim3A_2833 : vector<16xi1>, vector<16xi32>
    %sub3A_2835 = arith.subi %add3A_2826, %select_n3A_2834 : vector<16xi32>
    %swap3A_2836 = arith.constant 16 : index
    %swap3A_2837 = tpu.vector_load %arg7[%swap3A_2836] {strides = array<i32>} : memref<320xi32, #tpu.memory_space<vmem>>, vector<16xi32>,
    %swap3A_2838 = vector.shape_cast %swap3A_2837 : vector<16xi32> to vector<16xi32>
    %swap3A_2839 = vector.shape_cast %sub3A_2835 : vector<16xi32> to vector<16xi32>
    tpu.vector_store %arg7[%swap3A_2836], %swap3A_2839 {strides = array<i32>} : memref<320xi32, #tpu.memory_space<vmem>>, vector<16xi32>,
    %get3A_2840 = arith.constant 32 : index
    %get3A_2841 = tpu.vector_load %arg7[%get3A_2840] {strides = array<i32>} : memref<320xi32, #tpu.memory_space<vmem>>, vector<16xi32>,
    %get3A_2842 = vector.shape_cast %get3A_2841 : vector<16xi32> to vector<16xi32>
    %add3A_2843 = arith.addi %get3A_2842, %get3A_2842 : vector<16xi32>
    %ge3A_2844 = arith.constant 75000 : i32
    %ge3A_2845 = vector.broadcast %ge3A_2844 : i32 to vector<16xi32>
    %ge3A_2846 = arith.cmpi sge, %get3A_2842, %ge3A_2845 : vector<16xi32>
    %jit3A_2847 = arith.constant 149999 : i32
    %jit3A_2848 = arith.constant 0 : i32
    %broadcast_in_dim3A_2849 = vector.broadcast %jit3A_2847 : i32 to vector<16xi32>
    %broadcast_in_dim3A_2850 = vector.broadcast %jit3A_2848 : i32 to vector<16xi32>
    %select_n3A_2851 = arith.select %ge3A_2846, %broadcast_in_dim3A_2849, %broadcast_in_dim3A_2850 : vector<16xi1>, vector<16xi32>
    %sub3A_2852 = arith.subi %add3A_2843, %select_n3A_2851 : vector<16xi32>
    %swap3A_2853 = arith.constant 32 : index
    %swap3A_2854 = tpu.vector_load %arg7[%swap3A_2853] {strides = array<i32>} : memref<320xi32, #tpu.memory_space<vmem>>, vector<16xi32>,
    %swap3A_2855 = vector.shape_cast %swap3A_2854 : vector<16xi32> to vector<16xi32>
    %swap3A_2856 = vector.shape_cast %sub3A_2852 : vector<16xi32> to vector<16xi32>
    tpu.vector_store %arg7[%swap3A_2853], %swap3A_2856 {strides = array<i32>} : memref<320xi32, #tpu.memory_space<vmem>>, vector<16xi32>,
    %get3A_2857 = arith.constant 48 : index
    %get3A_2858 = tpu.vector_load %arg7[%get3A_2857] {strides = array<i32>} : memref<320xi32, #tpu.memory_space<vmem>>, vector<16xi32>,
    %get3A_2859 = vector.shape_cast %get3A_2858 : vector<16xi32> to vector<16xi32>
    %add3A_2860 = arith.addi %get3A_2859, %get3A_2859 : vector<16xi32>
    %ge3A_2861 = arith.constant 75000 : i32
    %ge3A_2862 = vector.broadcast %ge3A_2861 : i32 to vector<16xi32>
    %ge3A_2863 = arith.cmpi sge, %get3A_2859, %ge3A_2862 : vector<16xi32>
    %jit3A_2864 = arith.constant 149999 : i32
    %jit3A_2865 = arith.constant 0 : i32
    %broadcast_in_dim3A_2866 = vector.broadcast %jit3A_2864 : i32 to vector<16xi32>
    %broadcast_in_dim3A_2867 = vector.broadcast %jit3A_2865 : i32 to vector<16xi32>
    %select_n3A_2868 = arith.select %ge3A_2863, %broadcast_in_dim3A_2866, %broadcast_in_dim3A_2867 : vector<16xi1>, vector<16xi32>
    %sub3A_2869 = arith.subi %add3A_2860, %select_n3A_2868 : vector<16xi32>
    %swap3A_2870 = arith.constant 48 : index
    %swap3A_2871 = tpu.vector_load %arg7[%swap3A_2870] {strides = array<i32>} : memref<320xi32, #tpu.memory_space<vmem>>, vector<16xi32>,
    %swap3A_2872 = vector.shape_cast %swap3A_2871 : vector<16xi32> to vector<16xi32>
    %swap3A_2873 = vector.shape_cast %sub3A_2869 : vector<16xi32> to vector<16xi32>
    tpu.vector_store %arg7[%swap3A_2870], %swap3A_2873 {strides = array<i32>} : memref<320xi32, #tpu.memory_space<vmem>>, vector<16xi32>,
    %get3A_2874 = arith.constant 64 : index
    %get3A_2875 = tpu.vector_load %arg7[%get3A_2874] {strides = array<i32>} : memref<320xi32, #tpu.memory_space<vmem>>, vector<16xi32>,
    %get3A_2876 = vector.shape_cast %get3A_2875 : vector<16xi32> to vector<16xi32>
    %add3A_2877 = arith.addi %get3A_2876, %get3A_2876 : vector<16xi32>
    %ge3A_2878 = arith.constant 75000 : i32
    %ge3A_2879 = vector.broadcast %ge3A_2878 : i32 to vector<16xi32>
    %ge3A_2880 = arith.cmpi sge, %get3A_2876, %ge3A_2879 : vector<16xi32>
    %jit3A_2881 = arith.constant 149999 : i32
    %jit3A_2882 = arith.constant 0 : i32
    %broadcast_in_dim3A_2883 = vector.broadcast %jit3A_2881 : i32 to vector<16xi32>
    %broadcast_in_dim3A_2884 = vector.broadcast %jit3A_2882 : i32 to vector<16xi32>
    %select_n3A_2885 = arith.select %ge3A_2880, %broadcast_in_dim3A_2883, %broadcast_in_dim3A_2884 : vector<16xi1>, vector<16xi32>
    %sub3A_2886 = arith.subi %add3A_2877, %select_n3A_2885 : vector<16xi32>
    %swap3A_2887 = arith.constant 64 : index
    %swap3A_2888 = tpu.vector_load %arg7[%swap3A_2887] {strides = array<i32>} : memref<320xi32, #tpu.memory_space<vmem>>, vector<16xi32>,
    %swap3A_2889 = vector.shape_cast %swap3A_2888 : vector<16xi32> to vector<16xi32>
    %swap3A_2890 = vector.shape_cast %sub3A_2886 : vector<16xi32> to vector<16xi32>
    tpu.vector_store %arg7[%swap3A_2887], %swap3A_2890 {strides = array<i32>} : memref<320xi32, #tpu.memory_space<vmem>>, vector<16xi32>,
    %get3A_2891 = arith.constant 80 : index
    %get3A_2892 = tpu.vector_load %arg7[%get3A_2891] {strides = array<i32>} : memref<320xi32, #tpu.memory_space<vmem>>, vector<16xi32>,
    %get3A_2893 = vector.shape_cast %get3A_2892 : vector<16xi32> to vector<16xi32>
    %add3A_2894 = arith.addi %get3A_2893, %get3A_2893 : vector<16xi32>
    %ge3A_2895 = arith.constant 75000 : i32
    %ge3A_2896 = vector.broadcast %ge3A_2895 : i32 to vector<16xi32>
    %ge3A_2897 = arith.cmpi sge, %get3A_2893, %ge3A_2896 : vector<16xi32>
    %jit3A_2898 = arith.constant 149999 : i32
    %jit3A_2899 = arith.constant 0 : i32
    %broadcast_in_dim3A_2900 = vector.broadcast %jit3A_2898 : i32 to vector<16xi32>
    %broadcast_in_dim3A_2901 = vector.broadcast %jit3A_2899 : i32 to vector<16xi32>
    %select_n3A_2902 = arith.select %ge3A_2897, %broadcast_in_dim3A_2900, %broadcast_in_dim3A_2901 : vector<16xi1>, vector<16xi32>
    %sub3A_2903 = arith.subi %add3A_2894, %select_n3A_2902 : vector<16xi32>
    %swap3A_2904 = arith.constant 80 : index
    %swap3A_2905 = tpu.vector_load %arg7[%swap3A_2904] {strides = array<i32>} : memref<320xi32, #tpu.memory_space<vmem>>, vector<16xi32>,
    %swap3A_2906 = vector.shape_cast %swap3A_2905 : vector<16xi32> to vector<16xi32>
    %swap3A_2907 = vector.shape_cast %sub3A_2903 : vector<16xi32> to vector<16xi32>
    tpu.vector_store %arg7[%swap3A_2904], %swap3A_2907 {strides = array<i32>} : memref<320xi32, #tpu.memory_space<vmem>>, vector<16xi32>,
    %get3A_2908 = arith.constant 96 : index
    %get3A_2909 = tpu.vector_load %arg7[%get3A_2908] {strides = array<i32>} : memref<320xi32, #tpu.memory_space<vmem>>, vector<16xi32>,
    %get3A_2910 = vector.shape_cast %get3A_2909 : vector<16xi32> to vector<16xi32>
    %add3A_2911 = arith.addi %get3A_2910, %get3A_2910 : vector<16xi32>
    %ge3A_2912 = arith.constant 75000 : i32
    %ge3A_2913 = vector.broadcast %ge3A_2912 : i32 to vector<16xi32>
    %ge3A_2914 = arith.cmpi sge, %get3A_2910, %ge3A_2913 : vector<16xi32>
    %jit3A_2915 = arith.constant 149999 : i32
    %jit3A_2916 = arith.constant 0 : i32
    %broadcast_in_dim3A_2917 = vector.broadcast %jit3A_2915 : i32 to vector<16xi32>
    %broadcast_in_dim3A_2918 = vector.broadcast %jit3A_2916 : i32 to vector<16xi32>
    %select_n3A_2919 = arith.select %ge3A_2914, %broadcast_in_dim3A_2917, %broadcast_in_dim3A_2918 : vector<16xi1>, vector<16xi32>
    %sub3A_2920 = arith.subi %add3A_2911, %select_n3A_2919 : vector<16xi32>
    %swap3A_2921 = arith.constant 96 : index
    %swap3A_2922 = tpu.vector_load %arg7[%swap3A_2921] {strides = array<i32>} : memref<320xi32, #tpu.memory_space<vmem>>, vector<16xi32>,
    %swap3A_2923 = vector.shape_cast %swap3A_2922 : vector<16xi32> to vector<16xi32>
    %swap3A_2924 = vector.shape_cast %sub3A_2920 : vector<16xi32> to vector<16xi32>
    tpu.vector_store %arg7[%swap3A_2921], %swap3A_2924 {strides = array<i32>} : memref<320xi32, #tpu.memory_space<vmem>>, vector<16xi32>,
    %get3A_2925 = arith.constant 112 : index
    %get3A_2926 = tpu.vector_load %arg7[%get3A_2925] {strides = array<i32>} : memref<320xi32, #tpu.memory_space<vmem>>, vector<16xi32>,
    %get3A_2927 = vector.shape_cast %get3A_2926 : vector<16xi32> to vector<16xi32>
    %add3A_2928 = arith.addi %get3A_2927, %get3A_2927 : vector<16xi32>
    %ge3A_2929 = arith.constant 75000 : i32
    %ge3A_2930 = vector.broadcast %ge3A_2929 : i32 to vector<16xi32>
    %ge3A_2931 = arith.cmpi sge, %get3A_2927, %ge3A_2930 : vector<16xi32>
    %jit3A_2932 = arith.constant 149999 : i32
    %jit3A_2933 = arith.constant 0 : i32
    %broadcast_in_dim3A_2934 = vector.broadcast %jit3A_2932 : i32 to vector<16xi32>
    %broadcast_in_dim3A_2935 = vector.broadcast %jit3A_2933 : i32 to vector<16xi32>
    %select_n3A_2936 = arith.select %ge3A_2931, %broadcast_in_dim3A_2934, %broadcast_in_dim3A_2935 : vector<16xi1>, vector<16xi32>
    %sub3A_2937 = arith.subi %add3A_2928, %select_n3A_2936 : vector<16xi32>
    %swap3A_2938 = arith.constant 112 : index
    %swap3A_2939 = tpu.vector_load %arg7[%swap3A_2938] {strides = array<i32>} : memref<320xi32, #tpu.memory_space<vmem>>, vector<16xi32>,
    %swap3A_2940 = vector.shape_cast %swap3A_2939 : vector<16xi32> to vector<16xi32>
    %swap3A_2941 = vector.shape_cast %sub3A_2937 : vector<16xi32> to vector<16xi32>
    tpu.vector_store %arg7[%swap3A_2938], %swap3A_2941 {strides = array<i32>} : memref<320xi32, #tpu.memory_space<vmem>>, vector<16xi32>,
    %get3A_2942 = arith.constant 128 : index
    %get3A_2943 = tpu.vector_load %arg7[%get3A_2942] {strides = array<i32>} : memref<320xi32, #tpu.memory_space<vmem>>, vector<16xi32>,
    %get3A_2944 = vector.shape_cast %get3A_2943 : vector<16xi32> to vector<16xi32>
    %add3A_2945 = arith.addi %get3A_2944, %get3A_2944 : vector<16xi32>
    %ge3A_2946 = arith.constant 75000 : i32
    %ge3A_2947 = vector.broadcast %ge3A_2946 : i32 to vector<16xi32>
    %ge3A_2948 = arith.cmpi sge, %get3A_2944, %ge3A_2947 : vector<16xi32>
    %jit3A_2949 = arith.constant 149999 : i32
    %jit3A_2950 = arith.constant 0 : i32
    %broadcast_in_dim3A_2951 = vector.broadcast %jit3A_2949 : i32 to vector<16xi32>
    %broadcast_in_dim3A_2952 = vector.broadcast %jit3A_2950 : i32 to vector<16xi32>
    %select_n3A_2953 = arith.select %ge3A_2948, %broadcast_in_dim3A_2951, %broadcast_in_dim3A_2952 : vector<16xi1>, vector<16xi32>
    %sub3A_2954 = arith.subi %add3A_2945, %select_n3A_2953 : vector<16xi32>
    %swap3A_2955 = arith.constant 128 : index
    %swap3A_2956 = tpu.vector_load %arg7[%swap3A_2955] {strides = array<i32>} : memref<320xi32, #tpu.memory_space<vmem>>, vector<16xi32>,
    %swap3A_2957 = vector.shape_cast %swap3A_2956 : vector<16xi32> to vector<16xi32>
    %swap3A_2958 = vector.shape_cast %sub3A_2954 : vector<16xi32> to vector<16xi32>
    tpu.vector_store %arg7[%swap3A_2955], %swap3A_2958 {strides = array<i32>} : memref<320xi32, #tpu.memory_space<vmem>>, vector<16xi32>,
    %get3A_2959 = arith.constant 144 : index
    %get3A_2960 = tpu.vector_load %arg7[%get3A_2959] {strides = array<i32>} : memref<320xi32, #tpu.memory_space<vmem>>, vector<16xi32>,
    %get3A_2961 = vector.shape_cast %get3A_2960 : vector<16xi32> to vector<16xi32>
    %add3A_2962 = arith.addi %get3A_2961, %get3A_2961 : vector<16xi32>
    %ge3A_2963 = arith.constant 75000 : i32
    %ge3A_2964 = vector.broadcast %ge3A_2963 : i32 to vector<16xi32>
    %ge3A_2965 = arith.cmpi sge, %get3A_2961, %ge3A_2964 : vector<16xi32>
    %jit3A_2966 = arith.constant 149999 : i32
    %jit3A_2967 = arith.constant 0 : i32
    %broadcast_in_dim3A_2968 = vector.broadcast %jit3A_2966 : i32 to vector<16xi32>
    %broadcast_in_dim3A_2969 = vector.broadcast %jit3A_2967 : i32 to vector<16xi32>
    %select_n3A_2970 = arith.select %ge3A_2965, %broadcast_in_dim3A_2968, %broadcast_in_dim3A_2969 : vector<16xi1>, vector<16xi32>
    %sub3A_2971 = arith.subi %add3A_2962, %select_n3A_2970 : vector<16xi32>
    %swap3A_2972 = arith.constant 144 : index
    %swap3A_2973 = tpu.vector_load %arg7[%swap3A_2972] {strides = array<i32>} : memref<320xi32, #tpu.memory_space<vmem>>, vector<16xi32>,
    %swap3A_2974 = vector.shape_cast %swap3A_2973 : vector<16xi32> to vector<16xi32>
    %swap3A_2975 = vector.shape_cast %sub3A_2971 : vector<16xi32> to vector<16xi32>
    tpu.vector_store %arg7[%swap3A_2972], %swap3A_2975 {strides = array<i32>} : memref<320xi32, #tpu.memory_space<vmem>>, vector<16xi32>,
    %get3A_2976 = arith.constant 160 : index
    %get3A_2977 = tpu.vector_load %arg7[%get3A_2976] {strides = array<i32>} : memref<320xi32, #tpu.memory_space<vmem>>, vector<16xi32>,
    %get3A_2978 = vector.shape_cast %get3A_2977 : vector<16xi32> to vector<16xi32>
    %add3A_2979 = arith.addi %get3A_2978, %get3A_2978 : vector<16xi32>
    %ge3A_2980 = arith.constant 75000 : i32
    %ge3A_2981 = vector.broadcast %ge3A_2980 : i32 to vector<16xi32>
    %ge3A_2982 = arith.cmpi sge, %get3A_2978, %ge3A_2981 : vector<16xi32>
    %jit3A_2983 = arith.constant 149999 : i32
    %jit3A_2984 = arith.constant 0 : i32
    %broadcast_in_dim3A_2985 = vector.broadcast %jit3A_2983 : i32 to vector<16xi32>
    %broadcast_in_dim3A_2986 = vector.broadcast %jit3A_2984 : i32 to vector<16xi32>
    %select_n3A_2987 = arith.select %ge3A_2982, %broadcast_in_dim3A_2985, %broadcast_in_dim3A_2986 : vector<16xi1>, vector<16xi32>
    %sub3A_2988 = arith.subi %add3A_2979, %select_n3A_2987 : vector<16xi32>
    %swap3A_2989 = arith.constant 160 : index
    %swap3A_2990 = tpu.vector_load %arg7[%swap3A_2989] {strides = array<i32>} : memref<320xi32, #tpu.memory_space<vmem>>, vector<16xi32>,
    %swap3A_2991 = vector.shape_cast %swap3A_2990 : vector<16xi32> to vector<16xi32>
    %swap3A_2992 = vector.shape_cast %sub3A_2988 : vector<16xi32> to vector<16xi32>
    tpu.vector_store %arg7[%swap3A_2989], %swap3A_2992 {strides = array<i32>} : memref<320xi32, #tpu.memory_space<vmem>>, vector<16xi32>,
    %get3A_2993 = arith.constant 176 : index
    %get3A_2994 = tpu.vector_load %arg7[%get3A_2993] {strides = array<i32>} : memref<320xi32, #tpu.memory_space<vmem>>, vector<16xi32>,
    %get3A_2995 = vector.shape_cast %get3A_2994 : vector<16xi32> to vector<16xi32>
    %add3A_2996 = arith.addi %get3A_2995, %get3A_2995 : vector<16xi32>
    %ge3A_2997 = arith.constant 75000 : i32
    %ge3A_2998 = vector.broadcast %ge3A_2997 : i32 to vector<16xi32>
    %ge3A_2999 = arith.cmpi sge, %get3A_2995, %ge3A_2998 : vector<16xi32>
    %jit3A_3000 = arith.constant 149999 : i32
    %jit3A_3001 = arith.constant 0 : i32
    %broadcast_in_dim3A_3002 = vector.broadcast %jit3A_3000 : i32 to vector<16xi32>
    %broadcast_in_dim3A_3003 = vector.broadcast %jit3A_3001 : i32 to vector<16xi32>
    %select_n3A_3004 = arith.select %ge3A_2999, %broadcast_in_dim3A_3002, %broadcast_in_dim3A_3003 : vector<16xi1>, vector<16xi32>
    %sub3A_3005 = arith.subi %add3A_2996, %select_n3A_3004 : vector<16xi32>
    %swap3A_3006 = arith.constant 176 : index
    %swap3A_3007 = tpu.vector_load %arg7[%swap3A_3006] {strides = array<i32>} : memref<320xi32, #tpu.memory_space<vmem>>, vector<16xi32>,
    %swap3A_3008 = vector.shape_cast %swap3A_3007 : vector<16xi32> to vector<16xi32>
    %swap3A_3009 = vector.shape_cast %sub3A_3005 : vector<16xi32> to vector<16xi32>
    tpu.vector_store %arg7[%swap3A_3006], %swap3A_3009 {strides = array<i32>} : memref<320xi32, #tpu.memory_space<vmem>>, vector<16xi32>,
    %get3A_3010 = arith.constant 192 : index
    %get3A_3011 = tpu.vector_load %arg7[%get3A_3010] {strides = array<i32>} : memref<320xi32, #tpu.memory_space<vmem>>, vector<16xi32>,
    %get3A_3012 = vector.shape_cast %get3A_3011 : vector<16xi32> to vector<16xi32>
    %add3A_3013 = arith.addi %get3A_3012, %get3A_3012 : vector<16xi32>
    %ge3A_3014 = arith.constant 75000 : i32
    %ge3A_3015 = vector.broadcast %ge3A_3014 : i32 to vector<16xi32>
    %ge3A_3016 = arith.cmpi sge, %get3A_3012, %ge3A_3015 : vector<16xi32>
    %jit3A_3017 = arith.constant 149999 : i32
    %jit3A_3018 = arith.constant 0 : i32
    %broadcast_in_dim3A_3019 = vector.broadcast %jit3A_3017 : i32 to vector<16xi32>
    %broadcast_in_dim3A_3020 = vector.broadcast %jit3A_3018 : i32 to vector<16xi32>
    %select_n3A_3021 = arith.select %ge3A_3016, %broadcast_in_dim3A_3019, %broadcast_in_dim3A_3020 : vector<16xi1>, vector<16xi32>
    %sub3A_3022 = arith.subi %add3A_3013, %select_n3A_3021 : vector<16xi32>
    %swap3A_3023 = arith.constant 192 : index
    %swap3A_3024 = tpu.vector_load %arg7[%swap3A_3023] {strides = array<i32>} : memref<320xi32, #tpu.memory_space<vmem>>, vector<16xi32>,
    %swap3A_3025 = vector.shape_cast %swap3A_3024 : vector<16xi32> to vector<16xi32>
    %swap3A_3026 = vector.shape_cast %sub3A_3022 : vector<16xi32> to vector<16xi32>
    tpu.vector_store %arg7[%swap3A_3023], %swap3A_3026 {strides = array<i32>} : memref<320xi32, #tpu.memory_space<vmem>>, vector<16xi32>,
    %get3A_3027 = arith.constant 208 : index
    %get3A_3028 = tpu.vector_load %arg7[%get3A_3027] {strides = array<i32>} : memref<320xi32, #tpu.memory_space<vmem>>, vector<16xi32>,
    %get3A_3029 = vector.shape_cast %get3A_3028 : vector<16xi32> to vector<16xi32>
    %add3A_3030 = arith.addi %get3A_3029, %get3A_3029 : vector<16xi32>
    %ge3A_3031 = arith.constant 75000 : i32
    %ge3A_3032 = vector.broadcast %ge3A_3031 : i32 to vector<16xi32>
    %ge3A_3033 = arith.cmpi sge, %get3A_3029, %ge3A_3032 : vector<16xi32>
    %jit3A_3034 = arith.constant 149999 : i32
    %jit3A_3035 = arith.constant 0 : i32
    %broadcast_in_dim3A_3036 = vector.broadcast %jit3A_3034 : i32 to vector<16xi32>
    %broadcast_in_dim3A_3037 = vector.broadcast %jit3A_3035 : i32 to vector<16xi32>
    %select_n3A_3038 = arith.select %ge3A_3033, %broadcast_in_dim3A_3036, %broadcast_in_dim3A_3037 : vector<16xi1>, vector<16xi32>
    %sub3A_3039 = arith.subi %add3A_3030, %select_n3A_3038 : vector<16xi32>
    %swap3A_3040 = arith.constant 208 : index
    %swap3A_3041 = tpu.vector_load %arg7[%swap3A_3040] {strides = array<i32>} : memref<320xi32, #tpu.memory_space<vmem>>, vector<16xi32>,
    %swap3A_3042 = vector.shape_cast %swap3A_3041 : vector<16xi32> to vector<16xi32>
    %swap3A_3043 = vector.shape_cast %sub3A_3039 : vector<16xi32> to vector<16xi32>
    tpu.vector_store %arg7[%swap3A_3040], %swap3A_3043 {strides = array<i32>} : memref<320xi32, #tpu.memory_space<vmem>>, vector<16xi32>,
    %get3A_3044 = arith.constant 224 : index
    %get3A_3045 = tpu.vector_load %arg7[%get3A_3044] {strides = array<i32>} : memref<320xi32, #tpu.memory_space<vmem>>, vector<16xi32>,
    %get3A_3046 = vector.shape_cast %get3A_3045 : vector<16xi32> to vector<16xi32>
    %add3A_3047 = arith.addi %get3A_3046, %get3A_3046 : vector<16xi32>
    %ge3A_3048 = arith.constant 75000 : i32
    %ge3A_3049 = vector.broadcast %ge3A_3048 : i32 to vector<16xi32>
    %ge3A_3050 = arith.cmpi sge, %get3A_3046, %ge3A_3049 : vector<16xi32>
    %jit3A_3051 = arith.constant 149999 : i32
    %jit3A_3052 = arith.constant 0 : i32
    %broadcast_in_dim3A_3053 = vector.broadcast %jit3A_3051 : i32 to vector<16xi32>
    %broadcast_in_dim3A_3054 = vector.broadcast %jit3A_3052 : i32 to vector<16xi32>
    %select_n3A_3055 = arith.select %ge3A_3050, %broadcast_in_dim3A_3053, %broadcast_in_dim3A_3054 : vector<16xi1>, vector<16xi32>
    %sub3A_3056 = arith.subi %add3A_3047, %select_n3A_3055 : vector<16xi32>
    %swap3A_3057 = arith.constant 224 : index
    %swap3A_3058 = tpu.vector_load %arg7[%swap3A_3057] {strides = array<i32>} : memref<320xi32, #tpu.memory_space<vmem>>, vector<16xi32>,
    %swap3A_3059 = vector.shape_cast %swap3A_3058 : vector<16xi32> to vector<16xi32>
    %swap3A_3060 = vector.shape_cast %sub3A_3056 : vector<16xi32> to vector<16xi32>
    tpu.vector_store %arg7[%swap3A_3057], %swap3A_3060 {strides = array<i32>} : memref<320xi32, #tpu.memory_space<vmem>>, vector<16xi32>,
    %get3A_3061 = arith.constant 240 : index
    %get3A_3062 = tpu.vector_load %arg7[%get3A_3061] {strides = array<i32>} : memref<320xi32, #tpu.memory_space<vmem>>, vector<16xi32>,
    %get3A_3063 = vector.shape_cast %get3A_3062 : vector<16xi32> to vector<16xi32>
    %add3A_3064 = arith.addi %get3A_3063, %get3A_3063 : vector<16xi32>
    %ge3A_3065 = arith.constant 75000 : i32
    %ge3A_3066 = vector.broadcast %ge3A_3065 : i32 to vector<16xi32>
    %ge3A_3067 = arith.cmpi sge, %get3A_3063, %ge3A_3066 : vector<16xi32>
    %jit3A_3068 = arith.constant 149999 : i32
    %jit3A_3069 = arith.constant 0 : i32
    %broadcast_in_dim3A_3070 = vector.broadcast %jit3A_3068 : i32 to vector<16xi32>
    %broadcast_in_dim3A_3071 = vector.broadcast %jit3A_3069 : i32 to vector<16xi32>
    %select_n3A_3072 = arith.select %ge3A_3067, %broadcast_in_dim3A_3070, %broadcast_in_dim3A_3071 : vector<16xi1>, vector<16xi32>
    %sub3A_3073 = arith.subi %add3A_3064, %select_n3A_3072 : vector<16xi32>
    %swap3A_3074 = arith.constant 240 : index
    %swap3A_3075 = tpu.vector_load %arg7[%swap3A_3074] {strides = array<i32>} : memref<320xi32, #tpu.memory_space<vmem>>, vector<16xi32>,
    %swap3A_3076 = vector.shape_cast %swap3A_3075 : vector<16xi32> to vector<16xi32>
    %swap3A_3077 = vector.shape_cast %sub3A_3073 : vector<16xi32> to vector<16xi32>
    tpu.vector_store %arg7[%swap3A_3074], %swap3A_3077 {strides = array<i32>} : memref<320xi32, #tpu.memory_space<vmem>>, vector<16xi32>,
    %get3A_3078 = arith.constant 256 : index
    %get3A_3079 = tpu.vector_load %arg7[%get3A_3078] {strides = array<i32>} : memref<320xi32, #tpu.memory_space<vmem>>, vector<16xi32>,
    %get3A_3080 = vector.shape_cast %get3A_3079 : vector<16xi32> to vector<16xi32>
    %add3A_3081 = arith.addi %get3A_3080, %get3A_3080 : vector<16xi32>
    %ge3A_3082 = arith.constant 75000 : i32
    %ge3A_3083 = vector.broadcast %ge3A_3082 : i32 to vector<16xi32>
    %ge3A_3084 = arith.cmpi sge, %get3A_3080, %ge3A_3083 : vector<16xi32>
    %jit3A_3085 = arith.constant 149999 : i32
    %jit3A_3086 = arith.constant 0 : i32
    %broadcast_in_dim3A_3087 = vector.broadcast %jit3A_3085 : i32 to vector<16xi32>
    %broadcast_in_dim3A_3088 = vector.broadcast %jit3A_3086 : i32 to vector<16xi32>
    %select_n3A_3089 = arith.select %ge3A_3084, %broadcast_in_dim3A_3087, %broadcast_in_dim3A_3088 : vector<16xi1>, vector<16xi32>
    %sub3A_3090 = arith.subi %add3A_3081, %select_n3A_3089 : vector<16xi32>
    %swap3A_3091 = arith.constant 256 : index
    %swap3A_3092 = tpu.vector_load %arg7[%swap3A_3091] {strides = array<i32>} : memref<320xi32, #tpu.memory_space<vmem>>, vector<16xi32>,
    %swap3A_3093 = vector.shape_cast %swap3A_3092 : vector<16xi32> to vector<16xi32>
    %swap3A_3094 = vector.shape_cast %sub3A_3090 : vector<16xi32> to vector<16xi32>
    tpu.vector_store %arg7[%swap3A_3091], %swap3A_3094 {strides = array<i32>} : memref<320xi32, #tpu.memory_space<vmem>>, vector<16xi32>,
    %get3A_3095 = arith.constant 272 : index
    %get3A_3096 = tpu.vector_load %arg7[%get3A_3095] {strides = array<i32>} : memref<320xi32, #tpu.memory_space<vmem>>, vector<16xi32>,
    %get3A_3097 = vector.shape_cast %get3A_3096 : vector<16xi32> to vector<16xi32>
    %add3A_3098 = arith.addi %get3A_3097, %get3A_3097 : vector<16xi32>
    %ge3A_3099 = arith.constant 75000 : i32
    %ge3A_3100 = vector.broadcast %ge3A_3099 : i32 to vector<16xi32>
    %ge3A_3101 = arith.cmpi sge, %get3A_3097, %ge3A_3100 : vector<16xi32>
    %jit3A_3102 = arith.constant 149999 : i32
    %jit3A_3103 = arith.constant 0 : i32
    %broadcast_in_dim3A_3104 = vector.broadcast %jit3A_3102 : i32 to vector<16xi32>
    %broadcast_in_dim3A_3105 = vector.broadcast %jit3A_3103 : i32 to vector<16xi32>
    %select_n3A_3106 = arith.select %ge3A_3101, %broadcast_in_dim3A_3104, %broadcast_in_dim3A_3105 : vector<16xi1>, vector<16xi32>
    %sub3A_3107 = arith.subi %add3A_3098, %select_n3A_3106 : vector<16xi32>
    %swap3A_3108 = arith.constant 272 : index
    %swap3A_3109 = tpu.vector_load %arg7[%swap3A_3108] {strides = array<i32>} : memref<320xi32, #tpu.memory_space<vmem>>, vector<16xi32>,
    %swap3A_3110 = vector.shape_cast %swap3A_3109 : vector<16xi32> to vector<16xi32>
    %swap3A_3111 = vector.shape_cast %sub3A_3107 : vector<16xi32> to vector<16xi32>
    tpu.vector_store %arg7[%swap3A_3108], %swap3A_3111 {strides = array<i32>} : memref<320xi32, #tpu.memory_space<vmem>>, vector<16xi32>,
    %get3A_3112 = arith.constant 288 : index
    %get3A_3113 = tpu.vector_load %arg7[%get3A_3112] {strides = array<i32>} : memref<320xi32, #tpu.memory_space<vmem>>, vector<16xi32>,
    %get3A_3114 = vector.shape_cast %get3A_3113 : vector<16xi32> to vector<16xi32>
    %add3A_3115 = arith.addi %get3A_3114, %get3A_3114 : vector<16xi32>
    %ge3A_3116 = arith.constant 75000 : i32
    %ge3A_3117 = vector.broadcast %ge3A_3116 : i32 to vector<16xi32>
    %ge3A_3118 = arith.cmpi sge, %get3A_3114, %ge3A_3117 : vector<16xi32>
    %jit3A_3119 = arith.constant 149999 : i32
    %jit3A_3120 = arith.constant 0 : i32
    %broadcast_in_dim3A_3121 = vector.broadcast %jit3A_3119 : i32 to vector<16xi32>
    %broadcast_in_dim3A_3122 = vector.broadcast %jit3A_3120 : i32 to vector<16xi32>
    %select_n3A_3123 = arith.select %ge3A_3118, %broadcast_in_dim3A_3121, %broadcast_in_dim3A_3122 : vector<16xi1>, vector<16xi32>
    %sub3A_3124 = arith.subi %add3A_3115, %select_n3A_3123 : vector<16xi32>
    %swap3A_3125 = arith.constant 288 : index
    %swap3A_3126 = tpu.vector_load %arg7[%swap3A_3125] {strides = array<i32>} : memref<320xi32, #tpu.memory_space<vmem>>, vector<16xi32>,
    %swap3A_3127 = vector.shape_cast %swap3A_3126 : vector<16xi32> to vector<16xi32>
    %swap3A_3128 = vector.shape_cast %sub3A_3124 : vector<16xi32> to vector<16xi32>
    tpu.vector_store %arg7[%swap3A_3125], %swap3A_3128 {strides = array<i32>} : memref<320xi32, #tpu.memory_space<vmem>>, vector<16xi32>,
    %get3A_3129 = arith.constant 304 : index
    %get3A_3130 = tpu.vector_load %arg7[%get3A_3129] {strides = array<i32>} : memref<320xi32, #tpu.memory_space<vmem>>, vector<16xi32>,
    %get3A_3131 = vector.shape_cast %get3A_3130 : vector<16xi32> to vector<16xi32>
    %add3A_3132 = arith.addi %get3A_3131, %get3A_3131 : vector<16xi32>
    %ge3A_3133 = arith.constant 75000 : i32
    %ge3A_3134 = vector.broadcast %ge3A_3133 : i32 to vector<16xi32>
    %ge3A_3135 = arith.cmpi sge, %get3A_3131, %ge3A_3134 : vector<16xi32>
    %jit3A_3136 = arith.constant 149999 : i32
    %jit3A_3137 = arith.constant 0 : i32
    %broadcast_in_dim3A_3138 = vector.broadcast %jit3A_3136 : i32 to vector<16xi32>
    %broadcast_in_dim3A_3139 = vector.broadcast %jit3A_3137 : i32 to vector<16xi32>
    %select_n3A_3140 = arith.select %ge3A_3135, %broadcast_in_dim3A_3138, %broadcast_in_dim3A_3139 : vector<16xi1>, vector<16xi32>
    %sub3A_3141 = arith.subi %add3A_3132, %select_n3A_3140 : vector<16xi32>
    %swap3A_3142 = arith.constant 304 : index
    %swap3A_3143 = tpu.vector_load %arg7[%swap3A_3142] {strides = array<i32>} : memref<320xi32, #tpu.memory_space<vmem>>, vector<16xi32>,
    %swap3A_3144 = vector.shape_cast %swap3A_3143 : vector<16xi32> to vector<16xi32>
    %swap3A_3145 = vector.shape_cast %sub3A_3141 : vector<16xi32> to vector<16xi32>
    tpu.vector_store %arg7[%swap3A_3142], %swap3A_3145 {strides = array<i32>} : memref<320xi32, #tpu.memory_space<vmem>>, vector<16xi32>,
    %dma_start3A_3146 = arith.constant 0 : i32
    %dma_start3A_3147 = arith.constant 0 : i32
    %dma_start3A_3148 = tpu.memref_slice %arg2[%dma_start3A_3146, %dma_start3A_3147] : memref<150000x64xf32, #tpu.memory_space<hbm>> -> memref<150000x64xf32, #tpu.memory_space<hbm>>
    tpu.enqueue_indirect_dma source(%dma_start3A_3148 : memref<150000x64xf32, #tpu.memory_space<hbm>>) target(%arg10 : memref<320x64xf32, #tpu.memory_space<vmem>>) offsets(%arg7 : memref<320xi32, #tpu.memory_space<vmem>>) semaphore(%arg13 : memref<!tpu.dma_semaphore, #tpu.memory_space<semaphore_mem>>)
    %dma_wait3A_3149 = arith.constant 0 : i32
    %dma_wait3A_3150 = arith.constant 0 : i32
    %dma_wait3A_3151 = tpu.memref_slice %arg2[%dma_wait3A_3149, %dma_wait3A_3150] : memref<150000x64xf32, #tpu.memory_space<hbm>> -> memref<150000x64xf32, #tpu.memory_space<hbm>>
    tpu.wait_indirect_dma semaphore(%arg11 : memref<!tpu.dma_semaphore, #tpu.memory_space<semaphore_mem>>) src(%dma_wait3A_3151 : memref<150000x64xf32, #tpu.memory_space<hbm>>) dst(%arg8 : memref<320x64xf32, #tpu.memory_space<vmem>>)
    %min3A_3152 = arith.constant 1920 : i32
    %min3A_3153 = arith.minsi %min3A_3152, %sub3A_5 : i32
    %add3A_3154 = arith.addi %mul3A_2, %min3A_3153 : i32
    "tpu.region"() ({
      %run_scoped3A = tpu.sem_alloc : memref<!tpu.dma_semaphore, #tpu.memory_space<semaphore_mem>>
      %dma_start3A_3519 = arith.constant 0 : i32
      %dma_start3A_3520 = tpu.memref_slice %arg4[%add3A_3154, %dma_start3A_3519] : memref<100000x128xf32, #tpu.memory_space<hbm>> -> memref<320x64xf32, #tpu.memory_space<hbm>>
      %dma_start3A_3521 = arith.constant 0 : i32
      %dma_start3A_3522 = tpu.memref_slice %arg4[%add3A_3154, %dma_start3A_3521] : memref<100000x128xf32, #tpu.memory_space<hbm>> -> memref<320x64xf32, #tpu.memory_space<hbm>>
      tpu.enqueue_dma source(%arg8 : memref<320x64xf32, #tpu.memory_space<vmem>>) target(%dma_start3A_3522 : memref<320x64xf32, #tpu.memory_space<hbm>>) target_semaphore(%run_scoped3A : memref<!tpu.dma_semaphore, #tpu.memory_space<semaphore_mem>>)
      %dma_wait3A_3523 = arith.constant 0 : i32
      %dma_wait3A_3524 = tpu.memref_slice %arg4[%add3A_3154, %dma_wait3A_3523] : memref<100000x128xf32, #tpu.memory_space<hbm>> -> memref<320x64xf32, #tpu.memory_space<hbm>>
      %dma_wait3A_3525 = arith.constant 0 : i32
      %dma_wait3A_3526 = tpu.memref_slice %arg4[%add3A_3154, %dma_wait3A_3525] : memref<100000x128xf32, #tpu.memory_space<hbm>> -> memref<320x64xf32, #tpu.memory_space<hbm>>
      tpu.wait_dma2 semaphore(%run_scoped3A : memref<!tpu.dma_semaphore, #tpu.memory_space<semaphore_mem>>) src(%arg8 : memref<320x64xf32, #tpu.memory_space<vmem>>) dst(%dma_wait3A_3526 : memref<320x64xf32, #tpu.memory_space<hbm>>)
      tpu.yield
    }) : () -> ()
    %min3A_3155 = arith.constant 2880 : i32
    %min3A_3156 = arith.minsi %min3A_3155, %sub3A_5 : i32
    %add3A_3157 = arith.addi %mul3A_2, %min3A_3156 : i32
    "tpu.region"() ({
      %run_scoped3A = tpu.sem_alloc : memref<!tpu.dma_semaphore, #tpu.memory_space<semaphore_mem>>
      %dma_start3A_3519 = tpu.memref_slice %arg3[%add3A_3157] : memref<100000xi32, #tpu.memory_space<hbm>> -> memref<320xi32, #tpu.memory_space<hbm>>
      %dma_start3A_3520 = tpu.memref_slice %arg3[%add3A_3157] : memref<100000xi32, #tpu.memory_space<hbm>> -> memref<320xi32, #tpu.memory_space<hbm>>
      tpu.enqueue_dma source(%dma_start3A_3520 : memref<320xi32, #tpu.memory_space<hbm>>) target(%arg5 : memref<320xi32, #tpu.memory_space<vmem>>) target_semaphore(%run_scoped3A : memref<!tpu.dma_semaphore, #tpu.memory_space<semaphore_mem>>)
      %dma_wait3A_3521 = tpu.memref_slice %arg3[%add3A_3157] : memref<100000xi32, #tpu.memory_space<hbm>> -> memref<320xi32, #tpu.memory_space<hbm>>
      %dma_wait3A_3522 = tpu.memref_slice %arg3[%add3A_3157] : memref<100000xi32, #tpu.memory_space<hbm>> -> memref<320xi32, #tpu.memory_space<hbm>>
      tpu.wait_dma2 semaphore(%run_scoped3A : memref<!tpu.dma_semaphore, #tpu.memory_space<semaphore_mem>>) src(%dma_wait3A_3522 : memref<320xi32, #tpu.memory_space<hbm>>) dst(%arg5 : memref<320xi32, #tpu.memory_space<vmem>>)
      tpu.yield
    }) : () -> ()
    %get3A_3158 = arith.constant 0 : index
    %get3A_3159 = tpu.vector_load %arg5[%get3A_3158] {strides = array<i32>} : memref<320xi32, #tpu.memory_space<vmem>>, vector<16xi32>,
    %get3A_3160 = vector.shape_cast %get3A_3159 : vector<16xi32> to vector<16xi32>
    %add3A_3161 = arith.addi %get3A_3160, %get3A_3160 : vector<16xi32>
    %ge3A_3162 = arith.constant 75000 : i32
    %ge3A_3163 = vector.broadcast %ge3A_3162 : i32 to vector<16xi32>
    %ge3A_3164 = arith.cmpi sge, %get3A_3160, %ge3A_3163 : vector<16xi32>
    %jit3A_3165 = arith.constant 149999 : i32
    %jit3A_3166 = arith.constant 0 : i32
    %broadcast_in_dim3A_3167 = vector.broadcast %jit3A_3165 : i32 to vector<16xi32>
    %broadcast_in_dim3A_3168 = vector.broadcast %jit3A_3166 : i32 to vector<16xi32>
    %select_n3A_3169 = arith.select %ge3A_3164, %broadcast_in_dim3A_3167, %broadcast_in_dim3A_3168 : vector<16xi1>, vector<16xi32>
    %sub3A_3170 = arith.subi %add3A_3161, %select_n3A_3169 : vector<16xi32>
    %swap3A_3171 = arith.constant 0 : index
    %swap3A_3172 = tpu.vector_load %arg5[%swap3A_3171] {strides = array<i32>} : memref<320xi32, #tpu.memory_space<vmem>>, vector<16xi32>,
    %swap3A_3173 = vector.shape_cast %swap3A_3172 : vector<16xi32> to vector<16xi32>
    %swap3A_3174 = vector.shape_cast %sub3A_3170 : vector<16xi32> to vector<16xi32>
    tpu.vector_store %arg5[%swap3A_3171], %swap3A_3174 {strides = array<i32>} : memref<320xi32, #tpu.memory_space<vmem>>, vector<16xi32>,
    %get3A_3175 = arith.constant 16 : index
    %get3A_3176 = tpu.vector_load %arg5[%get3A_3175] {strides = array<i32>} : memref<320xi32, #tpu.memory_space<vmem>>, vector<16xi32>,
    %get3A_3177 = vector.shape_cast %get3A_3176 : vector<16xi32> to vector<16xi32>
    %add3A_3178 = arith.addi %get3A_3177, %get3A_3177 : vector<16xi32>
    %ge3A_3179 = arith.constant 75000 : i32
    %ge3A_3180 = vector.broadcast %ge3A_3179 : i32 to vector<16xi32>
    %ge3A_3181 = arith.cmpi sge, %get3A_3177, %ge3A_3180 : vector<16xi32>
    %jit3A_3182 = arith.constant 149999 : i32
    %jit3A_3183 = arith.constant 0 : i32
    %broadcast_in_dim3A_3184 = vector.broadcast %jit3A_3182 : i32 to vector<16xi32>
    %broadcast_in_dim3A_3185 = vector.broadcast %jit3A_3183 : i32 to vector<16xi32>
    %select_n3A_3186 = arith.select %ge3A_3181, %broadcast_in_dim3A_3184, %broadcast_in_dim3A_3185 : vector<16xi1>, vector<16xi32>
    %sub3A_3187 = arith.subi %add3A_3178, %select_n3A_3186 : vector<16xi32>
    %swap3A_3188 = arith.constant 16 : index
    %swap3A_3189 = tpu.vector_load %arg5[%swap3A_3188] {strides = array<i32>} : memref<320xi32, #tpu.memory_space<vmem>>, vector<16xi32>,
    %swap3A_3190 = vector.shape_cast %swap3A_3189 : vector<16xi32> to vector<16xi32>
    %swap3A_3191 = vector.shape_cast %sub3A_3187 : vector<16xi32> to vector<16xi32>
    tpu.vector_store %arg5[%swap3A_3188], %swap3A_3191 {strides = array<i32>} : memref<320xi32, #tpu.memory_space<vmem>>, vector<16xi32>,
    %get3A_3192 = arith.constant 32 : index
    %get3A_3193 = tpu.vector_load %arg5[%get3A_3192] {strides = array<i32>} : memref<320xi32, #tpu.memory_space<vmem>>, vector<16xi32>,
    %get3A_3194 = vector.shape_cast %get3A_3193 : vector<16xi32> to vector<16xi32>
    %add3A_3195 = arith.addi %get3A_3194, %get3A_3194 : vector<16xi32>
    %ge3A_3196 = arith.constant 75000 : i32
    %ge3A_3197 = vector.broadcast %ge3A_3196 : i32 to vector<16xi32>
    %ge3A_3198 = arith.cmpi sge, %get3A_3194, %ge3A_3197 : vector<16xi32>
    %jit3A_3199 = arith.constant 149999 : i32
    %jit3A_3200 = arith.constant 0 : i32
    %broadcast_in_dim3A_3201 = vector.broadcast %jit3A_3199 : i32 to vector<16xi32>
    %broadcast_in_dim3A_3202 = vector.broadcast %jit3A_3200 : i32 to vector<16xi32>
    %select_n3A_3203 = arith.select %ge3A_3198, %broadcast_in_dim3A_3201, %broadcast_in_dim3A_3202 : vector<16xi1>, vector<16xi32>
    %sub3A_3204 = arith.subi %add3A_3195, %select_n3A_3203 : vector<16xi32>
    %swap3A_3205 = arith.constant 32 : index
    %swap3A_3206 = tpu.vector_load %arg5[%swap3A_3205] {strides = array<i32>} : memref<320xi32, #tpu.memory_space<vmem>>, vector<16xi32>,
    %swap3A_3207 = vector.shape_cast %swap3A_3206 : vector<16xi32> to vector<16xi32>
    %swap3A_3208 = vector.shape_cast %sub3A_3204 : vector<16xi32> to vector<16xi32>
    tpu.vector_store %arg5[%swap3A_3205], %swap3A_3208 {strides = array<i32>} : memref<320xi32, #tpu.memory_space<vmem>>, vector<16xi32>,
    %get3A_3209 = arith.constant 48 : index
    %get3A_3210 = tpu.vector_load %arg5[%get3A_3209] {strides = array<i32>} : memref<320xi32, #tpu.memory_space<vmem>>, vector<16xi32>,
    %get3A_3211 = vector.shape_cast %get3A_3210 : vector<16xi32> to vector<16xi32>
    %add3A_3212 = arith.addi %get3A_3211, %get3A_3211 : vector<16xi32>
    %ge3A_3213 = arith.constant 75000 : i32
    %ge3A_3214 = vector.broadcast %ge3A_3213 : i32 to vector<16xi32>
    %ge3A_3215 = arith.cmpi sge, %get3A_3211, %ge3A_3214 : vector<16xi32>
    %jit3A_3216 = arith.constant 149999 : i32
    %jit3A_3217 = arith.constant 0 : i32
    %broadcast_in_dim3A_3218 = vector.broadcast %jit3A_3216 : i32 to vector<16xi32>
    %broadcast_in_dim3A_3219 = vector.broadcast %jit3A_3217 : i32 to vector<16xi32>
    %select_n3A_3220 = arith.select %ge3A_3215, %broadcast_in_dim3A_3218, %broadcast_in_dim3A_3219 : vector<16xi1>, vector<16xi32>
    %sub3A_3221 = arith.subi %add3A_3212, %select_n3A_3220 : vector<16xi32>
    %swap3A_3222 = arith.constant 48 : index
    %swap3A_3223 = tpu.vector_load %arg5[%swap3A_3222] {strides = array<i32>} : memref<320xi32, #tpu.memory_space<vmem>>, vector<16xi32>,
    %swap3A_3224 = vector.shape_cast %swap3A_3223 : vector<16xi32> to vector<16xi32>
    %swap3A_3225 = vector.shape_cast %sub3A_3221 : vector<16xi32> to vector<16xi32>
    tpu.vector_store %arg5[%swap3A_3222], %swap3A_3225 {strides = array<i32>} : memref<320xi32, #tpu.memory_space<vmem>>, vector<16xi32>,
    %get3A_3226 = arith.constant 64 : index
    %get3A_3227 = tpu.vector_load %arg5[%get3A_3226] {strides = array<i32>} : memref<320xi32, #tpu.memory_space<vmem>>, vector<16xi32>,
    %get3A_3228 = vector.shape_cast %get3A_3227 : vector<16xi32> to vector<16xi32>
    %add3A_3229 = arith.addi %get3A_3228, %get3A_3228 : vector<16xi32>
    %ge3A_3230 = arith.constant 75000 : i32
    %ge3A_3231 = vector.broadcast %ge3A_3230 : i32 to vector<16xi32>
    %ge3A_3232 = arith.cmpi sge, %get3A_3228, %ge3A_3231 : vector<16xi32>
    %jit3A_3233 = arith.constant 149999 : i32
    %jit3A_3234 = arith.constant 0 : i32
    %broadcast_in_dim3A_3235 = vector.broadcast %jit3A_3233 : i32 to vector<16xi32>
    %broadcast_in_dim3A_3236 = vector.broadcast %jit3A_3234 : i32 to vector<16xi32>
    %select_n3A_3237 = arith.select %ge3A_3232, %broadcast_in_dim3A_3235, %broadcast_in_dim3A_3236 : vector<16xi1>, vector<16xi32>
    %sub3A_3238 = arith.subi %add3A_3229, %select_n3A_3237 : vector<16xi32>
    %swap3A_3239 = arith.constant 64 : index
    %swap3A_3240 = tpu.vector_load %arg5[%swap3A_3239] {strides = array<i32>} : memref<320xi32, #tpu.memory_space<vmem>>, vector<16xi32>,
    %swap3A_3241 = vector.shape_cast %swap3A_3240 : vector<16xi32> to vector<16xi32>
    %swap3A_3242 = vector.shape_cast %sub3A_3238 : vector<16xi32> to vector<16xi32>
    tpu.vector_store %arg5[%swap3A_3239], %swap3A_3242 {strides = array<i32>} : memref<320xi32, #tpu.memory_space<vmem>>, vector<16xi32>,
    %get3A_3243 = arith.constant 80 : index
    %get3A_3244 = tpu.vector_load %arg5[%get3A_3243] {strides = array<i32>} : memref<320xi32, #tpu.memory_space<vmem>>, vector<16xi32>,
    %get3A_3245 = vector.shape_cast %get3A_3244 : vector<16xi32> to vector<16xi32>
    %add3A_3246 = arith.addi %get3A_3245, %get3A_3245 : vector<16xi32>
    %ge3A_3247 = arith.constant 75000 : i32
    %ge3A_3248 = vector.broadcast %ge3A_3247 : i32 to vector<16xi32>
    %ge3A_3249 = arith.cmpi sge, %get3A_3245, %ge3A_3248 : vector<16xi32>
    %jit3A_3250 = arith.constant 149999 : i32
    %jit3A_3251 = arith.constant 0 : i32
    %broadcast_in_dim3A_3252 = vector.broadcast %jit3A_3250 : i32 to vector<16xi32>
    %broadcast_in_dim3A_3253 = vector.broadcast %jit3A_3251 : i32 to vector<16xi32>
    %select_n3A_3254 = arith.select %ge3A_3249, %broadcast_in_dim3A_3252, %broadcast_in_dim3A_3253 : vector<16xi1>, vector<16xi32>
    %sub3A_3255 = arith.subi %add3A_3246, %select_n3A_3254 : vector<16xi32>
    %swap3A_3256 = arith.constant 80 : index
    %swap3A_3257 = tpu.vector_load %arg5[%swap3A_3256] {strides = array<i32>} : memref<320xi32, #tpu.memory_space<vmem>>, vector<16xi32>,
    %swap3A_3258 = vector.shape_cast %swap3A_3257 : vector<16xi32> to vector<16xi32>
    %swap3A_3259 = vector.shape_cast %sub3A_3255 : vector<16xi32> to vector<16xi32>
    tpu.vector_store %arg5[%swap3A_3256], %swap3A_3259 {strides = array<i32>} : memref<320xi32, #tpu.memory_space<vmem>>, vector<16xi32>,
    %get3A_3260 = arith.constant 96 : index
    %get3A_3261 = tpu.vector_load %arg5[%get3A_3260] {strides = array<i32>} : memref<320xi32, #tpu.memory_space<vmem>>, vector<16xi32>,
    %get3A_3262 = vector.shape_cast %get3A_3261 : vector<16xi32> to vector<16xi32>
    %add3A_3263 = arith.addi %get3A_3262, %get3A_3262 : vector<16xi32>
    %ge3A_3264 = arith.constant 75000 : i32
    %ge3A_3265 = vector.broadcast %ge3A_3264 : i32 to vector<16xi32>
    %ge3A_3266 = arith.cmpi sge, %get3A_3262, %ge3A_3265 : vector<16xi32>
    %jit3A_3267 = arith.constant 149999 : i32
    %jit3A_3268 = arith.constant 0 : i32
    %broadcast_in_dim3A_3269 = vector.broadcast %jit3A_3267 : i32 to vector<16xi32>
    %broadcast_in_dim3A_3270 = vector.broadcast %jit3A_3268 : i32 to vector<16xi32>
    %select_n3A_3271 = arith.select %ge3A_3266, %broadcast_in_dim3A_3269, %broadcast_in_dim3A_3270 : vector<16xi1>, vector<16xi32>
    %sub3A_3272 = arith.subi %add3A_3263, %select_n3A_3271 : vector<16xi32>
    %swap3A_3273 = arith.constant 96 : index
    %swap3A_3274 = tpu.vector_load %arg5[%swap3A_3273] {strides = array<i32>} : memref<320xi32, #tpu.memory_space<vmem>>, vector<16xi32>,
    %swap3A_3275 = vector.shape_cast %swap3A_3274 : vector<16xi32> to vector<16xi32>
    %swap3A_3276 = vector.shape_cast %sub3A_3272 : vector<16xi32> to vector<16xi32>
    tpu.vector_store %arg5[%swap3A_3273], %swap3A_3276 {strides = array<i32>} : memref<320xi32, #tpu.memory_space<vmem>>, vector<16xi32>,
    %get3A_3277 = arith.constant 112 : index
    %get3A_3278 = tpu.vector_load %arg5[%get3A_3277] {strides = array<i32>} : memref<320xi32, #tpu.memory_space<vmem>>, vector<16xi32>,
    %get3A_3279 = vector.shape_cast %get3A_3278 : vector<16xi32> to vector<16xi32>
    %add3A_3280 = arith.addi %get3A_3279, %get3A_3279 : vector<16xi32>
    %ge3A_3281 = arith.constant 75000 : i32
    %ge3A_3282 = vector.broadcast %ge3A_3281 : i32 to vector<16xi32>
    %ge3A_3283 = arith.cmpi sge, %get3A_3279, %ge3A_3282 : vector<16xi32>
    %jit3A_3284 = arith.constant 149999 : i32
    %jit3A_3285 = arith.constant 0 : i32
    %broadcast_in_dim3A_3286 = vector.broadcast %jit3A_3284 : i32 to vector<16xi32>
    %broadcast_in_dim3A_3287 = vector.broadcast %jit3A_3285 : i32 to vector<16xi32>
    %select_n3A_3288 = arith.select %ge3A_3283, %broadcast_in_dim3A_3286, %broadcast_in_dim3A_3287 : vector<16xi1>, vector<16xi32>
    %sub3A_3289 = arith.subi %add3A_3280, %select_n3A_3288 : vector<16xi32>
    %swap3A_3290 = arith.constant 112 : index
    %swap3A_3291 = tpu.vector_load %arg5[%swap3A_3290] {strides = array<i32>} : memref<320xi32, #tpu.memory_space<vmem>>, vector<16xi32>,
    %swap3A_3292 = vector.shape_cast %swap3A_3291 : vector<16xi32> to vector<16xi32>
    %swap3A_3293 = vector.shape_cast %sub3A_3289 : vector<16xi32> to vector<16xi32>
    tpu.vector_store %arg5[%swap3A_3290], %swap3A_3293 {strides = array<i32>} : memref<320xi32, #tpu.memory_space<vmem>>, vector<16xi32>,
    %get3A_3294 = arith.constant 128 : index
    %get3A_3295 = tpu.vector_load %arg5[%get3A_3294] {strides = array<i32>} : memref<320xi32, #tpu.memory_space<vmem>>, vector<16xi32>,
    %get3A_3296 = vector.shape_cast %get3A_3295 : vector<16xi32> to vector<16xi32>
    %add3A_3297 = arith.addi %get3A_3296, %get3A_3296 : vector<16xi32>
    %ge3A_3298 = arith.constant 75000 : i32
    %ge3A_3299 = vector.broadcast %ge3A_3298 : i32 to vector<16xi32>
    %ge3A_3300 = arith.cmpi sge, %get3A_3296, %ge3A_3299 : vector<16xi32>
    %jit3A_3301 = arith.constant 149999 : i32
    %jit3A_3302 = arith.constant 0 : i32
    %broadcast_in_dim3A_3303 = vector.broadcast %jit3A_3301 : i32 to vector<16xi32>
    %broadcast_in_dim3A_3304 = vector.broadcast %jit3A_3302 : i32 to vector<16xi32>
    %select_n3A_3305 = arith.select %ge3A_3300, %broadcast_in_dim3A_3303, %broadcast_in_dim3A_3304 : vector<16xi1>, vector<16xi32>
    %sub3A_3306 = arith.subi %add3A_3297, %select_n3A_3305 : vector<16xi32>
    %swap3A_3307 = arith.constant 128 : index
    %swap3A_3308 = tpu.vector_load %arg5[%swap3A_3307] {strides = array<i32>} : memref<320xi32, #tpu.memory_space<vmem>>, vector<16xi32>,
    %swap3A_3309 = vector.shape_cast %swap3A_3308 : vector<16xi32> to vector<16xi32>
    %swap3A_3310 = vector.shape_cast %sub3A_3306 : vector<16xi32> to vector<16xi32>
    tpu.vector_store %arg5[%swap3A_3307], %swap3A_3310 {strides = array<i32>} : memref<320xi32, #tpu.memory_space<vmem>>, vector<16xi32>,
    %get3A_3311 = arith.constant 144 : index
    %get3A_3312 = tpu.vector_load %arg5[%get3A_3311] {strides = array<i32>} : memref<320xi32, #tpu.memory_space<vmem>>, vector<16xi32>,
    %get3A_3313 = vector.shape_cast %get3A_3312 : vector<16xi32> to vector<16xi32>
    %add3A_3314 = arith.addi %get3A_3313, %get3A_3313 : vector<16xi32>
    %ge3A_3315 = arith.constant 75000 : i32
    %ge3A_3316 = vector.broadcast %ge3A_3315 : i32 to vector<16xi32>
    %ge3A_3317 = arith.cmpi sge, %get3A_3313, %ge3A_3316 : vector<16xi32>
    %jit3A_3318 = arith.constant 149999 : i32
    %jit3A_3319 = arith.constant 0 : i32
    %broadcast_in_dim3A_3320 = vector.broadcast %jit3A_3318 : i32 to vector<16xi32>
    %broadcast_in_dim3A_3321 = vector.broadcast %jit3A_3319 : i32 to vector<16xi32>
    %select_n3A_3322 = arith.select %ge3A_3317, %broadcast_in_dim3A_3320, %broadcast_in_dim3A_3321 : vector<16xi1>, vector<16xi32>
    %sub3A_3323 = arith.subi %add3A_3314, %select_n3A_3322 : vector<16xi32>
    %swap3A_3324 = arith.constant 144 : index
    %swap3A_3325 = tpu.vector_load %arg5[%swap3A_3324] {strides = array<i32>} : memref<320xi32, #tpu.memory_space<vmem>>, vector<16xi32>,
    %swap3A_3326 = vector.shape_cast %swap3A_3325 : vector<16xi32> to vector<16xi32>
    %swap3A_3327 = vector.shape_cast %sub3A_3323 : vector<16xi32> to vector<16xi32>
    tpu.vector_store %arg5[%swap3A_3324], %swap3A_3327 {strides = array<i32>} : memref<320xi32, #tpu.memory_space<vmem>>, vector<16xi32>,
    %get3A_3328 = arith.constant 160 : index
    %get3A_3329 = tpu.vector_load %arg5[%get3A_3328] {strides = array<i32>} : memref<320xi32, #tpu.memory_space<vmem>>, vector<16xi32>,
    %get3A_3330 = vector.shape_cast %get3A_3329 : vector<16xi32> to vector<16xi32>
    %add3A_3331 = arith.addi %get3A_3330, %get3A_3330 : vector<16xi32>
    %ge3A_3332 = arith.constant 75000 : i32
    %ge3A_3333 = vector.broadcast %ge3A_3332 : i32 to vector<16xi32>
    %ge3A_3334 = arith.cmpi sge, %get3A_3330, %ge3A_3333 : vector<16xi32>
    %jit3A_3335 = arith.constant 149999 : i32
    %jit3A_3336 = arith.constant 0 : i32
    %broadcast_in_dim3A_3337 = vector.broadcast %jit3A_3335 : i32 to vector<16xi32>
    %broadcast_in_dim3A_3338 = vector.broadcast %jit3A_3336 : i32 to vector<16xi32>
    %select_n3A_3339 = arith.select %ge3A_3334, %broadcast_in_dim3A_3337, %broadcast_in_dim3A_3338 : vector<16xi1>, vector<16xi32>
    %sub3A_3340 = arith.subi %add3A_3331, %select_n3A_3339 : vector<16xi32>
    %swap3A_3341 = arith.constant 160 : index
    %swap3A_3342 = tpu.vector_load %arg5[%swap3A_3341] {strides = array<i32>} : memref<320xi32, #tpu.memory_space<vmem>>, vector<16xi32>,
    %swap3A_3343 = vector.shape_cast %swap3A_3342 : vector<16xi32> to vector<16xi32>
    %swap3A_3344 = vector.shape_cast %sub3A_3340 : vector<16xi32> to vector<16xi32>
    tpu.vector_store %arg5[%swap3A_3341], %swap3A_3344 {strides = array<i32>} : memref<320xi32, #tpu.memory_space<vmem>>, vector<16xi32>,
    %get3A_3345 = arith.constant 176 : index
    %get3A_3346 = tpu.vector_load %arg5[%get3A_3345] {strides = array<i32>} : memref<320xi32, #tpu.memory_space<vmem>>, vector<16xi32>,
    %get3A_3347 = vector.shape_cast %get3A_3346 : vector<16xi32> to vector<16xi32>
    %add3A_3348 = arith.addi %get3A_3347, %get3A_3347 : vector<16xi32>
    %ge3A_3349 = arith.constant 75000 : i32
    %ge3A_3350 = vector.broadcast %ge3A_3349 : i32 to vector<16xi32>
    %ge3A_3351 = arith.cmpi sge, %get3A_3347, %ge3A_3350 : vector<16xi32>
    %jit3A_3352 = arith.constant 149999 : i32
    %jit3A_3353 = arith.constant 0 : i32
    %broadcast_in_dim3A_3354 = vector.broadcast %jit3A_3352 : i32 to vector<16xi32>
    %broadcast_in_dim3A_3355 = vector.broadcast %jit3A_3353 : i32 to vector<16xi32>
    %select_n3A_3356 = arith.select %ge3A_3351, %broadcast_in_dim3A_3354, %broadcast_in_dim3A_3355 : vector<16xi1>, vector<16xi32>
    %sub3A_3357 = arith.subi %add3A_3348, %select_n3A_3356 : vector<16xi32>
    %swap3A_3358 = arith.constant 176 : index
    %swap3A_3359 = tpu.vector_load %arg5[%swap3A_3358] {strides = array<i32>} : memref<320xi32, #tpu.memory_space<vmem>>, vector<16xi32>,
    %swap3A_3360 = vector.shape_cast %swap3A_3359 : vector<16xi32> to vector<16xi32>
    %swap3A_3361 = vector.shape_cast %sub3A_3357 : vector<16xi32> to vector<16xi32>
    tpu.vector_store %arg5[%swap3A_3358], %swap3A_3361 {strides = array<i32>} : memref<320xi32, #tpu.memory_space<vmem>>, vector<16xi32>,
    %get3A_3362 = arith.constant 192 : index
    %get3A_3363 = tpu.vector_load %arg5[%get3A_3362] {strides = array<i32>} : memref<320xi32, #tpu.memory_space<vmem>>, vector<16xi32>,
    %get3A_3364 = vector.shape_cast %get3A_3363 : vector<16xi32> to vector<16xi32>
    %add3A_3365 = arith.addi %get3A_3364, %get3A_3364 : vector<16xi32>
    %ge3A_3366 = arith.constant 75000 : i32
    %ge3A_3367 = vector.broadcast %ge3A_3366 : i32 to vector<16xi32>
    %ge3A_3368 = arith.cmpi sge, %get3A_3364, %ge3A_3367 : vector<16xi32>
    %jit3A_3369 = arith.constant 149999 : i32
    %jit3A_3370 = arith.constant 0 : i32
    %broadcast_in_dim3A_3371 = vector.broadcast %jit3A_3369 : i32 to vector<16xi32>
    %broadcast_in_dim3A_3372 = vector.broadcast %jit3A_3370 : i32 to vector<16xi32>
    %select_n3A_3373 = arith.select %ge3A_3368, %broadcast_in_dim3A_3371, %broadcast_in_dim3A_3372 : vector<16xi1>, vector<16xi32>
    %sub3A_3374 = arith.subi %add3A_3365, %select_n3A_3373 : vector<16xi32>
    %swap3A_3375 = arith.constant 192 : index
    %swap3A_3376 = tpu.vector_load %arg5[%swap3A_3375] {strides = array<i32>} : memref<320xi32, #tpu.memory_space<vmem>>, vector<16xi32>,
    %swap3A_3377 = vector.shape_cast %swap3A_3376 : vector<16xi32> to vector<16xi32>
    %swap3A_3378 = vector.shape_cast %sub3A_3374 : vector<16xi32> to vector<16xi32>
    tpu.vector_store %arg5[%swap3A_3375], %swap3A_3378 {strides = array<i32>} : memref<320xi32, #tpu.memory_space<vmem>>, vector<16xi32>,
    %get3A_3379 = arith.constant 208 : index
    %get3A_3380 = tpu.vector_load %arg5[%get3A_3379] {strides = array<i32>} : memref<320xi32, #tpu.memory_space<vmem>>, vector<16xi32>,
    %get3A_3381 = vector.shape_cast %get3A_3380 : vector<16xi32> to vector<16xi32>
    %add3A_3382 = arith.addi %get3A_3381, %get3A_3381 : vector<16xi32>
    %ge3A_3383 = arith.constant 75000 : i32
    %ge3A_3384 = vector.broadcast %ge3A_3383 : i32 to vector<16xi32>
    %ge3A_3385 = arith.cmpi sge, %get3A_3381, %ge3A_3384 : vector<16xi32>
    %jit3A_3386 = arith.constant 149999 : i32
    %jit3A_3387 = arith.constant 0 : i32
    %broadcast_in_dim3A_3388 = vector.broadcast %jit3A_3386 : i32 to vector<16xi32>
    %broadcast_in_dim3A_3389 = vector.broadcast %jit3A_3387 : i32 to vector<16xi32>
    %select_n3A_3390 = arith.select %ge3A_3385, %broadcast_in_dim3A_3388, %broadcast_in_dim3A_3389 : vector<16xi1>, vector<16xi32>
    %sub3A_3391 = arith.subi %add3A_3382, %select_n3A_3390 : vector<16xi32>
    %swap3A_3392 = arith.constant 208 : index
    %swap3A_3393 = tpu.vector_load %arg5[%swap3A_3392] {strides = array<i32>} : memref<320xi32, #tpu.memory_space<vmem>>, vector<16xi32>,
    %swap3A_3394 = vector.shape_cast %swap3A_3393 : vector<16xi32> to vector<16xi32>
    %swap3A_3395 = vector.shape_cast %sub3A_3391 : vector<16xi32> to vector<16xi32>
    tpu.vector_store %arg5[%swap3A_3392], %swap3A_3395 {strides = array<i32>} : memref<320xi32, #tpu.memory_space<vmem>>, vector<16xi32>,
    %get3A_3396 = arith.constant 224 : index
    %get3A_3397 = tpu.vector_load %arg5[%get3A_3396] {strides = array<i32>} : memref<320xi32, #tpu.memory_space<vmem>>, vector<16xi32>,
    %get3A_3398 = vector.shape_cast %get3A_3397 : vector<16xi32> to vector<16xi32>
    %add3A_3399 = arith.addi %get3A_3398, %get3A_3398 : vector<16xi32>
    %ge3A_3400 = arith.constant 75000 : i32
    %ge3A_3401 = vector.broadcast %ge3A_3400 : i32 to vector<16xi32>
    %ge3A_3402 = arith.cmpi sge, %get3A_3398, %ge3A_3401 : vector<16xi32>
    %jit3A_3403 = arith.constant 149999 : i32
    %jit3A_3404 = arith.constant 0 : i32
    %broadcast_in_dim3A_3405 = vector.broadcast %jit3A_3403 : i32 to vector<16xi32>
    %broadcast_in_dim3A_3406 = vector.broadcast %jit3A_3404 : i32 to vector<16xi32>
    %select_n3A_3407 = arith.select %ge3A_3402, %broadcast_in_dim3A_3405, %broadcast_in_dim3A_3406 : vector<16xi1>, vector<16xi32>
    %sub3A_3408 = arith.subi %add3A_3399, %select_n3A_3407 : vector<16xi32>
    %swap3A_3409 = arith.constant 224 : index
    %swap3A_3410 = tpu.vector_load %arg5[%swap3A_3409] {strides = array<i32>} : memref<320xi32, #tpu.memory_space<vmem>>, vector<16xi32>,
    %swap3A_3411 = vector.shape_cast %swap3A_3410 : vector<16xi32> to vector<16xi32>
    %swap3A_3412 = vector.shape_cast %sub3A_3408 : vector<16xi32> to vector<16xi32>
    tpu.vector_store %arg5[%swap3A_3409], %swap3A_3412 {strides = array<i32>} : memref<320xi32, #tpu.memory_space<vmem>>, vector<16xi32>,
    %get3A_3413 = arith.constant 240 : index
    %get3A_3414 = tpu.vector_load %arg5[%get3A_3413] {strides = array<i32>} : memref<320xi32, #tpu.memory_space<vmem>>, vector<16xi32>,
    %get3A_3415 = vector.shape_cast %get3A_3414 : vector<16xi32> to vector<16xi32>
    %add3A_3416 = arith.addi %get3A_3415, %get3A_3415 : vector<16xi32>
    %ge3A_3417 = arith.constant 75000 : i32
    %ge3A_3418 = vector.broadcast %ge3A_3417 : i32 to vector<16xi32>
    %ge3A_3419 = arith.cmpi sge, %get3A_3415, %ge3A_3418 : vector<16xi32>
    %jit3A_3420 = arith.constant 149999 : i32
    %jit3A_3421 = arith.constant 0 : i32
    %broadcast_in_dim3A_3422 = vector.broadcast %jit3A_3420 : i32 to vector<16xi32>
    %broadcast_in_dim3A_3423 = vector.broadcast %jit3A_3421 : i32 to vector<16xi32>
    %select_n3A_3424 = arith.select %ge3A_3419, %broadcast_in_dim3A_3422, %broadcast_in_dim3A_3423 : vector<16xi1>, vector<16xi32>
    %sub3A_3425 = arith.subi %add3A_3416, %select_n3A_3424 : vector<16xi32>
    %swap3A_3426 = arith.constant 240 : index
    %swap3A_3427 = tpu.vector_load %arg5[%swap3A_3426] {strides = array<i32>} : memref<320xi32, #tpu.memory_space<vmem>>, vector<16xi32>,
    %swap3A_3428 = vector.shape_cast %swap3A_3427 : vector<16xi32> to vector<16xi32>
    %swap3A_3429 = vector.shape_cast %sub3A_3425 : vector<16xi32> to vector<16xi32>
    tpu.vector_store %arg5[%swap3A_3426], %swap3A_3429 {strides = array<i32>} : memref<320xi32, #tpu.memory_space<vmem>>, vector<16xi32>,
    %get3A_3430 = arith.constant 256 : index
    %get3A_3431 = tpu.vector_load %arg5[%get3A_3430] {strides = array<i32>} : memref<320xi32, #tpu.memory_space<vmem>>, vector<16xi32>,
    %get3A_3432 = vector.shape_cast %get3A_3431 : vector<16xi32> to vector<16xi32>
    %add3A_3433 = arith.addi %get3A_3432, %get3A_3432 : vector<16xi32>
    %ge3A_3434 = arith.constant 75000 : i32
    %ge3A_3435 = vector.broadcast %ge3A_3434 : i32 to vector<16xi32>
    %ge3A_3436 = arith.cmpi sge, %get3A_3432, %ge3A_3435 : vector<16xi32>
    %jit3A_3437 = arith.constant 149999 : i32
    %jit3A_3438 = arith.constant 0 : i32
    %broadcast_in_dim3A_3439 = vector.broadcast %jit3A_3437 : i32 to vector<16xi32>
    %broadcast_in_dim3A_3440 = vector.broadcast %jit3A_3438 : i32 to vector<16xi32>
    %select_n3A_3441 = arith.select %ge3A_3436, %broadcast_in_dim3A_3439, %broadcast_in_dim3A_3440 : vector<16xi1>, vector<16xi32>
    %sub3A_3442 = arith.subi %add3A_3433, %select_n3A_3441 : vector<16xi32>
    %swap3A_3443 = arith.constant 256 : index
    %swap3A_3444 = tpu.vector_load %arg5[%swap3A_3443] {strides = array<i32>} : memref<320xi32, #tpu.memory_space<vmem>>, vector<16xi32>,
    %swap3A_3445 = vector.shape_cast %swap3A_3444 : vector<16xi32> to vector<16xi32>
    %swap3A_3446 = vector.shape_cast %sub3A_3442 : vector<16xi32> to vector<16xi32>
    tpu.vector_store %arg5[%swap3A_3443], %swap3A_3446 {strides = array<i32>} : memref<320xi32, #tpu.memory_space<vmem>>, vector<16xi32>,
    %get3A_3447 = arith.constant 272 : index
    %get3A_3448 = tpu.vector_load %arg5[%get3A_3447] {strides = array<i32>} : memref<320xi32, #tpu.memory_space<vmem>>, vector<16xi32>,
    %get3A_3449 = vector.shape_cast %get3A_3448 : vector<16xi32> to vector<16xi32>
    %add3A_3450 = arith.addi %get3A_3449, %get3A_3449 : vector<16xi32>
    %ge3A_3451 = arith.constant 75000 : i32
    %ge3A_3452 = vector.broadcast %ge3A_3451 : i32 to vector<16xi32>
    %ge3A_3453 = arith.cmpi sge, %get3A_3449, %ge3A_3452 : vector<16xi32>
    %jit3A_3454 = arith.constant 149999 : i32
    %jit3A_3455 = arith.constant 0 : i32
    %broadcast_in_dim3A_3456 = vector.broadcast %jit3A_3454 : i32 to vector<16xi32>
    %broadcast_in_dim3A_3457 = vector.broadcast %jit3A_3455 : i32 to vector<16xi32>
    %select_n3A_3458 = arith.select %ge3A_3453, %broadcast_in_dim3A_3456, %broadcast_in_dim3A_3457 : vector<16xi1>, vector<16xi32>
    %sub3A_3459 = arith.subi %add3A_3450, %select_n3A_3458 : vector<16xi32>
    %swap3A_3460 = arith.constant 272 : index
    %swap3A_3461 = tpu.vector_load %arg5[%swap3A_3460] {strides = array<i32>} : memref<320xi32, #tpu.memory_space<vmem>>, vector<16xi32>,
    %swap3A_3462 = vector.shape_cast %swap3A_3461 : vector<16xi32> to vector<16xi32>
    %swap3A_3463 = vector.shape_cast %sub3A_3459 : vector<16xi32> to vector<16xi32>
    tpu.vector_store %arg5[%swap3A_3460], %swap3A_3463 {strides = array<i32>} : memref<320xi32, #tpu.memory_space<vmem>>, vector<16xi32>,
    %get3A_3464 = arith.constant 288 : index
    %get3A_3465 = tpu.vector_load %arg5[%get3A_3464] {strides = array<i32>} : memref<320xi32, #tpu.memory_space<vmem>>, vector<16xi32>,
    %get3A_3466 = vector.shape_cast %get3A_3465 : vector<16xi32> to vector<16xi32>
    %add3A_3467 = arith.addi %get3A_3466, %get3A_3466 : vector<16xi32>
    %ge3A_3468 = arith.constant 75000 : i32
    %ge3A_3469 = vector.broadcast %ge3A_3468 : i32 to vector<16xi32>
    %ge3A_3470 = arith.cmpi sge, %get3A_3466, %ge3A_3469 : vector<16xi32>
    %jit3A_3471 = arith.constant 149999 : i32
    %jit3A_3472 = arith.constant 0 : i32
    %broadcast_in_dim3A_3473 = vector.broadcast %jit3A_3471 : i32 to vector<16xi32>
    %broadcast_in_dim3A_3474 = vector.broadcast %jit3A_3472 : i32 to vector<16xi32>
    %select_n3A_3475 = arith.select %ge3A_3470, %broadcast_in_dim3A_3473, %broadcast_in_dim3A_3474 : vector<16xi1>, vector<16xi32>
    %sub3A_3476 = arith.subi %add3A_3467, %select_n3A_3475 : vector<16xi32>
    %swap3A_3477 = arith.constant 288 : index
    %swap3A_3478 = tpu.vector_load %arg5[%swap3A_3477] {strides = array<i32>} : memref<320xi32, #tpu.memory_space<vmem>>, vector<16xi32>,
    %swap3A_3479 = vector.shape_cast %swap3A_3478 : vector<16xi32> to vector<16xi32>
    %swap3A_3480 = vector.shape_cast %sub3A_3476 : vector<16xi32> to vector<16xi32>
    tpu.vector_store %arg5[%swap3A_3477], %swap3A_3480 {strides = array<i32>} : memref<320xi32, #tpu.memory_space<vmem>>, vector<16xi32>,
    %get3A_3481 = arith.constant 304 : index
    %get3A_3482 = tpu.vector_load %arg5[%get3A_3481] {strides = array<i32>} : memref<320xi32, #tpu.memory_space<vmem>>, vector<16xi32>,
    %get3A_3483 = vector.shape_cast %get3A_3482 : vector<16xi32> to vector<16xi32>
    %add3A_3484 = arith.addi %get3A_3483, %get3A_3483 : vector<16xi32>
    %ge3A_3485 = arith.constant 75000 : i32
    %ge3A_3486 = vector.broadcast %ge3A_3485 : i32 to vector<16xi32>
    %ge3A_3487 = arith.cmpi sge, %get3A_3483, %ge3A_3486 : vector<16xi32>
    %jit3A_3488 = arith.constant 149999 : i32
    %jit3A_3489 = arith.constant 0 : i32
    %broadcast_in_dim3A_3490 = vector.broadcast %jit3A_3488 : i32 to vector<16xi32>
    %broadcast_in_dim3A_3491 = vector.broadcast %jit3A_3489 : i32 to vector<16xi32>
    %select_n3A_3492 = arith.select %ge3A_3487, %broadcast_in_dim3A_3490, %broadcast_in_dim3A_3491 : vector<16xi1>, vector<16xi32>
    %sub3A_3493 = arith.subi %add3A_3484, %select_n3A_3492 : vector<16xi32>
    %swap3A_3494 = arith.constant 304 : index
    %swap3A_3495 = tpu.vector_load %arg5[%swap3A_3494] {strides = array<i32>} : memref<320xi32, #tpu.memory_space<vmem>>, vector<16xi32>,
    %swap3A_3496 = vector.shape_cast %swap3A_3495 : vector<16xi32> to vector<16xi32>
    %swap3A_3497 = vector.shape_cast %sub3A_3493 : vector<16xi32> to vector<16xi32>
    tpu.vector_store %arg5[%swap3A_3494], %swap3A_3497 {strides = array<i32>} : memref<320xi32, #tpu.memory_space<vmem>>, vector<16xi32>,
    %dma_start3A_3498 = arith.constant 0 : i32
    %dma_start3A_3499 = arith.constant 0 : i32
    %dma_start3A_3500 = tpu.memref_slice %arg2[%dma_start3A_3498, %dma_start3A_3499] : memref<150000x64xf32, #tpu.memory_space<hbm>> -> memref<150000x64xf32, #tpu.memory_space<hbm>>
    tpu.enqueue_indirect_dma source(%dma_start3A_3500 : memref<150000x64xf32, #tpu.memory_space<hbm>>) target(%arg8 : memref<320x64xf32, #tpu.memory_space<vmem>>) offsets(%arg5 : memref<320xi32, #tpu.memory_space<vmem>>) semaphore(%arg11 : memref<!tpu.dma_semaphore, #tpu.memory_space<semaphore_mem>>)
    %dma_wait3A_3501 = arith.constant 0 : i32
    %dma_wait3A_3502 = arith.constant 0 : i32
    %dma_wait3A_3503 = tpu.memref_slice %arg2[%dma_wait3A_3501, %dma_wait3A_3502] : memref<150000x64xf32, #tpu.memory_space<hbm>> -> memref<150000x64xf32, #tpu.memory_space<hbm>>
    tpu.wait_indirect_dma semaphore(%arg12 : memref<!tpu.dma_semaphore, #tpu.memory_space<semaphore_mem>>) src(%dma_wait3A_3503 : memref<150000x64xf32, #tpu.memory_space<hbm>>) dst(%arg9 : memref<320x64xf32, #tpu.memory_space<vmem>>)
    %min3A_3504 = arith.constant 2240 : i32
    %min3A_3505 = arith.minsi %min3A_3504, %sub3A_5 : i32
    %add3A_3506 = arith.addi %mul3A_2, %min3A_3505 : i32
    "tpu.region"() ({
      %run_scoped3A = tpu.sem_alloc : memref<!tpu.dma_semaphore, #tpu.memory_space<semaphore_mem>>
      %dma_start3A_3519 = arith.constant 0 : i32
      %dma_start3A_3520 = tpu.memref_slice %arg4[%add3A_3506, %dma_start3A_3519] : memref<100000x128xf32, #tpu.memory_space<hbm>> -> memref<320x64xf32, #tpu.memory_space<hbm>>
      %dma_start3A_3521 = arith.constant 0 : i32
      %dma_start3A_3522 = tpu.memref_slice %arg4[%add3A_3506, %dma_start3A_3521] : memref<100000x128xf32, #tpu.memory_space<hbm>> -> memref<320x64xf32, #tpu.memory_space<hbm>>
      tpu.enqueue_dma source(%arg9 : memref<320x64xf32, #tpu.memory_space<vmem>>) target(%dma_start3A_3522 : memref<320x64xf32, #tpu.memory_space<hbm>>) target_semaphore(%run_scoped3A : memref<!tpu.dma_semaphore, #tpu.memory_space<semaphore_mem>>)
      %dma_wait3A_3523 = arith.constant 0 : i32
      %dma_wait3A_3524 = tpu.memref_slice %arg4[%add3A_3506, %dma_wait3A_3523] : memref<100000x128xf32, #tpu.memory_space<hbm>> -> memref<320x64xf32, #tpu.memory_space<hbm>>
      %dma_wait3A_3525 = arith.constant 0 : i32
      %dma_wait3A_3526 = tpu.memref_slice %arg4[%add3A_3506, %dma_wait3A_3525] : memref<100000x128xf32, #tpu.memory_space<hbm>> -> memref<320x64xf32, #tpu.memory_space<hbm>>
      tpu.wait_dma2 semaphore(%run_scoped3A : memref<!tpu.dma_semaphore, #tpu.memory_space<semaphore_mem>>) src(%arg9 : memref<320x64xf32, #tpu.memory_space<vmem>>) dst(%dma_wait3A_3526 : memref<320x64xf32, #tpu.memory_space<hbm>>)
      tpu.yield
    }) : () -> ()
    %dma_wait3A_3507 = arith.constant 0 : i32
    %dma_wait3A_3508 = arith.constant 0 : i32
    %dma_wait3A_3509 = tpu.memref_slice %arg2[%dma_wait3A_3507, %dma_wait3A_3508] : memref<150000x64xf32, #tpu.memory_space<hbm>> -> memref<150000x64xf32, #tpu.memory_space<hbm>>
    tpu.wait_indirect_dma semaphore(%arg13 : memref<!tpu.dma_semaphore, #tpu.memory_space<semaphore_mem>>) src(%dma_wait3A_3509 : memref<150000x64xf32, #tpu.memory_space<hbm>>) dst(%arg10 : memref<320x64xf32, #tpu.memory_space<vmem>>)
    %min3A_3510 = arith.constant 2560 : i32
    %min3A_3511 = arith.minsi %min3A_3510, %sub3A_5 : i32
    %add3A_3512 = arith.addi %mul3A_2, %min3A_3511 : i32
    "tpu.region"() ({
      %run_scoped3A = tpu.sem_alloc : memref<!tpu.dma_semaphore, #tpu.memory_space<semaphore_mem>>
      %dma_start3A_3519 = arith.constant 0 : i32
      %dma_start3A_3520 = tpu.memref_slice %arg4[%add3A_3512, %dma_start3A_3519] : memref<100000x128xf32, #tpu.memory_space<hbm>> -> memref<320x64xf32, #tpu.memory_space<hbm>>
      %dma_start3A_3521 = arith.constant 0 : i32
      %dma_start3A_3522 = tpu.memref_slice %arg4[%add3A_3512, %dma_start3A_3521] : memref<100000x128xf32, #tpu.memory_space<hbm>> -> memref<320x64xf32, #tpu.memory_space<hbm>>
      tpu.enqueue_dma source(%arg10 : memref<320x64xf32, #tpu.memory_space<vmem>>) target(%dma_start3A_3522 : memref<320x64xf32, #tpu.memory_space<hbm>>) target_semaphore(%run_scoped3A : memref<!tpu.dma_semaphore, #tpu.memory_space<semaphore_mem>>)
      %dma_wait3A_3523 = arith.constant 0 : i32
      %dma_wait3A_3524 = tpu.memref_slice %arg4[%add3A_3512, %dma_wait3A_3523] : memref<100000x128xf32, #tpu.memory_space<hbm>> -> memref<320x64xf32, #tpu.memory_space<hbm>>
      %dma_wait3A_3525 = arith.constant 0 : i32
      %dma_wait3A_3526 = tpu.memref_slice %arg4[%add3A_3512, %dma_wait3A_3525] : memref<100000x128xf32, #tpu.memory_space<hbm>> -> memref<320x64xf32, #tpu.memory_space<hbm>>
      tpu.wait_dma2 semaphore(%run_scoped3A : memref<!tpu.dma_semaphore, #tpu.memory_space<semaphore_mem>>) src(%arg10 : memref<320x64xf32, #tpu.memory_space<vmem>>) dst(%dma_wait3A_3526 : memref<320x64xf32, #tpu.memory_space<hbm>>)
      tpu.yield
    }) : () -> ()
    %dma_wait3A_3513 = arith.constant 0 : i32
    %dma_wait3A_3514 = arith.constant 0 : i32
    %dma_wait3A_3515 = tpu.memref_slice %arg2[%dma_wait3A_3513, %dma_wait3A_3514] : memref<150000x64xf32, #tpu.memory_space<hbm>> -> memref<150000x64xf32, #tpu.memory_space<hbm>>
    tpu.wait_indirect_dma semaphore(%arg11 : memref<!tpu.dma_semaphore, #tpu.memory_space<semaphore_mem>>) src(%dma_wait3A_3515 : memref<150000x64xf32, #tpu.memory_space<hbm>>) dst(%arg8 : memref<320x64xf32, #tpu.memory_space<vmem>>)
    %min3A_3516 = arith.constant 2880 : i32
    %min3A_3517 = arith.minsi %min3A_3516, %sub3A_5 : i32
    %add3A_3518 = arith.addi %mul3A_2, %min3A_3517 : i32
    "tpu.region"() ({
      %run_scoped3A = tpu.sem_alloc : memref<!tpu.dma_semaphore, #tpu.memory_space<semaphore_mem>>
      %dma_start3A_3519 = arith.constant 0 : i32
      %dma_start3A_3520 = tpu.memref_slice %arg4[%add3A_3518, %dma_start3A_3519] : memref<100000x128xf32, #tpu.memory_space<hbm>> -> memref<320x64xf32, #tpu.memory_space<hbm>>
      %dma_start3A_3521 = arith.constant 0 : i32
      %dma_start3A_3522 = tpu.memref_slice %arg4[%add3A_3518, %dma_start3A_3521] : memref<100000x128xf32, #tpu.memory_space<hbm>> -> memref<320x64xf32, #tpu.memory_space<hbm>>
      tpu.enqueue_dma source(%arg8 : memref<320x64xf32, #tpu.memory_space<vmem>>) target(%dma_start3A_3522 : memref<320x64xf32, #tpu.memory_space<hbm>>) target_semaphore(%run_scoped3A : memref<!tpu.dma_semaphore, #tpu.memory_space<semaphore_mem>>)
      %dma_wait3A_3523 = arith.constant 0 : i32
      %dma_wait3A_3524 = tpu.memref_slice %arg4[%add3A_3518, %dma_wait3A_3523] : memref<100000x128xf32, #tpu.memory_space<hbm>> -> memref<320x64xf32, #tpu.memory_space<hbm>>
      %dma_wait3A_3525 = arith.constant 0 : i32
      %dma_wait3A_3526 = tpu.memref_slice %arg4[%add3A_3518, %dma_wait3A_3525] : memref<100000x128xf32, #tpu.memory_space<hbm>> -> memref<320x64xf32, #tpu.memory_space<hbm>>
      tpu.wait_dma2 semaphore(%run_scoped3A : memref<!tpu.dma_semaphore, #tpu.memory_space<semaphore_mem>>) src(%arg8 : memref<320x64xf32, #tpu.memory_space<vmem>>) dst(%dma_wait3A_3526 : memref<320x64xf32, #tpu.memory_space<hbm>>)
      tpu.yield
    }) : () -> ()
    return
  }
}

module attributes {stable_mosaic.version = 14 : i64} {
  func.func @_mm_body(%arg0: i32, %arg1: memref<3000x512xf32, #tpu.memory_space<vmem>>, %arg2: memref<3000x512xf32, #tpu.memory_space<vmem>>, %arg3: memref<512x64xf32, #tpu.memory_space<vmem>>, %arg4: memref<1x64xf32, #tpu.memory_space<vmem>>, %arg5: memref<3000x128xf32, #tpu.memory_space<vmem>>) attributes {dimension_semantics = [#tpu.dimension_semantics<arbitrary>], iteration_bounds = array<i64: 25>, scalar_prefetch = 0 : i64, scratch_operands = 0 : i64, tpu.core_type = #tpu.core_type<tc>, window_params = [{transform_indices = @transform_0, window_bounds = array<i64: 3000, 512>}, {transform_indices = @transform_1, window_bounds = array<i64: 3000, 512>}, {pipeline_mode = #tpu.pipeline_mode<synchronous>, transform_indices = @transform_2, window_bounds = array<i64: 512, 64>}, {pipeline_mode = #tpu.pipeline_mode<synchronous>, transform_indices = @transform_3, window_bounds = array<i64: 1, 64>}, {transform_indices = @transform_4, window_bounds = array<i64: 3000, 128>}]} {
    %get3A = arith.constant 0 : index
    %get3A_0 = arith.constant 0 : index
    %get3A_1 = vector.load %arg1[%get3A, %get3A_0] : memref<3000x512xf32, #tpu.memory_space<vmem>>, vector<3000x512xf32>
    %get3A_2 = arith.constant 0 : index
    %get3A_3 = arith.constant 0 : index
    %get3A_4 = vector.load %arg3[%get3A_2, %get3A_3] : memref<512x64xf32, #tpu.memory_space<vmem>>, vector<512x64xf32>
    %dot_general3A = arith.constant dense<0.000000e+00> : vector<3000x64xf32>
    %dot_general3A_5 = tpu.matmul %get3A_1, %get3A_4, %dot_general3A {dimension_numbers = #tpu.dot_dimension_numbers<[1], [0], [0], [1], [0, 0, 1, 1], [], []>, transpose_lhs_hint = false} : vector<3000x512xf32>, vector<512x64xf32>, vector<3000x64xf32> -> vector<3000x64xf32>
    %get3A_6 = arith.constant 0 : index
    %get3A_7 = arith.constant 0 : index
    %get3A_8 = vector.load %arg4[%get3A_6, %get3A_7] : memref<1x64xf32, #tpu.memory_space<vmem>>, vector<1x64xf32>
    %add3A = vector.broadcast %get3A_8 : vector<1x64xf32> to vector<3000x64xf32>
    %add3A_9 = arith.addf %dot_general3A_5, %add3A : vector<3000x64xf32>
    %get3A_10 = arith.constant 0 : index
    %get3A_11 = arith.constant 0 : index
    %get3A_12 = vector.load %arg2[%get3A_10, %get3A_11] : memref<3000x512xf32, #tpu.memory_space<vmem>>, vector<3000x512xf32>
    %get3A_13 = arith.constant 0 : index
    %get3A_14 = arith.constant 0 : index
    %get3A_15 = vector.load %arg3[%get3A_13, %get3A_14] : memref<512x64xf32, #tpu.memory_space<vmem>>, vector<512x64xf32>
    %dot_general3A_16 = arith.constant dense<0.000000e+00> : vector<3000x64xf32>
    %dot_general3A_17 = tpu.matmul %get3A_12, %get3A_15, %dot_general3A_16 {dimension_numbers = #tpu.dot_dimension_numbers<[1], [0], [0], [1], [0, 0, 1, 1], [], []>, transpose_lhs_hint = false} : vector<3000x512xf32>, vector<512x64xf32>, vector<3000x64xf32> -> vector<3000x64xf32>
    %get3A_18 = arith.constant 0 : index
    %get3A_19 = arith.constant 0 : index
    %get3A_20 = vector.load %arg4[%get3A_18, %get3A_19] : memref<1x64xf32, #tpu.memory_space<vmem>>, vector<1x64xf32>
    %add3A_21 = vector.broadcast %get3A_20 : vector<1x64xf32> to vector<3000x64xf32>
    %add3A_22 = arith.addf %dot_general3A_17, %add3A_21 : vector<3000x64xf32>
    %concatenate3A = tpu.concatenate %add3A_9, %add3A_22 in 1 : vector<3000x64xf32>, vector<3000x64xf32> -> vector<3000x128xf32>
    %swap3A = arith.constant 0 : index
    %swap3A_23 = arith.constant 0 : index
    %swap3A_24 = vector.load %arg5[%swap3A, %swap3A_23] : memref<3000x128xf32, #tpu.memory_space<vmem>>, vector<3000x128xf32>
    tpu.vector_store %arg5[%swap3A, %swap3A_23], %concatenate3A {strides = array<i32>} : memref<3000x128xf32, #tpu.memory_space<vmem>>, vector<3000x128xf32>,
    return
  }
  func.func @transform_0(%arg0: i32) -> (i32, i32) {
    %c0_i32 = arith.constant 0 : i32
    %c0_i32_0 = arith.constant 0 : i32
    return %arg0, %c0_i32 : i32, i32
  }
  func.func @transform_1(%arg0: i32) -> (i32, i32) {
    %add3A = arith.constant 25 : i32
    %add3A_0 = arith.addi %arg0, %add3A : i32
    %c0_i32 = arith.constant 0 : i32
    %c0_i32_1 = arith.constant 0 : i32
    return %add3A_0, %c0_i32 : i32, i32
  }
  func.func @transform_2(%arg0: i32) -> (i32, i32) {
    %c0_i32 = arith.constant 0 : i32
    %c0_i32_0 = arith.constant 0 : i32
    %c0_i32_1 = arith.constant 0 : i32
    return %c0_i32, %c0_i32_0 : i32, i32
  }
  func.func @transform_3(%arg0: i32) -> (i32, i32) {
    %c0_i32 = arith.constant 0 : i32
    %c0_i32_0 = arith.constant 0 : i32
    %c0_i32_1 = arith.constant 0 : i32
    return %c0_i32, %c0_i32_0 : i32, i32
  }
  func.func @transform_4(%arg0: i32) -> (i32, i32) {
    %c0_i32 = arith.constant 0 : i32
    %c0_i32_0 = arith.constant 0 : i32
    return %arg0, %c0_i32 : i32, i32
  }
}

</mosaic_0001>

<sc_bundles>
// kernel: kernel.4.cloned.1.call-start
scs
__scs_entry_jumppad:
0x0: {  	(pc) =	sbr.rel $0x88, $3  }
0x1: {  	(tag) =	ssettag $0x0;
	lr =	simm.s32 $0x1  }
0x2: {  	[smem:$0x3F9D] =	sst lr;
	_ =	strace $0xD0000000  }
0x3: {  	_ = 	snop  }
0x4: {  	_ = 	snop  }
0x5: {  	_ = 	snop  }
0x6: {  	_ = 	snop  }
0x7: {  	_ = 	snop  }
__scs_overlays_trampoline_lowered:
0x8: {  	[smem:$0x3FAC] =	sst s0  }
0x9: {  	[smem:$0x3FAD] =	sst s1  }
0xa: {  	[smem:$0x3FAE] =	sst s2  }
0xb: {  	[smem:$0x3FAF] =	sst s3  }
0xc: {  	[smem:$0x3FB0] =	sst s4  }
0xd: {  	[smem:$0x3FB1] =	sst s5  }
0xe: {  	[smem:$0x3FB2] =	sst s6  }
0xf: {  	[smem:$0x3FB3] =	sst s7  }
0x10: {  	[smem:$0x3FB4] =	sst s8  }
0x11: {  	[smem:$0x3FB5] =	sst s9;
	s0 =	simm.s32 @!p0 $0x0  }
0x12: {  	s1 =	sld [smem:$0x3F9B];
	s0 =	simm.s32 @p0 $0x1  }
0x13: {  	[smem:$0x3FB6] =	sst s0;
	s0 =	simm.s32 @!p1 $0x0  }
0x14: {  	s2 =	sld [smem:$0x3F9A];
	s0 =	simm.s32 @p1 $0x1  }
0x15: {  	[smem:$0x3FB7] =	sst s0;
	s0 =	simm.s32 @!p2 $0x0  }
0x16: {  	s3 =	sld [smem:$0x3FDB];
	s0 =	simm.s32 @p2 $0x1  }
0x17: {  	s4 =	simm.s32 $0x1BF5;
	[smem:$0x3FB9] =	sst s0  }
0x18: {  	s0 =	sld [smem:$0x3F9C];
	_ =	swait.ge [sflag:s4], $0x0  }
0x19: {  	s7 =	sld [smem:$0x3F9D]  }
0x1a: {  	s8 =	sadd.s32 $0xFFFFE003, lr  }
0x1b: {  	s9 =	sadd.s32 $0xFFFFFEF7, lr;
	s5 =	simm.s32 $0xFFFFFFFF;
	p2 =	slt.u32 s8, $0xFFFFF086  }
0x1c: {  	p1 =	slt.u32 s9, $0xF7A;
	s5 =	simm.s32 @!p2 $0x0  }
0x1d: {  	s5 =	simm.s32 @p1 $0x1;
	p0 =	seq.s32 s7, s2  }
0x1e: {  	s7 =	smul.u32 @!p0 $0xF7A, s2;
	p2 =	seq.s32 @!p0 s5, $0x0  }
0x1f: {  	s9 =	smul.u32 $0xF7A, s1;
	s8 =	simm.s32 @!p0 $0x1BF5;
	p2 =	por !p2, p0  }
0x20: {  	[sflag:s8] =	ssyncset.s32 @!p0 $0xFFFFF086;
	s6 =	sadd.s32 @!p0 s3, s7;
	s7 =	simm.s32 @!p0 $0x108  }
0x21: {  	s3 =	sadd.s32 s3, s9;
	s6 =	sadd.s32 @!p0 $0x88, s6;
	s7 =	simm.s32 @p2 $0x1082  }
0x22: {  	[simem:s7], [sflag:s8] =	dma.local @!p0 [hbm:s6], $0xF7A  }
0x23: {  	s9 =	sor.u32 $0xD0000000, s2;
	s6 =	simm.s32 $0x108;
	_ =	swait.ge @!p0 [sflag:s8], $0x0  }
0x24: {  	s3 =	sadd.s32 $0x88, s3;
	s6 =	simm.s32 @!p1 $0x1082;
	[sflag:s4] =	ssyncset.s32 $0xFFFFF086  }
0x25: {  	[simem:s6], [sflag:s4] =	dma.local [hbm:s3], $0xF7A  }
0x26: {  	[smem:$0x3F9D] =	sst s1;
	(tag) =	ssettag s2;
	_ =	strace s9  }
0x27: {  	s1 =	sld [smem:$0x3FAD]  }
0x28: {  	s2 =	sld [smem:$0x3FAE]  }
0x29: {  	s4 =	sld [smem:$0x3FB0]  }
0x2a: {  	p0 =	seq.s32 s5, $0x0;
	s5 =	sld [smem:$0x3FB1]  }
0x2b: {  	s6 =	sld [smem:$0x3FB2]  }
0x2c: {  	s7 =	sld [smem:$0x3FB3]  }
0x2d: {  	s3 =	simm.s32 $0x108;
	s8 =	sld [smem:$0x3FB4]  }
0x2e: {  	s3 =	simm.s32 @!p0 $0x1082;
	s9 =	sld [smem:$0x3FB5]  }
0x2f: {  	lr =	sadd.s32 s0, s3;
	s0 =	sld [smem:$0x3FAC]  }
0x30: {  	s3 =	sld [smem:$0x3FAF]  }
0x31: {  	[smem:$0x3FB8] =	sst s10  }
0x32: {  	s10 =	sld [smem:$0x3FB6];
	_ =	sdelay $0x3  }
0x33: {  	p0 =	seq.s32 s10, $0x1;
	s10 =	sld [smem:$0x3FB8];
	_ =	sdelay $0x3  }
0x34: {  	[smem:$0x3FB8] =	sst s10  }
0x35: {  	s10 =	sld [smem:$0x3FB7];
	_ =	sdelay $0x3  }
0x36: {  	p1 =	seq.s32 s10, $0x1;
	s10 =	sld [smem:$0x3FB8];
	_ =	sdelay $0x3  }
0x37: {  	[smem:$0x3FB8] =	sst s10  }
0x38: {  	s10 =	sld [smem:$0x3FB9]  }
0x39: {  	_ = 	snop;
	(pc) =	sbr.ind lr, $3  }
0x3a: {  	_ = 	snop  }
0x3b: {  	_ = 	snop  }
0x3c: {  	p2 =	seq.s32 s10, $0x1;
	s10 =	sld [smem:$0x3FB8]  }
0x3d: {  	_ =	shalt  }
0x3e: {  	_ =	shalt  }
0x3f: {  	_ =	shalt  }
0x40: {  	_ =	shalt  }
0x41: {  	_ =	shalt  }
0x42: {  	_ =	shalt  }
0x43: {  	_ =	shalt  }
0x44: {  	_ =	shalt  }
0x45: {  	_ =	shalt  }
0x46: {  	_ =	shalt  }
0x47: {  	_ =	shalt  }
0x48: {  	_ =	shalt  }
0x49: {  	_ =	shalt  }
0x4a: {  	_ =	shalt  }
0x4b: {  	_ =	shalt  }
0x4c: {  	_ =	shalt  }
0x4d: {  	_ =	shalt  }
0x4e: {  	_ =	shalt  }
0x4f: {  	_ =	shalt  }
0x50: {  	_ =	shalt  }
0x51: {  	_ =	shalt  }
0x52: {  	_ =	shalt  }
0x53: {  	_ =	shalt  }
0x54: {  	_ =	shalt  }
0x55: {  	_ =	shalt  }
0x56: {  	_ =	shalt  }
0x57: {  	_ =	shalt  }
0x58: {  	_ =	shalt  }
0x59: {  	_ =	shalt  }
0x5a: {  	_ =	shalt  }
0x5b: {  	_ =	shalt  }
0x5c: {  	_ =	shalt  }
0x5d: {  	_ =	shalt  }
0x5e: {  	_ =	shalt  }
0x5f: {  	_ =	shalt  }
0x60: {  	_ =	shalt  }
0x61: {  	_ =	shalt  }
0x62: {  	_ =	shalt  }
0x63: {  	_ =	shalt  }
0x64: {  	_ =	shalt  }
0x65: {  	_ =	shalt  }
0x66: {  	_ =	shalt  }
0x67: {  	_ =	shalt  }
0x68: {  	_ =	shalt  }
0x69: {  	_ =	shalt  }
0x6a: {  	_ =	shalt  }
0x6b: {  	_ =	shalt  }
0x6c: {  	_ =	shalt  }
0x6d: {  	_ =	shalt  }
0x6e: {  	_ =	shalt  }
0x6f: {  	_ =	shalt  }
0x70: {  	_ =	shalt  }
0x71: {  	_ =	shalt  }
0x72: {  	_ =	shalt  }
0x73: {  	_ =	shalt  }
0x74: {  	_ =	shalt  }
0x75: {  	_ =	shalt  }
0x76: {  	_ =	shalt  }
0x77: {  	_ =	shalt  }
0x78: {  	_ =	shalt  }
0x79: {  	_ =	shalt  }
0x7a: {  	_ =	shalt  }
0x7b: {  	_ =	shalt  }
0x7c: {  	_ =	shalt  }
0x7d: {  	_ =	shalt  }
0x7e: {  	_ =	shalt  }
0x7f: {  	_ =	shalt  }
0x80: {  	_ =	shalt  }
0x81: {  	_ =	shalt  }
0x82: {  	_ =	shalt  }
0x83: {  	_ =	shalt  }
0x84: {  	_ =	shalt  }
0x85: {  	_ =	shalt  }
0x86: {  	_ =	shalt  }
0x87: {  	_ =	shalt  }
.Lfunc_end0:
.L_simem_size_0:
called_computation_lowered:
.L_overlay_start_0:
0x88: {  	s2 =	sld [smem:$0x3FD9]  }
0x89: {  	s3 =	sld [smem:$0x3FFE];
	_ =	sdelay $0x1  }
0x8a: {  	s1 =	srdreg.scid  }
0x8b: {  	s0 =	sand.u32 $0x1, s1  }
0x8c: {  	s17 =	sshll.u32 s0, $0xA;
	s2 =	sadd.s32 s3, s2  }
0x8d: {  	s2 =	sadd.s32 s2, s17  }
0x8e: {  	[smem:$0x3FC4] =	sst s2  }
0x8f: {  	_ = 	snop  }
0x90: {  	s2 =	sld [smem:$0x3FC8];
	(tm) =	ssettm $0x1  }
0x91: {  	s18 =	sld [smem:$0x3FFB];
	_ =	sdelay $0x3  }
0x92: {  	_ =	strace s18  }
0x93: {  	s3 =	sld [smem:$0x3FFC];
	_ =	sdelay $0x3  }
0x94: {  	_ =	strace s3  }
0x95: {  	s3 =	sld [smem:$0x3FFD];
	_ =	sdelay $0x3  }
0x96: {  	_ =	strace s3  }
0x97: {  	_ =	strace $0x8FFFFFFF  }
0x98: {  	s19 =	sld [smem:$0x3FDB];
	_ =	sdelay $0x1  }
0x99: {  	s4 =	simm.s32 $_scs_section_size  }
0x9a: {  	s5 =	simm.s32 $_size__tile_overlayer_lowered;
	s6 =	simm.s32 $_tile_overlayer_lowered  }
0x9b: {  	s22 =	simm.s32 $0x1BFF;
	s21 =	sshll.u32 s6, $0x1;
	s3 =	sadd.s32 s4, s19  }
0x9c: {  	s7 =	simm.s32 $0x0;
	s20 =	sshll.u32 s5, $0x1;
	s5 =	sadd.s32 s21, s3  }
0x9d: {  	[timem:s7], [sflag:s22] =	dma.local [hbm:s5], s20  }
0x9e: {  	_ =	swait.ge [sflag:s22], s20  }
0x9f: {  	s4 =	ssub.s32 $0x0, s20;
	[sflag:s22] =	ssyncset.done $0x0  }
0xa0: {  	[sflag:s22] =	ssyncadd.s32 s4;
	_ =	sdelay $0x1  }
0xa1: {  	s23 =	simm.s32 $0x1B8B  }
0xa2: {  	_ =	swait.ge [sflag:s23], $0x1  }
0xa3: {  	[sflag:s23] =	ssyncset.done $0x0  }
0xa4: {  	s25 =	simm.s32 $0x1B8E;
	s24 =	sld [smem:$0x3FFE];
	[sflag:s23] =	ssyncadd.s32 $0xFFFFFFFF  }
0xa5: {  	s26 =	simm.s32 $execute0_lowered;
	[smem:$0x3FD2] =	sst s25  }
0xa6: {  	s5 =	sshll.u32 s26, $0x1;
	_ =	strace $0x80000046;
	[dreg:$0x1] =	wrdreg $0xFFFFFFFF  }
0xa7: {  	s28 =	simm.s32 $_size_execute0_lowered;
	s3 =	sadd.s32 s3, s5;
	[dreg:$0x0] =	wrdreg $0x0  }
0xa8: {  	s5 =	sshll.u32 s28, $0x1;
	[dreg:$0x2] =	wrdreg s3  }
0xa9: {  	[dreg:$0x3] =	wrdreg s5  }
0xaa: {  	[dreg:$0x4] =	wrdreg $0xC0  }
0xab: {  	_ =	task [dreg:s7], $0x5FFFF  }
0xac: {  	[dreg:$0x1] =	wrdreg $0xFFFFFFFF  }
0xad: {  	[dreg:$0x0] =	wrdreg $0x60  }
0xae: {  	[dreg:$0x2] =	wrdreg s24  }
0xaf: {  	[dreg:$0x3] =	wrdreg s2  }
0xb0: {  	[dreg:$0x4] =	wrdreg $0x9  }
0xb1: {  	_ =	task.clear_ibuf [dreg:s7], $0x5FFFF;
	_ =	strace $0x90000046  }
0xb2: {  	s29 =	simm.s32 $0x9;
	_ =	strace $0x80000048  }
0xb3: {  	_ =	swait.ge [sflag:s29], $0x1  }
0xb4: {  	[sflag:s29] =	ssyncadd.s32 $0xFFFFFFFF  }
0xb5: {  	_ =	strace $0x90000048  }
0xb6: {  	_ =	sfence  }
0xb7: {  	s30 =	sld [smem:$0x0];
	_ =	sdelay $0x2  }
0xb8: {  	s31 =	sshll.u32 s1, $0xD;
	s1 =	sshrl.u32 s1, $0x2  }
0xb9: {  	s3 =	sand.u32 $0x4000, s31;
	s1 =	sadd.s32 s1, s30  }
0xba: {  	s0 =	sor.u32 s3, s0;
	s1 =	sshll.u32 s1, $0x11  }
0xbb: {  	s0 =	sor.u32 s1, s0  }
0xbc: {  	s0 =	sadd.s32 $0x8F2B, s0  }
0xbd: {  	[sflag:s0] =	ssyncadd.remote.s32 $0x1  }
0xbe: {  	_ =	sfence.sel $0xFFFF  }
0xbf: {  	[dreg:$0x0] =	wrdreg $0xFFFFFFFF;
	(pc) =	sbr.abs _section_cstart, $3  }
0xc0: {  	[dreg:$0x1] =	wrdreg $0xFFFFFFFF  }
0xc1: {  	_ =	task.clear_ibuf [dreg:s7], $0x2FFFF;
	_ =	strace $0x9FFFFFFF  }
0xc2: {  	(tm) =	ssettm $0x7FFFFFFF  }
0xc3: {  	_ =	shalt  }
tec
execute0_lowered:
.L_overlay_start_1:
0x0: {  	(tag) =	ssettag $0x1  }
0x1: {  	s4 =	rddreg [dreg:$0x0];
	s2 =	srdreg.scid  }
0x2: {  	s0 =	stileid.u32;
	s1 =	rddreg [dreg:$0x1]  }
0x3: {  	s15 =	simm.s32 $0x9A0;
	s28 =	simm.s32 $0x1;
	s29 =	simm.s32 $0x40  }
0x4: {  	s30 =	simm.s32 $0x80;
	s31 =	simm.s32 $0x2;
	s5 =	sand.u32 $0x1, s2  }
0x5: {  	s3 =	sshll.u32 s0, $0x1;
	s2 =	simm.s32 $0x0;
	s19 =	sadd.s32 $0x125600, s4  }
0x6: {  	s6 =	sor.u32 s5, s3;
	[smem:$0x7FF] =	sst s2;
	s3 =	sadd.s32 $0x600, s4  }
0x7: {  	s5 =	ssub.s32 $0x2, s5;
	s14 =	smul.u32 $0xC40, s6;
	_ =	strace $0x80000047  }
0x8: {  	s23 =	sshrl.u32 s5, $0x1;
	s9 =	smul.u32 $0xC400, s6;
	p0 =	seq.s32 s6, $0x1F  }
0x9: {  	s20 =	ssub.s32 s5, s23;
	s15 =	simm.s32 @!p0 $0xB00;
	s7 =	sshrl.u32 s14, $0x3  }
0xa: {  	s25 =	sadd.s32 $0x140, s14;
	s0 =	sadd.s32 $0x280, s14;
	s11 =	sadd.s32 s19, s9  }
0xb: {  	s12 =	sadd.s32 $0x3C0, s14;
	s13 =	sadd.s32 $0x640, s14;
	s20 =	smax.u32 s20, $0x1  }
0xc: {  	s24 =	sadd.s32 s1, s7;
	s26 =	sshrl.u32 s25, $0x3;
	s8 =	sshrl.u32 s0, $0x3  }
0xd: {  	[dreg:$0x6] =	wrdreg s11;
	s16 =	sshrl.u32 s12, $0x3;
	s5 =	sshll.u32 s25, $0x4  }
0xe: {  	s7 =	sshll.u32 s0, $0x4;
	s18 =	sshrl.u32 s13, $0x3;
	s11 =	sshll.u32 s12, $0x4  }
0xf: {  	s13 =	sshll.u32 s13, $0x4;
	[dreg:$0x3] =	wrdreg s24;
	s4 =	sadd.s32 s1, s26  }
0x10: {  	s10 =	sadd.s32 s1, s8;
	s5 =	sadd.s32 s19, s5;
	s7 =	sadd.s32 s19, s7  }
0x11: {  	s8 =	sadd.s32 s1, s18;
	s9 =	sadd.s32 s19, s11;
	[dreg:$0x4] =	wrdreg s4  }
0x12: {  	s18 =	smin.u32 s15, $0xA00;
	s13 =	sadd.s32 s19, s13;
	[dreg:$0x5] =	wrdreg s10  }
0x13: {  	s10 =	sadd.s32 $0x500, s14;
	s4 =	sadd.s32 s1, s16;
	s16 =	sadd.s32 $0x780, s14  }
0x14: {  	s18 =	sadd.s32 s14, s18;
	s17 =	sshrl.u32 s10, $0x3;
	s21 =	sshrl.u32 s16, $0x3  }
0x15: {  	s12 =	sshll.u32 s10, $0x4;
	s23 =	sshrl.u32 s18, $0x3;
	s24 =	sshll.u32 s16, $0x4  }
0x16: {  	s18 =	sshll.u32 s18, $0x4;
	s6 =	sadd.s32 s1, s17;
	s17 =	sadd.s32 $0x8C0, s14  }
0x17: {  	s10 =	sadd.s32 s1, s21;
	s11 =	sadd.s32 s19, s12;
	s21 =	sadd.s32 s14, s15  }
0x18: {  	s14 =	sadd.s32 s1, s23;
	s15 =	sadd.s32 s19, s24;
	s18 =	sadd.s32 s19, s18  }
0x19: {  	s23 =	simm.s32 $0x3C0;
	s24 =	simm.s32 $0x53C0;
	s22 =	sshrl.u32 s17, $0x3  }
0x1a: {  	s25 =	sshrl.u32 s21, $0x3;
	s26 =	sshll.u32 s17, $0x4;
	s21 =	sshll.u32 s21, $0x4  }
0x1b: {  	s12 =	sadd.s32 s1, s22;
	s16 =	sadd.s32 s1, s25;
	s17 =	sadd.s32 s19, s26  }
0x1c: {  	s19 =	sadd.s32 s19, s21;
	s21 =	simm.s32 $0x4;
	s22 =	simm.s32 $0x140  }
0x1d: {  	v0 =	vimm.s32 $0x0;
	s25 =	simm.s32 $0x280;
	s26 =	simm.s32 $0xA3C0;
	s1 =	simm.s32 $0x3  }
.LBB2_1:
0x1e: {  	s0 =	rddreg [dreg:$0x3]  }
0x1f: {  	[tilespmem:s2], [sflag:$0x4] =	stream.linear.gather [hbm4b:s0+s2], $0x140, $0x38;
	[tilespmem:$0xF3C0] =	vst v63  }
0x20: {  	_ =	swait.ge [sflag:s21], $0x140  }
0x21: {  	[sflag:s21] =	ssyncset.done $0x0  }
0x22: {  	[sflag:s21] =	ssyncadd.s32 $0xFFFFFEC0  }
0x23: {  	v1 =	vld [tilespmem:$0x0]  }
0x24: {  	v2 =	vld [tilespmem:$0x10]  }
0x25: {  	v3 =	vld [tilespmem:$0x20]  }
0x26: {  	v4 =	vld [tilespmem:$0x30]  }
0x27: {  	v5 =	vld [tilespmem:$0x40]  }
0x28: {  	v7 =	vld [tilespmem:$0x50]  }
0x29: {  	v9 =	vld [tilespmem:$0x60]  }
0x2a: {  	v54 =	vld [tilespmem:$0x70]  }
0x2b: {  	v10 =	vld [tilespmem:$0x80]  }
0x2c: {  	v12 =	vld [tilespmem:$0x90];
	vm0 =	vgt.s32 v1, $0x124F7  }
0x2d: {  	v57 =	vld [tilespmem:$0xA0];
	v1 =	vshll.u32 v1, $0x1;
	vm9 =	vgt.s32 v2, $0x124F7;
	vm10 =	vgt.s32 v3, $0x124F7  }
0x2e: {  	v59 =	vld [tilespmem:$0xB0];
	v2 =	vshll.u32 v2, $0x1;
	v3 =	vshll.u32 v3, $0x1;
	vm11 =	vgt.s32 v4, $0x124F7  }
0x2f: {  	v62 =	vld [tilespmem:$0xC0];
	v4 =	vshll.u32 v4, $0x1;
	vm12 =	vgt.s32 v5, $0x124F7;
	vm13 =	vgt.s32 v7, $0x124F7  }
0x30: {  	v14 =	vld [tilespmem:$0xE0];
	v5 =	vshll.u32 v5, $0x1;
	v7 =	vshll.u32 v7, $0x1;
	vm14 =	vgt.s32 v9, $0x124F7  }
0x31: {  	v21 =	vld [tilespmem:$0x110];
	vm15 =	vgt.s32 v54, $0x124F7;
	vm4 =	vgt.s32 v10, $0x124F7;
	v60 =	vshll.u32 v10, $0x1  }
0x32: {  	vm5 =	vgt.s32 v12, $0x124F7;
	v12 =	vshll.u32 v12, $0x1;
	vm6 =	vgt.s32 v57, $0x124F7  }
0x33: {  	vm7 =	vgt.s32 v59, $0x124F7;
	v16 =	vshll.u32 v59, $0x1;
	v6 =	vsel vm0, $0xFFFDB611, v0  }
0x34: {  	vm8 =	vgt.s32 v62, $0x124F7;
	v53 =	vsel vm9, $0xFFFDB611, v0;
	v1 =	vadd.s32 v1, v6  }
0x35: {  	v23 =	vshll.u32 v14, $0x1;
	v8 =	vsel vm10, $0xFFFDB611, v0;
	v2 =	vadd.s32 v2, v53;
	[tilespmem:$0x0] =	vst v1  }
0x36: {  	v28 =	vshll.u32 v21, $0x1;
	v55 =	vsel vm11, $0xFFFDB611, v0;
	v3 =	vadd.s32 v3, v8;
	[tilespmem:$0x10] =	vst v2  }
0x37: {  	v63 =	vld [tilespmem:$0xD0];
	v56 =	vsel vm12, $0xFFFDB611, v0;
	v11 =	vsel vm13, $0xFFFDB611, v0;
	v4 =	vadd.s32 v4, v55;
	[tilespmem:$0x20] =	vst v3  }
0x38: {  	v18 =	vld [tilespmem:$0xF0];
	v58 =	vsel vm14, $0xFFFDB611, v0;
	v61 =	vsel vm4, $0xFFFDB611, v0;
	v5 =	vadd.s32 v5, v56;
	[tilespmem:$0x30] =	vst v4  }
0x39: {  	v19 =	vld [tilespmem:$0x100];
	v13 =	vsel vm5, $0xFFFDB611, v0;
	v15 =	vsel vm6, $0xFFFDB611, v0;
	v7 =	vadd.s32 v7, v11;
	[tilespmem:$0x40] =	vst v5  }
0x3a: {  	v17 =	vsel vm7, $0xFFFDB611, v0;
	v1 =	vshll.u32 v9, $0x1;
	[tilespmem:$0x50] =	vst v7;
	v5 =	vadd.s32 v12, v13  }
0x3b: {  	v25 =	vld [tilespmem:$0x120];
	v2 =	vsel vm15, $0xFFFDB611, v0;
	v3 =	vshll.u32 v54, $0x1;
	v1 =	vadd.s32 v1, v58;
	[tilespmem:$0x90] =	vst v5  }
0x3c: {  	v20 =	vsel vm8, $0xFFFDB611, v0;
	vm9 =	vgt.s32 v63, $0x124F7;
	v2 =	vadd.s32 v3, v2;
	[tilespmem:$0x60] =	vst v1  }
0x3d: {  	vm10 =	vgt.s32 v14, $0x124F7;
	vm11 =	vgt.s32 v18, $0x124F7;
	v3 =	vadd.s32 v60, v61;
	[tilespmem:$0x70] =	vst v2  }
0x3e: {  	vm12 =	vgt.s32 v19, $0x124F7;
	v1 =	vshll.u32 v57, $0x1;
	v2 =	vadd.s32 v16, v17;
	[tilespmem:$0x80] =	vst v3  }
0x3f: {  	v26 =	vld [tilespmem:$0x130];
	vm13 =	vgt.s32 v21, $0x124F7;
	v3 =	vshll.u32 v62, $0x1;
	v1 =	vadd.s32 v1, v15;
	[tilespmem:$0xB0] =	vst v2  }
0x40: {  	vm14 =	vgt.s32 v25, $0x124F7;
	v24 =	vsel vm10, $0xFFFDB611, v0;
	v3 =	vadd.s32 v3, v20;
	[tilespmem:$0xA0] =	vst v1  }
0x41: {  	v22 =	vsel vm9, $0xFFFDB611, v0;
	v2 =	vadd.s32 v23, v24;
	v1 =	vshll.u32 v63, $0x1;
	[tilespmem:$0xC0] =	vst v3  }
0x42: {  	v27 =	vsel vm11, $0xFFFDB611, v0;
	v3 =	vshll.u32 v18, $0x1;
	[tilespmem:$0xE0] =	vst v2;
	v1 =	vadd.s32 v1, v22  }
0x43: {  	v2 =	vshll.u32 v19, $0x1;
	[tilespmem:$0xD0] =	vst v1;
	v1 =	vadd.s32 v3, v27;
	v3 =	vsel vm12, $0xFFFDB611, v0  }
0x44: {  	v29 =	vsel vm13, $0xFFFDB611, v0;
	vm15 =	vgt.s32 v26, $0x124F7;
	[tilespmem:$0xF0] =	vst v1;
	v1 =	vadd.s32 v2, v3  }
0x45: {  	v2 =	vadd.s32 v28, v29;
	v3 =	vsel vm14, $0xFFFDB611, v0;
	[tilespmem:$0x100] =	vst v1;
	v1 =	vshll.u32 v25, $0x1  }
0x46: {  	[tilespmem:$0x110] =	vst v2;
	v2 =	vshll.u32 v26, $0x1;
	v1 =	vadd.s32 v1, v3;
	v3 =	vsel vm15, $0xFFFDB611, v0  }
0x47: {  	[tilespmem:$0x120] =	vst v1;
	v1 =	vadd.s32 v2, v3  }
0x48: {  	[tilespmem:$0x130] =	vst v1  }
0x49: {  	[tilespmem:s23], [sflag:$0x1] =	stream.indirect.gather [hbm4b:s3+s22], $0x40, s2, s22, $0xb8;
	[tilespmem:$0xF3C0] =	vst v63  }
0x4a: {  	s0 =	rddreg [dreg:$0x4]  }
0x4b: {  	[tilespmem:s22], [sflag:$0x4] =	stream.linear.gather [hbm4b:s0+s2], $0x140, $0x38;
	[tilespmem:$0xF3C0] =	vst v63  }
0x4c: {  	_ =	swait.ge [sflag:s21], $0x140  }
0x4d: {  	[sflag:s21] =	ssyncset.done $0x0  }
0x4e: {  	[sflag:s21] =	ssyncadd.s32 $0xFFFFFEC0  }
0x4f: {  	v1 =	vld [tilespmem:$0x140]  }
0x50: {  	v2 =	vld [tilespmem:$0x150]  }
0x51: {  	v3 =	vld [tilespmem:$0x160]  }
0x52: {  	v30 =	vld [tilespmem:$0x170]  }
0x53: {  	v31 =	vld [tilespmem:$0x180]  }
0x54: {  	v33 =	vld [tilespmem:$0x190]  }
0x55: {  	v36 =	vld [tilespmem:$0x1A0]  }
0x56: {  	v37 =	vld [tilespmem:$0x1B0]  }
0x57: {  	v39 =	vld [tilespmem:$0x1C0]  }
0x58: {  	v42 =	vld [tilespmem:$0x1D0];
	vm4 =	vgt.s32 v1, $0x124F7  }
0x59: {  	v43 =	vld [tilespmem:$0x1E0];
	v1 =	vshll.u32 v1, $0x1;
	vm5 =	vgt.s32 v2, $0x124F7;
	vm6 =	vgt.s32 v3, $0x124F7  }
0x5a: {  	v45 =	vld [tilespmem:$0x1F0];
	v2 =	vshll.u32 v2, $0x1;
	v3 =	vshll.u32 v3, $0x1;
	vm7 =	vgt.s32 v30, $0x124F7  }
0x5b: {  	v52 =	vld [tilespmem:$0x220];
	v4 =	vshll.u32 v30, $0x1;
	vm8 =	vgt.s32 v31, $0x124F7;
	vm9 =	vgt.s32 v33, $0x124F7  }
0x5c: {  	v59 =	vld [tilespmem:$0x250];
	v5 =	vshll.u32 v31, $0x1;
	v7 =	vshll.u32 v33, $0x1;
	vm10 =	vgt.s32 v36, $0x124F7  }
0x5d: {  	vm11 =	vgt.s32 v37, $0x124F7;
	vm12 =	vgt.s32 v39, $0x124F7;
	v46 =	vshll.u32 v39, $0x1  }
0x5e: {  	vm13 =	vgt.s32 v42, $0x124F7;
	v50 =	vshll.u32 v42, $0x1;
	vm14 =	vgt.s32 v43, $0x124F7  }
0x5f: {  	vm15 =	vgt.s32 v45, $0x124F7;
	v54 =	vshll.u32 v45, $0x1;
	v32 =	vsel vm4, $0xFFFDB611, v0  }
0x60: {  	v61 =	vshll.u32 v52, $0x1;
	v34 =	vsel vm5, $0xFFFDB611, v0;
	v1 =	vadd.s32 v1, v32  }
0x61: {  	v48 =	vld [tilespmem:$0x200];
	v13 =	vshll.u32 v59, $0x1;
	v35 =	vsel vm6, $0xFFFDB611, v0;
	v2 =	vadd.s32 v2, v34;
	[tilespmem:$0x140] =	vst v1  }
0x62: {  	v49 =	vld [tilespmem:$0x210];
	v38 =	vsel vm7, $0xFFFDB611, v0;
	v40 =	vsel vm8, $0xFFFDB611, v0;
	v3 =	vadd.s32 v3, v35;
	[tilespmem:$0x150] =	vst v2  }
0x63: {  	v56 =	vld [tilespmem:$0x230];
	v41 =	vsel vm9, $0xFFFDB611, v0;
	v44 =	vsel vm10, $0xFFFDB611, v0;
	v4 =	vadd.s32 v4, v38;
	[tilespmem:$0x160] =	vst v3  }
0x64: {  	v57 =	vld [tilespmem:$0x240];
	v47 =	vsel vm12, $0xFFFDB611, v0;
	v51 =	vsel vm13, $0xFFFDB611, v0;
	v5 =	vadd.s32 v5, v40;
	[tilespmem:$0x170] =	vst v4  }
0x65: {  	v53 =	vsel vm14, $0xFFFDB611, v0;
	v55 =	vsel vm15, $0xFFFDB611, v0;
	v7 =	vadd.s32 v7, v41;
	[tilespmem:$0x180] =	vst v5  }
0x66: {  	vm4 =	vgt.s32 v48, $0x124F7;
	v1 =	vshll.u32 v36, $0x1;
	[tilespmem:$0x190] =	vst v7;
	v5 =	vadd.s32 v50, v51  }
0x67: {  	v63 =	vld [tilespmem:$0x260];
	v2 =	vsel vm11, $0xFFFDB611, v0;
	v3 =	vshll.u32 v37, $0x1;
	v1 =	vadd.s32 v1, v44;
	[tilespmem:$0x1D0] =	vst v5  }
0x68: {  	vm5 =	vgt.s32 v49, $0x124F7;
	vm6 =	vgt.s32 v52, $0x124F7;
	v2 =	vadd.s32 v3, v2;
	[tilespmem:$0x1A0] =	vst v1  }
0x69: {  	vm7 =	vgt.s32 v56, $0x124F7;
	vm8 =	vgt.s32 v57, $0x124F7;
	v3 =	vadd.s32 v46, v47;
	[tilespmem:$0x1B0] =	vst v2  }
0x6a: {  	vm9 =	vgt.s32 v59, $0x124F7;
	v1 =	vshll.u32 v43, $0x1;
	v2 =	vadd.s32 v54, v55;
	[tilespmem:$0x1C0] =	vst v3  }
0x6b: {  	v10 =	vld [tilespmem:$0x270];
	v58 =	vsel vm4, $0xFFFDB611, v0;
	v3 =	vshll.u32 v48, $0x1;
	v1 =	vadd.s32 v1, v53;
	[tilespmem:$0x1F0] =	vst v2  }
0x6c: {  	vm10 =	vgt.s32 v63, $0x124F7;
	v62 =	vsel vm6, $0xFFFDB611, v0;
	v3 =	vadd.s32 v3, v58;
	[tilespmem:$0x1E0] =	vst v1  }
0x6d: {  	v60 =	vsel vm5, $0xFFFDB611, v0;
	v2 =	vadd.s32 v61, v62;
	v1 =	vshll.u32 v49, $0x1;
	[tilespmem:$0x200] =	vst v3  }
0x6e: {  	v12 =	vsel vm7, $0xFFFDB611, v0;
	v3 =	vshll.u32 v56, $0x1;
	[tilespmem:$0x220] =	vst v2;
	v1 =	vadd.s32 v1, v60  }
0x6f: {  	v2 =	vshll.u32 v57, $0x1;
	[tilespmem:$0x210] =	vst v1;
	v1 =	vadd.s32 v3, v12;
	v3 =	vsel vm8, $0xFFFDB611, v0  }
0x70: {  	v14 =	vsel vm9, $0xFFFDB611, v0;
	vm11 =	vgt.s32 v10, $0x124F7;
	[tilespmem:$0x230] =	vst v1;
	v1 =	vadd.s32 v2, v3  }
0x71: {  	v2 =	vadd.s32 v13, v14;
	v3 =	vsel vm10, $0xFFFDB611, v0;
	[tilespmem:$0x240] =	vst v1;
	v1 =	vshll.u32 v63, $0x1  }
0x72: {  	[tilespmem:$0x250] =	vst v2;
	v2 =	vshll.u32 v10, $0x1;
	v1 =	vadd.s32 v1, v3;
	v3 =	vsel vm11, $0xFFFDB611, v0  }
0x73: {  	[tilespmem:$0x260] =	vst v1;
	v1 =	vadd.s32 v2, v3  }
0x74: {  	[tilespmem:$0x270] =	vst v1  }
0x75: {  	[tilespmem:s24], [sflag:$0x2] =	stream.indirect.gather [hbm4b:s3+s22], $0x40, s22, s22, $0xb8;
	[tilespmem:$0xF3C0] =	vst v63  }
0x76: {  	s0 =	rddreg [dreg:$0x5]  }
0x77: {  	[tilespmem:s25], [sflag:$0x4] =	stream.linear.gather [hbm4b:s0+s2], $0x140, $0x38;
	[tilespmem:$0xF3C0] =	vst v63  }
0x78: {  	_ =	swait.ge [sflag:s21], $0x140  }
0x79: {  	[sflag:s21] =	ssyncset.done $0x0  }
0x7a: {  	[sflag:s21] =	ssyncadd.s32 $0xFFFFFEC0  }
0x7b: {  	v1 =	vld [tilespmem:$0x280]  }
0x7c: {  	v2 =	vld [tilespmem:$0x290]  }
0x7d: {  	v3 =	vld [tilespmem:$0x2A0]  }
0x7e: {  	v15 =	vld [tilespmem:$0x2B0]  }
0x7f: {  	v16 =	vld [tilespmem:$0x2C0]  }
0x80: {  	v18 =	vld [tilespmem:$0x2D0]  }
0x81: {  	v21 =	vld [tilespmem:$0x2E0]  }
0x82: {  	v22 =	vld [tilespmem:$0x2F0]  }
0x83: {  	v24 =	vld [tilespmem:$0x300]  }
0x84: {  	v27 =	vld [tilespmem:$0x310];
	vm12 =	vgt.s32 v1, $0x124F7  }
0x85: {  	v28 =	vld [tilespmem:$0x320];
	v1 =	vshll.u32 v1, $0x1;
	vm13 =	vgt.s32 v2, $0x124F7;
	vm14 =	vgt.s32 v3, $0x124F7  }
0x86: {  	v30 =	vld [tilespmem:$0x330];
	v2 =	vshll.u32 v2, $0x1;
	v3 =	vshll.u32 v3, $0x1;
	vm15 =	vgt.s32 v15, $0x124F7  }
0x87: {  	v37 =	vld [tilespmem:$0x360];
	v4 =	vshll.u32 v15, $0x1;
	vm4 =	vgt.s32 v16, $0x124F7;
	vm5 =	vgt.s32 v18, $0x124F7  }
0x88: {  	v44 =	vld [tilespmem:$0x390];
	v5 =	vshll.u32 v16, $0x1;
	v7 =	vshll.u32 v18, $0x1;
	vm6 =	vgt.s32 v21, $0x124F7  }
0x89: {  	vm7 =	vgt.s32 v22, $0x124F7;
	vm8 =	vgt.s32 v24, $0x124F7;
	v31 =	vshll.u32 v24, $0x1  }
0x8a: {  	vm9 =	vgt.s32 v27, $0x124F7;
	v35 =	vshll.u32 v27, $0x1;
	vm10 =	vgt.s32 v28, $0x124F7  }
0x8b: {  	vm11 =	vgt.s32 v30, $0x124F7;
	v39 =	vshll.u32 v30, $0x1;
	v17 =	vsel vm12, $0xFFFDB611, v0  }
0x8c: {  	v46 =	vshll.u32 v37, $0x1;
	v19 =	vsel vm13, $0xFFFDB611, v0;
	v1 =	vadd.s32 v1, v17  }
0x8d: {  	v33 =	vld [tilespmem:$0x340];
	v51 =	vshll.u32 v44, $0x1;
	v20 =	vsel vm14, $0xFFFDB611, v0;
	v2 =	vadd.s32 v2, v19;
	[tilespmem:$0x280] =	vst v1  }
0x8e: {  	v34 =	vld [tilespmem:$0x350];
	v23 =	vsel vm15, $0xFFFDB611, v0;
	v25 =	vsel vm4, $0xFFFDB611, v0;
	v3 =	vadd.s32 v3, v20;
	[tilespmem:$0x290] =	vst v2  }
0x8f: {  	v41 =	vld [tilespmem:$0x370];
	v26 =	vsel vm5, $0xFFFDB611, v0;
	v29 =	vsel vm6, $0xFFFDB611, v0;
	v4 =	vadd.s32 v4, v23;
	[tilespmem:$0x2A0] =	vst v3  }
0x90: {  	v42 =	vld [tilespmem:$0x380];
	v32 =	vsel vm8, $0xFFFDB611, v0;
	v36 =	vsel vm9, $0xFFFDB611, v0;
	v5 =	vadd.s32 v5, v25;
	[tilespmem:$0x2B0] =	vst v4  }
0x91: {  	v38 =	vsel vm10, $0xFFFDB611, v0;
	v40 =	vsel vm11, $0xFFFDB611, v0;
	v7 =	vadd.s32 v7, v26;
	[tilespmem:$0x2C0] =	vst v5  }
0x92: {  	vm12 =	vgt.s32 v33, $0x124F7;
	v1 =	vshll.u32 v21, $0x1;
	[tilespmem:$0x2D0] =	vst v7;
	v5 =	vadd.s32 v35, v36  }
0x93: {  	v48 =	vld [tilespmem:$0x3A0];
	v2 =	vsel vm7, $0xFFFDB611, v0;
	v3 =	vshll.u32 v22, $0x1;
	v1 =	vadd.s32 v1, v29;
	[tilespmem:$0x310] =	vst v5  }
0x94: {  	vm13 =	vgt.s32 v34, $0x124F7;
	vm14 =	vgt.s32 v37, $0x124F7;
	v2 =	vadd.s32 v3, v2;
	[tilespmem:$0x2E0] =	vst v1  }
0x95: {  	vm15 =	vgt.s32 v41, $0x124F7;
	vm4 =	vgt.s32 v42, $0x124F7;
	v3 =	vadd.s32 v31, v32;
	[tilespmem:$0x2F0] =	vst v2  }
0x96: {  	vm5 =	vgt.s32 v44, $0x124F7;
	v1 =	vshll.u32 v28, $0x1;
	v2 =	vadd.s32 v39, v40;
	[tilespmem:$0x300] =	vst v3  }
0x97: {  	v49 =	vld [tilespmem:$0x3B0];
	v43 =	vsel vm12, $0xFFFDB611, v0;
	v3 =	vshll.u32 v33, $0x1;
	v1 =	vadd.s32 v1, v38;
	[tilespmem:$0x330] =	vst v2  }
0x98: {  	vm6 =	vgt.s32 v48, $0x124F7;
	v47 =	vsel vm14, $0xFFFDB611, v0;
	v3 =	vadd.s32 v3, v43;
	[tilespmem:$0x320] =	vst v1  }
0x99: {  	v45 =	vsel vm13, $0xFFFDB611, v0;
	v2 =	vadd.s32 v46, v47;
	v1 =	vshll.u32 v34, $0x1;
	[tilespmem:$0x340] =	vst v3  }
0x9a: {  	v50 =	vsel vm15, $0xFFFDB611, v0;
	v3 =	vshll.u32 v41, $0x1;
	[tilespmem:$0x360] =	vst v2;
	v1 =	vadd.s32 v1, v45  }
0x9b: {  	v2 =	vshll.u32 v42, $0x1;
	[tilespmem:$0x350] =	vst v1;
	v1 =	vadd.s32 v3, v50;
	v3 =	vsel vm4, $0xFFFDB611, v0  }
0x9c: {  	v52 =	vsel vm5, $0xFFFDB611, v0;
	vm7 =	vgt.s32 v49, $0x124F7;
	[tilespmem:$0x370] =	vst v1;
	v1 =	vadd.s32 v2, v3  }
0x9d: {  	v2 =	vadd.s32 v51, v52;
	v3 =	vsel vm6, $0xFFFDB611, v0;
	[tilespmem:$0x380] =	vst v1;
	v1 =	vshll.u32 v48, $0x1  }
0x9e: {  	[tilespmem:$0x390] =	vst v2;
	v2 =	vshll.u32 v49, $0x1;
	v1 =	vadd.s32 v1, v3;
	v3 =	vsel vm7, $0xFFFDB611, v0  }
0x9f: {  	[tilespmem:$0x3A0] =	vst v1;
	v1 =	vadd.s32 v2, v3  }
0xa0: {  	[tilespmem:$0x3B0] =	vst v1  }
0xa1: {  	[tilespmem:s26], [sflag:$0x3] =	stream.indirect.gather [hbm4b:s3+s22], $0x40, s25, s22, $0xb8;
	[tilespmem:$0xF3C0] =	vst v63  }
0xa2: {  	_ =	swait.ge [sflag:s28], $0x5000  }
0xa3: {  	[sflag:s28] =	ssyncset.done $0x0  }
0xa4: {  	s0 =	rddreg [dreg:$0x6];
	[sflag:s28] =	ssyncadd.s32 $0xFFFFB000  }
0xa5: {  	[hbm4b:s0+s29] =	stream.strided.scatter [tilespmem:s23], [sflag:$0x4], $0x5000, s30, s29, $0x38;
	[tilespmem:$0xF3C0] =	vst v63  }
0xa6: {  	_ =	swait.ge [sflag:s21], $0x5000  }
0xa7: {  	[sflag:s21] =	ssyncset.done $0x0  }
0xa8: {  	[sflag:s21] =	ssyncadd.s32 $0xFFFFB000  }
0xa9: {  	[tilespmem:s2], [sflag:$0x4] =	stream.linear.gather [hbm4b:s4+s2], $0x140, $0x38;
	[tilespmem:$0xF3C0] =	vst v63  }
0xaa: {  	_ =	swait.ge [sflag:s21], $0x140  }
0xab: {  	[sflag:s21] =	ssyncset.done $0x0  }
0xac: {  	[sflag:s21] =	ssyncadd.s32 $0xFFFFFEC0  }
0xad: {  	v1 =	vld [tilespmem:$0x0]  }
0xae: {  	v2 =	vld [tilespmem:$0x10]  }
0xaf: {  	v3 =	vld [tilespmem:$0x20]  }
0xb0: {  	v53 =	vld [tilespmem:$0x30]  }
0xb1: {  	v54 =	vld [tilespmem:$0x40]  }
0xb2: {  	v56 =	vld [tilespmem:$0x50]  }
0xb3: {  	v59 =	vld [tilespmem:$0x60]  }
0xb4: {  	v60 =	vld [tilespmem:$0x70]  }
0xb5: {  	v62 =	vld [tilespmem:$0x80]  }
0xb6: {  	v17 =	vld [tilespmem:$0x90];
	vm8 =	vgt.s32 v1, $0x124F7  }
0xb7: {  	v18 =	vld [tilespmem:$0xA0];
	v1 =	vshll.u32 v1, $0x1;
	vm9 =	vgt.s32 v2, $0x124F7;
	vm10 =	vgt.s32 v3, $0x124F7  }
0xb8: {  	v20 =	vld [tilespmem:$0xB0];
	v2 =	vshll.u32 v2, $0x1;
	v3 =	vshll.u32 v3, $0x1;
	vm11 =	vgt.s32 v53, $0x124F7  }
0xb9: {  	v27 =	vld [tilespmem:$0xE0];
	v4 =	vshll.u32 v53, $0x1;
	vm12 =	vgt.s32 v54, $0x124F7;
	vm13 =	vgt.s32 v56, $0x124F7  }
0xba: {  	v34 =	vld [tilespmem:$0x110];
	v5 =	vshll.u32 v54, $0x1;
	v7 =	vshll.u32 v56, $0x1;
	vm14 =	vgt.s32 v59, $0x124F7  }
0xbb: {  	vm15 =	vgt.s32 v60, $0x124F7;
	vm4 =	vgt.s32 v62, $0x124F7;
	v21 =	vshll.u32 v62, $0x1  }
0xbc: {  	vm5 =	vgt.s32 v17, $0x124F7;
	v25 =	vshll.u32 v17, $0x1;
	vm6 =	vgt.s32 v18, $0x124F7  }
0xbd: {  	vm7 =	vgt.s32 v20, $0x124F7;
	v29 =	vshll.u32 v20, $0x1;
	v55 =	vsel vm8, $0xFFFDB611, v0  }
0xbe: {  	v36 =	vshll.u32 v27, $0x1;
	v57 =	vsel vm9, $0xFFFDB611, v0;
	v1 =	vadd.s32 v1, v55  }
0xbf: {  	v23 =	vld [tilespmem:$0xC0];
	v41 =	vshll.u32 v34, $0x1;
	v58 =	vsel vm10, $0xFFFDB611, v0;
	v2 =	vadd.s32 v2, v57;
	[tilespmem:$0x0] =	vst v1  }
0xc0: {  	v24 =	vld [tilespmem:$0xD0];
	v61 =	vsel vm11, $0xFFFDB611, v0;
	v63 =	vsel vm12, $0xFFFDB611, v0;
	v3 =	vadd.s32 v3, v58;
	[tilespmem:$0x10] =	vst v2  }
0xc1: {  	v31 =	vld [tilespmem:$0xF0];
	v16 =	vsel vm13, $0xFFFDB611, v0;
	v19 =	vsel vm14, $0xFFFDB611, v0;
	v4 =	vadd.s32 v4, v61;
	[tilespmem:$0x20] =	vst v3  }
0xc2: {  	v32 =	vld [tilespmem:$0x100];
	v22 =	vsel vm4, $0xFFFDB611, v0;
	v26 =	vsel vm5, $0xFFFDB611, v0;
	v5 =	vadd.s32 v5, v63;
	[tilespmem:$0x30] =	vst v4  }
0xc3: {  	v28 =	vsel vm6, $0xFFFDB611, v0;
	v30 =	vsel vm7, $0xFFFDB611, v0;
	v7 =	vadd.s32 v7, v16;
	[tilespmem:$0x40] =	vst v5  }
0xc4: {  	vm8 =	vgt.s32 v23, $0x124F7;
	v1 =	vshll.u32 v59, $0x1;
	[tilespmem:$0x50] =	vst v7;
	v5 =	vadd.s32 v25, v26  }
0xc5: {  	v38 =	vld [tilespmem:$0x120];
	v2 =	vsel vm15, $0xFFFDB611, v0;
	v3 =	vshll.u32 v60, $0x1;
	v1 =	vadd.s32 v1, v19;
	[tilespmem:$0x90] =	vst v5  }
0xc6: {  	vm9 =	vgt.s32 v24, $0x124F7;
	vm10 =	vgt.s32 v27, $0x124F7;
	v2 =	vadd.s32 v3, v2;
	[tilespmem:$0x60] =	vst v1  }
0xc7: {  	vm11 =	vgt.s32 v31, $0x124F7;
	vm12 =	vgt.s32 v32, $0x124F7;
	v3 =	vadd.s32 v21, v22;
	[tilespmem:$0x70] =	vst v2  }
0xc8: {  	vm13 =	vgt.s32 v34, $0x124F7;
	v1 =	vshll.u32 v18, $0x1;
	v2 =	vadd.s32 v29, v30;
	[tilespmem:$0x80] =	vst v3  }
0xc9: {  	v39 =	vld [tilespmem:$0x130];
	v33 =	vsel vm8, $0xFFFDB611, v0;
	v3 =	vshll.u32 v23, $0x1;
	v1 =	vadd.s32 v1, v28;
	[tilespmem:$0xB0] =	vst v2  }
0xca: {  	vm14 =	vgt.s32 v38, $0x124F7;
	v37 =	vsel vm10, $0xFFFDB611, v0;
	v3 =	vadd.s32 v3, v33;
	[tilespmem:$0xA0] =	vst v1  }
0xcb: {  	v35 =	vsel vm9, $0xFFFDB611, v0;
	v2 =	vadd.s32 v36, v37;
	v1 =	vshll.u32 v24, $0x1;
	[tilespmem:$0xC0] =	vst v3  }
0xcc: {  	v40 =	vsel vm11, $0xFFFDB611, v0;
	v3 =	vshll.u32 v31, $0x1;
	[tilespmem:$0xE0] =	vst v2;
	v1 =	vadd.s32 v1, v35  }
0xcd: {  	v2 =	vshll.u32 v32, $0x1;
	[tilespmem:$0xD0] =	vst v1;
	v1 =	vadd.s32 v3, v40;
	v3 =	vsel vm12, $0xFFFDB611, v0  }
0xce: {  	v42 =	vsel vm13, $0xFFFDB611, v0;
	vm15 =	vgt.s32 v39, $0x124F7;
	[tilespmem:$0xF0] =	vst v1;
	v1 =	vadd.s32 v2, v3  }
0xcf: {  	v2 =	vadd.s32 v41, v42;
	v3 =	vsel vm14, $0xFFFDB611, v0;
	[tilespmem:$0x100] =	vst v1;
	v1 =	vshll.u32 v38, $0x1  }
0xd0: {  	[tilespmem:$0x110] =	vst v2;
	v2 =	vshll.u32 v39, $0x1;
	v1 =	vadd.s32 v1, v3;
	v3 =	vsel vm15, $0xFFFDB611, v0  }
0xd1: {  	[tilespmem:$0x120] =	vst v1;
	v1 =	vadd.s32 v2, v3  }
0xd2: {  	[tilespmem:$0x130] =	vst v1  }
0xd3: {  	[tilespmem:s23], [sflag:$0x1] =	stream.indirect.gather [hbm4b:s3+s22], $0x40, s2, s22, $0xb8;
	[tilespmem:$0xF3C0] =	vst v63  }
0xd4: {  	_ =	swait.ge [sflag:s31], $0x5000  }
0xd5: {  	[sflag:s31] =	ssyncset.done $0x0  }
0xd6: {  	[sflag:s31] =	ssyncadd.s32 $0xFFFFB000  }
0xd7: {  	[hbm4b:s5+s29] =	stream.strided.scatter [tilespmem:s24], [sflag:$0x4], $0x5000, s30, s29, $0x38;
	[tilespmem:$0xF3C0] =	vst v63  }
0xd8: {  	_ =	swait.ge [sflag:s21], $0x5000  }
0xd9: {  	[sflag:s21] =	ssyncset.done $0x0  }
0xda: {  	[sflag:s21] =	ssyncadd.s32 $0xFFFFB000  }
0xdb: {  	[tilespmem:s22], [sflag:$0x4] =	stream.linear.gather [hbm4b:s6+s2], $0x140, $0x38;
	[tilespmem:$0xF3C0] =	vst v63  }
0xdc: {  	_ =	swait.ge [sflag:s21], $0x140  }
0xdd: {  	[sflag:s21] =	ssyncset.done $0x0  }
0xde: {  	[sflag:s21] =	ssyncadd.s32 $0xFFFFFEC0  }
0xdf: {  	v1 =	vld [tilespmem:$0x140]  }
0xe0: {  	v2 =	vld [tilespmem:$0x150]  }
0xe1: {  	v3 =	vld [tilespmem:$0x160]  }
0xe2: {  	v43 =	vld [tilespmem:$0x170]  }
0xe3: {  	v44 =	vld [tilespmem:$0x180]  }
0xe4: {  	v46 =	vld [tilespmem:$0x190]  }
0xe5: {  	v49 =	vld [tilespmem:$0x1A0]  }
0xe6: {  	v50 =	vld [tilespmem:$0x1B0]  }
0xe7: {  	v52 =	vld [tilespmem:$0x1C0]  }
0xe8: {  	v55 =	vld [tilespmem:$0x1D0];
	vm4 =	vgt.s32 v1, $0x124F7  }
0xe9: {  	v56 =	vld [tilespmem:$0x1E0];
	v1 =	vshll.u32 v1, $0x1;
	vm5 =	vgt.s32 v2, $0x124F7;
	vm6 =	vgt.s32 v3, $0x124F7  }
0xea: {  	v58 =	vld [tilespmem:$0x1F0];
	v2 =	vshll.u32 v2, $0x1;
	v3 =	vshll.u32 v3, $0x1;
	vm7 =	vgt.s32 v43, $0x124F7  }
0xeb: {  	v13 =	vld [tilespmem:$0x220];
	v4 =	vshll.u32 v43, $0x1;
	vm8 =	vgt.s32 v44, $0x124F7;
	vm9 =	vgt.s32 v46, $0x124F7  }
0xec: {  	v20 =	vld [tilespmem:$0x250];
	v5 =	vshll.u32 v44, $0x1;
	v7 =	vshll.u32 v46, $0x1;
	vm10 =	vgt.s32 v49, $0x124F7  }
0xed: {  	vm11 =	vgt.s32 v50, $0x124F7;
	vm12 =	vgt.s32 v52, $0x124F7;
	v59 =	vshll.u32 v52, $0x1  }
0xee: {  	vm13 =	vgt.s32 v55, $0x124F7;
	v63 =	vshll.u32 v55, $0x1;
	vm14 =	vgt.s32 v56, $0x124F7  }
0xef: {  	vm15 =	vgt.s32 v58, $0x124F7;
	v15 =	vshll.u32 v58, $0x1;
	v45 =	vsel vm4, $0xFFFDB611, v0  }
0xf0: {  	v22 =	vshll.u32 v13, $0x1;
	v47 =	vsel vm5, $0xFFFDB611, v0;
	v1 =	vadd.s32 v1, v45  }
0xf1: {  	v61 =	vld [tilespmem:$0x200];
	v27 =	vshll.u32 v20, $0x1;
	v48 =	vsel vm6, $0xFFFDB611, v0;
	v2 =	vadd.s32 v2, v47;
	[tilespmem:$0x140] =	vst v1  }
0xf2: {  	v62 =	vld [tilespmem:$0x210];
	v51 =	vsel vm7, $0xFFFDB611, v0;
	v53 =	vsel vm8, $0xFFFDB611, v0;
	v3 =	vadd.s32 v3, v48;
	[tilespmem:$0x150] =	vst v2  }
0xf3: {  	v17 =	vld [tilespmem:$0x230];
	v54 =	vsel vm9, $0xFFFDB611, v0;
	v57 =	vsel vm10, $0xFFFDB611, v0;
	v4 =	vadd.s32 v4, v51;
	[tilespmem:$0x160] =	vst v3  }
0xf4: {  	v18 =	vld [tilespmem:$0x240];
	v60 =	vsel vm12, $0xFFFDB611, v0;
	v12 =	vsel vm13, $0xFFFDB611, v0;
	v5 =	vadd.s32 v5, v53;
	[tilespmem:$0x170] =	vst v4  }
0xf5: {  	v14 =	vsel vm14, $0xFFFDB611, v0;
	v16 =	vsel vm15, $0xFFFDB611, v0;
	v7 =	vadd.s32 v7, v54;
	[tilespmem:$0x180] =	vst v5  }
0xf6: {  	vm4 =	vgt.s32 v61, $0x124F7;
	v1 =	vshll.u32 v49, $0x1;
	[tilespmem:$0x190] =	vst v7;
	v5 =	vadd.s32 v63, v12  }
0xf7: {  	v24 =	vld [tilespmem:$0x260];
	v2 =	vsel vm11, $0xFFFDB611, v0;
	v3 =	vshll.u32 v50, $0x1;
	v1 =	vadd.s32 v1, v57;
	[tilespmem:$0x1D0] =	vst v5  }
0xf8: {  	vm5 =	vgt.s32 v62, $0x124F7;
	vm6 =	vgt.s32 v13, $0x124F7;
	v2 =	vadd.s32 v3, v2;
	[tilespmem:$0x1A0] =	vst v1  }
0xf9: {  	vm7 =	vgt.s32 v17, $0x124F7;
	vm8 =	vgt.s32 v18, $0x124F7;
	v3 =	vadd.s32 v59, v60;
	[tilespmem:$0x1B0] =	vst v2  }
0xfa: {  	vm9 =	vgt.s32 v20, $0x124F7;
	v1 =	vshll.u32 v56, $0x1;
	v2 =	vadd.s32 v15, v16;
	[tilespmem:$0x1C0] =	vst v3  }
0xfb: {  	v25 =	vld [tilespmem:$0x270];
	v19 =	vsel vm4, $0xFFFDB611, v0;
	v3 =	vshll.u32 v61, $0x1;
	v1 =	vadd.s32 v1, v14;
	[tilespmem:$0x1F0] =	vst v2  }
0xfc: {  	vm10 =	vgt.s32 v24, $0x124F7;
	v23 =	vsel vm6, $0xFFFDB611, v0;
	v3 =	vadd.s32 v3, v19;
	[tilespmem:$0x1E0] =	vst v1  }
0xfd: {  	v21 =	vsel vm5, $0xFFFDB611, v0;
	v2 =	vadd.s32 v22, v23;
	v1 =	vshll.u32 v62, $0x1;
	[tilespmem:$0x200] =	vst v3  }
0xfe: {  	v26 =	vsel vm7, $0xFFFDB611, v0;
	v3 =	vshll.u32 v17, $0x1;
	[tilespmem:$0x220] =	vst v2;
	v1 =	vadd.s32 v1, v21  }
0xff: {  	v2 =	vshll.u32 v18, $0x1;
	[tilespmem:$0x210] =	vst v1;
	v1 =	vadd.s32 v3, v26;
	v3 =	vsel vm8, $0xFFFDB611, v0  }
0x100: {  	v28 =	vsel vm9, $0xFFFDB611, v0;
	vm11 =	vgt.s32 v25, $0x124F7;
	[tilespmem:$0x230] =	vst v1;
	v1 =	vadd.s32 v2, v3  }
0x101: {  	v2 =	vadd.s32 v27, v28;
	v3 =	vsel vm10, $0xFFFDB611, v0;
	[tilespmem:$0x240] =	vst v1;
	v1 =	vshll.u32 v24, $0x1  }
0x102: {  	[tilespmem:$0x250] =	vst v2;
	v2 =	vshll.u32 v25, $0x1;
	v1 =	vadd.s32 v1, v3;
	v3 =	vsel vm11, $0xFFFDB611, v0  }
0x103: {  	[tilespmem:$0x260] =	vst v1;
	v1 =	vadd.s32 v2, v3  }
0x104: {  	[tilespmem:$0x270] =	vst v1  }
0x105: {  	[tilespmem:s24], [sflag:$0x2] =	stream.indirect.gather [hbm4b:s3+s22], $0x40, s22, s22, $0xb8;
	[tilespmem:$0xF3C0] =	vst v63  }
0x106: {  	_ =	swait.ge [sflag:s1], $0x5000  }
0x107: {  	[sflag:s1] =	ssyncset.done $0x0  }
0x108: {  	[sflag:s1] =	ssyncadd.s32 $0xFFFFB000  }
0x109: {  	[hbm4b:s7+s29] =	stream.strided.scatter [tilespmem:s26], [sflag:$0x4], $0x5000, s30, s29, $0x38;
	[tilespmem:$0xF3C0] =	vst v63  }
0x10a: {  	_ =	swait.ge [sflag:s21], $0x5000  }
0x10b: {  	[sflag:s21] =	ssyncset.done $0x0  }
0x10c: {  	[sflag:s21] =	ssyncadd.s32 $0xFFFFB000  }
0x10d: {  	[tilespmem:s25], [sflag:$0x4] =	stream.linear.gather [hbm4b:s8+s2], $0x140, $0x38;
	[tilespmem:$0xF3C0] =	vst v63  }
0x10e: {  	_ =	swait.ge [sflag:s21], $0x140  }
0x10f: {  	[sflag:s21] =	ssyncset.done $0x0  }
0x110: {  	[sflag:s21] =	ssyncadd.s32 $0xFFFFFEC0  }
0x111: {  	v1 =	vld [tilespmem:$0x280]  }
0x112: {  	v2 =	vld [tilespmem:$0x290]  }
0x113: {  	v3 =	vld [tilespmem:$0x2A0]  }
0x114: {  	v29 =	vld [tilespmem:$0x2B0]  }
0x115: {  	v30 =	vld [tilespmem:$0x2C0]  }
0x116: {  	v32 =	vld [tilespmem:$0x2D0]  }
0x117: {  	v35 =	vld [tilespmem:$0x2E0]  }
0x118: {  	v36 =	vld [tilespmem:$0x2F0]  }
0x119: {  	v38 =	vld [tilespmem:$0x300]  }
0x11a: {  	v41 =	vld [tilespmem:$0x310];
	vm12 =	vgt.s32 v1, $0x124F7  }
0x11b: {  	v42 =	vld [tilespmem:$0x320];
	v1 =	vshll.u32 v1, $0x1;
	vm13 =	vgt.s32 v2, $0x124F7;
	vm14 =	vgt.s32 v3, $0x124F7  }
0x11c: {  	v44 =	vld [tilespmem:$0x330];
	v2 =	vshll.u32 v2, $0x1;
	v3 =	vshll.u32 v3, $0x1;
	vm15 =	vgt.s32 v29, $0x124F7  }
0x11d: {  	v51 =	vld [tilespmem:$0x360];
	v4 =	vshll.u32 v29, $0x1;
	vm4 =	vgt.s32 v30, $0x124F7;
	vm5 =	vgt.s32 v32, $0x124F7  }
0x11e: {  	v58 =	vld [tilespmem:$0x390];
	v5 =	vshll.u32 v30, $0x1;
	v7 =	vshll.u32 v32, $0x1;
	vm6 =	vgt.s32 v35, $0x124F7  }
0x11f: {  	vm7 =	vgt.s32 v36, $0x124F7;
	vm8 =	vgt.s32 v38, $0x124F7;
	v45 =	vshll.u32 v38, $0x1  }
0x120: {  	vm9 =	vgt.s32 v41, $0x124F7;
	v49 =	vshll.u32 v41, $0x1;
	vm10 =	vgt.s32 v42, $0x124F7  }
0x121: {  	vm11 =	vgt.s32 v44, $0x124F7;
	v53 =	vshll.u32 v44, $0x1;
	v31 =	vsel vm12, $0xFFFDB611, v0  }
0x122: {  	v60 =	vshll.u32 v51, $0x1;
	v33 =	vsel vm13, $0xFFFDB611, v0;
	v1 =	vadd.s32 v1, v31  }
0x123: {  	v47 =	vld [tilespmem:$0x340];
	v11 =	vshll.u32 v58, $0x1;
	v34 =	vsel vm14, $0xFFFDB611, v0;
	v2 =	vadd.s32 v2, v33;
	[tilespmem:$0x280] =	vst v1  }
0x124: {  	v48 =	vld [tilespmem:$0x350];
	v37 =	vsel vm15, $0xFFFDB611, v0;
	v39 =	vsel vm4, $0xFFFDB611, v0;
	v3 =	vadd.s32 v3, v34;
	[tilespmem:$0x290] =	vst v2  }
0x125: {  	v55 =	vld [tilespmem:$0x370];
	v40 =	vsel vm5, $0xFFFDB611, v0;
	v43 =	vsel vm6, $0xFFFDB611, v0;
	v4 =	vadd.s32 v4, v37;
	[tilespmem:$0x2A0] =	vst v3  }
0x126: {  	v56 =	vld [tilespmem:$0x380];
	v46 =	vsel vm8, $0xFFFDB611, v0;
	v50 =	vsel vm9, $0xFFFDB611, v0;
	v5 =	vadd.s32 v5, v39;
	[tilespmem:$0x2B0] =	vst v4  }
0x127: {  	v52 =	vsel vm10, $0xFFFDB611, v0;
	v54 =	vsel vm11, $0xFFFDB611, v0;
	v7 =	vadd.s32 v7, v40;
	[tilespmem:$0x2C0] =	vst v5  }
0x128: {  	vm12 =	vgt.s32 v47, $0x124F7;
	v1 =	vshll.u32 v35, $0x1;
	[tilespmem:$0x2D0] =	vst v7;
	v5 =	vadd.s32 v49, v50  }
0x129: {  	v62 =	vld [tilespmem:$0x3A0];
	v2 =	vsel vm7, $0xFFFDB611, v0;
	v3 =	vshll.u32 v36, $0x1;
	v1 =	vadd.s32 v1, v43;
	[tilespmem:$0x310] =	vst v5  }
0x12a: {  	vm13 =	vgt.s32 v48, $0x124F7;
	vm14 =	vgt.s32 v51, $0x124F7;
	v2 =	vadd.s32 v3, v2;
	[tilespmem:$0x2E0] =	vst v1  }
0x12b: {  	vm15 =	vgt.s32 v55, $0x124F7;
	vm4 =	vgt.s32 v56, $0x124F7;
	v3 =	vadd.s32 v45, v46;
	[tilespmem:$0x2F0] =	vst v2  }
0x12c: {  	vm5 =	vgt.s32 v58, $0x124F7;
	v1 =	vshll.u32 v42, $0x1;
	v2 =	vadd.s32 v53, v54;
	[tilespmem:$0x300] =	vst v3  }
0x12d: {  	v63 =	vld [tilespmem:$0x3B0];
	v57 =	vsel vm12, $0xFFFDB611, v0;
	v3 =	vshll.u32 v47, $0x1;
	v1 =	vadd.s32 v1, v52;
	[tilespmem:$0x330] =	vst v2  }
0x12e: {  	vm6 =	vgt.s32 v62, $0x124F7;
	v61 =	vsel vm14, $0xFFFDB611, v0;
	v3 =	vadd.s32 v3, v57;
	[tilespmem:$0x320] =	vst v1  }
0x12f: {  	v59 =	vsel vm13, $0xFFFDB611, v0;
	v2 =	vadd.s32 v60, v61;
	v1 =	vshll.u32 v48, $0x1;
	[tilespmem:$0x340] =	vst v3  }
0x130: {  	v10 =	vsel vm15, $0xFFFDB611, v0;
	v3 =	vshll.u32 v55, $0x1;
	[tilespmem:$0x360] =	vst v2;
	v1 =	vadd.s32 v1, v59  }
0x131: {  	v2 =	vshll.u32 v56, $0x1;
	[tilespmem:$0x350] =	vst v1;
	v1 =	vadd.s32 v3, v10;
	v3 =	vsel vm4, $0xFFFDB611, v0  }
0x132: {  	v12 =	vsel vm5, $0xFFFDB611, v0;
	vm7 =	vgt.s32 v63, $0x124F7;
	[tilespmem:$0x370] =	vst v1;
	v1 =	vadd.s32 v2, v3  }
0x133: {  	v2 =	vadd.s32 v11, v12;
	v3 =	vsel vm6, $0xFFFDB611, v0;
	[tilespmem:$0x380] =	vst v1;
	v1 =	vshll.u32 v62, $0x1  }
0x134: {  	[tilespmem:$0x390] =	vst v2;
	v2 =	vshll.u32 v63, $0x1;
	v1 =	vadd.s32 v1, v3;
	v3 =	vsel vm7, $0xFFFDB611, v0  }
0x135: {  	[tilespmem:$0x3A0] =	vst v1;
	v1 =	vadd.s32 v2, v3  }
0x136: {  	[tilespmem:$0x3B0] =	vst v1  }
0x137: {  	[tilespmem:s26], [sflag:$0x3] =	stream.indirect.gather [hbm4b:s3+s22], $0x40, s25, s22, $0xb8;
	[tilespmem:$0xF3C0] =	vst v63  }
0x138: {  	_ =	swait.ge [sflag:s28], $0x5000  }
0x139: {  	[sflag:s28] =	ssyncset.done $0x0  }
0x13a: {  	[sflag:s28] =	ssyncadd.s32 $0xFFFFB000  }
0x13b: {  	[hbm4b:s9+s29] =	stream.strided.scatter [tilespmem:s23], [sflag:$0x4], $0x5000, s30, s29, $0x38;
	[tilespmem:$0xF3C0] =	vst v63  }
0x13c: {  	_ =	swait.ge [sflag:s21], $0x5000  }
0x13d: {  	[sflag:s21] =	ssyncset.done $0x0  }
0x13e: {  	[sflag:s21] =	ssyncadd.s32 $0xFFFFB000  }
0x13f: {  	[tilespmem:s2], [sflag:$0x4] =	stream.linear.gather [hbm4b:s10+s2], $0x140, $0x38;
	[tilespmem:$0xF3C0] =	vst v63  }
0x140: {  	_ =	swait.ge [sflag:s21], $0x140  }
0x141: {  	[sflag:s21] =	ssyncset.done $0x0  }
0x142: {  	[sflag:s21] =	ssyncadd.s32 $0xFFFFFEC0  }
0x143: {  	v1 =	vld [tilespmem:$0x0]  }
0x144: {  	v2 =	vld [tilespmem:$0x10]  }
0x145: {  	v3 =	vld [tilespmem:$0x20]  }
0x146: {  	v13 =	vld [tilespmem:$0x30]  }
0x147: {  	v14 =	vld [tilespmem:$0x40]  }
0x148: {  	v16 =	vld [tilespmem:$0x50]  }
0x149: {  	v19 =	vld [tilespmem:$0x60]  }
0x14a: {  	v20 =	vld [tilespmem:$0x70]  }
0x14b: {  	v22 =	vld [tilespmem:$0x80]  }
0x14c: {  	v25 =	vld [tilespmem:$0x90];
	vm8 =	vgt.s32 v1, $0x124F7  }
0x14d: {  	v26 =	vld [tilespmem:$0xA0];
	v1 =	vshll.u32 v1, $0x1;
	vm9 =	vgt.s32 v2, $0x124F7;
	vm10 =	vgt.s32 v3, $0x124F7  }
0x14e: {  	v28 =	vld [tilespmem:$0xB0];
	v2 =	vshll.u32 v2, $0x1;
	v3 =	vshll.u32 v3, $0x1;
	vm11 =	vgt.s32 v13, $0x124F7  }
0x14f: {  	v35 =	vld [tilespmem:$0xE0];
	v4 =	vshll.u32 v13, $0x1;
	vm12 =	vgt.s32 v14, $0x124F7;
	vm13 =	vgt.s32 v16, $0x124F7  }
0x150: {  	v42 =	vld [tilespmem:$0x110];
	v5 =	vshll.u32 v14, $0x1;
	v7 =	vshll.u32 v16, $0x1;
	vm14 =	vgt.s32 v19, $0x124F7  }
0x151: {  	vm15 =	vgt.s32 v20, $0x124F7;
	vm4 =	vgt.s32 v22, $0x124F7;
	v29 =	vshll.u32 v22, $0x1  }
0x152: {  	vm5 =	vgt.s32 v25, $0x124F7;
	v33 =	vshll.u32 v25, $0x1;
	vm6 =	vgt.s32 v26, $0x124F7  }
0x153: {  	vm7 =	vgt.s32 v28, $0x124F7;
	v37 =	vshll.u32 v28, $0x1;
	v15 =	vsel vm8, $0xFFFDB611, v0  }
0x154: {  	v44 =	vshll.u32 v35, $0x1;
	v17 =	vsel vm9, $0xFFFDB611, v0;
	v1 =	vadd.s32 v1, v15  }
0x155: {  	v31 =	vld [tilespmem:$0xC0];
	v49 =	vshll.u32 v42, $0x1;
	v18 =	vsel vm10, $0xFFFDB611, v0;
	v2 =	vadd.s32 v2, v17;
	[tilespmem:$0x0] =	vst v1  }
0x156: {  	v32 =	vld [tilespmem:$0xD0];
	v21 =	vsel vm11, $0xFFFDB611, v0;
	v23 =	vsel vm12, $0xFFFDB611, v0;
	v3 =	vadd.s32 v3, v18;
	[tilespmem:$0x10] =	vst v2  }
0x157: {  	v39 =	vld [tilespmem:$0xF0];
	v24 =	vsel vm13, $0xFFFDB611, v0;
	v27 =	vsel vm14, $0xFFFDB611, v0;
	v4 =	vadd.s32 v4, v21;
	[tilespmem:$0x20] =	vst v3  }
0x158: {  	v40 =	vld [tilespmem:$0x100];
	v30 =	vsel vm4, $0xFFFDB611, v0;
	v34 =	vsel vm5, $0xFFFDB611, v0;
	v5 =	vadd.s32 v5, v23;
	[tilespmem:$0x30] =	vst v4  }
0x159: {  	v36 =	vsel vm6, $0xFFFDB611, v0;
	v38 =	vsel vm7, $0xFFFDB611, v0;
	v7 =	vadd.s32 v7, v24;
	[tilespmem:$0x40] =	vst v5  }
0x15a: {  	vm8 =	vgt.s32 v31, $0x124F7;
	v1 =	vshll.u32 v19, $0x1;
	[tilespmem:$0x50] =	vst v7;
	v5 =	vadd.s32 v33, v34  }
0x15b: {  	v46 =	vld [tilespmem:$0x120];
	v2 =	vsel vm15, $0xFFFDB611, v0;
	v3 =	vshll.u32 v20, $0x1;
	v1 =	vadd.s32 v1, v27;
	[tilespmem:$0x90] =	vst v5  }
0x15c: {  	vm9 =	vgt.s32 v32, $0x124F7;
	vm10 =	vgt.s32 v35, $0x124F7;
	v2 =	vadd.s32 v3, v2;
	[tilespmem:$0x60] =	vst v1  }
0x15d: {  	vm11 =	vgt.s32 v39, $0x124F7;
	vm12 =	vgt.s32 v40, $0x124F7;
	v3 =	vadd.s32 v29, v30;
	[tilespmem:$0x70] =	vst v2  }
0x15e: {  	vm13 =	vgt.s32 v42, $0x124F7;
	v1 =	vshll.u32 v26, $0x1;
	v2 =	vadd.s32 v37, v38;
	[tilespmem:$0x80] =	vst v3  }
0x15f: {  	v47 =	vld [tilespmem:$0x130];
	v41 =	vsel vm8, $0xFFFDB611, v0;
	v3 =	vshll.u32 v31, $0x1;
	v1 =	vadd.s32 v1, v36;
	[tilespmem:$0xB0] =	vst v2  }
0x160: {  	vm14 =	vgt.s32 v46, $0x124F7;
	v45 =	vsel vm10, $0xFFFDB611, v0;
	v3 =	vadd.s32 v3, v41;
	[tilespmem:$0xA0] =	vst v1  }
0x161: {  	v43 =	vsel vm9, $0xFFFDB611, v0;
	v2 =	vadd.s32 v44, v45;
	v1 =	vshll.u32 v32, $0x1;
	[tilespmem:$0xC0] =	vst v3  }
0x162: {  	v48 =	vsel vm11, $0xFFFDB611, v0;
	v3 =	vshll.u32 v39, $0x1;
	[tilespmem:$0xE0] =	vst v2;
	v1 =	vadd.s32 v1, v43  }
0x163: {  	v2 =	vshll.u32 v40, $0x1;
	[tilespmem:$0xD0] =	vst v1;
	v1 =	vadd.s32 v3, v48;
	v3 =	vsel vm12, $0xFFFDB611, v0  }
0x164: {  	v50 =	vsel vm13, $0xFFFDB611, v0;
	vm15 =	vgt.s32 v47, $0x124F7;
	[tilespmem:$0xF0] =	vst v1;
	v1 =	vadd.s32 v2, v3  }
0x165: {  	v2 =	vadd.s32 v49, v50;
	v3 =	vsel vm14, $0xFFFDB611, v0;
	[tilespmem:$0x100] =	vst v1;
	v1 =	vshll.u32 v46, $0x1  }
0x166: {  	[tilespmem:$0x110] =	vst v2;
	v2 =	vshll.u32 v47, $0x1;
	v1 =	vadd.s32 v1, v3;
	v3 =	vsel vm15, $0xFFFDB611, v0  }
0x167: {  	[tilespmem:$0x120] =	vst v1;
	v1 =	vadd.s32 v2, v3  }
0x168: {  	[tilespmem:$0x130] =	vst v1  }
0x169: {  	[tilespmem:s23], [sflag:$0x1] =	stream.indirect.gather [hbm4b:s3+s22], $0x40, s2, s22, $0xb8;
	[tilespmem:$0xF3C0] =	vst v63  }
0x16a: {  	_ =	swait.ge [sflag:s31], $0x5000  }
0x16b: {  	[sflag:s31] =	ssyncset.done $0x0  }
0x16c: {  	[sflag:s31] =	ssyncadd.s32 $0xFFFFB000  }
0x16d: {  	[hbm4b:s11+s29] =	stream.strided.scatter [tilespmem:s24], [sflag:$0x4], $0x5000, s30, s29, $0x38;
	[tilespmem:$0xF3C0] =	vst v63  }
0x16e: {  	_ =	swait.ge [sflag:s21], $0x5000  }
0x16f: {  	[sflag:s21] =	ssyncset.done $0x0  }
0x170: {  	[sflag:s21] =	ssyncadd.s32 $0xFFFFB000  }
0x171: {  	[tilespmem:s22], [sflag:$0x4] =	stream.linear.gather [hbm4b:s12+s2], $0x140, $0x38;
	[tilespmem:$0xF3C0] =	vst v63  }
0x172: {  	_ =	swait.ge [sflag:s21], $0x140  }
0x173: {  	[sflag:s21] =	ssyncset.done $0x0  }
0x174: {  	[sflag:s21] =	ssyncadd.s32 $0xFFFFFEC0  }
0x175: {  	v1 =	vld [tilespmem:$0x140]  }
0x176: {  	v2 =	vld [tilespmem:$0x150]  }
0x177: {  	v3 =	vld [tilespmem:$0x160]  }
0x178: {  	v51 =	vld [tilespmem:$0x170]  }
0x179: {  	v52 =	vld [tilespmem:$0x180]  }
0x17a: {  	v54 =	vld [tilespmem:$0x190]  }
0x17b: {  	v57 =	vld [tilespmem:$0x1A0]  }
0x17c: {  	v58 =	vld [tilespmem:$0x1B0]  }
0x17d: {  	v60 =	vld [tilespmem:$0x1C0]  }
0x17e: {  	v63 =	vld [tilespmem:$0x1D0];
	vm4 =	vgt.s32 v1, $0x124F7  }
0x17f: {  	v15 =	vld [tilespmem:$0x1E0];
	v1 =	vshll.u32 v1, $0x1;
	vm5 =	vgt.s32 v2, $0x124F7;
	vm6 =	vgt.s32 v3, $0x124F7  }
0x180: {  	v17 =	vld [tilespmem:$0x1F0];
	v2 =	vshll.u32 v2, $0x1;
	v3 =	vshll.u32 v3, $0x1;
	vm7 =	vgt.s32 v51, $0x124F7  }
0x181: {  	v24 =	vld [tilespmem:$0x220];
	v4 =	vshll.u32 v51, $0x1;
	vm8 =	vgt.s32 v52, $0x124F7;
	vm9 =	vgt.s32 v54, $0x124F7  }
0x182: {  	v31 =	vld [tilespmem:$0x250];
	v5 =	vshll.u32 v52, $0x1;
	v7 =	vshll.u32 v54, $0x1;
	vm10 =	vgt.s32 v57, $0x124F7  }
0x183: {  	vm11 =	vgt.s32 v58, $0x124F7;
	vm12 =	vgt.s32 v60, $0x124F7;
	v18 =	vshll.u32 v60, $0x1  }
0x184: {  	vm13 =	vgt.s32 v63, $0x124F7;
	v22 =	vshll.u32 v63, $0x1;
	vm14 =	vgt.s32 v15, $0x124F7  }
0x185: {  	vm15 =	vgt.s32 v17, $0x124F7;
	v26 =	vshll.u32 v17, $0x1;
	v53 =	vsel vm4, $0xFFFDB611, v0  }
0x186: {  	v33 =	vshll.u32 v24, $0x1;
	v55 =	vsel vm5, $0xFFFDB611, v0;
	v1 =	vadd.s32 v1, v53  }
0x187: {  	v20 =	vld [tilespmem:$0x200];
	v38 =	vshll.u32 v31, $0x1;
	v56 =	vsel vm6, $0xFFFDB611, v0;
	v2 =	vadd.s32 v2, v55;
	[tilespmem:$0x140] =	vst v1  }
0x188: {  	v21 =	vld [tilespmem:$0x210];
	v59 =	vsel vm7, $0xFFFDB611, v0;
	v61 =	vsel vm8, $0xFFFDB611, v0;
	v3 =	vadd.s32 v3, v56;
	[tilespmem:$0x150] =	vst v2  }
0x189: {  	v28 =	vld [tilespmem:$0x230];
	v62 =	vsel vm9, $0xFFFDB611, v0;
	v16 =	vsel vm10, $0xFFFDB611, v0;
	v4 =	vadd.s32 v4, v59;
	[tilespmem:$0x160] =	vst v3  }
0x18a: {  	v29 =	vld [tilespmem:$0x240];
	v19 =	vsel vm12, $0xFFFDB611, v0;
	v23 =	vsel vm13, $0xFFFDB611, v0;
	v5 =	vadd.s32 v5, v61;
	[tilespmem:$0x170] =	vst v4  }
0x18b: {  	v25 =	vsel vm14, $0xFFFDB611, v0;
	v27 =	vsel vm15, $0xFFFDB611, v0;
	v7 =	vadd.s32 v7, v62;
	[tilespmem:$0x180] =	vst v5  }
0x18c: {  	vm4 =	vgt.s32 v20, $0x124F7;
	v1 =	vshll.u32 v57, $0x1;
	[tilespmem:$0x190] =	vst v7;
	v5 =	vadd.s32 v22, v23  }
0x18d: {  	v35 =	vld [tilespmem:$0x260];
	v2 =	vsel vm11, $0xFFFDB611, v0;
	v3 =	vshll.u32 v58, $0x1;
	v1 =	vadd.s32 v1, v16;
	[tilespmem:$0x1D0] =	vst v5  }
0x18e: {  	vm5 =	vgt.s32 v21, $0x124F7;
	vm6 =	vgt.s32 v24, $0x124F7;
	v2 =	vadd.s32 v3, v2;
	[tilespmem:$0x1A0] =	vst v1  }
0x18f: {  	vm7 =	vgt.s32 v28, $0x124F7;
	vm8 =	vgt.s32 v29, $0x124F7;
	v3 =	vadd.s32 v18, v19;
	[tilespmem:$0x1B0] =	vst v2  }
0x190: {  	vm9 =	vgt.s32 v31, $0x124F7;
	v1 =	vshll.u32 v15, $0x1;
	v2 =	vadd.s32 v26, v27;
	[tilespmem:$0x1C0] =	vst v3  }
0x191: {  	v36 =	vld [tilespmem:$0x270];
	v30 =	vsel vm4, $0xFFFDB611, v0;
	v3 =	vshll.u32 v20, $0x1;
	v1 =	vadd.s32 v1, v25;
	[tilespmem:$0x1F0] =	vst v2  }
0x192: {  	vm10 =	vgt.s32 v35, $0x124F7;
	v34 =	vsel vm6, $0xFFFDB611, v0;
	v3 =	vadd.s32 v3, v30;
	[tilespmem:$0x1E0] =	vst v1  }
0x193: {  	v32 =	vsel vm5, $0xFFFDB611, v0;
	v2 =	vadd.s32 v33, v34;
	v1 =	vshll.u32 v21, $0x1;
	[tilespmem:$0x200] =	vst v3  }
0x194: {  	v37 =	vsel vm7, $0xFFFDB611, v0;
	v3 =	vshll.u32 v28, $0x1;
	[tilespmem:$0x220] =	vst v2;
	v1 =	vadd.s32 v1, v32  }
0x195: {  	v2 =	vshll.u32 v29, $0x1;
	[tilespmem:$0x210] =	vst v1;
	v1 =	vadd.s32 v3, v37;
	v3 =	vsel vm8, $0xFFFDB611, v0  }
0x196: {  	v39 =	vsel vm9, $0xFFFDB611, v0;
	vm11 =	vgt.s32 v36, $0x124F7;
	[tilespmem:$0x230] =	vst v1;
	v1 =	vadd.s32 v2, v3  }
0x197: {  	v2 =	vadd.s32 v38, v39;
	v3 =	vsel vm10, $0xFFFDB611, v0;
	[tilespmem:$0x240] =	vst v1;
	v1 =	vshll.u32 v35, $0x1  }
0x198: {  	[tilespmem:$0x250] =	vst v2;
	v2 =	vshll.u32 v36, $0x1;
	v1 =	vadd.s32 v1, v3;
	v3 =	vsel vm11, $0xFFFDB611, v0  }
0x199: {  	[tilespmem:$0x260] =	vst v1;
	v1 =	vadd.s32 v2, v3  }
0x19a: {  	[tilespmem:$0x270] =	vst v1  }
0x19b: {  	[tilespmem:s24], [sflag:$0x2] =	stream.indirect.gather [hbm4b:s3+s22], $0x40, s22, s22, $0xb8;
	[tilespmem:$0xF3C0] =	vst v63  }
0x19c: {  	_ =	swait.ge [sflag:s1], $0x5000  }
0x19d: {  	[sflag:s1] =	ssyncset.done $0x0  }
0x19e: {  	[sflag:s1] =	ssyncadd.s32 $0xFFFFB000  }
0x19f: {  	[hbm4b:s13+s29] =	stream.strided.scatter [tilespmem:s26], [sflag:$0x4], $0x5000, s30, s29, $0x38;
	[tilespmem:$0xF3C0] =	vst v63  }
0x1a0: {  	_ =	swait.ge [sflag:s21], $0x5000  }
0x1a1: {  	[sflag:s21] =	ssyncset.done $0x0  }
0x1a2: {  	[sflag:s21] =	ssyncadd.s32 $0xFFFFB000  }
0x1a3: {  	[tilespmem:s25], [sflag:$0x4] =	stream.linear.gather [hbm4b:s14+s2], $0x140, $0x38;
	[tilespmem:$0xF3C0] =	vst v63  }
0x1a4: {  	_ =	swait.ge [sflag:s21], $0x140  }
0x1a5: {  	[sflag:s21] =	ssyncset.done $0x0  }
0x1a6: {  	[sflag:s21] =	ssyncadd.s32 $0xFFFFFEC0  }
0x1a7: {  	v1 =	vld [tilespmem:$0x280]  }
0x1a8: {  	v2 =	vld [tilespmem:$0x290]  }
0x1a9: {  	v3 =	vld [tilespmem:$0x2A0]  }
0x1aa: {  	v40 =	vld [tilespmem:$0x2B0]  }
0x1ab: {  	v41 =	vld [tilespmem:$0x2C0]  }
0x1ac: {  	v43 =	vld [tilespmem:$0x2D0]  }
0x1ad: {  	v46 =	vld [tilespmem:$0x2E0]  }
0x1ae: {  	v47 =	vld [tilespmem:$0x2F0]  }
0x1af: {  	v49 =	vld [tilespmem:$0x300]  }
0x1b0: {  	v52 =	vld [tilespmem:$0x310];
	vm12 =	vgt.s32 v1, $0x124F7  }
0x1b1: {  	v53 =	vld [tilespmem:$0x320];
	v1 =	vshll.u32 v1, $0x1;
	vm13 =	vgt.s32 v2, $0x124F7;
	vm14 =	vgt.s32 v3, $0x124F7  }
0x1b2: {  	v55 =	vld [tilespmem:$0x330];
	v2 =	vshll.u32 v2, $0x1;
	v3 =	vshll.u32 v3, $0x1;
	vm15 =	vgt.s32 v40, $0x124F7  }
0x1b3: {  	v62 =	vld [tilespmem:$0x360];
	v4 =	vshll.u32 v40, $0x1;
	vm4 =	vgt.s32 v41, $0x124F7;
	vm5 =	vgt.s32 v43, $0x124F7  }
0x1b4: {  	v17 =	vld [tilespmem:$0x390];
	v5 =	vshll.u32 v41, $0x1;
	v7 =	vshll.u32 v43, $0x1;
	vm6 =	vgt.s32 v46, $0x124F7  }
0x1b5: {  	vm7 =	vgt.s32 v47, $0x124F7;
	vm8 =	vgt.s32 v49, $0x124F7;
	v56 =	vshll.u32 v49, $0x1  }
0x1b6: {  	vm9 =	vgt.s32 v52, $0x124F7;
	v60 =	vshll.u32 v52, $0x1;
	vm10 =	vgt.s32 v53, $0x124F7  }
0x1b7: {  	vm11 =	vgt.s32 v55, $0x124F7;
	v12 =	vshll.u32 v55, $0x1;
	v42 =	vsel vm12, $0xFFFDB611, v0  }
0x1b8: {  	v19 =	vshll.u32 v62, $0x1;
	v44 =	vsel vm13, $0xFFFDB611, v0;
	v1 =	vadd.s32 v1, v42  }
0x1b9: {  	v58 =	vld [tilespmem:$0x340];
	v24 =	vshll.u32 v17, $0x1;
	v45 =	vsel vm14, $0xFFFDB611, v0;
	v2 =	vadd.s32 v2, v44;
	[tilespmem:$0x280] =	vst v1  }
0x1ba: {  	v59 =	vld [tilespmem:$0x350];
	v48 =	vsel vm15, $0xFFFDB611, v0;
	v50 =	vsel vm4, $0xFFFDB611, v0;
	v3 =	vadd.s32 v3, v45;
	[tilespmem:$0x290] =	vst v2  }
0x1bb: {  	v14 =	vld [tilespmem:$0x370];
	v51 =	vsel vm5, $0xFFFDB611, v0;
	v54 =	vsel vm6, $0xFFFDB611, v0;
	v4 =	vadd.s32 v4, v48;
	[tilespmem:$0x2A0] =	vst v3  }
0x1bc: {  	v15 =	vld [tilespmem:$0x380];
	v57 =	vsel vm8, $0xFFFDB611, v0;
	v61 =	vsel vm9, $0xFFFDB611, v0;
	v5 =	vadd.s32 v5, v50;
	[tilespmem:$0x2B0] =	vst v4  }
0x1bd: {  	v63 =	vsel vm10, $0xFFFDB611, v0;
	v13 =	vsel vm11, $0xFFFDB611, v0;
	v7 =	vadd.s32 v7, v51;
	[tilespmem:$0x2C0] =	vst v5  }
0x1be: {  	vm12 =	vgt.s32 v58, $0x124F7;
	v1 =	vshll.u32 v46, $0x1;
	[tilespmem:$0x2D0] =	vst v7;
	v5 =	vadd.s32 v60, v61  }
0x1bf: {  	v21 =	vld [tilespmem:$0x3A0];
	v2 =	vsel vm7, $0xFFFDB611, v0;
	v3 =	vshll.u32 v47, $0x1;
	v1 =	vadd.s32 v1, v54;
	[tilespmem:$0x310] =	vst v5  }
0x1c0: {  	vm13 =	vgt.s32 v59, $0x124F7;
	vm14 =	vgt.s32 v62, $0x124F7;
	v2 =	vadd.s32 v3, v2;
	[tilespmem:$0x2E0] =	vst v1  }
0x1c1: {  	vm15 =	vgt.s32 v14, $0x124F7;
	vm4 =	vgt.s32 v15, $0x124F7;
	v3 =	vadd.s32 v56, v57;
	[tilespmem:$0x2F0] =	vst v2  }
0x1c2: {  	vm5 =	vgt.s32 v17, $0x124F7;
	v1 =	vshll.u32 v53, $0x1;
	v2 =	vadd.s32 v12, v13;
	[tilespmem:$0x300] =	vst v3  }
0x1c3: {  	v22 =	vld [tilespmem:$0x3B0];
	v16 =	vsel vm12, $0xFFFDB611, v0;
	v3 =	vshll.u32 v58, $0x1;
	v1 =	vadd.s32 v1, v63;
	[tilespmem:$0x330] =	vst v2  }
0x1c4: {  	vm6 =	vgt.s32 v21, $0x124F7;
	v20 =	vsel vm14, $0xFFFDB611, v0;
	v3 =	vadd.s32 v3, v16;
	[tilespmem:$0x320] =	vst v1  }
0x1c5: {  	v18 =	vsel vm13, $0xFFFDB611, v0;
	v2 =	vadd.s32 v19, v20;
	v1 =	vshll.u32 v59, $0x1;
	[tilespmem:$0x340] =	vst v3  }
0x1c6: {  	v23 =	vsel vm15, $0xFFFDB611, v0;
	v3 =	vshll.u32 v14, $0x1;
	[tilespmem:$0x360] =	vst v2;
	v1 =	vadd.s32 v1, v18  }
0x1c7: {  	v2 =	vshll.u32 v15, $0x1;
	[tilespmem:$0x350] =	vst v1;
	v1 =	vadd.s32 v3, v23;
	v3 =	vsel vm4, $0xFFFDB611, v0  }
0x1c8: {  	v25 =	vsel vm5, $0xFFFDB611, v0;
	vm7 =	vgt.s32 v22, $0x124F7;
	[tilespmem:$0x370] =	vst v1;
	v1 =	vadd.s32 v2, v3  }
0x1c9: {  	v2 =	vadd.s32 v24, v25;
	v3 =	vsel vm6, $0xFFFDB611, v0;
	[tilespmem:$0x380] =	vst v1;
	v1 =	vshll.u32 v21, $0x1  }
0x1ca: {  	[tilespmem:$0x390] =	vst v2;
	v2 =	vshll.u32 v22, $0x1;
	v1 =	vadd.s32 v1, v3;
	v3 =	vsel vm7, $0xFFFDB611, v0  }
0x1cb: {  	[tilespmem:$0x3A0] =	vst v1;
	v1 =	vadd.s32 v2, v3  }
0x1cc: {  	[tilespmem:$0x3B0] =	vst v1  }
0x1cd: {  	[tilespmem:s26], [sflag:$0x3] =	stream.indirect.gather [hbm4b:s3+s22], $0x40, s25, s22, $0xb8;
	[tilespmem:$0xF3C0] =	vst v63  }
0x1ce: {  	_ =	swait.ge [sflag:s28], $0x5000  }
0x1cf: {  	[sflag:s28] =	ssyncset.done $0x0  }
0x1d0: {  	[sflag:s28] =	ssyncadd.s32 $0xFFFFB000  }
0x1d1: {  	[hbm4b:s15+s29] =	stream.strided.scatter [tilespmem:s23], [sflag:$0x4], $0x5000, s30, s29, $0x38;
	[tilespmem:$0xF3C0] =	vst v63  }
0x1d2: {  	_ =	swait.ge [sflag:s21], $0x5000  }
0x1d3: {  	[sflag:s21] =	ssyncset.done $0x0  }
0x1d4: {  	[sflag:s21] =	ssyncadd.s32 $0xFFFFB000  }
0x1d5: {  	[tilespmem:s2], [sflag:$0x4] =	stream.linear.gather [hbm4b:s16+s2], $0x140, $0x38;
	[tilespmem:$0xF3C0] =	vst v63  }
0x1d6: {  	_ =	swait.ge [sflag:s21], $0x140  }
0x1d7: {  	[sflag:s21] =	ssyncset.done $0x0  }
0x1d8: {  	[sflag:s21] =	ssyncadd.s32 $0xFFFFFEC0  }
0x1d9: {  	v1 =	vld [tilespmem:$0x0]  }
0x1da: {  	v2 =	vld [tilespmem:$0x10]  }
0x1db: {  	v3 =	vld [tilespmem:$0x20]  }
0x1dc: {  	v26 =	vld [tilespmem:$0x30]  }
0x1dd: {  	v27 =	vld [tilespmem:$0x40]  }
0x1de: {  	v29 =	vld [tilespmem:$0x50]  }
0x1df: {  	v32 =	vld [tilespmem:$0x60]  }
0x1e0: {  	v33 =	vld [tilespmem:$0x70]  }
0x1e1: {  	v35 =	vld [tilespmem:$0x80]  }
0x1e2: {  	v38 =	vld [tilespmem:$0x90];
	vm8 =	vgt.s32 v1, $0x124F7  }
0x1e3: {  	v39 =	vld [tilespmem:$0xA0];
	v1 =	vshll.u32 v1, $0x1;
	vm9 =	vgt.s32 v2, $0x124F7;
	vm10 =	vgt.s32 v3, $0x124F7  }
0x1e4: {  	v41 =	vld [tilespmem:$0xB0];
	v2 =	vshll.u32 v2, $0x1;
	v3 =	vshll.u32 v3, $0x1;
	vm11 =	vgt.s32 v26, $0x124F7  }
0x1e5: {  	v48 =	vld [tilespmem:$0xE0];
	v4 =	vshll.u32 v26, $0x1;
	vm12 =	vgt.s32 v27, $0x124F7;
	vm13 =	vgt.s32 v29, $0x124F7  }
0x1e6: {  	v55 =	vld [tilespmem:$0x110];
	v5 =	vshll.u32 v27, $0x1;
	v7 =	vshll.u32 v29, $0x1;
	vm14 =	vgt.s32 v32, $0x124F7  }
0x1e7: {  	vm15 =	vgt.s32 v33, $0x124F7;
	vm4 =	vgt.s32 v35, $0x124F7;
	v42 =	vshll.u32 v35, $0x1  }
0x1e8: {  	vm5 =	vgt.s32 v38, $0x124F7;
	v46 =	vshll.u32 v38, $0x1;
	vm6 =	vgt.s32 v39, $0x124F7  }
0x1e9: {  	vm7 =	vgt.s32 v41, $0x124F7;
	v50 =	vshll.u32 v41, $0x1;
	v28 =	vsel vm8, $0xFFFDB611, v0  }
0x1ea: {  	v57 =	vshll.u32 v48, $0x1;
	v30 =	vsel vm9, $0xFFFDB611, v0;
	v1 =	vadd.s32 v1, v28  }
0x1eb: {  	v44 =	vld [tilespmem:$0xC0];
	v62 =	vshll.u32 v55, $0x1;
	v31 =	vsel vm10, $0xFFFDB611, v0;
	v2 =	vadd.s32 v2, v30;
	[tilespmem:$0x0] =	vst v1  }
0x1ec: {  	v45 =	vld [tilespmem:$0xD0];
	v34 =	vsel vm11, $0xFFFDB611, v0;
	v36 =	vsel vm12, $0xFFFDB611, v0;
	v3 =	vadd.s32 v3, v31;
	[tilespmem:$0x10] =	vst v2  }
0x1ed: {  	v52 =	vld [tilespmem:$0xF0];
	v37 =	vsel vm13, $0xFFFDB611, v0;
	v40 =	vsel vm14, $0xFFFDB611, v0;
	v4 =	vadd.s32 v4, v34;
	[tilespmem:$0x20] =	vst v3  }
0x1ee: {  	v53 =	vld [tilespmem:$0x100];
	v43 =	vsel vm4, $0xFFFDB611, v0;
	v47 =	vsel vm5, $0xFFFDB611, v0;
	v5 =	vadd.s32 v5, v36;
	[tilespmem:$0x30] =	vst v4  }
0x1ef: {  	v49 =	vsel vm6, $0xFFFDB611, v0;
	v51 =	vsel vm7, $0xFFFDB611, v0;
	v7 =	vadd.s32 v7, v37;
	[tilespmem:$0x40] =	vst v5  }
0x1f0: {  	vm8 =	vgt.s32 v44, $0x124F7;
	v1 =	vshll.u32 v32, $0x1;
	[tilespmem:$0x50] =	vst v7;
	v5 =	vadd.s32 v46, v47  }
0x1f1: {  	v59 =	vld [tilespmem:$0x120];
	v2 =	vsel vm15, $0xFFFDB611, v0;
	v3 =	vshll.u32 v33, $0x1;
	v1 =	vadd.s32 v1, v40;
	[tilespmem:$0x90] =	vst v5  }
0x1f2: {  	vm9 =	vgt.s32 v45, $0x124F7;
	vm10 =	vgt.s32 v48, $0x124F7;
	v2 =	vadd.s32 v3, v2;
	[tilespmem:$0x60] =	vst v1  }
0x1f3: {  	vm11 =	vgt.s32 v52, $0x124F7;
	vm12 =	vgt.s32 v53, $0x124F7;
	v3 =	vadd.s32 v42, v43;
	[tilespmem:$0x70] =	vst v2  }
0x1f4: {  	vm13 =	vgt.s32 v55, $0x124F7;
	v1 =	vshll.u32 v39, $0x1;
	v2 =	vadd.s32 v50, v51;
	[tilespmem:$0x80] =	vst v3  }
0x1f5: {  	v60 =	vld [tilespmem:$0x130];
	v54 =	vsel vm8, $0xFFFDB611, v0;
	v3 =	vshll.u32 v44, $0x1;
	v1 =	vadd.s32 v1, v49;
	[tilespmem:$0xB0] =	vst v2  }
0x1f6: {  	vm14 =	vgt.s32 v59, $0x124F7;
	v58 =	vsel vm10, $0xFFFDB611, v0;
	v3 =	vadd.s32 v3, v54;
	[tilespmem:$0xA0] =	vst v1  }
0x1f7: {  	v56 =	vsel vm9, $0xFFFDB611, v0;
	v2 =	vadd.s32 v57, v58;
	v1 =	vshll.u32 v45, $0x1;
	[tilespmem:$0xC0] =	vst v3  }
0x1f8: {  	v61 =	vsel vm11, $0xFFFDB611, v0;
	v3 =	vshll.u32 v52, $0x1;
	[tilespmem:$0xE0] =	vst v2;
	v1 =	vadd.s32 v1, v56  }
0x1f9: {  	v2 =	vshll.u32 v53, $0x1;
	[tilespmem:$0xD0] =	vst v1;
	v1 =	vadd.s32 v3, v61;
	v3 =	vsel vm12, $0xFFFDB611, v0  }
0x1fa: {  	v63 =	vsel vm13, $0xFFFDB611, v0;
	vm15 =	vgt.s32 v60, $0x124F7;
	[tilespmem:$0xF0] =	vst v1;
	v1 =	vadd.s32 v2, v3  }
0x1fb: {  	v2 =	vadd.s32 v62, v63;
	v3 =	vsel vm14, $0xFFFDB611, v0;
	[tilespmem:$0x100] =	vst v1;
	v1 =	vshll.u32 v59, $0x1  }
0x1fc: {  	[tilespmem:$0x110] =	vst v2;
	v2 =	vshll.u32 v60, $0x1;
	v1 =	vadd.s32 v1, v3;
	v3 =	vsel vm15, $0xFFFDB611, v0  }
0x1fd: {  	[tilespmem:$0x120] =	vst v1;
	v1 =	vadd.s32 v2, v3  }
0x1fe: {  	[tilespmem:$0x130] =	vst v1  }
0x1ff: {  	[tilespmem:s23], [sflag:$0x1] =	stream.indirect.gather [hbm4b:s3+s22], $0x40, s2, s22, $0xb8;
	[tilespmem:$0xF3C0] =	vst v63  }
0x200: {  	_ =	swait.ge [sflag:s31], $0x5000  }
0x201: {  	[sflag:s31] =	ssyncset.done $0x0  }
0x202: {  	[sflag:s31] =	ssyncadd.s32 $0xFFFFB000  }
0x203: {  	[hbm4b:s17+s29] =	stream.strided.scatter [tilespmem:s24], [sflag:$0x4], $0x5000, s30, s29, $0x38;
	[tilespmem:$0xF3C0] =	vst v63  }
0x204: {  	_ =	swait.ge [sflag:s21], $0x5000  }
0x205: {  	[sflag:s21] =	ssyncset.done $0x0  }
0x206: {  	[sflag:s21] =	ssyncadd.s32 $0xFFFFB000  }
0x207: {  	_ =	swait.ge [sflag:s1], $0x5000  }
0x208: {  	[sflag:s1] =	ssyncset.done $0x0  }
0x209: {  	[sflag:s1] =	ssyncadd.s32 $0xFFFFB000  }
0x20a: {  	[hbm4b:s18+s29] =	stream.strided.scatter [tilespmem:s26], [sflag:$0x4], $0x5000, s30, s29, $0x38;
	[tilespmem:$0xF3C0] =	vst v63  }
0x20b: {  	_ =	swait.ge [sflag:s21], $0x5000  }
0x20c: {  	[sflag:s21] =	ssyncset.done $0x0  }
0x20d: {  	[sflag:s21] =	ssyncadd.s32 $0xFFFFB000  }
0x20e: {  	_ =	swait.ge [sflag:s28], $0x5000  }
0x20f: {  	p0 =	sne.s32 s20, $0x1;
	[sflag:s28] =	ssyncset.done $0x0  }
.Ltmp0:
0x210: {  	[sflag:s28] =	ssyncadd.s32 $0xFFFFB000;
	(pc) =	sbr.rel @p0 .LBB2_1-.Ltmp0, $4  }
0x211: {  	[hbm4b:s19+s29] =	stream.strided.scatter [tilespmem:s23], [sflag:$0x4], $0x5000, s30, s29, $0x38;
	[tilespmem:$0xF3C0] =	vst v63  }
0x212: {  	_ =	swait.ge [sflag:s21], $0x5000  }
0x213: {  	[sflag:s21] =	ssyncset.done $0x0  }
0x214: {  	s20 =	sadd.s32 $0xFFFFFFFF, s20;
	[sflag:s21] =	ssyncadd.s32 $0xFFFFB000  }
0x215: {  	_ =	sfence.sel $0x180000  }
0x216: {  	[bflag:$0x0] =	sbarrier.arrive $0xFFFF  }
0x217: {  	_ =	strace $0x90000047  }
0x218: {  	s0 =	stileid.u32;
	[bflag:$0x2] =	sbarrier.arrive $0xFFFF  }
0x219: {  	p0 =	sne.s32 s0, $0x0;
	s0 =	rddreg [dreg:$0x2]  }
0x21a: {  	s0 =	sadd.s32 @!p0 $0x100000, s0  }
0x21b: {  	[sflag:s0] =	ssyncadd.tile.s32 @!p0 $0x1;
	_ =	shalt  }
.Lfunc_end2:
_tile_overlayer_lowered:
.L_overlay_start_2:
0x21c: {  	(tag) =	ssettag $0x2  }
0x21d: {  	s0 =	rddreg [dreg:$0x0];
	s2 =	stileid.u32  }
0x21e: {  	s1 =	rddreg [dreg:$0x1];
	p0 =	sne.s32 s2, $0x0  }
0x21f: {  	s3 =	rddreg [dreg:$0x2];
	[bflag:$0x3] =	sbarrier.arrive $0xFFFF;
	s2 =	simm.s32 @!p0 $0x1C04  }
0x220: {  	[timem:s3], [sflag:s2] =	dma.local @!p0 [hbm:s0], s1  }
0x221: {  	s0 =	simm.s32 @!p0 $0x4  }
0x222: {  	_ =	swait.ge @!p0 [sflag:s0], s1  }
0x223: {  	s1 =	ssub.s32 @!p0 $0x0, s1;
	[sflag:s0] =	ssyncset.done @!p0 $0x0  }
0x224: {  	[sflag:s0] =	ssyncadd.s32 @!p0 s1  }
0x225: {  	[bflag:$0x3] =	sbarrier.arrive $0xFFFF  }
0x226: {  	_ =	shalt  }

</sc_bundles>
